<compile_context>
chip_gen: v7x
topology: tpu7x:2x2x1
jax: 0.10.2.dev20260603
libtpu: 0.0.44.dev20260713+nightly
codegen_flags: <defaults>
</compile_context>

<pallas_src>
import functools

import jax
import jax.numpy as jnp
from jax import lax
from jax.experimental import pallas as pl
from jax.experimental.pallas import tpu as pltpu
from jax.experimental.pallas import tpu_sc as plsc

_K = 16
_NB = 5
_LA = 3
_NPC = 8
_UNITS = 32


@functools.lru_cache(maxsize=None)
def _build(N, V, D, S, B):
    info = plsc.get_sparse_core_info()
    NC, NS = info.num_cores, info.num_subcores
    NW = NC * NS
    pos_per_w = S // NW
    assert pos_per_w == _NPC * _K and B * _NPC == _UNITS
    nslice = _K * D // 16
    mesh = plsc.VectorSubcoreMesh(core_axis_name="c", subcore_axis_name="s")

    @functools.partial(
        pl.kernel,
        out_type=jax.ShapeDtypeStruct((N, D), jnp.float32),
        mesh=mesh,
        scratch_types=[
            pltpu.VMEM((B, _NPC * _K), jnp.int32),
            [pltpu.VMEM((_K, D), jnp.float32) for _ in range(_NB)],
            [pltpu.VMEM((_K, D), jnp.float32) for _ in range(2)],
            pltpu.SemaphoreType.DMA,
            pltpu.SemaphoreType.DMA,
            pltpu.SemaphoreType.DMA,
        ],
    )
    def emb(x_hbm, table_hbm, pos_hbm, out_hbm, idx_v, gbuf, pbuf, sg, ss, sp):
        wid = lax.axis_index("s") * NC + lax.axis_index("c")
        pos0 = wid * pos_per_w

        xd = [pltpu.async_copy(x_hbm.at[b, pl.ds(pos0, _NPC * _K)],
                               idx_v.at[b], sp) for b in range(B)]
        p0d = pltpu.async_copy(pos_hbm.at[pl.ds(pos0, _K)], pbuf[0], sp)

        def add_unit(g, p):
            @plsc.parallel_loop(0, nslice, unroll=4)
            def body(j):
                r = j >> 6
                col = pl.multiple_of((j & (D // 16 - 1)) << 4, 16)
                plsc.addupdate(g.at[r, pl.ds(col, 16)], p[r, pl.ds(col, 16)])

        def fire_gather(u):
            pc, b = divmod(u, B)
            return pltpu.async_copy(
                table_hbm.at[idx_v.at[b, pl.ds(pc * _K, _K)]],
                gbuf[u % _NB], sg)

        def fire_store(u):
            pc, b = divmod(u, B)
            row0 = b * S + pos0 + pc * _K
            return pltpu.async_copy(
                gbuf[u % _NB], out_hbm.at[pl.ds(row0, _K)], ss)

        def fire_pos(pc):
            return pltpu.async_copy(
                pos_hbm.at[pl.ds(pos0 + pc * _K, _K)], pbuf[pc % 2], sp)

        for d in xd:
            d.wait()
        p0d.wait()
        gd = {u: fire_gather(u) for u in range(_LA)}
        sd, pd = {}, {}
        for u in range(_UNITS):
            nxt = u + _LA
            if nxt < _UNITS:
                if nxt >= _NB:
                    sd[nxt - _NB].wait()
                if nxt % B == 0:
                    pd[nxt // B] = fire_pos(nxt // B)
                gd[nxt] = fire_gather(nxt)
            if u % B == 0 and u > 0:
                pd[u // B].wait()
            gd[u].wait()
            add_unit(gbuf[u % _NB], pbuf[(u // B) % 2])
            sd[u] = fire_store(u)
        for u in range(_UNITS - _NB, _UNITS):
            sd[u].wait()

    return emb


def kernel(x, table, pos):
    B, S = x.shape
    V, D = table.shape
    N = B * S
    out = _build(N, V, D, S, B)(x.astype(jnp.int32), table, pos)
    return out.reshape(B, S, D)

# --- scband reference (transcript-rebuilt; emitter-appended) ---
"""Pipeline reference for scband-transfomer-embedding-43310450213561 (READ-ONLY COPY).

The authoritative reference and input builder live on the scoring server;
editing this copy changes nothing except your own understanding.
"""

import jax, jax.numpy as jnp
import numpy as np

VOCAB = 100000
D_MODEL = 1024
MAX_LEN = 8192
B = 4
S = 4096


def _sinusoidal_pos(max_len, d_model):
    pos = np.arange(max_len, dtype=np.float32)[:, None]
    i = np.arange(0, d_model, 2, dtype=np.float32)[None, :]
    angle = pos / np.power(10000.0, i / float(d_model))
    pe = np.zeros((max_len, d_model), dtype=np.float32)
    pe[:, 0::2] = np.sin(angle)
    pe[:, 1::2] = np.cos(angle)
    return jnp.asarray(pe)


def setup_inputs(seed: int = 0) -> dict:
    key = jax.random.key(seed)
    k1, k2 = jax.random.split(key)
    x = jax.random.randint(k1, (B, S), 0, VOCAB, dtype=jnp.int64) if jax.config.jax_enable_x64 else jax.random.randint(k1, (B, S), 0, VOCAB, dtype=jnp.int32)
    table = jax.random.normal(k2, (VOCAB, D_MODEL), dtype=jnp.float32) * 0.02
    pos = _sinusoidal_pos(MAX_LEN, D_MODEL)
    return {"x": x, "table": table, "pos": pos}


def reference(x, table, pos):
    # token embedding: gather rows of the table
    tok = jnp.take(table, x, axis=0)            # [B, S, D]
    # positional embedding: fixed sinusoidal buffer sliced to seq_len
    p = pos[: x.shape[1], :][None, :, :]        # [1, S, D]
    # dropout is identity in eval/reference mode
    return tok + p

if __name__ == "__main__":
    import jax
    _d = setup_inputs()
    print(jax.jit(kernel)(*tuple(_d.values())))

</pallas_src>

<mosaic_0001>
#map = affine_map<(d0, d1) -> (0, 0)>
module attributes {stable_mosaic.version = 14 : i64} {
  func.func @emb(%arg0: i32, %arg1: i32, %arg2: memref<4x4096xi32, #tpu.memory_space<hbm>>, %arg3: memref<100000x1024xf32, #tpu.memory_space<hbm>>, %arg4: memref<8192x1024xf32, #tpu.memory_space<hbm>>, %arg5: memref<16384x1024xf32, #tpu.memory_space<hbm>>, %arg6: memref<4x128xi32, #tpu.memory_space<vmem>>, %arg7: memref<16x1024xf32, #tpu.memory_space<vmem>>, %arg8: memref<16x1024xf32, #tpu.memory_space<vmem>>, %arg9: memref<16x1024xf32, #tpu.memory_space<vmem>>, %arg10: memref<16x1024xf32, #tpu.memory_space<vmem>>, %arg11: memref<16x1024xf32, #tpu.memory_space<vmem>>, %arg12: memref<16x1024xf32, #tpu.memory_space<vmem>>, %arg13: memref<16x1024xf32, #tpu.memory_space<vmem>>, %arg14: memref<!tpu.dma_semaphore, #tpu.memory_space<semaphore_mem>>, %arg15: memref<!tpu.dma_semaphore, #tpu.memory_space<semaphore_mem>>, %arg16: memref<!tpu.dma_semaphore, #tpu.memory_space<semaphore_mem>>) attributes {dimension_semantics = [#tpu.dimension_semantics<core_parallel>, #tpu.dimension_semantics<subcore_parallel>], iteration_bounds = array<i64: 2, 16>, scalar_prefetch = 0 : i64, scratch_operands = 11 : i64, tpu.core_type = #tpu.core_type<sc_vector_subcore>, window_params = [{transform_indices = #map}, {transform_indices = #map}, {transform_indices = #map}, {transform_indices = #map}]} {
    %mul3A = arith.constant 2 : i32
    %mul3A_0 = arith.muli %arg1, %mul3A : i32
    %add3A = arith.addi %mul3A_0, %arg0 : i32
    %mul3A_1 = arith.constant 128 : i32
    %mul3A_2 = arith.muli %add3A, %mul3A_1 : i32
    %dma_start3A = arith.constant 0 : i32
    %dma_start3A_3 = arith.constant 0 : i32
    %dma_start3A_4 = arith.constant 0 : i32
    %dma_start3A_5 = tpu.memref_slice %arg6[%dma_start3A_3, %dma_start3A_4] : memref<4x128xi32, #tpu.memory_space<vmem>> -> memref<1x128xi32, #tpu.memory_space<vmem>>
    %dma_start3A_6 = tpu.memref_squeeze %dma_start3A_5 : memref<1x128xi32, #tpu.memory_space<vmem>> -> memref<128xi32, #tpu.memory_space<vmem>>
    %dma_start3A_7 = tpu.memref_slice %arg2[%dma_start3A, %mul3A_2] : memref<4x4096xi32, #tpu.memory_space<hbm>> -> memref<1x128xi32, #tpu.memory_space<hbm>>
    %dma_start3A_8 = tpu.memref_squeeze %dma_start3A_7 : memref<1x128xi32, #tpu.memory_space<hbm>> -> memref<128xi32, #tpu.memory_space<hbm>>
    %dma_start3A_9 = arith.constant 0 : i32
    %dma_start3A_10 = tpu.memref_slice %arg6[%dma_start3A_3, %dma_start3A_9] : memref<4x128xi32, #tpu.memory_space<vmem>> -> memref<1x128xi32, #tpu.memory_space<vmem>>
    %dma_start3A_11 = tpu.memref_squeeze %dma_start3A_10 : memref<1x128xi32, #tpu.memory_space<vmem>> -> memref<128xi32, #tpu.memory_space<vmem>>
    %dma_start3A_12 = tpu.memref_slice %arg2[%dma_start3A, %mul3A_2] : memref<4x4096xi32, #tpu.memory_space<hbm>> -> memref<1x128xi32, #tpu.memory_space<hbm>>
    %dma_start3A_13 = tpu.memref_squeeze %dma_start3A_12 : memref<1x128xi32, #tpu.memory_space<hbm>> -> memref<128xi32, #tpu.memory_space<hbm>>
    tpu.enqueue_dma source(%dma_start3A_13 : memref<128xi32, #tpu.memory_space<hbm>>) target(%dma_start3A_11 : memref<128xi32, #tpu.memory_space<vmem>>) target_semaphore(%arg16 : memref<!tpu.dma_semaphore, #tpu.memory_space<semaphore_mem>>)
    %dma_start3A_14 = arith.constant 1 : i32
    %dma_start3A_15 = arith.constant 1 : i32
    %dma_start3A_16 = arith.constant 0 : i32
    %dma_start3A_17 = tpu.memref_slice %arg6[%dma_start3A_15, %dma_start3A_16] : memref<4x128xi32, #tpu.memory_space<vmem>> -> memref<1x128xi32, #tpu.memory_space<vmem>>
    %dma_start3A_18 = tpu.memref_squeeze %dma_start3A_17 : memref<1x128xi32, #tpu.memory_space<vmem>> -> memref<128xi32, #tpu.memory_space<vmem>>
    %dma_start3A_19 = tpu.memref_slice %arg2[%dma_start3A_14, %mul3A_2] : memref<4x4096xi32, #tpu.memory_space<hbm>> -> memref<1x128xi32, #tpu.memory_space<hbm>>
    %dma_start3A_20 = tpu.memref_squeeze %dma_start3A_19 : memref<1x128xi32, #tpu.memory_space<hbm>> -> memref<128xi32, #tpu.memory_space<hbm>>
    %dma_start3A_21 = arith.constant 0 : i32
    %dma_start3A_22 = tpu.memref_slice %arg6[%dma_start3A_15, %dma_start3A_21] : memref<4x128xi32, #tpu.memory_space<vmem>> -> memref<1x128xi32, #tpu.memory_space<vmem>>
    %dma_start3A_23 = tpu.memref_squeeze %dma_start3A_22 : memref<1x128xi32, #tpu.memory_space<vmem>> -> memref<128xi32, #tpu.memory_space<vmem>>
    %dma_start3A_24 = tpu.memref_slice %arg2[%dma_start3A_14, %mul3A_2] : memref<4x4096xi32, #tpu.memory_space<hbm>> -> memref<1x128xi32, #tpu.memory_space<hbm>>
    %dma_start3A_25 = tpu.memref_squeeze %dma_start3A_24 : memref<1x128xi32, #tpu.memory_space<hbm>> -> memref<128xi32, #tpu.memory_space<hbm>>
    tpu.enqueue_dma source(%dma_start3A_25 : memref<128xi32, #tpu.memory_space<hbm>>) target(%dma_start3A_23 : memref<128xi32, #tpu.memory_space<vmem>>) target_semaphore(%arg16 : memref<!tpu.dma_semaphore, #tpu.memory_space<semaphore_mem>>)
    %dma_start3A_26 = arith.constant 2 : i32
    %dma_start3A_27 = arith.constant 2 : i32
    %dma_start3A_28 = arith.constant 0 : i32
    %dma_start3A_29 = tpu.memref_slice %arg6[%dma_start3A_27, %dma_start3A_28] : memref<4x128xi32, #tpu.memory_space<vmem>> -> memref<1x128xi32, #tpu.memory_space<vmem>>
    %dma_start3A_30 = tpu.memref_squeeze %dma_start3A_29 : memref<1x128xi32, #tpu.memory_space<vmem>> -> memref<128xi32, #tpu.memory_space<vmem>>
    %dma_start3A_31 = tpu.memref_slice %arg2[%dma_start3A_26, %mul3A_2] : memref<4x4096xi32, #tpu.memory_space<hbm>> -> memref<1x128xi32, #tpu.memory_space<hbm>>
    %dma_start3A_32 = tpu.memref_squeeze %dma_start3A_31 : memref<1x128xi32, #tpu.memory_space<hbm>> -> memref<128xi32, #tpu.memory_space<hbm>>
    %dma_start3A_33 = arith.constant 0 : i32
    %dma_start3A_34 = tpu.memref_slice %arg6[%dma_start3A_27, %dma_start3A_33] : memref<4x128xi32, #tpu.memory_space<vmem>> -> memref<1x128xi32, #tpu.memory_space<vmem>>
    %dma_start3A_35 = tpu.memref_squeeze %dma_start3A_34 : memref<1x128xi32, #tpu.memory_space<vmem>> -> memref<128xi32, #tpu.memory_space<vmem>>
    %dma_start3A_36 = tpu.memref_slice %arg2[%dma_start3A_26, %mul3A_2] : memref<4x4096xi32, #tpu.memory_space<hbm>> -> memref<1x128xi32, #tpu.memory_space<hbm>>
    %dma_start3A_37 = tpu.memref_squeeze %dma_start3A_36 : memref<1x128xi32, #tpu.memory_space<hbm>> -> memref<128xi32, #tpu.memory_space<hbm>>
    tpu.enqueue_dma source(%dma_start3A_37 : memref<128xi32, #tpu.memory_space<hbm>>) target(%dma_start3A_35 : memref<128xi32, #tpu.memory_space<vmem>>) target_semaphore(%arg16 : memref<!tpu.dma_semaphore, #tpu.memory_space<semaphore_mem>>)
    %dma_start3A_38 = arith.constant 3 : i32
    %dma_start3A_39 = arith.constant 3 : i32
    %dma_start3A_40 = arith.constant 0 : i32
    %dma_start3A_41 = tpu.memref_slice %arg6[%dma_start3A_39, %dma_start3A_40] : memref<4x128xi32, #tpu.memory_space<vmem>> -> memref<1x128xi32, #tpu.memory_space<vmem>>
    %dma_start3A_42 = tpu.memref_squeeze %dma_start3A_41 : memref<1x128xi32, #tpu.memory_space<vmem>> -> memref<128xi32, #tpu.memory_space<vmem>>
    %dma_start3A_43 = tpu.memref_slice %arg2[%dma_start3A_38, %mul3A_2] : memref<4x4096xi32, #tpu.memory_space<hbm>> -> memref<1x128xi32, #tpu.memory_space<hbm>>
    %dma_start3A_44 = tpu.memref_squeeze %dma_start3A_43 : memref<1x128xi32, #tpu.memory_space<hbm>> -> memref<128xi32, #tpu.memory_space<hbm>>
    %dma_start3A_45 = arith.constant 0 : i32
    %dma_start3A_46 = tpu.memref_slice %arg6[%dma_start3A_39, %dma_start3A_45] : memref<4x128xi32, #tpu.memory_space<vmem>> -> memref<1x128xi32, #tpu.memory_space<vmem>>
    %dma_start3A_47 = tpu.memref_squeeze %dma_start3A_46 : memref<1x128xi32, #tpu.memory_space<vmem>> -> memref<128xi32, #tpu.memory_space<vmem>>
    %dma_start3A_48 = tpu.memref_slice %arg2[%dma_start3A_38, %mul3A_2] : memref<4x4096xi32, #tpu.memory_space<hbm>> -> memref<1x128xi32, #tpu.memory_space<hbm>>
    %dma_start3A_49 = tpu.memref_squeeze %dma_start3A_48 : memref<1x128xi32, #tpu.memory_space<hbm>> -> memref<128xi32, #tpu.memory_space<hbm>>
    tpu.enqueue_dma source(%dma_start3A_49 : memref<128xi32, #tpu.memory_space<hbm>>) target(%dma_start3A_47 : memref<128xi32, #tpu.memory_space<vmem>>) target_semaphore(%arg16 : memref<!tpu.dma_semaphore, #tpu.memory_space<semaphore_mem>>)
    %dma_start3A_50 = arith.constant 0 : i32
    %dma_start3A_51 = tpu.memref_slice %arg4[%mul3A_2, %dma_start3A_50] : memref<8192x1024xf32, #tpu.memory_space<hbm>> -> memref<16x1024xf32, #tpu.memory_space<hbm>>
    %dma_start3A_52 = arith.constant 0 : i32
    %dma_start3A_53 = tpu.memref_slice %arg4[%mul3A_2, %dma_start3A_52] : memref<8192x1024xf32, #tpu.memory_space<hbm>> -> memref<16x1024xf32, #tpu.memory_space<hbm>>
    tpu.enqueue_dma source(%dma_start3A_53 : memref<16x1024xf32, #tpu.memory_space<hbm>>) target(%arg12 : memref<16x1024xf32, #tpu.memory_space<vmem>>) target_semaphore(%arg16 : memref<!tpu.dma_semaphore, #tpu.memory_space<semaphore_mem>>)
    %dma_wait3A = arith.constant 0 : i32
    %dma_wait3A_54 = arith.constant 0 : i32
    %dma_wait3A_55 = arith.constant 0 : i32
    %dma_wait3A_56 = tpu.memref_slice %arg6[%dma_wait3A_54, %dma_wait3A_55] : memref<4x128xi32, #tpu.memory_space<vmem>> -> memref<1x128xi32, #tpu.memory_space<vmem>>
    %dma_wait3A_57 = tpu.memref_squeeze %dma_wait3A_56 : memref<1x128xi32, #tpu.memory_space<vmem>> -> memref<128xi32, #tpu.memory_space<vmem>>
    %dma_wait3A_58 = tpu.memref_slice %arg2[%dma_wait3A, %mul3A_2] : memref<4x4096xi32, #tpu.memory_space<hbm>> -> memref<1x128xi32, #tpu.memory_space<hbm>>
    %dma_wait3A_59 = tpu.memref_squeeze %dma_wait3A_58 : memref<1x128xi32, #tpu.memory_space<hbm>> -> memref<128xi32, #tpu.memory_space<hbm>>
    %dma_wait3A_60 = arith.constant 0 : i32
    %dma_wait3A_61 = tpu.memref_slice %arg6[%dma_wait3A_54, %dma_wait3A_60] : memref<4x128xi32, #tpu.memory_space<vmem>> -> memref<1x128xi32, #tpu.memory_space<vmem>>
    %dma_wait3A_62 = tpu.memref_squeeze %dma_wait3A_61 : memref<1x128xi32, #tpu.memory_space<vmem>> -> memref<128xi32, #tpu.memory_space<vmem>>
    %dma_wait3A_63 = tpu.memref_slice %arg2[%dma_wait3A, %mul3A_2] : memref<4x4096xi32, #tpu.memory_space<hbm>> -> memref<1x128xi32, #tpu.memory_space<hbm>>
    %dma_wait3A_64 = tpu.memref_squeeze %dma_wait3A_63 : memref<1x128xi32, #tpu.memory_space<hbm>> -> memref<128xi32, #tpu.memory_space<hbm>>
    tpu.wait_dma2 semaphore(%arg16 : memref<!tpu.dma_semaphore, #tpu.memory_space<semaphore_mem>>) src(%dma_wait3A_64 : memref<128xi32, #tpu.memory_space<hbm>>) dst(%dma_wait3A_62 : memref<128xi32, #tpu.memory_space<vmem>>)
    %dma_wait3A_65 = arith.constant 1 : i32
    %dma_wait3A_66 = arith.constant 1 : i32
    %dma_wait3A_67 = arith.constant 0 : i32
    %dma_wait3A_68 = tpu.memref_slice %arg6[%dma_wait3A_66, %dma_wait3A_67] : memref<4x128xi32, #tpu.memory_space<vmem>> -> memref<1x128xi32, #tpu.memory_space<vmem>>
    %dma_wait3A_69 = tpu.memref_squeeze %dma_wait3A_68 : memref<1x128xi32, #tpu.memory_space<vmem>> -> memref<128xi32, #tpu.memory_space<vmem>>
    %dma_wait3A_70 = tpu.memref_slice %arg2[%dma_wait3A_65, %mul3A_2] : memref<4x4096xi32, #tpu.memory_space<hbm>> -> memref<1x128xi32, #tpu.memory_space<hbm>>
    %dma_wait3A_71 = tpu.memref_squeeze %dma_wait3A_70 : memref<1x128xi32, #tpu.memory_space<hbm>> -> memref<128xi32, #tpu.memory_space<hbm>>
    %dma_wait3A_72 = arith.constant 0 : i32
    %dma_wait3A_73 = tpu.memref_slice %arg6[%dma_wait3A_66, %dma_wait3A_72] : memref<4x128xi32, #tpu.memory_space<vmem>> -> memref<1x128xi32, #tpu.memory_space<vmem>>
    %dma_wait3A_74 = tpu.memref_squeeze %dma_wait3A_73 : memref<1x128xi32, #tpu.memory_space<vmem>> -> memref<128xi32, #tpu.memory_space<vmem>>
    %dma_wait3A_75 = tpu.memref_slice %arg2[%dma_wait3A_65, %mul3A_2] : memref<4x4096xi32, #tpu.memory_space<hbm>> -> memref<1x128xi32, #tpu.memory_space<hbm>>
    %dma_wait3A_76 = tpu.memref_squeeze %dma_wait3A_75 : memref<1x128xi32, #tpu.memory_space<hbm>> -> memref<128xi32, #tpu.memory_space<hbm>>
    tpu.wait_dma2 semaphore(%arg16 : memref<!tpu.dma_semaphore, #tpu.memory_space<semaphore_mem>>) src(%dma_wait3A_76 : memref<128xi32, #tpu.memory_space<hbm>>) dst(%dma_wait3A_74 : memref<128xi32, #tpu.memory_space<vmem>>)
    %dma_wait3A_77 = arith.constant 2 : i32
    %dma_wait3A_78 = arith.constant 2 : i32
    %dma_wait3A_79 = arith.constant 0 : i32
    %dma_wait3A_80 = tpu.memref_slice %arg6[%dma_wait3A_78, %dma_wait3A_79] : memref<4x128xi32, #tpu.memory_space<vmem>> -> memref<1x128xi32, #tpu.memory_space<vmem>>
    %dma_wait3A_81 = tpu.memref_squeeze %dma_wait3A_80 : memref<1x128xi32, #tpu.memory_space<vmem>> -> memref<128xi32, #tpu.memory_space<vmem>>
    %dma_wait3A_82 = tpu.memref_slice %arg2[%dma_wait3A_77, %mul3A_2] : memref<4x4096xi32, #tpu.memory_space<hbm>> -> memref<1x128xi32, #tpu.memory_space<hbm>>
    %dma_wait3A_83 = tpu.memref_squeeze %dma_wait3A_82 : memref<1x128xi32, #tpu.memory_space<hbm>> -> memref<128xi32, #tpu.memory_space<hbm>>
    %dma_wait3A_84 = arith.constant 0 : i32
    %dma_wait3A_85 = tpu.memref_slice %arg6[%dma_wait3A_78, %dma_wait3A_84] : memref<4x128xi32, #tpu.memory_space<vmem>> -> memref<1x128xi32, #tpu.memory_space<vmem>>
    %dma_wait3A_86 = tpu.memref_squeeze %dma_wait3A_85 : memref<1x128xi32, #tpu.memory_space<vmem>> -> memref<128xi32, #tpu.memory_space<vmem>>
    %dma_wait3A_87 = tpu.memref_slice %arg2[%dma_wait3A_77, %mul3A_2] : memref<4x4096xi32, #tpu.memory_space<hbm>> -> memref<1x128xi32, #tpu.memory_space<hbm>>
    %dma_wait3A_88 = tpu.memref_squeeze %dma_wait3A_87 : memref<1x128xi32, #tpu.memory_space<hbm>> -> memref<128xi32, #tpu.memory_space<hbm>>
    tpu.wait_dma2 semaphore(%arg16 : memref<!tpu.dma_semaphore, #tpu.memory_space<semaphore_mem>>) src(%dma_wait3A_88 : memref<128xi32, #tpu.memory_space<hbm>>) dst(%dma_wait3A_86 : memref<128xi32, #tpu.memory_space<vmem>>)
    %dma_wait3A_89 = arith.constant 3 : i32
    %dma_wait3A_90 = arith.constant 3 : i32
    %dma_wait3A_91 = arith.constant 0 : i32
    %dma_wait3A_92 = tpu.memref_slice %arg6[%dma_wait3A_90, %dma_wait3A_91] : memref<4x128xi32, #tpu.memory_space<vmem>> -> memref<1x128xi32, #tpu.memory_space<vmem>>
    %dma_wait3A_93 = tpu.memref_squeeze %dma_wait3A_92 : memref<1x128xi32, #tpu.memory_space<vmem>> -> memref<128xi32, #tpu.memory_space<vmem>>
    %dma_wait3A_94 = tpu.memref_slice %arg2[%dma_wait3A_89, %mul3A_2] : memref<4x4096xi32, #tpu.memory_space<hbm>> -> memref<1x128xi32, #tpu.memory_space<hbm>>
    %dma_wait3A_95 = tpu.memref_squeeze %dma_wait3A_94 : memref<1x128xi32, #tpu.memory_space<hbm>> -> memref<128xi32, #tpu.memory_space<hbm>>
    %dma_wait3A_96 = arith.constant 0 : i32
    %dma_wait3A_97 = tpu.memref_slice %arg6[%dma_wait3A_90, %dma_wait3A_96] : memref<4x128xi32, #tpu.memory_space<vmem>> -> memref<1x128xi32, #tpu.memory_space<vmem>>
    %dma_wait3A_98 = tpu.memref_squeeze %dma_wait3A_97 : memref<1x128xi32, #tpu.memory_space<vmem>> -> memref<128xi32, #tpu.memory_space<vmem>>
    %dma_wait3A_99 = tpu.memref_slice %arg2[%dma_wait3A_89, %mul3A_2] : memref<4x4096xi32, #tpu.memory_space<hbm>> -> memref<1x128xi32, #tpu.memory_space<hbm>>
    %dma_wait3A_100 = tpu.memref_squeeze %dma_wait3A_99 : memref<1x128xi32, #tpu.memory_space<hbm>> -> memref<128xi32, #tpu.memory_space<hbm>>
    tpu.wait_dma2 semaphore(%arg16 : memref<!tpu.dma_semaphore, #tpu.memory_space<semaphore_mem>>) src(%dma_wait3A_100 : memref<128xi32, #tpu.memory_space<hbm>>) dst(%dma_wait3A_98 : memref<128xi32, #tpu.memory_space<vmem>>)
    %dma_wait3A_101 = arith.constant 0 : i32
    %dma_wait3A_102 = tpu.memref_slice %arg4[%mul3A_2, %dma_wait3A_101] : memref<8192x1024xf32, #tpu.memory_space<hbm>> -> memref<16x1024xf32, #tpu.memory_space<hbm>>
    %dma_wait3A_103 = arith.constant 0 : i32
    %dma_wait3A_104 = tpu.memref_slice %arg4[%mul3A_2, %dma_wait3A_103] : memref<8192x1024xf32, #tpu.memory_space<hbm>> -> memref<16x1024xf32, #tpu.memory_space<hbm>>
    tpu.wait_dma2 semaphore(%arg16 : memref<!tpu.dma_semaphore, #tpu.memory_space<semaphore_mem>>) src(%dma_wait3A_104 : memref<16x1024xf32, #tpu.memory_space<hbm>>) dst(%arg12 : memref<16x1024xf32, #tpu.memory_space<vmem>>)
    %dma_start3A_105 = arith.constant 0 : i32
    %dma_start3A_106 = arith.constant 0 : i32
    %dma_start3A_107 = tpu.memref_slice %arg6[%dma_start3A_105, %dma_start3A_106] : memref<4x128xi32, #tpu.memory_space<vmem>> -> memref<1x16xi32, #tpu.memory_space<vmem>>
    %dma_start3A_108 = tpu.memref_squeeze %dma_start3A_107 : memref<1x16xi32, #tpu.memory_space<vmem>> -> memref<16xi32, #tpu.memory_space<vmem>>
    %dma_start3A_109 = arith.constant 0 : i32
    %dma_start3A_110 = arith.constant 0 : i32
    %dma_start3A_111 = tpu.memref_slice %arg3[%dma_start3A_109, %dma_start3A_110] : memref<100000x1024xf32, #tpu.memory_space<hbm>> -> memref<100000x1024xf32, #tpu.memory_space<hbm>>
    tpu.enqueue_indirect_dma source(%dma_start3A_111 : memref<100000x1024xf32, #tpu.memory_space<hbm>>) target(%arg7 : memref<16x1024xf32, #tpu.memory_space<vmem>>) offsets(%dma_start3A_108 : memref<16xi32, #tpu.memory_space<vmem>>) semaphore(%arg14 : memref<!tpu.dma_semaphore, #tpu.memory_space<semaphore_mem>>)
    %dma_start3A_112 = arith.constant 1 : i32
    %dma_start3A_113 = arith.constant 0 : i32
    %dma_start3A_114 = tpu.memref_slice %arg6[%dma_start3A_112, %dma_start3A_113] : memref<4x128xi32, #tpu.memory_space<vmem>> -> memref<1x16xi32, #tpu.memory_space<vmem>>
    %dma_start3A_115 = tpu.memref_squeeze %dma_start3A_114 : memref<1x16xi32, #tpu.memory_space<vmem>> -> memref<16xi32, #tpu.memory_space<vmem>>
    %dma_start3A_116 = arith.constant 0 : i32
    %dma_start3A_117 = arith.constant 0 : i32
    %dma_start3A_118 = tpu.memref_slice %arg3[%dma_start3A_116, %dma_start3A_117] : memref<100000x1024xf32, #tpu.memory_space<hbm>> -> memref<100000x1024xf32, #tpu.memory_space<hbm>>
    tpu.enqueue_indirect_dma source(%dma_start3A_118 : memref<100000x1024xf32, #tpu.memory_space<hbm>>) target(%arg8 : memref<16x1024xf32, #tpu.memory_space<vmem>>) offsets(%dma_start3A_115 : memref<16xi32, #tpu.memory_space<vmem>>) semaphore(%arg14 : memref<!tpu.dma_semaphore, #tpu.memory_space<semaphore_mem>>)
    %dma_start3A_119 = arith.constant 2 : i32
    %dma_start3A_120 = arith.constant 0 : i32
    %dma_start3A_121 = tpu.memref_slice %arg6[%dma_start3A_119, %dma_start3A_120] : memref<4x128xi32, #tpu.memory_space<vmem>> -> memref<1x16xi32, #tpu.memory_space<vmem>>
    %dma_start3A_122 = tpu.memref_squeeze %dma_start3A_121 : memref<1x16xi32, #tpu.memory_space<vmem>> -> memref<16xi32, #tpu.memory_space<vmem>>
    %dma_start3A_123 = arith.constant 0 : i32
    %dma_start3A_124 = arith.constant 0 : i32
    %dma_start3A_125 = tpu.memref_slice %arg3[%dma_start3A_123, %dma_start3A_124] : memref<100000x1024xf32, #tpu.memory_space<hbm>> -> memref<100000x1024xf32, #tpu.memory_space<hbm>>
    tpu.enqueue_indirect_dma source(%dma_start3A_125 : memref<100000x1024xf32, #tpu.memory_space<hbm>>) target(%arg9 : memref<16x1024xf32, #tpu.memory_space<vmem>>) offsets(%dma_start3A_122 : memref<16xi32, #tpu.memory_space<vmem>>) semaphore(%arg14 : memref<!tpu.dma_semaphore, #tpu.memory_space<semaphore_mem>>)
    %dma_start3A_126 = arith.constant 3 : i32
    %dma_start3A_127 = arith.constant 0 : i32
    %dma_start3A_128 = tpu.memref_slice %arg6[%dma_start3A_126, %dma_start3A_127] : memref<4x128xi32, #tpu.memory_space<vmem>> -> memref<1x16xi32, #tpu.memory_space<vmem>>
    %dma_start3A_129 = tpu.memref_squeeze %dma_start3A_128 : memref<1x16xi32, #tpu.memory_space<vmem>> -> memref<16xi32, #tpu.memory_space<vmem>>
    %dma_start3A_130 = arith.constant 0 : i32
    %dma_start3A_131 = arith.constant 0 : i32
    %dma_start3A_132 = tpu.memref_slice %arg3[%dma_start3A_130, %dma_start3A_131] : memref<100000x1024xf32, #tpu.memory_space<hbm>> -> memref<100000x1024xf32, #tpu.memory_space<hbm>>
    tpu.enqueue_indirect_dma source(%dma_start3A_132 : memref<100000x1024xf32, #tpu.memory_space<hbm>>) target(%arg10 : memref<16x1024xf32, #tpu.memory_space<vmem>>) offsets(%dma_start3A_129 : memref<16xi32, #tpu.memory_space<vmem>>) semaphore(%arg14 : memref<!tpu.dma_semaphore, #tpu.memory_space<semaphore_mem>>)
    %dma_wait3A_133 = arith.constant 0 : i32
    %dma_wait3A_134 = arith.constant 0 : i32
    %dma_wait3A_135 = tpu.memref_slice %arg6[%dma_wait3A_133, %dma_wait3A_134] : memref<4x128xi32, #tpu.memory_space<vmem>> -> memref<1x16xi32, #tpu.memory_space<vmem>>
    %dma_wait3A_136 = tpu.memref_squeeze %dma_wait3A_135 : memref<1x16xi32, #tpu.memory_space<vmem>> -> memref<16xi32, #tpu.memory_space<vmem>>
    %dma_wait3A_137 = arith.constant 0 : i32
    %dma_wait3A_138 = arith.constant 0 : i32
    %dma_wait3A_139 = tpu.memref_slice %arg3[%dma_wait3A_137, %dma_wait3A_138] : memref<100000x1024xf32, #tpu.memory_space<hbm>> -> memref<100000x1024xf32, #tpu.memory_space<hbm>>
    tpu.wait_indirect_dma semaphore(%arg14 : memref<!tpu.dma_semaphore, #tpu.memory_space<semaphore_mem>>) src(%dma_wait3A_139 : memref<100000x1024xf32, #tpu.memory_space<hbm>>) dst(%arg7 : memref<16x1024xf32, #tpu.memory_space<vmem>>)
    %parallel_loop3A = arith.constant 0 : i32
    %parallel_loop3A_140 = arith.constant 1024 : i32
    %parallel_loop3A_141 = arith.constant 1 : i32
    scf.for %parallel_loop3A_1102 = %parallel_loop3A to %parallel_loop3A_140 step %parallel_loop3A_141  : i32 {
      %parallel_loop3A_1103 = arith.constant 6 : i32
      %parallel_loop3A_1104 = arith.shrsi %parallel_loop3A_1102, %parallel_loop3A_1103 : i32
      %parallel_loop3A_1105 = arith.constant 63 : i32
      %parallel_loop3A_1106 = arith.andi %parallel_loop3A_1102, %parallel_loop3A_1105 : i32
      %parallel_loop3A_1107 = arith.constant 4 : i32
      %parallel_loop3A_1108 = arith.shli %parallel_loop3A_1106, %parallel_loop3A_1107 : i32
      %parallel_loop3A_1109 = tpu.assume_multiple %parallel_loop3A_1108, 16 : i32
      %parallel_loop3A_1110 = arith.index_cast %parallel_loop3A_1104 : i32 to index
      %parallel_loop3A_1111 = arith.index_cast %parallel_loop3A_1109 : i32 to index
      %parallel_loop3A_1112 = tpu.vector_load %arg12[%parallel_loop3A_1110, %parallel_loop3A_1111] {strides = array<i32>} : memref<16x1024xf32, #tpu.memory_space<vmem>>, vector<1x16xf32>,
      %parallel_loop3A_1113 = vector.shape_cast %parallel_loop3A_1112 : vector<1x16xf32> to vector<16xf32>
      %parallel_loop3A_1114 = arith.index_cast %parallel_loop3A_1104 : i32 to index
      %parallel_loop3A_1115 = arith.index_cast %parallel_loop3A_1109 : i32 to index
      %parallel_loop3A_1116 = tpu.vector_load %arg7[%parallel_loop3A_1114, %parallel_loop3A_1115] {strides = array<i32>} : memref<16x1024xf32, #tpu.memory_space<vmem>>, vector<1x16xf32>,
      %parallel_loop3A_1117 = vector.shape_cast %parallel_loop3A_1116 : vector<1x16xf32> to vector<16xf32>
      %parallel_loop3A_1118 = vector.shape_cast %parallel_loop3A_1113 : vector<16xf32> to vector<1x16xf32>
      tpu.vector_store %arg7[%parallel_loop3A_1114, %parallel_loop3A_1115], %parallel_loop3A_1118 {add = true, strides = array<i32>} : memref<16x1024xf32, #tpu.memory_space<vmem>>, vector<1x16xf32>,
    } {sc.loop_unroll_factor = 4 : i64, sc.parallel_access}
    %add3A_142 = arith.constant 0 : i32
    %add3A_143 = arith.addi %add3A_142, %mul3A_2 : i32
    %add3A_144 = arith.constant 0 : i32
    %add3A_145 = arith.addi %add3A_143, %add3A_144 : i32
    %dma_start3A_146 = arith.constant 0 : i32
    %dma_start3A_147 = tpu.memref_slice %arg5[%add3A_145, %dma_start3A_146] : memref<16384x1024xf32, #tpu.memory_space<hbm>> -> memref<16x1024xf32, #tpu.memory_space<hbm>>
    %dma_start3A_148 = arith.constant 0 : i32
    %dma_start3A_149 = tpu.memref_slice %arg5[%add3A_145, %dma_start3A_148] : memref<16384x1024xf32, #tpu.memory_space<hbm>> -> memref<16x1024xf32, #tpu.memory_space<hbm>>
    tpu.enqueue_dma source(%arg7 : memref<16x1024xf32, #tpu.memory_space<vmem>>) target(%dma_start3A_149 : memref<16x1024xf32, #tpu.memory_space<hbm>>) target_semaphore(%arg15 : memref<!tpu.dma_semaphore, #tpu.memory_space<semaphore_mem>>)
    %add3A_150 = arith.constant 16 : i32
    %add3A_151 = arith.addi %mul3A_2, %add3A_150 : i32
    %dma_start3A_152 = arith.constant 0 : i32
    %dma_start3A_153 = tpu.memref_slice %arg4[%add3A_151, %dma_start3A_152] : memref<8192x1024xf32, #tpu.memory_space<hbm>> -> memref<16x1024xf32, #tpu.memory_space<hbm>>
    %dma_start3A_154 = arith.constant 0 : i32
    %dma_start3A_155 = tpu.memref_slice %arg4[%add3A_151, %dma_start3A_154] : memref<8192x1024xf32, #tpu.memory_space<hbm>> -> memref<16x1024xf32, #tpu.memory_space<hbm>>
    tpu.enqueue_dma source(%dma_start3A_155 : memref<16x1024xf32, #tpu.memory_space<hbm>>) target(%arg13 : memref<16x1024xf32, #tpu.memory_space<vmem>>) target_semaphore(%arg16 : memref<!tpu.dma_semaphore, #tpu.memory_space<semaphore_mem>>)
    %dma_start3A_156 = arith.constant 0 : i32
    %dma_start3A_157 = arith.constant 16 : i32
    %dma_start3A_158 = tpu.memref_slice %arg6[%dma_start3A_156, %dma_start3A_157] : memref<4x128xi32, #tpu.memory_space<vmem>> -> memref<1x16xi32, #tpu.memory_space<vmem>>
    %dma_start3A_159 = tpu.memref_squeeze %dma_start3A_158 : memref<1x16xi32, #tpu.memory_space<vmem>> -> memref<16xi32, #tpu.memory_space<vmem>>
    %dma_start3A_160 = arith.constant 0 : i32
    %dma_start3A_161 = arith.constant 0 : i32
    %dma_start3A_162 = tpu.memref_slice %arg3[%dma_start3A_160, %dma_start3A_161] : memref<100000x1024xf32, #tpu.memory_space<hbm>> -> memref<100000x1024xf32, #tpu.memory_space<hbm>>
    tpu.enqueue_indirect_dma source(%dma_start3A_162 : memref<100000x1024xf32, #tpu.memory_space<hbm>>) target(%arg11 : memref<16x1024xf32, #tpu.memory_space<vmem>>) offsets(%dma_start3A_159 : memref<16xi32, #tpu.memory_space<vmem>>) semaphore(%arg14 : memref<!tpu.dma_semaphore, #tpu.memory_space<semaphore_mem>>)
    %dma_wait3A_163 = arith.constant 1 : i32
    %dma_wait3A_164 = arith.constant 0 : i32
    %dma_wait3A_165 = tpu.memref_slice %arg6[%dma_wait3A_163, %dma_wait3A_164] : memref<4x128xi32, #tpu.memory_space<vmem>> -> memref<1x16xi32, #tpu.memory_space<vmem>>
    %dma_wait3A_166 = tpu.memref_squeeze %dma_wait3A_165 : memref<1x16xi32, #tpu.memory_space<vmem>> -> memref<16xi32, #tpu.memory_space<vmem>>
    %dma_wait3A_167 = arith.constant 0 : i32
    %dma_wait3A_168 = arith.constant 0 : i32
    %dma_wait3A_169 = tpu.memref_slice %arg3[%dma_wait3A_167, %dma_wait3A_168] : memref<100000x1024xf32, #tpu.memory_space<hbm>> -> memref<100000x1024xf32, #tpu.memory_space<hbm>>
    tpu.wait_indirect_dma semaphore(%arg14 : memref<!tpu.dma_semaphore, #tpu.memory_space<semaphore_mem>>) src(%dma_wait3A_169 : memref<100000x1024xf32, #tpu.memory_space<hbm>>) dst(%arg8 : memref<16x1024xf32, #tpu.memory_space<vmem>>)
    %parallel_loop3A_170 = arith.constant 0 : i32
    %parallel_loop3A_171 = arith.constant 1024 : i32
    %parallel_loop3A_172 = arith.constant 1 : i32
    scf.for %parallel_loop3A_1102 = %parallel_loop3A_170 to %parallel_loop3A_171 step %parallel_loop3A_172  : i32 {
      %parallel_loop3A_1103 = arith.constant 6 : i32
      %parallel_loop3A_1104 = arith.shrsi %parallel_loop3A_1102, %parallel_loop3A_1103 : i32
      %parallel_loop3A_1105 = arith.constant 63 : i32
      %parallel_loop3A_1106 = arith.andi %parallel_loop3A_1102, %parallel_loop3A_1105 : i32
      %parallel_loop3A_1107 = arith.constant 4 : i32
      %parallel_loop3A_1108 = arith.shli %parallel_loop3A_1106, %parallel_loop3A_1107 : i32
      %parallel_loop3A_1109 = tpu.assume_multiple %parallel_loop3A_1108, 16 : i32
      %parallel_loop3A_1110 = arith.index_cast %parallel_loop3A_1104 : i32 to index
      %parallel_loop3A_1111 = arith.index_cast %parallel_loop3A_1109 : i32 to index
      %parallel_loop3A_1112 = tpu.vector_load %arg12[%parallel_loop3A_1110, %parallel_loop3A_1111] {strides = array<i32>} : memref<16x1024xf32, #tpu.memory_space<vmem>>, vector<1x16xf32>,
      %parallel_loop3A_1113 = vector.shape_cast %parallel_loop3A_1112 : vector<1x16xf32> to vector<16xf32>
      %parallel_loop3A_1114 = arith.index_cast %parallel_loop3A_1104 : i32 to index
      %parallel_loop3A_1115 = arith.index_cast %parallel_loop3A_1109 : i32 to index
      %parallel_loop3A_1116 = tpu.vector_load %arg8[%parallel_loop3A_1114, %parallel_loop3A_1115] {strides = array<i32>} : memref<16x1024xf32, #tpu.memory_space<vmem>>, vector<1x16xf32>,
      %parallel_loop3A_1117 = vector.shape_cast %parallel_loop3A_1116 : vector<1x16xf32> to vector<16xf32>
      %parallel_loop3A_1118 = vector.shape_cast %parallel_loop3A_1113 : vector<16xf32> to vector<1x16xf32>
      tpu.vector_store %arg8[%parallel_loop3A_1114, %parallel_loop3A_1115], %parallel_loop3A_1118 {add = true, strides = array<i32>} : memref<16x1024xf32, #tpu.memory_space<vmem>>, vector<1x16xf32>,
    } {sc.loop_unroll_factor = 4 : i64, sc.parallel_access}
    %add3A_173 = arith.constant 4096 : i32
    %add3A_174 = arith.addi %add3A_173, %mul3A_2 : i32
    %add3A_175 = arith.constant 0 : i32
    %add3A_176 = arith.addi %add3A_174, %add3A_175 : i32
    %dma_start3A_177 = arith.constant 0 : i32
    %dma_start3A_178 = tpu.memref_slice %arg5[%add3A_176, %dma_start3A_177] : memref<16384x1024xf32, #tpu.memory_space<hbm>> -> memref<16x1024xf32, #tpu.memory_space<hbm>>
    %dma_start3A_179 = arith.constant 0 : i32
    %dma_start3A_180 = tpu.memref_slice %arg5[%add3A_176, %dma_start3A_179] : memref<16384x1024xf32, #tpu.memory_space<hbm>> -> memref<16x1024xf32, #tpu.memory_space<hbm>>
    tpu.enqueue_dma source(%arg8 : memref<16x1024xf32, #tpu.memory_space<vmem>>) target(%dma_start3A_180 : memref<16x1024xf32, #tpu.memory_space<hbm>>) target_semaphore(%arg15 : memref<!tpu.dma_semaphore, #tpu.memory_space<semaphore_mem>>)
    %dma_wait3A_181 = arith.constant 0 : i32
    %dma_wait3A_182 = tpu.memref_slice %arg5[%add3A_145, %dma_wait3A_181] : memref<16384x1024xf32, #tpu.memory_space<hbm>> -> memref<16x1024xf32, #tpu.memory_space<hbm>>
    %dma_wait3A_183 = arith.constant 0 : i32
    %dma_wait3A_184 = tpu.memref_slice %arg5[%add3A_145, %dma_wait3A_183] : memref<16384x1024xf32, #tpu.memory_space<hbm>> -> memref<16x1024xf32, #tpu.memory_space<hbm>>
    tpu.wait_dma2 semaphore(%arg15 : memref<!tpu.dma_semaphore, #tpu.memory_space<semaphore_mem>>) src(%arg7 : memref<16x1024xf32, #tpu.memory_space<vmem>>) dst(%dma_wait3A_184 : memref<16x1024xf32, #tpu.memory_space<hbm>>)
    %dma_start3A_185 = arith.constant 1 : i32
    %dma_start3A_186 = arith.constant 16 : i32
    %dma_start3A_187 = tpu.memref_slice %arg6[%dma_start3A_185, %dma_start3A_186] : memref<4x128xi32, #tpu.memory_space<vmem>> -> memref<1x16xi32, #tpu.memory_space<vmem>>
    %dma_start3A_188 = tpu.memref_squeeze %dma_start3A_187 : memref<1x16xi32, #tpu.memory_space<vmem>> -> memref<16xi32, #tpu.memory_space<vmem>>
    %dma_start3A_189 = arith.constant 0 : i32
    %dma_start3A_190 = arith.constant 0 : i32
    %dma_start3A_191 = tpu.memref_slice %arg3[%dma_start3A_189, %dma_start3A_190] : memref<100000x1024xf32, #tpu.memory_space<hbm>> -> memref<100000x1024xf32, #tpu.memory_space<hbm>>
    tpu.enqueue_indirect_dma source(%dma_start3A_191 : memref<100000x1024xf32, #tpu.memory_space<hbm>>) target(%arg7 : memref<16x1024xf32, #tpu.memory_space<vmem>>) offsets(%dma_start3A_188 : memref<16xi32, #tpu.memory_space<vmem>>) semaphore(%arg14 : memref<!tpu.dma_semaphore, #tpu.memory_space<semaphore_mem>>)
    %dma_wait3A_192 = arith.constant 2 : i32
    %dma_wait3A_193 = arith.constant 0 : i32
    %dma_wait3A_194 = tpu.memref_slice %arg6[%dma_wait3A_192, %dma_wait3A_193] : memref<4x128xi32, #tpu.memory_space<vmem>> -> memref<1x16xi32, #tpu.memory_space<vmem>>
    %dma_wait3A_195 = tpu.memref_squeeze %dma_wait3A_194 : memref<1x16xi32, #tpu.memory_space<vmem>> -> memref<16xi32, #tpu.memory_space<vmem>>
    %dma_wait3A_196 = arith.constant 0 : i32
    %dma_wait3A_197 = arith.constant 0 : i32
    %dma_wait3A_198 = tpu.memref_slice %arg3[%dma_wait3A_196, %dma_wait3A_197] : memref<100000x1024xf32, #tpu.memory_space<hbm>> -> memref<100000x1024xf32, #tpu.memory_space<hbm>>
    tpu.wait_indirect_dma semaphore(%arg14 : memref<!tpu.dma_semaphore, #tpu.memory_space<semaphore_mem>>) src(%dma_wait3A_198 : memref<100000x1024xf32, #tpu.memory_space<hbm>>) dst(%arg9 : memref<16x1024xf32, #tpu.memory_space<vmem>>)
    %parallel_loop3A_199 = arith.constant 0 : i32
    %parallel_loop3A_200 = arith.constant 1024 : i32
    %parallel_loop3A_201 = arith.constant 1 : i32
    scf.for %parallel_loop3A_1102 = %parallel_loop3A_199 to %parallel_loop3A_200 step %parallel_loop3A_201  : i32 {
      %parallel_loop3A_1103 = arith.constant 6 : i32
      %parallel_loop3A_1104 = arith.shrsi %parallel_loop3A_1102, %parallel_loop3A_1103 : i32
      %parallel_loop3A_1105 = arith.constant 63 : i32
      %parallel_loop3A_1106 = arith.andi %parallel_loop3A_1102, %parallel_loop3A_1105 : i32
      %parallel_loop3A_1107 = arith.constant 4 : i32
      %parallel_loop3A_1108 = arith.shli %parallel_loop3A_1106, %parallel_loop3A_1107 : i32
      %parallel_loop3A_1109 = tpu.assume_multiple %parallel_loop3A_1108, 16 : i32
      %parallel_loop3A_1110 = arith.index_cast %parallel_loop3A_1104 : i32 to index
      %parallel_loop3A_1111 = arith.index_cast %parallel_loop3A_1109 : i32 to index
      %parallel_loop3A_1112 = tpu.vector_load %arg12[%parallel_loop3A_1110, %parallel_loop3A_1111] {strides = array<i32>} : memref<16x1024xf32, #tpu.memory_space<vmem>>, vector<1x16xf32>,
      %parallel_loop3A_1113 = vector.shape_cast %parallel_loop3A_1112 : vector<1x16xf32> to vector<16xf32>
      %parallel_loop3A_1114 = arith.index_cast %parallel_loop3A_1104 : i32 to index
      %parallel_loop3A_1115 = arith.index_cast %parallel_loop3A_1109 : i32 to index
      %parallel_loop3A_1116 = tpu.vector_load %arg9[%parallel_loop3A_1114, %parallel_loop3A_1115] {strides = array<i32>} : memref<16x1024xf32, #tpu.memory_space<vmem>>, vector<1x16xf32>,
      %parallel_loop3A_1117 = vector.shape_cast %parallel_loop3A_1116 : vector<1x16xf32> to vector<16xf32>
      %parallel_loop3A_1118 = vector.shape_cast %parallel_loop3A_1113 : vector<16xf32> to vector<1x16xf32>
      tpu.vector_store %arg9[%parallel_loop3A_1114, %parallel_loop3A_1115], %parallel_loop3A_1118 {add = true, strides = array<i32>} : memref<16x1024xf32, #tpu.memory_space<vmem>>, vector<1x16xf32>,
    } {sc.loop_unroll_factor = 4 : i64, sc.parallel_access}
    %add3A_202 = arith.constant 8192 : i32
    %add3A_203 = arith.addi %add3A_202, %mul3A_2 : i32
    %add3A_204 = arith.constant 0 : i32
    %add3A_205 = arith.addi %add3A_203, %add3A_204 : i32
    %dma_start3A_206 = arith.constant 0 : i32
    %dma_start3A_207 = tpu.memref_slice %arg5[%add3A_205, %dma_start3A_206] : memref<16384x1024xf32, #tpu.memory_space<hbm>> -> memref<16x1024xf32, #tpu.memory_space<hbm>>
    %dma_start3A_208 = arith.constant 0 : i32
    %dma_start3A_209 = tpu.memref_slice %arg5[%add3A_205, %dma_start3A_208] : memref<16384x1024xf32, #tpu.memory_space<hbm>> -> memref<16x1024xf32, #tpu.memory_space<hbm>>
    tpu.enqueue_dma source(%arg9 : memref<16x1024xf32, #tpu.memory_space<vmem>>) target(%dma_start3A_209 : memref<16x1024xf32, #tpu.memory_space<hbm>>) target_semaphore(%arg15 : memref<!tpu.dma_semaphore, #tpu.memory_space<semaphore_mem>>)
    %dma_wait3A_210 = arith.constant 0 : i32
    %dma_wait3A_211 = tpu.memref_slice %arg5[%add3A_176, %dma_wait3A_210] : memref<16384x1024xf32, #tpu.memory_space<hbm>> -> memref<16x1024xf32, #tpu.memory_space<hbm>>
    %dma_wait3A_212 = arith.constant 0 : i32
    %dma_wait3A_213 = tpu.memref_slice %arg5[%add3A_176, %dma_wait3A_212] : memref<16384x1024xf32, #tpu.memory_space<hbm>> -> memref<16x1024xf32, #tpu.memory_space<hbm>>
    tpu.wait_dma2 semaphore(%arg15 : memref<!tpu.dma_semaphore, #tpu.memory_space<semaphore_mem>>) src(%arg8 : memref<16x1024xf32, #tpu.memory_space<vmem>>) dst(%dma_wait3A_213 : memref<16x1024xf32, #tpu.memory_space<hbm>>)
    %dma_start3A_214 = arith.constant 2 : i32
    %dma_start3A_215 = arith.constant 16 : i32
    %dma_start3A_216 = tpu.memref_slice %arg6[%dma_start3A_214, %dma_start3A_215] : memref<4x128xi32, #tpu.memory_space<vmem>> -> memref<1x16xi32, #tpu.memory_space<vmem>>
    %dma_start3A_217 = tpu.memref_squeeze %dma_start3A_216 : memref<1x16xi32, #tpu.memory_space<vmem>> -> memref<16xi32, #tpu.memory_space<vmem>>
    %dma_start3A_218 = arith.constant 0 : i32
    %dma_start3A_219 = arith.constant 0 : i32
    %dma_start3A_220 = tpu.memref_slice %arg3[%dma_start3A_218, %dma_start3A_219] : memref<100000x1024xf32, #tpu.memory_space<hbm>> -> memref<100000x1024xf32, #tpu.memory_space<hbm>>
    tpu.enqueue_indirect_dma source(%dma_start3A_220 : memref<100000x1024xf32, #tpu.memory_space<hbm>>) target(%arg8 : memref<16x1024xf32, #tpu.memory_space<vmem>>) offsets(%dma_start3A_217 : memref<16xi32, #tpu.memory_space<vmem>>) semaphore(%arg14 : memref<!tpu.dma_semaphore, #tpu.memory_space<semaphore_mem>>)
    %dma_wait3A_221 = arith.constant 3 : i32
    %dma_wait3A_222 = arith.constant 0 : i32
    %dma_wait3A_223 = tpu.memref_slice %arg6[%dma_wait3A_221, %dma_wait3A_222] : memref<4x128xi32, #tpu.memory_space<vmem>> -> memref<1x16xi32, #tpu.memory_space<vmem>>
    %dma_wait3A_224 = tpu.memref_squeeze %dma_wait3A_223 : memref<1x16xi32, #tpu.memory_space<vmem>> -> memref<16xi32, #tpu.memory_space<vmem>>
    %dma_wait3A_225 = arith.constant 0 : i32
    %dma_wait3A_226 = arith.constant 0 : i32
    %dma_wait3A_227 = tpu.memref_slice %arg3[%dma_wait3A_225, %dma_wait3A_226] : memref<100000x1024xf32, #tpu.memory_space<hbm>> -> memref<100000x1024xf32, #tpu.memory_space<hbm>>
    tpu.wait_indirect_dma semaphore(%arg14 : memref<!tpu.dma_semaphore, #tpu.memory_space<semaphore_mem>>) src(%dma_wait3A_227 : memref<100000x1024xf32, #tpu.memory_space<hbm>>) dst(%arg10 : memref<16x1024xf32, #tpu.memory_space<vmem>>)
    %parallel_loop3A_228 = arith.constant 0 : i32
    %parallel_loop3A_229 = arith.constant 1024 : i32
    %parallel_loop3A_230 = arith.constant 1 : i32
    scf.for %parallel_loop3A_1102 = %parallel_loop3A_228 to %parallel_loop3A_229 step %parallel_loop3A_230  : i32 {
      %parallel_loop3A_1103 = arith.constant 6 : i32
      %parallel_loop3A_1104 = arith.shrsi %parallel_loop3A_1102, %parallel_loop3A_1103 : i32
      %parallel_loop3A_1105 = arith.constant 63 : i32
      %parallel_loop3A_1106 = arith.andi %parallel_loop3A_1102, %parallel_loop3A_1105 : i32
      %parallel_loop3A_1107 = arith.constant 4 : i32
      %parallel_loop3A_1108 = arith.shli %parallel_loop3A_1106, %parallel_loop3A_1107 : i32
      %parallel_loop3A_1109 = tpu.assume_multiple %parallel_loop3A_1108, 16 : i32
      %parallel_loop3A_1110 = arith.index_cast %parallel_loop3A_1104 : i32 to index
      %parallel_loop3A_1111 = arith.index_cast %parallel_loop3A_1109 : i32 to index
      %parallel_loop3A_1112 = tpu.vector_load %arg12[%parallel_loop3A_1110, %parallel_loop3A_1111] {strides = array<i32>} : memref<16x1024xf32, #tpu.memory_space<vmem>>, vector<1x16xf32>,
      %parallel_loop3A_1113 = vector.shape_cast %parallel_loop3A_1112 : vector<1x16xf32> to vector<16xf32>
      %parallel_loop3A_1114 = arith.index_cast %parallel_loop3A_1104 : i32 to index
      %parallel_loop3A_1115 = arith.index_cast %parallel_loop3A_1109 : i32 to index
      %parallel_loop3A_1116 = tpu.vector_load %arg10[%parallel_loop3A_1114, %parallel_loop3A_1115] {strides = array<i32>} : memref<16x1024xf32, #tpu.memory_space<vmem>>, vector<1x16xf32>,
      %parallel_loop3A_1117 = vector.shape_cast %parallel_loop3A_1116 : vector<1x16xf32> to vector<16xf32>
      %parallel_loop3A_1118 = vector.shape_cast %parallel_loop3A_1113 : vector<16xf32> to vector<1x16xf32>
      tpu.vector_store %arg10[%parallel_loop3A_1114, %parallel_loop3A_1115], %parallel_loop3A_1118 {add = true, strides = array<i32>} : memref<16x1024xf32, #tpu.memory_space<vmem>>, vector<1x16xf32>,
    } {sc.loop_unroll_factor = 4 : i64, sc.parallel_access}
    %add3A_231 = arith.constant 12288 : i32
    %add3A_232 = arith.addi %add3A_231, %mul3A_2 : i32
    %add3A_233 = arith.constant 0 : i32
    %add3A_234 = arith.addi %add3A_232, %add3A_233 : i32
    %dma_start3A_235 = arith.constant 0 : i32
    %dma_start3A_236 = tpu.memref_slice %arg5[%add3A_234, %dma_start3A_235] : memref<16384x1024xf32, #tpu.memory_space<hbm>> -> memref<16x1024xf32, #tpu.memory_space<hbm>>
    %dma_start3A_237 = arith.constant 0 : i32
    %dma_start3A_238 = tpu.memref_slice %arg5[%add3A_234, %dma_start3A_237] : memref<16384x1024xf32, #tpu.memory_space<hbm>> -> memref<16x1024xf32, #tpu.memory_space<hbm>>
    tpu.enqueue_dma source(%arg10 : memref<16x1024xf32, #tpu.memory_space<vmem>>) target(%dma_start3A_238 : memref<16x1024xf32, #tpu.memory_space<hbm>>) target_semaphore(%arg15 : memref<!tpu.dma_semaphore, #tpu.memory_space<semaphore_mem>>)
    %dma_wait3A_239 = arith.constant 0 : i32
    %dma_wait3A_240 = tpu.memref_slice %arg5[%add3A_205, %dma_wait3A_239] : memref<16384x1024xf32, #tpu.memory_space<hbm>> -> memref<16x1024xf32, #tpu.memory_space<hbm>>
    %dma_wait3A_241 = arith.constant 0 : i32
    %dma_wait3A_242 = tpu.memref_slice %arg5[%add3A_205, %dma_wait3A_241] : memref<16384x1024xf32, #tpu.memory_space<hbm>> -> memref<16x1024xf32, #tpu.memory_space<hbm>>
    tpu.wait_dma2 semaphore(%arg15 : memref<!tpu.dma_semaphore, #tpu.memory_space<semaphore_mem>>) src(%arg9 : memref<16x1024xf32, #tpu.memory_space<vmem>>) dst(%dma_wait3A_242 : memref<16x1024xf32, #tpu.memory_space<hbm>>)
    %dma_start3A_243 = arith.constant 3 : i32
    %dma_start3A_244 = arith.constant 16 : i32
    %dma_start3A_245 = tpu.memref_slice %arg6[%dma_start3A_243, %dma_start3A_244] : memref<4x128xi32, #tpu.memory_space<vmem>> -> memref<1x16xi32, #tpu.memory_space<vmem>>
    %dma_start3A_246 = tpu.memref_squeeze %dma_start3A_245 : memref<1x16xi32, #tpu.memory_space<vmem>> -> memref<16xi32, #tpu.memory_space<vmem>>
    %dma_start3A_247 = arith.constant 0 : i32
    %dma_start3A_248 = arith.constant 0 : i32
    %dma_start3A_249 = tpu.memref_slice %arg3[%dma_start3A_247, %dma_start3A_248] : memref<100000x1024xf32, #tpu.memory_space<hbm>> -> memref<100000x1024xf32, #tpu.memory_space<hbm>>
    tpu.enqueue_indirect_dma source(%dma_start3A_249 : memref<100000x1024xf32, #tpu.memory_space<hbm>>) target(%arg9 : memref<16x1024xf32, #tpu.memory_space<vmem>>) offsets(%dma_start3A_246 : memref<16xi32, #tpu.memory_space<vmem>>) semaphore(%arg14 : memref<!tpu.dma_semaphore, #tpu.memory_space<semaphore_mem>>)
    %dma_wait3A_250 = arith.constant 0 : i32
    %dma_wait3A_251 = tpu.memref_slice %arg4[%add3A_151, %dma_wait3A_250] : memref<8192x1024xf32, #tpu.memory_space<hbm>> -> memref<16x1024xf32, #tpu.memory_space<hbm>>
    %dma_wait3A_252 = arith.constant 0 : i32
    %dma_wait3A_253 = tpu.memref_slice %arg4[%add3A_151, %dma_wait3A_252] : memref<8192x1024xf32, #tpu.memory_space<hbm>> -> memref<16x1024xf32, #tpu.memory_space<hbm>>
    tpu.wait_dma2 semaphore(%arg16 : memref<!tpu.dma_semaphore, #tpu.memory_space<semaphore_mem>>) src(%dma_wait3A_253 : memref<16x1024xf32, #tpu.memory_space<hbm>>) dst(%arg13 : memref<16x1024xf32, #tpu.memory_space<vmem>>)
    %dma_wait3A_254 = arith.constant 0 : i32
    %dma_wait3A_255 = arith.constant 16 : i32
    %dma_wait3A_256 = tpu.memref_slice %arg6[%dma_wait3A_254, %dma_wait3A_255] : memref<4x128xi32, #tpu.memory_space<vmem>> -> memref<1x16xi32, #tpu.memory_space<vmem>>
    %dma_wait3A_257 = tpu.memref_squeeze %dma_wait3A_256 : memref<1x16xi32, #tpu.memory_space<vmem>> -> memref<16xi32, #tpu.memory_space<vmem>>
    %dma_wait3A_258 = arith.constant 0 : i32
    %dma_wait3A_259 = arith.constant 0 : i32
    %dma_wait3A_260 = tpu.memref_slice %arg3[%dma_wait3A_258, %dma_wait3A_259] : memref<100000x1024xf32, #tpu.memory_space<hbm>> -> memref<100000x1024xf32, #tpu.memory_space<hbm>>
    tpu.wait_indirect_dma semaphore(%arg14 : memref<!tpu.dma_semaphore, #tpu.memory_space<semaphore_mem>>) src(%dma_wait3A_260 : memref<100000x1024xf32, #tpu.memory_space<hbm>>) dst(%arg11 : memref<16x1024xf32, #tpu.memory_space<vmem>>)
    %parallel_loop3A_261 = arith.constant 0 : i32
    %parallel_loop3A_262 = arith.constant 1024 : i32
    %parallel_loop3A_263 = arith.constant 1 : i32
    scf.for %parallel_loop3A_1102 = %parallel_loop3A_261 to %parallel_loop3A_262 step %parallel_loop3A_263  : i32 {
      %parallel_loop3A_1103 = arith.constant 6 : i32
      %parallel_loop3A_1104 = arith.shrsi %parallel_loop3A_1102, %parallel_loop3A_1103 : i32
      %parallel_loop3A_1105 = arith.constant 63 : i32
      %parallel_loop3A_1106 = arith.andi %parallel_loop3A_1102, %parallel_loop3A_1105 : i32
      %parallel_loop3A_1107 = arith.constant 4 : i32
      %parallel_loop3A_1108 = arith.shli %parallel_loop3A_1106, %parallel_loop3A_1107 : i32
      %parallel_loop3A_1109 = tpu.assume_multiple %parallel_loop3A_1108, 16 : i32
      %parallel_loop3A_1110 = arith.index_cast %parallel_loop3A_1104 : i32 to index
      %parallel_loop3A_1111 = arith.index_cast %parallel_loop3A_1109 : i32 to index
      %parallel_loop3A_1112 = tpu.vector_load %arg13[%parallel_loop3A_1110, %parallel_loop3A_1111] {strides = array<i32>} : memref<16x1024xf32, #tpu.memory_space<vmem>>, vector<1x16xf32>,
      %parallel_loop3A_1113 = vector.shape_cast %parallel_loop3A_1112 : vector<1x16xf32> to vector<16xf32>
      %parallel_loop3A_1114 = arith.index_cast %parallel_loop3A_1104 : i32 to index
      %parallel_loop3A_1115 = arith.index_cast %parallel_loop3A_1109 : i32 to index
      %parallel_loop3A_1116 = tpu.vector_load %arg11[%parallel_loop3A_1114, %parallel_loop3A_1115] {strides = array<i32>} : memref<16x1024xf32, #tpu.memory_space<vmem>>, vector<1x16xf32>,
      %parallel_loop3A_1117 = vector.shape_cast %parallel_loop3A_1116 : vector<1x16xf32> to vector<16xf32>
      %parallel_loop3A_1118 = vector.shape_cast %parallel_loop3A_1113 : vector<16xf32> to vector<1x16xf32>
      tpu.vector_store %arg11[%parallel_loop3A_1114, %parallel_loop3A_1115], %parallel_loop3A_1118 {add = true, strides = array<i32>} : memref<16x1024xf32, #tpu.memory_space<vmem>>, vector<1x16xf32>,
    } {sc.loop_unroll_factor = 4 : i64, sc.parallel_access}
    %add3A_264 = arith.constant 0 : i32
    %add3A_265 = arith.addi %add3A_264, %mul3A_2 : i32
    %add3A_266 = arith.constant 16 : i32
    %add3A_267 = arith.addi %add3A_265, %add3A_266 : i32
    %dma_start3A_268 = arith.constant 0 : i32
    %dma_start3A_269 = tpu.memref_slice %arg5[%add3A_267, %dma_start3A_268] : memref<16384x1024xf32, #tpu.memory_space<hbm>> -> memref<16x1024xf32, #tpu.memory_space<hbm>>
    %dma_start3A_270 = arith.constant 0 : i32
    %dma_start3A_271 = tpu.memref_slice %arg5[%add3A_267, %dma_start3A_270] : memref<16384x1024xf32, #tpu.memory_space<hbm>> -> memref<16x1024xf32, #tpu.memory_space<hbm>>
    tpu.enqueue_dma source(%arg11 : memref<16x1024xf32, #tpu.memory_space<vmem>>) target(%dma_start3A_271 : memref<16x1024xf32, #tpu.memory_space<hbm>>) target_semaphore(%arg15 : memref<!tpu.dma_semaphore, #tpu.memory_space<semaphore_mem>>)
    %dma_wait3A_272 = arith.constant 0 : i32
    %dma_wait3A_273 = tpu.memref_slice %arg5[%add3A_234, %dma_wait3A_272] : memref<16384x1024xf32, #tpu.memory_space<hbm>> -> memref<16x1024xf32, #tpu.memory_space<hbm>>
    %dma_wait3A_274 = arith.constant 0 : i32
    %dma_wait3A_275 = tpu.memref_slice %arg5[%add3A_234, %dma_wait3A_274] : memref<16384x1024xf32, #tpu.memory_space<hbm>> -> memref<16x1024xf32, #tpu.memory_space<hbm>>
    tpu.wait_dma2 semaphore(%arg15 : memref<!tpu.dma_semaphore, #tpu.memory_space<semaphore_mem>>) src(%arg10 : memref<16x1024xf32, #tpu.memory_space<vmem>>) dst(%dma_wait3A_275 : memref<16x1024xf32, #tpu.memory_space<hbm>>)
    %add3A_276 = arith.constant 32 : i32
    %add3A_277 = arith.addi %mul3A_2, %add3A_276 : i32
    %dma_start3A_278 = arith.constant 0 : i32
    %dma_start3A_279 = tpu.memref_slice %arg4[%add3A_277, %dma_start3A_278] : memref<8192x1024xf32, #tpu.memory_space<hbm>> -> memref<16x1024xf32, #tpu.memory_space<hbm>>
    %dma_start3A_280 = arith.constant 0 : i32
    %dma_start3A_281 = tpu.memref_slice %arg4[%add3A_277, %dma_start3A_280] : memref<8192x1024xf32, #tpu.memory_space<hbm>> -> memref<16x1024xf32, #tpu.memory_space<hbm>>
    tpu.enqueue_dma source(%dma_start3A_281 : memref<16x1024xf32, #tpu.memory_space<hbm>>) target(%arg12 : memref<16x1024xf32, #tpu.memory_space<vmem>>) target_semaphore(%arg16 : memref<!tpu.dma_semaphore, #tpu.memory_space<semaphore_mem>>)
    %dma_start3A_282 = arith.constant 0 : i32
    %dma_start3A_283 = arith.constant 32 : i32
    %dma_start3A_284 = tpu.memref_slice %arg6[%dma_start3A_282, %dma_start3A_283] : memref<4x128xi32, #tpu.memory_space<vmem>> -> memref<1x16xi32, #tpu.memory_space<vmem>>
    %dma_start3A_285 = tpu.memref_squeeze %dma_start3A_284 : memref<1x16xi32, #tpu.memory_space<vmem>> -> memref<16xi32, #tpu.memory_space<vmem>>
    %dma_start3A_286 = arith.constant 0 : i32
    %dma_start3A_287 = arith.constant 0 : i32
    %dma_start3A_288 = tpu.memref_slice %arg3[%dma_start3A_286, %dma_start3A_287] : memref<100000x1024xf32, #tpu.memory_space<hbm>> -> memref<100000x1024xf32, #tpu.memory_space<hbm>>
    tpu.enqueue_indirect_dma source(%dma_start3A_288 : memref<100000x1024xf32, #tpu.memory_space<hbm>>) target(%arg10 : memref<16x1024xf32, #tpu.memory_space<vmem>>) offsets(%dma_start3A_285 : memref<16xi32, #tpu.memory_space<vmem>>) semaphore(%arg14 : memref<!tpu.dma_semaphore, #tpu.memory_space<semaphore_mem>>)
    %dma_wait3A_289 = arith.constant 1 : i32
    %dma_wait3A_290 = arith.constant 16 : i32
    %dma_wait3A_291 = tpu.memref_slice %arg6[%dma_wait3A_289, %dma_wait3A_290] : memref<4x128xi32, #tpu.memory_space<vmem>> -> memref<1x16xi32, #tpu.memory_space<vmem>>
    %dma_wait3A_292 = tpu.memref_squeeze %dma_wait3A_291 : memref<1x16xi32, #tpu.memory_space<vmem>> -> memref<16xi32, #tpu.memory_space<vmem>>
    %dma_wait3A_293 = arith.constant 0 : i32
    %dma_wait3A_294 = arith.constant 0 : i32
    %dma_wait3A_295 = tpu.memref_slice %arg3[%dma_wait3A_293, %dma_wait3A_294] : memref<100000x1024xf32, #tpu.memory_space<hbm>> -> memref<100000x1024xf32, #tpu.memory_space<hbm>>
    tpu.wait_indirect_dma semaphore(%arg14 : memref<!tpu.dma_semaphore, #tpu.memory_space<semaphore_mem>>) src(%dma_wait3A_295 : memref<100000x1024xf32, #tpu.memory_space<hbm>>) dst(%arg7 : memref<16x1024xf32, #tpu.memory_space<vmem>>)
    %parallel_loop3A_296 = arith.constant 0 : i32
    %parallel_loop3A_297 = arith.constant 1024 : i32
    %parallel_loop3A_298 = arith.constant 1 : i32
    scf.for %parallel_loop3A_1102 = %parallel_loop3A_296 to %parallel_loop3A_297 step %parallel_loop3A_298  : i32 {
      %parallel_loop3A_1103 = arith.constant 6 : i32
      %parallel_loop3A_1104 = arith.shrsi %parallel_loop3A_1102, %parallel_loop3A_1103 : i32
      %parallel_loop3A_1105 = arith.constant 63 : i32
      %parallel_loop3A_1106 = arith.andi %parallel_loop3A_1102, %parallel_loop3A_1105 : i32
      %parallel_loop3A_1107 = arith.constant 4 : i32
      %parallel_loop3A_1108 = arith.shli %parallel_loop3A_1106, %parallel_loop3A_1107 : i32
      %parallel_loop3A_1109 = tpu.assume_multiple %parallel_loop3A_1108, 16 : i32
      %parallel_loop3A_1110 = arith.index_cast %parallel_loop3A_1104 : i32 to index
      %parallel_loop3A_1111 = arith.index_cast %parallel_loop3A_1109 : i32 to index
      %parallel_loop3A_1112 = tpu.vector_load %arg13[%parallel_loop3A_1110, %parallel_loop3A_1111] {strides = array<i32>} : memref<16x1024xf32, #tpu.memory_space<vmem>>, vector<1x16xf32>,
      %parallel_loop3A_1113 = vector.shape_cast %parallel_loop3A_1112 : vector<1x16xf32> to vector<16xf32>
      %parallel_loop3A_1114 = arith.index_cast %parallel_loop3A_1104 : i32 to index
      %parallel_loop3A_1115 = arith.index_cast %parallel_loop3A_1109 : i32 to index
      %parallel_loop3A_1116 = tpu.vector_load %arg7[%parallel_loop3A_1114, %parallel_loop3A_1115] {strides = array<i32>} : memref<16x1024xf32, #tpu.memory_space<vmem>>, vector<1x16xf32>,
      %parallel_loop3A_1117 = vector.shape_cast %parallel_loop3A_1116 : vector<1x16xf32> to vector<16xf32>
      %parallel_loop3A_1118 = vector.shape_cast %parallel_loop3A_1113 : vector<16xf32> to vector<1x16xf32>
      tpu.vector_store %arg7[%parallel_loop3A_1114, %parallel_loop3A_1115], %parallel_loop3A_1118 {add = true, strides = array<i32>} : memref<16x1024xf32, #tpu.memory_space<vmem>>, vector<1x16xf32>,
    } {sc.loop_unroll_factor = 4 : i64, sc.parallel_access}
    %add3A_299 = arith.constant 4096 : i32
    %add3A_300 = arith.addi %add3A_299, %mul3A_2 : i32
    %add3A_301 = arith.constant 16 : i32
    %add3A_302 = arith.addi %add3A_300, %add3A_301 : i32
    %dma_start3A_303 = arith.constant 0 : i32
    %dma_start3A_304 = tpu.memref_slice %arg5[%add3A_302, %dma_start3A_303] : memref<16384x1024xf32, #tpu.memory_space<hbm>> -> memref<16x1024xf32, #tpu.memory_space<hbm>>
    %dma_start3A_305 = arith.constant 0 : i32
    %dma_start3A_306 = tpu.memref_slice %arg5[%add3A_302, %dma_start3A_305] : memref<16384x1024xf32, #tpu.memory_space<hbm>> -> memref<16x1024xf32, #tpu.memory_space<hbm>>
    tpu.enqueue_dma source(%arg7 : memref<16x1024xf32, #tpu.memory_space<vmem>>) target(%dma_start3A_306 : memref<16x1024xf32, #tpu.memory_space<hbm>>) target_semaphore(%arg15 : memref<!tpu.dma_semaphore, #tpu.memory_space<semaphore_mem>>)
    %dma_wait3A_307 = arith.constant 0 : i32
    %dma_wait3A_308 = tpu.memref_slice %arg5[%add3A_267, %dma_wait3A_307] : memref<16384x1024xf32, #tpu.memory_space<hbm>> -> memref<16x1024xf32, #tpu.memory_space<hbm>>
    %dma_wait3A_309 = arith.constant 0 : i32
    %dma_wait3A_310 = tpu.memref_slice %arg5[%add3A_267, %dma_wait3A_309] : memref<16384x1024xf32, #tpu.memory_space<hbm>> -> memref<16x1024xf32, #tpu.memory_space<hbm>>
    tpu.wait_dma2 semaphore(%arg15 : memref<!tpu.dma_semaphore, #tpu.memory_space<semaphore_mem>>) src(%arg11 : memref<16x1024xf32, #tpu.memory_space<vmem>>) dst(%dma_wait3A_310 : memref<16x1024xf32, #tpu.memory_space<hbm>>)
    %dma_start3A_311 = arith.constant 1 : i32
    %dma_start3A_312 = arith.constant 32 : i32
    %dma_start3A_313 = tpu.memref_slice %arg6[%dma_start3A_311, %dma_start3A_312] : memref<4x128xi32, #tpu.memory_space<vmem>> -> memref<1x16xi32, #tpu.memory_space<vmem>>
    %dma_start3A_314 = tpu.memref_squeeze %dma_start3A_313 : memref<1x16xi32, #tpu.memory_space<vmem>> -> memref<16xi32, #tpu.memory_space<vmem>>
    %dma_start3A_315 = arith.constant 0 : i32
    %dma_start3A_316 = arith.constant 0 : i32
    %dma_start3A_317 = tpu.memref_slice %arg3[%dma_start3A_315, %dma_start3A_316] : memref<100000x1024xf32, #tpu.memory_space<hbm>> -> memref<100000x1024xf32, #tpu.memory_space<hbm>>
    tpu.enqueue_indirect_dma source(%dma_start3A_317 : memref<100000x1024xf32, #tpu.memory_space<hbm>>) target(%arg11 : memref<16x1024xf32, #tpu.memory_space<vmem>>) offsets(%dma_start3A_314 : memref<16xi32, #tpu.memory_space<vmem>>) semaphore(%arg14 : memref<!tpu.dma_semaphore, #tpu.memory_space<semaphore_mem>>)
    %dma_wait3A_318 = arith.constant 2 : i32
    %dma_wait3A_319 = arith.constant 16 : i32
    %dma_wait3A_320 = tpu.memref_slice %arg6[%dma_wait3A_318, %dma_wait3A_319] : memref<4x128xi32, #tpu.memory_space<vmem>> -> memref<1x16xi32, #tpu.memory_space<vmem>>
    %dma_wait3A_321 = tpu.memref_squeeze %dma_wait3A_320 : memref<1x16xi32, #tpu.memory_space<vmem>> -> memref<16xi32, #tpu.memory_space<vmem>>
    %dma_wait3A_322 = arith.constant 0 : i32
    %dma_wait3A_323 = arith.constant 0 : i32
    %dma_wait3A_324 = tpu.memref_slice %arg3[%dma_wait3A_322, %dma_wait3A_323] : memref<100000x1024xf32, #tpu.memory_space<hbm>> -> memref<100000x1024xf32, #tpu.memory_space<hbm>>
    tpu.wait_indirect_dma semaphore(%arg14 : memref<!tpu.dma_semaphore, #tpu.memory_space<semaphore_mem>>) src(%dma_wait3A_324 : memref<100000x1024xf32, #tpu.memory_space<hbm>>) dst(%arg8 : memref<16x1024xf32, #tpu.memory_space<vmem>>)
    %parallel_loop3A_325 = arith.constant 0 : i32
    %parallel_loop3A_326 = arith.constant 1024 : i32
    %parallel_loop3A_327 = arith.constant 1 : i32
    scf.for %parallel_loop3A_1102 = %parallel_loop3A_325 to %parallel_loop3A_326 step %parallel_loop3A_327  : i32 {
      %parallel_loop3A_1103 = arith.constant 6 : i32
      %parallel_loop3A_1104 = arith.shrsi %parallel_loop3A_1102, %parallel_loop3A_1103 : i32
      %parallel_loop3A_1105 = arith.constant 63 : i32
      %parallel_loop3A_1106 = arith.andi %parallel_loop3A_1102, %parallel_loop3A_1105 : i32
      %parallel_loop3A_1107 = arith.constant 4 : i32
      %parallel_loop3A_1108 = arith.shli %parallel_loop3A_1106, %parallel_loop3A_1107 : i32
      %parallel_loop3A_1109 = tpu.assume_multiple %parallel_loop3A_1108, 16 : i32
      %parallel_loop3A_1110 = arith.index_cast %parallel_loop3A_1104 : i32 to index
      %parallel_loop3A_1111 = arith.index_cast %parallel_loop3A_1109 : i32 to index
      %parallel_loop3A_1112 = tpu.vector_load %arg13[%parallel_loop3A_1110, %parallel_loop3A_1111] {strides = array<i32>} : memref<16x1024xf32, #tpu.memory_space<vmem>>, vector<1x16xf32>,
      %parallel_loop3A_1113 = vector.shape_cast %parallel_loop3A_1112 : vector<1x16xf32> to vector<16xf32>
      %parallel_loop3A_1114 = arith.index_cast %parallel_loop3A_1104 : i32 to index
      %parallel_loop3A_1115 = arith.index_cast %parallel_loop3A_1109 : i32 to index
      %parallel_loop3A_1116 = tpu.vector_load %arg8[%parallel_loop3A_1114, %parallel_loop3A_1115] {strides = array<i32>} : memref<16x1024xf32, #tpu.memory_space<vmem>>, vector<1x16xf32>,
      %parallel_loop3A_1117 = vector.shape_cast %parallel_loop3A_1116 : vector<1x16xf32> to vector<16xf32>
      %parallel_loop3A_1118 = vector.shape_cast %parallel_loop3A_1113 : vector<16xf32> to vector<1x16xf32>
      tpu.vector_store %arg8[%parallel_loop3A_1114, %parallel_loop3A_1115], %parallel_loop3A_1118 {add = true, strides = array<i32>} : memref<16x1024xf32, #tpu.memory_space<vmem>>, vector<1x16xf32>,
    } {sc.loop_unroll_factor = 4 : i64, sc.parallel_access}
    %add3A_328 = arith.constant 8192 : i32
    %add3A_329 = arith.addi %add3A_328, %mul3A_2 : i32
    %add3A_330 = arith.constant 16 : i32
    %add3A_331 = arith.addi %add3A_329, %add3A_330 : i32
    %dma_start3A_332 = arith.constant 0 : i32
    %dma_start3A_333 = tpu.memref_slice %arg5[%add3A_331, %dma_start3A_332] : memref<16384x1024xf32, #tpu.memory_space<hbm>> -> memref<16x1024xf32, #tpu.memory_space<hbm>>
    %dma_start3A_334 = arith.constant 0 : i32
    %dma_start3A_335 = tpu.memref_slice %arg5[%add3A_331, %dma_start3A_334] : memref<16384x1024xf32, #tpu.memory_space<hbm>> -> memref<16x1024xf32, #tpu.memory_space<hbm>>
    tpu.enqueue_dma source(%arg8 : memref<16x1024xf32, #tpu.memory_space<vmem>>) target(%dma_start3A_335 : memref<16x1024xf32, #tpu.memory_space<hbm>>) target_semaphore(%arg15 : memref<!tpu.dma_semaphore, #tpu.memory_space<semaphore_mem>>)
    %dma_wait3A_336 = arith.constant 0 : i32
    %dma_wait3A_337 = tpu.memref_slice %arg5[%add3A_302, %dma_wait3A_336] : memref<16384x1024xf32, #tpu.memory_space<hbm>> -> memref<16x1024xf32, #tpu.memory_space<hbm>>
    %dma_wait3A_338 = arith.constant 0 : i32
    %dma_wait3A_339 = tpu.memref_slice %arg5[%add3A_302, %dma_wait3A_338] : memref<16384x1024xf32, #tpu.memory_space<hbm>> -> memref<16x1024xf32, #tpu.memory_space<hbm>>
    tpu.wait_dma2 semaphore(%arg15 : memref<!tpu.dma_semaphore, #tpu.memory_space<semaphore_mem>>) src(%arg7 : memref<16x1024xf32, #tpu.memory_space<vmem>>) dst(%dma_wait3A_339 : memref<16x1024xf32, #tpu.memory_space<hbm>>)
    %dma_start3A_340 = arith.constant 2 : i32
    %dma_start3A_341 = arith.constant 32 : i32
    %dma_start3A_342 = tpu.memref_slice %arg6[%dma_start3A_340, %dma_start3A_341] : memref<4x128xi32, #tpu.memory_space<vmem>> -> memref<1x16xi32, #tpu.memory_space<vmem>>
    %dma_start3A_343 = tpu.memref_squeeze %dma_start3A_342 : memref<1x16xi32, #tpu.memory_space<vmem>> -> memref<16xi32, #tpu.memory_space<vmem>>
    %dma_start3A_344 = arith.constant 0 : i32
    %dma_start3A_345 = arith.constant 0 : i32
    %dma_start3A_346 = tpu.memref_slice %arg3[%dma_start3A_344, %dma_start3A_345] : memref<100000x1024xf32, #tpu.memory_space<hbm>> -> memref<100000x1024xf32, #tpu.memory_space<hbm>>
    tpu.enqueue_indirect_dma source(%dma_start3A_346 : memref<100000x1024xf32, #tpu.memory_space<hbm>>) target(%arg7 : memref<16x1024xf32, #tpu.memory_space<vmem>>) offsets(%dma_start3A_343 : memref<16xi32, #tpu.memory_space<vmem>>) semaphore(%arg14 : memref<!tpu.dma_semaphore, #tpu.memory_space<semaphore_mem>>)
    %dma_wait3A_347 = arith.constant 3 : i32
    %dma_wait3A_348 = arith.constant 16 : i32
    %dma_wait3A_349 = tpu.memref_slice %arg6[%dma_wait3A_347, %dma_wait3A_348] : memref<4x128xi32, #tpu.memory_space<vmem>> -> memref<1x16xi32, #tpu.memory_space<vmem>>
    %dma_wait3A_350 = tpu.memref_squeeze %dma_wait3A_349 : memref<1x16xi32, #tpu.memory_space<vmem>> -> memref<16xi32, #tpu.memory_space<vmem>>
    %dma_wait3A_351 = arith.constant 0 : i32
    %dma_wait3A_352 = arith.constant 0 : i32
    %dma_wait3A_353 = tpu.memref_slice %arg3[%dma_wait3A_351, %dma_wait3A_352] : memref<100000x1024xf32, #tpu.memory_space<hbm>> -> memref<100000x1024xf32, #tpu.memory_space<hbm>>
    tpu.wait_indirect_dma semaphore(%arg14 : memref<!tpu.dma_semaphore, #tpu.memory_space<semaphore_mem>>) src(%dma_wait3A_353 : memref<100000x1024xf32, #tpu.memory_space<hbm>>) dst(%arg9 : memref<16x1024xf32, #tpu.memory_space<vmem>>)
    %parallel_loop3A_354 = arith.constant 0 : i32
    %parallel_loop3A_355 = arith.constant 1024 : i32
    %parallel_loop3A_356 = arith.constant 1 : i32
    scf.for %parallel_loop3A_1102 = %parallel_loop3A_354 to %parallel_loop3A_355 step %parallel_loop3A_356  : i32 {
      %parallel_loop3A_1103 = arith.constant 6 : i32
      %parallel_loop3A_1104 = arith.shrsi %parallel_loop3A_1102, %parallel_loop3A_1103 : i32
      %parallel_loop3A_1105 = arith.constant 63 : i32
      %parallel_loop3A_1106 = arith.andi %parallel_loop3A_1102, %parallel_loop3A_1105 : i32
      %parallel_loop3A_1107 = arith.constant 4 : i32
      %parallel_loop3A_1108 = arith.shli %parallel_loop3A_1106, %parallel_loop3A_1107 : i32
      %parallel_loop3A_1109 = tpu.assume_multiple %parallel_loop3A_1108, 16 : i32
      %parallel_loop3A_1110 = arith.index_cast %parallel_loop3A_1104 : i32 to index
      %parallel_loop3A_1111 = arith.index_cast %parallel_loop3A_1109 : i32 to index
      %parallel_loop3A_1112 = tpu.vector_load %arg13[%parallel_loop3A_1110, %parallel_loop3A_1111] {strides = array<i32>} : memref<16x1024xf32, #tpu.memory_space<vmem>>, vector<1x16xf32>,
      %parallel_loop3A_1113 = vector.shape_cast %parallel_loop3A_1112 : vector<1x16xf32> to vector<16xf32>
      %parallel_loop3A_1114 = arith.index_cast %parallel_loop3A_1104 : i32 to index
      %parallel_loop3A_1115 = arith.index_cast %parallel_loop3A_1109 : i32 to index
      %parallel_loop3A_1116 = tpu.vector_load %arg9[%parallel_loop3A_1114, %parallel_loop3A_1115] {strides = array<i32>} : memref<16x1024xf32, #tpu.memory_space<vmem>>, vector<1x16xf32>,
      %parallel_loop3A_1117 = vector.shape_cast %parallel_loop3A_1116 : vector<1x16xf32> to vector<16xf32>
      %parallel_loop3A_1118 = vector.shape_cast %parallel_loop3A_1113 : vector<16xf32> to vector<1x16xf32>
      tpu.vector_store %arg9[%parallel_loop3A_1114, %parallel_loop3A_1115], %parallel_loop3A_1118 {add = true, strides = array<i32>} : memref<16x1024xf32, #tpu.memory_space<vmem>>, vector<1x16xf32>,
    } {sc.loop_unroll_factor = 4 : i64, sc.parallel_access}
    %add3A_357 = arith.constant 12288 : i32
    %add3A_358 = arith.addi %add3A_357, %mul3A_2 : i32
    %add3A_359 = arith.constant 16 : i32
    %add3A_360 = arith.addi %add3A_358, %add3A_359 : i32
    %dma_start3A_361 = arith.constant 0 : i32
    %dma_start3A_362 = tpu.memref_slice %arg5[%add3A_360, %dma_start3A_361] : memref<16384x1024xf32, #tpu.memory_space<hbm>> -> memref<16x1024xf32, #tpu.memory_space<hbm>>
    %dma_start3A_363 = arith.constant 0 : i32
    %dma_start3A_364 = tpu.memref_slice %arg5[%add3A_360, %dma_start3A_363] : memref<16384x1024xf32, #tpu.memory_space<hbm>> -> memref<16x1024xf32, #tpu.memory_space<hbm>>
    tpu.enqueue_dma source(%arg9 : memref<16x1024xf32, #tpu.memory_space<vmem>>) target(%dma_start3A_364 : memref<16x1024xf32, #tpu.memory_space<hbm>>) target_semaphore(%arg15 : memref<!tpu.dma_semaphore, #tpu.memory_space<semaphore_mem>>)
    %dma_wait3A_365 = arith.constant 0 : i32
    %dma_wait3A_366 = tpu.memref_slice %arg5[%add3A_331, %dma_wait3A_365] : memref<16384x1024xf32, #tpu.memory_space<hbm>> -> memref<16x1024xf32, #tpu.memory_space<hbm>>
    %dma_wait3A_367 = arith.constant 0 : i32
    %dma_wait3A_368 = tpu.memref_slice %arg5[%add3A_331, %dma_wait3A_367] : memref<16384x1024xf32, #tpu.memory_space<hbm>> -> memref<16x1024xf32, #tpu.memory_space<hbm>>
    tpu.wait_dma2 semaphore(%arg15 : memref<!tpu.dma_semaphore, #tpu.memory_space<semaphore_mem>>) src(%arg8 : memref<16x1024xf32, #tpu.memory_space<vmem>>) dst(%dma_wait3A_368 : memref<16x1024xf32, #tpu.memory_space<hbm>>)
    %dma_start3A_369 = arith.constant 3 : i32
    %dma_start3A_370 = arith.constant 32 : i32
    %dma_start3A_371 = tpu.memref_slice %arg6[%dma_start3A_369, %dma_start3A_370] : memref<4x128xi32, #tpu.memory_space<vmem>> -> memref<1x16xi32, #tpu.memory_space<vmem>>
    %dma_start3A_372 = tpu.memref_squeeze %dma_start3A_371 : memref<1x16xi32, #tpu.memory_space<vmem>> -> memref<16xi32, #tpu.memory_space<vmem>>
    %dma_start3A_373 = arith.constant 0 : i32
    %dma_start3A_374 = arith.constant 0 : i32
    %dma_start3A_375 = tpu.memref_slice %arg3[%dma_start3A_373, %dma_start3A_374] : memref<100000x1024xf32, #tpu.memory_space<hbm>> -> memref<100000x1024xf32, #tpu.memory_space<hbm>>
    tpu.enqueue_indirect_dma source(%dma_start3A_375 : memref<100000x1024xf32, #tpu.memory_space<hbm>>) target(%arg8 : memref<16x1024xf32, #tpu.memory_space<vmem>>) offsets(%dma_start3A_372 : memref<16xi32, #tpu.memory_space<vmem>>) semaphore(%arg14 : memref<!tpu.dma_semaphore, #tpu.memory_space<semaphore_mem>>)
    %dma_wait3A_376 = arith.constant 0 : i32
    %dma_wait3A_377 = tpu.memref_slice %arg4[%add3A_277, %dma_wait3A_376] : memref<8192x1024xf32, #tpu.memory_space<hbm>> -> memref<16x1024xf32, #tpu.memory_space<hbm>>
    %dma_wait3A_378 = arith.constant 0 : i32
    %dma_wait3A_379 = tpu.memref_slice %arg4[%add3A_277, %dma_wait3A_378] : memref<8192x1024xf32, #tpu.memory_space<hbm>> -> memref<16x1024xf32, #tpu.memory_space<hbm>>
    tpu.wait_dma2 semaphore(%arg16 : memref<!tpu.dma_semaphore, #tpu.memory_space<semaphore_mem>>) src(%dma_wait3A_379 : memref<16x1024xf32, #tpu.memory_space<hbm>>) dst(%arg12 : memref<16x1024xf32, #tpu.memory_space<vmem>>)
    %dma_wait3A_380 = arith.constant 0 : i32
    %dma_wait3A_381 = arith.constant 32 : i32
    %dma_wait3A_382 = tpu.memref_slice %arg6[%dma_wait3A_380, %dma_wait3A_381] : memref<4x128xi32, #tpu.memory_space<vmem>> -> memref<1x16xi32, #tpu.memory_space<vmem>>
    %dma_wait3A_383 = tpu.memref_squeeze %dma_wait3A_382 : memref<1x16xi32, #tpu.memory_space<vmem>> -> memref<16xi32, #tpu.memory_space<vmem>>
    %dma_wait3A_384 = arith.constant 0 : i32
    %dma_wait3A_385 = arith.constant 0 : i32
    %dma_wait3A_386 = tpu.memref_slice %arg3[%dma_wait3A_384, %dma_wait3A_385] : memref<100000x1024xf32, #tpu.memory_space<hbm>> -> memref<100000x1024xf32, #tpu.memory_space<hbm>>
    tpu.wait_indirect_dma semaphore(%arg14 : memref<!tpu.dma_semaphore, #tpu.memory_space<semaphore_mem>>) src(%dma_wait3A_386 : memref<100000x1024xf32, #tpu.memory_space<hbm>>) dst(%arg10 : memref<16x1024xf32, #tpu.memory_space<vmem>>)
    %parallel_loop3A_387 = arith.constant 0 : i32
    %parallel_loop3A_388 = arith.constant 1024 : i32
    %parallel_loop3A_389 = arith.constant 1 : i32
    scf.for %parallel_loop3A_1102 = %parallel_loop3A_387 to %parallel_loop3A_388 step %parallel_loop3A_389  : i32 {
      %parallel_loop3A_1103 = arith.constant 6 : i32
      %parallel_loop3A_1104 = arith.shrsi %parallel_loop3A_1102, %parallel_loop3A_1103 : i32
      %parallel_loop3A_1105 = arith.constant 63 : i32
      %parallel_loop3A_1106 = arith.andi %parallel_loop3A_1102, %parallel_loop3A_1105 : i32
      %parallel_loop3A_1107 = arith.constant 4 : i32
      %parallel_loop3A_1108 = arith.shli %parallel_loop3A_1106, %parallel_loop3A_1107 : i32
      %parallel_loop3A_1109 = tpu.assume_multiple %parallel_loop3A_1108, 16 : i32
      %parallel_loop3A_1110 = arith.index_cast %parallel_loop3A_1104 : i32 to index
      %parallel_loop3A_1111 = arith.index_cast %parallel_loop3A_1109 : i32 to index
      %parallel_loop3A_1112 = tpu.vector_load %arg12[%parallel_loop3A_1110, %parallel_loop3A_1111] {strides = array<i32>} : memref<16x1024xf32, #tpu.memory_space<vmem>>, vector<1x16xf32>,
      %parallel_loop3A_1113 = vector.shape_cast %parallel_loop3A_1112 : vector<1x16xf32> to vector<16xf32>
      %parallel_loop3A_1114 = arith.index_cast %parallel_loop3A_1104 : i32 to index
      %parallel_loop3A_1115 = arith.index_cast %parallel_loop3A_1109 : i32 to index
      %parallel_loop3A_1116 = tpu.vector_load %arg10[%parallel_loop3A_1114, %parallel_loop3A_1115] {strides = array<i32>} : memref<16x1024xf32, #tpu.memory_space<vmem>>, vector<1x16xf32>,
      %parallel_loop3A_1117 = vector.shape_cast %parallel_loop3A_1116 : vector<1x16xf32> to vector<16xf32>
      %parallel_loop3A_1118 = vector.shape_cast %parallel_loop3A_1113 : vector<16xf32> to vector<1x16xf32>
      tpu.vector_store %arg10[%parallel_loop3A_1114, %parallel_loop3A_1115], %parallel_loop3A_1118 {add = true, strides = array<i32>} : memref<16x1024xf32, #tpu.memory_space<vmem>>, vector<1x16xf32>,
    } {sc.loop_unroll_factor = 4 : i64, sc.parallel_access}
    %add3A_390 = arith.constant 0 : i32
    %add3A_391 = arith.addi %add3A_390, %mul3A_2 : i32
    %add3A_392 = arith.constant 32 : i32
    %add3A_393 = arith.addi %add3A_391, %add3A_392 : i32
    %dma_start3A_394 = arith.constant 0 : i32
    %dma_start3A_395 = tpu.memref_slice %arg5[%add3A_393, %dma_start3A_394] : memref<16384x1024xf32, #tpu.memory_space<hbm>> -> memref<16x1024xf32, #tpu.memory_space<hbm>>
    %dma_start3A_396 = arith.constant 0 : i32
    %dma_start3A_397 = tpu.memref_slice %arg5[%add3A_393, %dma_start3A_396] : memref<16384x1024xf32, #tpu.memory_space<hbm>> -> memref<16x1024xf32, #tpu.memory_space<hbm>>
    tpu.enqueue_dma source(%arg10 : memref<16x1024xf32, #tpu.memory_space<vmem>>) target(%dma_start3A_397 : memref<16x1024xf32, #tpu.memory_space<hbm>>) target_semaphore(%arg15 : memref<!tpu.dma_semaphore, #tpu.memory_space<semaphore_mem>>)
    %dma_wait3A_398 = arith.constant 0 : i32
    %dma_wait3A_399 = tpu.memref_slice %arg5[%add3A_360, %dma_wait3A_398] : memref<16384x1024xf32, #tpu.memory_space<hbm>> -> memref<16x1024xf32, #tpu.memory_space<hbm>>
    %dma_wait3A_400 = arith.constant 0 : i32
    %dma_wait3A_401 = tpu.memref_slice %arg5[%add3A_360, %dma_wait3A_400] : memref<16384x1024xf32, #tpu.memory_space<hbm>> -> memref<16x1024xf32, #tpu.memory_space<hbm>>
    tpu.wait_dma2 semaphore(%arg15 : memref<!tpu.dma_semaphore, #tpu.memory_space<semaphore_mem>>) src(%arg9 : memref<16x1024xf32, #tpu.memory_space<vmem>>) dst(%dma_wait3A_401 : memref<16x1024xf32, #tpu.memory_space<hbm>>)
    %add3A_402 = arith.constant 48 : i32
    %add3A_403 = arith.addi %mul3A_2, %add3A_402 : i32
    %dma_start3A_404 = arith.constant 0 : i32
    %dma_start3A_405 = tpu.memref_slice %arg4[%add3A_403, %dma_start3A_404] : memref<8192x1024xf32, #tpu.memory_space<hbm>> -> memref<16x1024xf32, #tpu.memory_space<hbm>>
    %dma_start3A_406 = arith.constant 0 : i32
    %dma_start3A_407 = tpu.memref_slice %arg4[%add3A_403, %dma_start3A_406] : memref<8192x1024xf32, #tpu.memory_space<hbm>> -> memref<16x1024xf32, #tpu.memory_space<hbm>>
    tpu.enqueue_dma source(%dma_start3A_407 : memref<16x1024xf32, #tpu.memory_space<hbm>>) target(%arg13 : memref<16x1024xf32, #tpu.memory_space<vmem>>) target_semaphore(%arg16 : memref<!tpu.dma_semaphore, #tpu.memory_space<semaphore_mem>>)
    %dma_start3A_408 = arith.constant 0 : i32
    %dma_start3A_409 = arith.constant 48 : i32
    %dma_start3A_410 = tpu.memref_slice %arg6[%dma_start3A_408, %dma_start3A_409] : memref<4x128xi32, #tpu.memory_space<vmem>> -> memref<1x16xi32, #tpu.memory_space<vmem>>
    %dma_start3A_411 = tpu.memref_squeeze %dma_start3A_410 : memref<1x16xi32, #tpu.memory_space<vmem>> -> memref<16xi32, #tpu.memory_space<vmem>>
    %dma_start3A_412 = arith.constant 0 : i32
    %dma_start3A_413 = arith.constant 0 : i32
    %dma_start3A_414 = tpu.memref_slice %arg3[%dma_start3A_412, %dma_start3A_413] : memref<100000x1024xf32, #tpu.memory_space<hbm>> -> memref<100000x1024xf32, #tpu.memory_space<hbm>>
    tpu.enqueue_indirect_dma source(%dma_start3A_414 : memref<100000x1024xf32, #tpu.memory_space<hbm>>) target(%arg9 : memref<16x1024xf32, #tpu.memory_space<vmem>>) offsets(%dma_start3A_411 : memref<16xi32, #tpu.memory_space<vmem>>) semaphore(%arg14 : memref<!tpu.dma_semaphore, #tpu.memory_space<semaphore_mem>>)
    %dma_wait3A_415 = arith.constant 1 : i32
    %dma_wait3A_416 = arith.constant 32 : i32
    %dma_wait3A_417 = tpu.memref_slice %arg6[%dma_wait3A_415, %dma_wait3A_416] : memref<4x128xi32, #tpu.memory_space<vmem>> -> memref<1x16xi32, #tpu.memory_space<vmem>>
    %dma_wait3A_418 = tpu.memref_squeeze %dma_wait3A_417 : memref<1x16xi32, #tpu.memory_space<vmem>> -> memref<16xi32, #tpu.memory_space<vmem>>
    %dma_wait3A_419 = arith.constant 0 : i32
    %dma_wait3A_420 = arith.constant 0 : i32
    %dma_wait3A_421 = tpu.memref_slice %arg3[%dma_wait3A_419, %dma_wait3A_420] : memref<100000x1024xf32, #tpu.memory_space<hbm>> -> memref<100000x1024xf32, #tpu.memory_space<hbm>>
    tpu.wait_indirect_dma semaphore(%arg14 : memref<!tpu.dma_semaphore, #tpu.memory_space<semaphore_mem>>) src(%dma_wait3A_421 : memref<100000x1024xf32, #tpu.memory_space<hbm>>) dst(%arg11 : memref<16x1024xf32, #tpu.memory_space<vmem>>)
    %parallel_loop3A_422 = arith.constant 0 : i32
    %parallel_loop3A_423 = arith.constant 1024 : i32
    %parallel_loop3A_424 = arith.constant 1 : i32
    scf.for %parallel_loop3A_1102 = %parallel_loop3A_422 to %parallel_loop3A_423 step %parallel_loop3A_424  : i32 {
      %parallel_loop3A_1103 = arith.constant 6 : i32
      %parallel_loop3A_1104 = arith.shrsi %parallel_loop3A_1102, %parallel_loop3A_1103 : i32
      %parallel_loop3A_1105 = arith.constant 63 : i32
      %parallel_loop3A_1106 = arith.andi %parallel_loop3A_1102, %parallel_loop3A_1105 : i32
      %parallel_loop3A_1107 = arith.constant 4 : i32
      %parallel_loop3A_1108 = arith.shli %parallel_loop3A_1106, %parallel_loop3A_1107 : i32
      %parallel_loop3A_1109 = tpu.assume_multiple %parallel_loop3A_1108, 16 : i32
      %parallel_loop3A_1110 = arith.index_cast %parallel_loop3A_1104 : i32 to index
      %parallel_loop3A_1111 = arith.index_cast %parallel_loop3A_1109 : i32 to index
      %parallel_loop3A_1112 = tpu.vector_load %arg12[%parallel_loop3A_1110, %parallel_loop3A_1111] {strides = array<i32>} : memref<16x1024xf32, #tpu.memory_space<vmem>>, vector<1x16xf32>,
      %parallel_loop3A_1113 = vector.shape_cast %parallel_loop3A_1112 : vector<1x16xf32> to vector<16xf32>
      %parallel_loop3A_1114 = arith.index_cast %parallel_loop3A_1104 : i32 to index
      %parallel_loop3A_1115 = arith.index_cast %parallel_loop3A_1109 : i32 to index
      %parallel_loop3A_1116 = tpu.vector_load %arg11[%parallel_loop3A_1114, %parallel_loop3A_1115] {strides = array<i32>} : memref<16x1024xf32, #tpu.memory_space<vmem>>, vector<1x16xf32>,
      %parallel_loop3A_1117 = vector.shape_cast %parallel_loop3A_1116 : vector<1x16xf32> to vector<16xf32>
      %parallel_loop3A_1118 = vector.shape_cast %parallel_loop3A_1113 : vector<16xf32> to vector<1x16xf32>
      tpu.vector_store %arg11[%parallel_loop3A_1114, %parallel_loop3A_1115], %parallel_loop3A_1118 {add = true, strides = array<i32>} : memref<16x1024xf32, #tpu.memory_space<vmem>>, vector<1x16xf32>,
    } {sc.loop_unroll_factor = 4 : i64, sc.parallel_access}
    %add3A_425 = arith.constant 4096 : i32
    %add3A_426 = arith.addi %add3A_425, %mul3A_2 : i32
    %add3A_427 = arith.constant 32 : i32
    %add3A_428 = arith.addi %add3A_426, %add3A_427 : i32
    %dma_start3A_429 = arith.constant 0 : i32
    %dma_start3A_430 = tpu.memref_slice %arg5[%add3A_428, %dma_start3A_429] : memref<16384x1024xf32, #tpu.memory_space<hbm>> -> memref<16x1024xf32, #tpu.memory_space<hbm>>
    %dma_start3A_431 = arith.constant 0 : i32
    %dma_start3A_432 = tpu.memref_slice %arg5[%add3A_428, %dma_start3A_431] : memref<16384x1024xf32, #tpu.memory_space<hbm>> -> memref<16x1024xf32, #tpu.memory_space<hbm>>
    tpu.enqueue_dma source(%arg11 : memref<16x1024xf32, #tpu.memory_space<vmem>>) target(%dma_start3A_432 : memref<16x1024xf32, #tpu.memory_space<hbm>>) target_semaphore(%arg15 : memref<!tpu.dma_semaphore, #tpu.memory_space<semaphore_mem>>)
    %dma_wait3A_433 = arith.constant 0 : i32
    %dma_wait3A_434 = tpu.memref_slice %arg5[%add3A_393, %dma_wait3A_433] : memref<16384x1024xf32, #tpu.memory_space<hbm>> -> memref<16x1024xf32, #tpu.memory_space<hbm>>
    %dma_wait3A_435 = arith.constant 0 : i32
    %dma_wait3A_436 = tpu.memref_slice %arg5[%add3A_393, %dma_wait3A_435] : memref<16384x1024xf32, #tpu.memory_space<hbm>> -> memref<16x1024xf32, #tpu.memory_space<hbm>>
    tpu.wait_dma2 semaphore(%arg15 : memref<!tpu.dma_semaphore, #tpu.memory_space<semaphore_mem>>) src(%arg10 : memref<16x1024xf32, #tpu.memory_space<vmem>>) dst(%dma_wait3A_436 : memref<16x1024xf32, #tpu.memory_space<hbm>>)
    %dma_start3A_437 = arith.constant 1 : i32
    %dma_start3A_438 = arith.constant 48 : i32
    %dma_start3A_439 = tpu.memref_slice %arg6[%dma_start3A_437, %dma_start3A_438] : memref<4x128xi32, #tpu.memory_space<vmem>> -> memref<1x16xi32, #tpu.memory_space<vmem>>
    %dma_start3A_440 = tpu.memref_squeeze %dma_start3A_439 : memref<1x16xi32, #tpu.memory_space<vmem>> -> memref<16xi32, #tpu.memory_space<vmem>>
    %dma_start3A_441 = arith.constant 0 : i32
    %dma_start3A_442 = arith.constant 0 : i32
    %dma_start3A_443 = tpu.memref_slice %arg3[%dma_start3A_441, %dma_start3A_442] : memref<100000x1024xf32, #tpu.memory_space<hbm>> -> memref<100000x1024xf32, #tpu.memory_space<hbm>>
    tpu.enqueue_indirect_dma source(%dma_start3A_443 : memref<100000x1024xf32, #tpu.memory_space<hbm>>) target(%arg10 : memref<16x1024xf32, #tpu.memory_space<vmem>>) offsets(%dma_start3A_440 : memref<16xi32, #tpu.memory_space<vmem>>) semaphore(%arg14 : memref<!tpu.dma_semaphore, #tpu.memory_space<semaphore_mem>>)
    %dma_wait3A_444 = arith.constant 2 : i32
    %dma_wait3A_445 = arith.constant 32 : i32
    %dma_wait3A_446 = tpu.memref_slice %arg6[%dma_wait3A_444, %dma_wait3A_445] : memref<4x128xi32, #tpu.memory_space<vmem>> -> memref<1x16xi32, #tpu.memory_space<vmem>>
    %dma_wait3A_447 = tpu.memref_squeeze %dma_wait3A_446 : memref<1x16xi32, #tpu.memory_space<vmem>> -> memref<16xi32, #tpu.memory_space<vmem>>
    %dma_wait3A_448 = arith.constant 0 : i32
    %dma_wait3A_449 = arith.constant 0 : i32
    %dma_wait3A_450 = tpu.memref_slice %arg3[%dma_wait3A_448, %dma_wait3A_449] : memref<100000x1024xf32, #tpu.memory_space<hbm>> -> memref<100000x1024xf32, #tpu.memory_space<hbm>>
    tpu.wait_indirect_dma semaphore(%arg14 : memref<!tpu.dma_semaphore, #tpu.memory_space<semaphore_mem>>) src(%dma_wait3A_450 : memref<100000x1024xf32, #tpu.memory_space<hbm>>) dst(%arg7 : memref<16x1024xf32, #tpu.memory_space<vmem>>)
    %parallel_loop3A_451 = arith.constant 0 : i32
    %parallel_loop3A_452 = arith.constant 1024 : i32
    %parallel_loop3A_453 = arith.constant 1 : i32
    scf.for %parallel_loop3A_1102 = %parallel_loop3A_451 to %parallel_loop3A_452 step %parallel_loop3A_453  : i32 {
      %parallel_loop3A_1103 = arith.constant 6 : i32
      %parallel_loop3A_1104 = arith.shrsi %parallel_loop3A_1102, %parallel_loop3A_1103 : i32
      %parallel_loop3A_1105 = arith.constant 63 : i32
      %parallel_loop3A_1106 = arith.andi %parallel_loop3A_1102, %parallel_loop3A_1105 : i32
      %parallel_loop3A_1107 = arith.constant 4 : i32
      %parallel_loop3A_1108 = arith.shli %parallel_loop3A_1106, %parallel_loop3A_1107 : i32
      %parallel_loop3A_1109 = tpu.assume_multiple %parallel_loop3A_1108, 16 : i32
      %parallel_loop3A_1110 = arith.index_cast %parallel_loop3A_1104 : i32 to index
      %parallel_loop3A_1111 = arith.index_cast %parallel_loop3A_1109 : i32 to index
      %parallel_loop3A_1112 = tpu.vector_load %arg12[%parallel_loop3A_1110, %parallel_loop3A_1111] {strides = array<i32>} : memref<16x1024xf32, #tpu.memory_space<vmem>>, vector<1x16xf32>,
      %parallel_loop3A_1113 = vector.shape_cast %parallel_loop3A_1112 : vector<1x16xf32> to vector<16xf32>
      %parallel_loop3A_1114 = arith.index_cast %parallel_loop3A_1104 : i32 to index
      %parallel_loop3A_1115 = arith.index_cast %parallel_loop3A_1109 : i32 to index
      %parallel_loop3A_1116 = tpu.vector_load %arg7[%parallel_loop3A_1114, %parallel_loop3A_1115] {strides = array<i32>} : memref<16x1024xf32, #tpu.memory_space<vmem>>, vector<1x16xf32>,
      %parallel_loop3A_1117 = vector.shape_cast %parallel_loop3A_1116 : vector<1x16xf32> to vector<16xf32>
      %parallel_loop3A_1118 = vector.shape_cast %parallel_loop3A_1113 : vector<16xf32> to vector<1x16xf32>
      tpu.vector_store %arg7[%parallel_loop3A_1114, %parallel_loop3A_1115], %parallel_loop3A_1118 {add = true, strides = array<i32>} : memref<16x1024xf32, #tpu.memory_space<vmem>>, vector<1x16xf32>,
    } {sc.loop_unroll_factor = 4 : i64, sc.parallel_access}
    %add3A_454 = arith.constant 8192 : i32
    %add3A_455 = arith.addi %add3A_454, %mul3A_2 : i32
    %add3A_456 = arith.constant 32 : i32
    %add3A_457 = arith.addi %add3A_455, %add3A_456 : i32
    %dma_start3A_458 = arith.constant 0 : i32
    %dma_start3A_459 = tpu.memref_slice %arg5[%add3A_457, %dma_start3A_458] : memref<16384x1024xf32, #tpu.memory_space<hbm>> -> memref<16x1024xf32, #tpu.memory_space<hbm>>
    %dma_start3A_460 = arith.constant 0 : i32
    %dma_start3A_461 = tpu.memref_slice %arg5[%add3A_457, %dma_start3A_460] : memref<16384x1024xf32, #tpu.memory_space<hbm>> -> memref<16x1024xf32, #tpu.memory_space<hbm>>
    tpu.enqueue_dma source(%arg7 : memref<16x1024xf32, #tpu.memory_space<vmem>>) target(%dma_start3A_461 : memref<16x1024xf32, #tpu.memory_space<hbm>>) target_semaphore(%arg15 : memref<!tpu.dma_semaphore, #tpu.memory_space<semaphore_mem>>)
    %dma_wait3A_462 = arith.constant 0 : i32
    %dma_wait3A_463 = tpu.memref_slice %arg5[%add3A_428, %dma_wait3A_462] : memref<16384x1024xf32, #tpu.memory_space<hbm>> -> memref<16x1024xf32, #tpu.memory_space<hbm>>
    %dma_wait3A_464 = arith.constant 0 : i32
    %dma_wait3A_465 = tpu.memref_slice %arg5[%add3A_428, %dma_wait3A_464] : memref<16384x1024xf32, #tpu.memory_space<hbm>> -> memref<16x1024xf32, #tpu.memory_space<hbm>>
    tpu.wait_dma2 semaphore(%arg15 : memref<!tpu.dma_semaphore, #tpu.memory_space<semaphore_mem>>) src(%arg11 : memref<16x1024xf32, #tpu.memory_space<vmem>>) dst(%dma_wait3A_465 : memref<16x1024xf32, #tpu.memory_space<hbm>>)
    %dma_start3A_466 = arith.constant 2 : i32
    %dma_start3A_467 = arith.constant 48 : i32
    %dma_start3A_468 = tpu.memref_slice %arg6[%dma_start3A_466, %dma_start3A_467] : memref<4x128xi32, #tpu.memory_space<vmem>> -> memref<1x16xi32, #tpu.memory_space<vmem>>
    %dma_start3A_469 = tpu.memref_squeeze %dma_start3A_468 : memref<1x16xi32, #tpu.memory_space<vmem>> -> memref<16xi32, #tpu.memory_space<vmem>>
    %dma_start3A_470 = arith.constant 0 : i32
    %dma_start3A_471 = arith.constant 0 : i32
    %dma_start3A_472 = tpu.memref_slice %arg3[%dma_start3A_470, %dma_start3A_471] : memref<100000x1024xf32, #tpu.memory_space<hbm>> -> memref<100000x1024xf32, #tpu.memory_space<hbm>>
    tpu.enqueue_indirect_dma source(%dma_start3A_472 : memref<100000x1024xf32, #tpu.memory_space<hbm>>) target(%arg11 : memref<16x1024xf32, #tpu.memory_space<vmem>>) offsets(%dma_start3A_469 : memref<16xi32, #tpu.memory_space<vmem>>) semaphore(%arg14 : memref<!tpu.dma_semaphore, #tpu.memory_space<semaphore_mem>>)
    %dma_wait3A_473 = arith.constant 3 : i32
    %dma_wait3A_474 = arith.constant 32 : i32
    %dma_wait3A_475 = tpu.memref_slice %arg6[%dma_wait3A_473, %dma_wait3A_474] : memref<4x128xi32, #tpu.memory_space<vmem>> -> memref<1x16xi32, #tpu.memory_space<vmem>>
    %dma_wait3A_476 = tpu.memref_squeeze %dma_wait3A_475 : memref<1x16xi32, #tpu.memory_space<vmem>> -> memref<16xi32, #tpu.memory_space<vmem>>
    %dma_wait3A_477 = arith.constant 0 : i32
    %dma_wait3A_478 = arith.constant 0 : i32
    %dma_wait3A_479 = tpu.memref_slice %arg3[%dma_wait3A_477, %dma_wait3A_478] : memref<100000x1024xf32, #tpu.memory_space<hbm>> -> memref<100000x1024xf32, #tpu.memory_space<hbm>>
    tpu.wait_indirect_dma semaphore(%arg14 : memref<!tpu.dma_semaphore, #tpu.memory_space<semaphore_mem>>) src(%dma_wait3A_479 : memref<100000x1024xf32, #tpu.memory_space<hbm>>) dst(%arg8 : memref<16x1024xf32, #tpu.memory_space<vmem>>)
    %parallel_loop3A_480 = arith.constant 0 : i32
    %parallel_loop3A_481 = arith.constant 1024 : i32
    %parallel_loop3A_482 = arith.constant 1 : i32
    scf.for %parallel_loop3A_1102 = %parallel_loop3A_480 to %parallel_loop3A_481 step %parallel_loop3A_482  : i32 {
      %parallel_loop3A_1103 = arith.constant 6 : i32
      %parallel_loop3A_1104 = arith.shrsi %parallel_loop3A_1102, %parallel_loop3A_1103 : i32
      %parallel_loop3A_1105 = arith.constant 63 : i32
      %parallel_loop3A_1106 = arith.andi %parallel_loop3A_1102, %parallel_loop3A_1105 : i32
      %parallel_loop3A_1107 = arith.constant 4 : i32
      %parallel_loop3A_1108 = arith.shli %parallel_loop3A_1106, %parallel_loop3A_1107 : i32
      %parallel_loop3A_1109 = tpu.assume_multiple %parallel_loop3A_1108, 16 : i32
      %parallel_loop3A_1110 = arith.index_cast %parallel_loop3A_1104 : i32 to index
      %parallel_loop3A_1111 = arith.index_cast %parallel_loop3A_1109 : i32 to index
      %parallel_loop3A_1112 = tpu.vector_load %arg12[%parallel_loop3A_1110, %parallel_loop3A_1111] {strides = array<i32>} : memref<16x1024xf32, #tpu.memory_space<vmem>>, vector<1x16xf32>,
      %parallel_loop3A_1113 = vector.shape_cast %parallel_loop3A_1112 : vector<1x16xf32> to vector<16xf32>
      %parallel_loop3A_1114 = arith.index_cast %parallel_loop3A_1104 : i32 to index
      %parallel_loop3A_1115 = arith.index_cast %parallel_loop3A_1109 : i32 to index
      %parallel_loop3A_1116 = tpu.vector_load %arg8[%parallel_loop3A_1114, %parallel_loop3A_1115] {strides = array<i32>} : memref<16x1024xf32, #tpu.memory_space<vmem>>, vector<1x16xf32>,
      %parallel_loop3A_1117 = vector.shape_cast %parallel_loop3A_1116 : vector<1x16xf32> to vector<16xf32>
      %parallel_loop3A_1118 = vector.shape_cast %parallel_loop3A_1113 : vector<16xf32> to vector<1x16xf32>
      tpu.vector_store %arg8[%parallel_loop3A_1114, %parallel_loop3A_1115], %parallel_loop3A_1118 {add = true, strides = array<i32>} : memref<16x1024xf32, #tpu.memory_space<vmem>>, vector<1x16xf32>,
    } {sc.loop_unroll_factor = 4 : i64, sc.parallel_access}
    %add3A_483 = arith.constant 12288 : i32
    %add3A_484 = arith.addi %add3A_483, %mul3A_2 : i32
    %add3A_485 = arith.constant 32 : i32
    %add3A_486 = arith.addi %add3A_484, %add3A_485 : i32
    %dma_start3A_487 = arith.constant 0 : i32
    %dma_start3A_488 = tpu.memref_slice %arg5[%add3A_486, %dma_start3A_487] : memref<16384x1024xf32, #tpu.memory_space<hbm>> -> memref<16x1024xf32, #tpu.memory_space<hbm>>
    %dma_start3A_489 = arith.constant 0 : i32
    %dma_start3A_490 = tpu.memref_slice %arg5[%add3A_486, %dma_start3A_489] : memref<16384x1024xf32, #tpu.memory_space<hbm>> -> memref<16x1024xf32, #tpu.memory_space<hbm>>
    tpu.enqueue_dma source(%arg8 : memref<16x1024xf32, #tpu.memory_space<vmem>>) target(%dma_start3A_490 : memref<16x1024xf32, #tpu.memory_space<hbm>>) target_semaphore(%arg15 : memref<!tpu.dma_semaphore, #tpu.memory_space<semaphore_mem>>)
    %dma_wait3A_491 = arith.constant 0 : i32
    %dma_wait3A_492 = tpu.memref_slice %arg5[%add3A_457, %dma_wait3A_491] : memref<16384x1024xf32, #tpu.memory_space<hbm>> -> memref<16x1024xf32, #tpu.memory_space<hbm>>
    %dma_wait3A_493 = arith.constant 0 : i32
    %dma_wait3A_494 = tpu.memref_slice %arg5[%add3A_457, %dma_wait3A_493] : memref<16384x1024xf32, #tpu.memory_space<hbm>> -> memref<16x1024xf32, #tpu.memory_space<hbm>>
    tpu.wait_dma2 semaphore(%arg15 : memref<!tpu.dma_semaphore, #tpu.memory_space<semaphore_mem>>) src(%arg7 : memref<16x1024xf32, #tpu.memory_space<vmem>>) dst(%dma_wait3A_494 : memref<16x1024xf32, #tpu.memory_space<hbm>>)
    %dma_start3A_495 = arith.constant 3 : i32
    %dma_start3A_496 = arith.constant 48 : i32
    %dma_start3A_497 = tpu.memref_slice %arg6[%dma_start3A_495, %dma_start3A_496] : memref<4x128xi32, #tpu.memory_space<vmem>> -> memref<1x16xi32, #tpu.memory_space<vmem>>
    %dma_start3A_498 = tpu.memref_squeeze %dma_start3A_497 : memref<1x16xi32, #tpu.memory_space<vmem>> -> memref<16xi32, #tpu.memory_space<vmem>>
    %dma_start3A_499 = arith.constant 0 : i32
    %dma_start3A_500 = arith.constant 0 : i32
    %dma_start3A_501 = tpu.memref_slice %arg3[%dma_start3A_499, %dma_start3A_500] : memref<100000x1024xf32, #tpu.memory_space<hbm>> -> memref<100000x1024xf32, #tpu.memory_space<hbm>>
    tpu.enqueue_indirect_dma source(%dma_start3A_501 : memref<100000x1024xf32, #tpu.memory_space<hbm>>) target(%arg7 : memref<16x1024xf32, #tpu.memory_space<vmem>>) offsets(%dma_start3A_498 : memref<16xi32, #tpu.memory_space<vmem>>) semaphore(%arg14 : memref<!tpu.dma_semaphore, #tpu.memory_space<semaphore_mem>>)
    %dma_wait3A_502 = arith.constant 0 : i32
    %dma_wait3A_503 = tpu.memref_slice %arg4[%add3A_403, %dma_wait3A_502] : memref<8192x1024xf32, #tpu.memory_space<hbm>> -> memref<16x1024xf32, #tpu.memory_space<hbm>>
    %dma_wait3A_504 = arith.constant 0 : i32
    %dma_wait3A_505 = tpu.memref_slice %arg4[%add3A_403, %dma_wait3A_504] : memref<8192x1024xf32, #tpu.memory_space<hbm>> -> memref<16x1024xf32, #tpu.memory_space<hbm>>
    tpu.wait_dma2 semaphore(%arg16 : memref<!tpu.dma_semaphore, #tpu.memory_space<semaphore_mem>>) src(%dma_wait3A_505 : memref<16x1024xf32, #tpu.memory_space<hbm>>) dst(%arg13 : memref<16x1024xf32, #tpu.memory_space<vmem>>)
    %dma_wait3A_506 = arith.constant 0 : i32
    %dma_wait3A_507 = arith.constant 48 : i32
    %dma_wait3A_508 = tpu.memref_slice %arg6[%dma_wait3A_506, %dma_wait3A_507] : memref<4x128xi32, #tpu.memory_space<vmem>> -> memref<1x16xi32, #tpu.memory_space<vmem>>
    %dma_wait3A_509 = tpu.memref_squeeze %dma_wait3A_508 : memref<1x16xi32, #tpu.memory_space<vmem>> -> memref<16xi32, #tpu.memory_space<vmem>>
    %dma_wait3A_510 = arith.constant 0 : i32
    %dma_wait3A_511 = arith.constant 0 : i32
    %dma_wait3A_512 = tpu.memref_slice %arg3[%dma_wait3A_510, %dma_wait3A_511] : memref<100000x1024xf32, #tpu.memory_space<hbm>> -> memref<100000x1024xf32, #tpu.memory_space<hbm>>
    tpu.wait_indirect_dma semaphore(%arg14 : memref<!tpu.dma_semaphore, #tpu.memory_space<semaphore_mem>>) src(%dma_wait3A_512 : memref<100000x1024xf32, #tpu.memory_space<hbm>>) dst(%arg9 : memref<16x1024xf32, #tpu.memory_space<vmem>>)
    %parallel_loop3A_513 = arith.constant 0 : i32
    %parallel_loop3A_514 = arith.constant 1024 : i32
    %parallel_loop3A_515 = arith.constant 1 : i32
    scf.for %parallel_loop3A_1102 = %parallel_loop3A_513 to %parallel_loop3A_514 step %parallel_loop3A_515  : i32 {
      %parallel_loop3A_1103 = arith.constant 6 : i32
      %parallel_loop3A_1104 = arith.shrsi %parallel_loop3A_1102, %parallel_loop3A_1103 : i32
      %parallel_loop3A_1105 = arith.constant 63 : i32
      %parallel_loop3A_1106 = arith.andi %parallel_loop3A_1102, %parallel_loop3A_1105 : i32
      %parallel_loop3A_1107 = arith.constant 4 : i32
      %parallel_loop3A_1108 = arith.shli %parallel_loop3A_1106, %parallel_loop3A_1107 : i32
      %parallel_loop3A_1109 = tpu.assume_multiple %parallel_loop3A_1108, 16 : i32
      %parallel_loop3A_1110 = arith.index_cast %parallel_loop3A_1104 : i32 to index
      %parallel_loop3A_1111 = arith.index_cast %parallel_loop3A_1109 : i32 to index
      %parallel_loop3A_1112 = tpu.vector_load %arg13[%parallel_loop3A_1110, %parallel_loop3A_1111] {strides = array<i32>} : memref<16x1024xf32, #tpu.memory_space<vmem>>, vector<1x16xf32>,
      %parallel_loop3A_1113 = vector.shape_cast %parallel_loop3A_1112 : vector<1x16xf32> to vector<16xf32>
      %parallel_loop3A_1114 = arith.index_cast %parallel_loop3A_1104 : i32 to index
      %parallel_loop3A_1115 = arith.index_cast %parallel_loop3A_1109 : i32 to index
      %parallel_loop3A_1116 = tpu.vector_load %arg9[%parallel_loop3A_1114, %parallel_loop3A_1115] {strides = array<i32>} : memref<16x1024xf32, #tpu.memory_space<vmem>>, vector<1x16xf32>,
      %parallel_loop3A_1117 = vector.shape_cast %parallel_loop3A_1116 : vector<1x16xf32> to vector<16xf32>
      %parallel_loop3A_1118 = vector.shape_cast %parallel_loop3A_1113 : vector<16xf32> to vector<1x16xf32>
      tpu.vector_store %arg9[%parallel_loop3A_1114, %parallel_loop3A_1115], %parallel_loop3A_1118 {add = true, strides = array<i32>} : memref<16x1024xf32, #tpu.memory_space<vmem>>, vector<1x16xf32>,
    } {sc.loop_unroll_factor = 4 : i64, sc.parallel_access}
    %add3A_516 = arith.constant 0 : i32
    %add3A_517 = arith.addi %add3A_516, %mul3A_2 : i32
    %add3A_518 = arith.constant 48 : i32
    %add3A_519 = arith.addi %add3A_517, %add3A_518 : i32
    %dma_start3A_520 = arith.constant 0 : i32
    %dma_start3A_521 = tpu.memref_slice %arg5[%add3A_519, %dma_start3A_520] : memref<16384x1024xf32, #tpu.memory_space<hbm>> -> memref<16x1024xf32, #tpu.memory_space<hbm>>
    %dma_start3A_522 = arith.constant 0 : i32
    %dma_start3A_523 = tpu.memref_slice %arg5[%add3A_519, %dma_start3A_522] : memref<16384x1024xf32, #tpu.memory_space<hbm>> -> memref<16x1024xf32, #tpu.memory_space<hbm>>
    tpu.enqueue_dma source(%arg9 : memref<16x1024xf32, #tpu.memory_space<vmem>>) target(%dma_start3A_523 : memref<16x1024xf32, #tpu.memory_space<hbm>>) target_semaphore(%arg15 : memref<!tpu.dma_semaphore, #tpu.memory_space<semaphore_mem>>)
    %dma_wait3A_524 = arith.constant 0 : i32
    %dma_wait3A_525 = tpu.memref_slice %arg5[%add3A_486, %dma_wait3A_524] : memref<16384x1024xf32, #tpu.memory_space<hbm>> -> memref<16x1024xf32, #tpu.memory_space<hbm>>
    %dma_wait3A_526 = arith.constant 0 : i32
    %dma_wait3A_527 = tpu.memref_slice %arg5[%add3A_486, %dma_wait3A_526] : memref<16384x1024xf32, #tpu.memory_space<hbm>> -> memref<16x1024xf32, #tpu.memory_space<hbm>>
    tpu.wait_dma2 semaphore(%arg15 : memref<!tpu.dma_semaphore, #tpu.memory_space<semaphore_mem>>) src(%arg8 : memref<16x1024xf32, #tpu.memory_space<vmem>>) dst(%dma_wait3A_527 : memref<16x1024xf32, #tpu.memory_space<hbm>>)
    %add3A_528 = arith.constant 64 : i32
    %add3A_529 = arith.addi %mul3A_2, %add3A_528 : i32
    %dma_start3A_530 = arith.constant 0 : i32
    %dma_start3A_531 = tpu.memref_slice %arg4[%add3A_529, %dma_start3A_530] : memref<8192x1024xf32, #tpu.memory_space<hbm>> -> memref<16x1024xf32, #tpu.memory_space<hbm>>
    %dma_start3A_532 = arith.constant 0 : i32
    %dma_start3A_533 = tpu.memref_slice %arg4[%add3A_529, %dma_start3A_532] : memref<8192x1024xf32, #tpu.memory_space<hbm>> -> memref<16x1024xf32, #tpu.memory_space<hbm>>
    tpu.enqueue_dma source(%dma_start3A_533 : memref<16x1024xf32, #tpu.memory_space<hbm>>) target(%arg12 : memref<16x1024xf32, #tpu.memory_space<vmem>>) target_semaphore(%arg16 : memref<!tpu.dma_semaphore, #tpu.memory_space<semaphore_mem>>)
    %dma_start3A_534 = arith.constant 0 : i32
    %dma_start3A_535 = arith.constant 64 : i32
    %dma_start3A_536 = tpu.memref_slice %arg6[%dma_start3A_534, %dma_start3A_535] : memref<4x128xi32, #tpu.memory_space<vmem>> -> memref<1x16xi32, #tpu.memory_space<vmem>>
    %dma_start3A_537 = tpu.memref_squeeze %dma_start3A_536 : memref<1x16xi32, #tpu.memory_space<vmem>> -> memref<16xi32, #tpu.memory_space<vmem>>
    %dma_start3A_538 = arith.constant 0 : i32
    %dma_start3A_539 = arith.constant 0 : i32
    %dma_start3A_540 = tpu.memref_slice %arg3[%dma_start3A_538, %dma_start3A_539] : memref<100000x1024xf32, #tpu.memory_space<hbm>> -> memref<100000x1024xf32, #tpu.memory_space<hbm>>
    tpu.enqueue_indirect_dma source(%dma_start3A_540 : memref<100000x1024xf32, #tpu.memory_space<hbm>>) target(%arg8 : memref<16x1024xf32, #tpu.memory_space<vmem>>) offsets(%dma_start3A_537 : memref<16xi32, #tpu.memory_space<vmem>>) semaphore(%arg14 : memref<!tpu.dma_semaphore, #tpu.memory_space<semaphore_mem>>)
    %dma_wait3A_541 = arith.constant 1 : i32
    %dma_wait3A_542 = arith.constant 48 : i32
    %dma_wait3A_543 = tpu.memref_slice %arg6[%dma_wait3A_541, %dma_wait3A_542] : memref<4x128xi32, #tpu.memory_space<vmem>> -> memref<1x16xi32, #tpu.memory_space<vmem>>
    %dma_wait3A_544 = tpu.memref_squeeze %dma_wait3A_543 : memref<1x16xi32, #tpu.memory_space<vmem>> -> memref<16xi32, #tpu.memory_space<vmem>>
    %dma_wait3A_545 = arith.constant 0 : i32
    %dma_wait3A_546 = arith.constant 0 : i32
    %dma_wait3A_547 = tpu.memref_slice %arg3[%dma_wait3A_545, %dma_wait3A_546] : memref<100000x1024xf32, #tpu.memory_space<hbm>> -> memref<100000x1024xf32, #tpu.memory_space<hbm>>
    tpu.wait_indirect_dma semaphore(%arg14 : memref<!tpu.dma_semaphore, #tpu.memory_space<semaphore_mem>>) src(%dma_wait3A_547 : memref<100000x1024xf32, #tpu.memory_space<hbm>>) dst(%arg10 : memref<16x1024xf32, #tpu.memory_space<vmem>>)
    %parallel_loop3A_548 = arith.constant 0 : i32
    %parallel_loop3A_549 = arith.constant 1024 : i32
    %parallel_loop3A_550 = arith.constant 1 : i32
    scf.for %parallel_loop3A_1102 = %parallel_loop3A_548 to %parallel_loop3A_549 step %parallel_loop3A_550  : i32 {
      %parallel_loop3A_1103 = arith.constant 6 : i32
      %parallel_loop3A_1104 = arith.shrsi %parallel_loop3A_1102, %parallel_loop3A_1103 : i32
      %parallel_loop3A_1105 = arith.constant 63 : i32
      %parallel_loop3A_1106 = arith.andi %parallel_loop3A_1102, %parallel_loop3A_1105 : i32
      %parallel_loop3A_1107 = arith.constant 4 : i32
      %parallel_loop3A_1108 = arith.shli %parallel_loop3A_1106, %parallel_loop3A_1107 : i32
      %parallel_loop3A_1109 = tpu.assume_multiple %parallel_loop3A_1108, 16 : i32
      %parallel_loop3A_1110 = arith.index_cast %parallel_loop3A_1104 : i32 to index
      %parallel_loop3A_1111 = arith.index_cast %parallel_loop3A_1109 : i32 to index
      %parallel_loop3A_1112 = tpu.vector_load %arg13[%parallel_loop3A_1110, %parallel_loop3A_1111] {strides = array<i32>} : memref<16x1024xf32, #tpu.memory_space<vmem>>, vector<1x16xf32>,
      %parallel_loop3A_1113 = vector.shape_cast %parallel_loop3A_1112 : vector<1x16xf32> to vector<16xf32>
      %parallel_loop3A_1114 = arith.index_cast %parallel_loop3A_1104 : i32 to index
      %parallel_loop3A_1115 = arith.index_cast %parallel_loop3A_1109 : i32 to index
      %parallel_loop3A_1116 = tpu.vector_load %arg10[%parallel_loop3A_1114, %parallel_loop3A_1115] {strides = array<i32>} : memref<16x1024xf32, #tpu.memory_space<vmem>>, vector<1x16xf32>,
      %parallel_loop3A_1117 = vector.shape_cast %parallel_loop3A_1116 : vector<1x16xf32> to vector<16xf32>
      %parallel_loop3A_1118 = vector.shape_cast %parallel_loop3A_1113 : vector<16xf32> to vector<1x16xf32>
      tpu.vector_store %arg10[%parallel_loop3A_1114, %parallel_loop3A_1115], %parallel_loop3A_1118 {add = true, strides = array<i32>} : memref<16x1024xf32, #tpu.memory_space<vmem>>, vector<1x16xf32>,
    } {sc.loop_unroll_factor = 4 : i64, sc.parallel_access}
    %add3A_551 = arith.constant 4096 : i32
    %add3A_552 = arith.addi %add3A_551, %mul3A_2 : i32
    %add3A_553 = arith.constant 48 : i32
    %add3A_554 = arith.addi %add3A_552, %add3A_553 : i32
    %dma_start3A_555 = arith.constant 0 : i32
    %dma_start3A_556 = tpu.memref_slice %arg5[%add3A_554, %dma_start3A_555] : memref<16384x1024xf32, #tpu.memory_space<hbm>> -> memref<16x1024xf32, #tpu.memory_space<hbm>>
    %dma_start3A_557 = arith.constant 0 : i32
    %dma_start3A_558 = tpu.memref_slice %arg5[%add3A_554, %dma_start3A_557] : memref<16384x1024xf32, #tpu.memory_space<hbm>> -> memref<16x1024xf32, #tpu.memory_space<hbm>>
    tpu.enqueue_dma source(%arg10 : memref<16x1024xf32, #tpu.memory_space<vmem>>) target(%dma_start3A_558 : memref<16x1024xf32, #tpu.memory_space<hbm>>) target_semaphore(%arg15 : memref<!tpu.dma_semaphore, #tpu.memory_space<semaphore_mem>>)
    %dma_wait3A_559 = arith.constant 0 : i32
    %dma_wait3A_560 = tpu.memref_slice %arg5[%add3A_519, %dma_wait3A_559] : memref<16384x1024xf32, #tpu.memory_space<hbm>> -> memref<16x1024xf32, #tpu.memory_space<hbm>>
    %dma_wait3A_561 = arith.constant 0 : i32
    %dma_wait3A_562 = tpu.memref_slice %arg5[%add3A_519, %dma_wait3A_561] : memref<16384x1024xf32, #tpu.memory_space<hbm>> -> memref<16x1024xf32, #tpu.memory_space<hbm>>
    tpu.wait_dma2 semaphore(%arg15 : memref<!tpu.dma_semaphore, #tpu.memory_space<semaphore_mem>>) src(%arg9 : memref<16x1024xf32, #tpu.memory_space<vmem>>) dst(%dma_wait3A_562 : memref<16x1024xf32, #tpu.memory_space<hbm>>)
    %dma_start3A_563 = arith.constant 1 : i32
    %dma_start3A_564 = arith.constant 64 : i32
    %dma_start3A_565 = tpu.memref_slice %arg6[%dma_start3A_563, %dma_start3A_564] : memref<4x128xi32, #tpu.memory_space<vmem>> -> memref<1x16xi32, #tpu.memory_space<vmem>>
    %dma_start3A_566 = tpu.memref_squeeze %dma_start3A_565 : memref<1x16xi32, #tpu.memory_space<vmem>> -> memref<16xi32, #tpu.memory_space<vmem>>
    %dma_start3A_567 = arith.constant 0 : i32
    %dma_start3A_568 = arith.constant 0 : i32
    %dma_start3A_569 = tpu.memref_slice %arg3[%dma_start3A_567, %dma_start3A_568] : memref<100000x1024xf32, #tpu.memory_space<hbm>> -> memref<100000x1024xf32, #tpu.memory_space<hbm>>
    tpu.enqueue_indirect_dma source(%dma_start3A_569 : memref<100000x1024xf32, #tpu.memory_space<hbm>>) target(%arg9 : memref<16x1024xf32, #tpu.memory_space<vmem>>) offsets(%dma_start3A_566 : memref<16xi32, #tpu.memory_space<vmem>>) semaphore(%arg14 : memref<!tpu.dma_semaphore, #tpu.memory_space<semaphore_mem>>)
    %dma_wait3A_570 = arith.constant 2 : i32
    %dma_wait3A_571 = arith.constant 48 : i32
    %dma_wait3A_572 = tpu.memref_slice %arg6[%dma_wait3A_570, %dma_wait3A_571] : memref<4x128xi32, #tpu.memory_space<vmem>> -> memref<1x16xi32, #tpu.memory_space<vmem>>
    %dma_wait3A_573 = tpu.memref_squeeze %dma_wait3A_572 : memref<1x16xi32, #tpu.memory_space<vmem>> -> memref<16xi32, #tpu.memory_space<vmem>>
    %dma_wait3A_574 = arith.constant 0 : i32
    %dma_wait3A_575 = arith.constant 0 : i32
    %dma_wait3A_576 = tpu.memref_slice %arg3[%dma_wait3A_574, %dma_wait3A_575] : memref<100000x1024xf32, #tpu.memory_space<hbm>> -> memref<100000x1024xf32, #tpu.memory_space<hbm>>
    tpu.wait_indirect_dma semaphore(%arg14 : memref<!tpu.dma_semaphore, #tpu.memory_space<semaphore_mem>>) src(%dma_wait3A_576 : memref<100000x1024xf32, #tpu.memory_space<hbm>>) dst(%arg11 : memref<16x1024xf32, #tpu.memory_space<vmem>>)
    %parallel_loop3A_577 = arith.constant 0 : i32
    %parallel_loop3A_578 = arith.constant 1024 : i32
    %parallel_loop3A_579 = arith.constant 1 : i32
    scf.for %parallel_loop3A_1102 = %parallel_loop3A_577 to %parallel_loop3A_578 step %parallel_loop3A_579  : i32 {
      %parallel_loop3A_1103 = arith.constant 6 : i32
      %parallel_loop3A_1104 = arith.shrsi %parallel_loop3A_1102, %parallel_loop3A_1103 : i32
      %parallel_loop3A_1105 = arith.constant 63 : i32
      %parallel_loop3A_1106 = arith.andi %parallel_loop3A_1102, %parallel_loop3A_1105 : i32
      %parallel_loop3A_1107 = arith.constant 4 : i32
      %parallel_loop3A_1108 = arith.shli %parallel_loop3A_1106, %parallel_loop3A_1107 : i32
      %parallel_loop3A_1109 = tpu.assume_multiple %parallel_loop3A_1108, 16 : i32
      %parallel_loop3A_1110 = arith.index_cast %parallel_loop3A_1104 : i32 to index
      %parallel_loop3A_1111 = arith.index_cast %parallel_loop3A_1109 : i32 to index
      %parallel_loop3A_1112 = tpu.vector_load %arg13[%parallel_loop3A_1110, %parallel_loop3A_1111] {strides = array<i32>} : memref<16x1024xf32, #tpu.memory_space<vmem>>, vector<1x16xf32>,
      %parallel_loop3A_1113 = vector.shape_cast %parallel_loop3A_1112 : vector<1x16xf32> to vector<16xf32>
      %parallel_loop3A_1114 = arith.index_cast %parallel_loop3A_1104 : i32 to index
      %parallel_loop3A_1115 = arith.index_cast %parallel_loop3A_1109 : i32 to index
      %parallel_loop3A_1116 = tpu.vector_load %arg11[%parallel_loop3A_1114, %parallel_loop3A_1115] {strides = array<i32>} : memref<16x1024xf32, #tpu.memory_space<vmem>>, vector<1x16xf32>,
      %parallel_loop3A_1117 = vector.shape_cast %parallel_loop3A_1116 : vector<1x16xf32> to vector<16xf32>
      %parallel_loop3A_1118 = vector.shape_cast %parallel_loop3A_1113 : vector<16xf32> to vector<1x16xf32>
      tpu.vector_store %arg11[%parallel_loop3A_1114, %parallel_loop3A_1115], %parallel_loop3A_1118 {add = true, strides = array<i32>} : memref<16x1024xf32, #tpu.memory_space<vmem>>, vector<1x16xf32>,
    } {sc.loop_unroll_factor = 4 : i64, sc.parallel_access}
    %add3A_580 = arith.constant 8192 : i32
    %add3A_581 = arith.addi %add3A_580, %mul3A_2 : i32
    %add3A_582 = arith.constant 48 : i32
    %add3A_583 = arith.addi %add3A_581, %add3A_582 : i32
    %dma_start3A_584 = arith.constant 0 : i32
    %dma_start3A_585 = tpu.memref_slice %arg5[%add3A_583, %dma_start3A_584] : memref<16384x1024xf32, #tpu.memory_space<hbm>> -> memref<16x1024xf32, #tpu.memory_space<hbm>>
    %dma_start3A_586 = arith.constant 0 : i32
    %dma_start3A_587 = tpu.memref_slice %arg5[%add3A_583, %dma_start3A_586] : memref<16384x1024xf32, #tpu.memory_space<hbm>> -> memref<16x1024xf32, #tpu.memory_space<hbm>>
    tpu.enqueue_dma source(%arg11 : memref<16x1024xf32, #tpu.memory_space<vmem>>) target(%dma_start3A_587 : memref<16x1024xf32, #tpu.memory_space<hbm>>) target_semaphore(%arg15 : memref<!tpu.dma_semaphore, #tpu.memory_space<semaphore_mem>>)
    %dma_wait3A_588 = arith.constant 0 : i32
    %dma_wait3A_589 = tpu.memref_slice %arg5[%add3A_554, %dma_wait3A_588] : memref<16384x1024xf32, #tpu.memory_space<hbm>> -> memref<16x1024xf32, #tpu.memory_space<hbm>>
    %dma_wait3A_590 = arith.constant 0 : i32
    %dma_wait3A_591 = tpu.memref_slice %arg5[%add3A_554, %dma_wait3A_590] : memref<16384x1024xf32, #tpu.memory_space<hbm>> -> memref<16x1024xf32, #tpu.memory_space<hbm>>
    tpu.wait_dma2 semaphore(%arg15 : memref<!tpu.dma_semaphore, #tpu.memory_space<semaphore_mem>>) src(%arg10 : memref<16x1024xf32, #tpu.memory_space<vmem>>) dst(%dma_wait3A_591 : memref<16x1024xf32, #tpu.memory_space<hbm>>)
    %dma_start3A_592 = arith.constant 2 : i32
    %dma_start3A_593 = arith.constant 64 : i32
    %dma_start3A_594 = tpu.memref_slice %arg6[%dma_start3A_592, %dma_start3A_593] : memref<4x128xi32, #tpu.memory_space<vmem>> -> memref<1x16xi32, #tpu.memory_space<vmem>>
    %dma_start3A_595 = tpu.memref_squeeze %dma_start3A_594 : memref<1x16xi32, #tpu.memory_space<vmem>> -> memref<16xi32, #tpu.memory_space<vmem>>
    %dma_start3A_596 = arith.constant 0 : i32
    %dma_start3A_597 = arith.constant 0 : i32
    %dma_start3A_598 = tpu.memref_slice %arg3[%dma_start3A_596, %dma_start3A_597] : memref<100000x1024xf32, #tpu.memory_space<hbm>> -> memref<100000x1024xf32, #tpu.memory_space<hbm>>
    tpu.enqueue_indirect_dma source(%dma_start3A_598 : memref<100000x1024xf32, #tpu.memory_space<hbm>>) target(%arg10 : memref<16x1024xf32, #tpu.memory_space<vmem>>) offsets(%dma_start3A_595 : memref<16xi32, #tpu.memory_space<vmem>>) semaphore(%arg14 : memref<!tpu.dma_semaphore, #tpu.memory_space<semaphore_mem>>)
    %dma_wait3A_599 = arith.constant 3 : i32
    %dma_wait3A_600 = arith.constant 48 : i32
    %dma_wait3A_601 = tpu.memref_slice %arg6[%dma_wait3A_599, %dma_wait3A_600] : memref<4x128xi32, #tpu.memory_space<vmem>> -> memref<1x16xi32, #tpu.memory_space<vmem>>
    %dma_wait3A_602 = tpu.memref_squeeze %dma_wait3A_601 : memref<1x16xi32, #tpu.memory_space<vmem>> -> memref<16xi32, #tpu.memory_space<vmem>>
    %dma_wait3A_603 = arith.constant 0 : i32
    %dma_wait3A_604 = arith.constant 0 : i32
    %dma_wait3A_605 = tpu.memref_slice %arg3[%dma_wait3A_603, %dma_wait3A_604] : memref<100000x1024xf32, #tpu.memory_space<hbm>> -> memref<100000x1024xf32, #tpu.memory_space<hbm>>
    tpu.wait_indirect_dma semaphore(%arg14 : memref<!tpu.dma_semaphore, #tpu.memory_space<semaphore_mem>>) src(%dma_wait3A_605 : memref<100000x1024xf32, #tpu.memory_space<hbm>>) dst(%arg7 : memref<16x1024xf32, #tpu.memory_space<vmem>>)
    %parallel_loop3A_606 = arith.constant 0 : i32
    %parallel_loop3A_607 = arith.constant 1024 : i32
    %parallel_loop3A_608 = arith.constant 1 : i32
    scf.for %parallel_loop3A_1102 = %parallel_loop3A_606 to %parallel_loop3A_607 step %parallel_loop3A_608  : i32 {
      %parallel_loop3A_1103 = arith.constant 6 : i32
      %parallel_loop3A_1104 = arith.shrsi %parallel_loop3A_1102, %parallel_loop3A_1103 : i32
      %parallel_loop3A_1105 = arith.constant 63 : i32
      %parallel_loop3A_1106 = arith.andi %parallel_loop3A_1102, %parallel_loop3A_1105 : i32
      %parallel_loop3A_1107 = arith.constant 4 : i32
      %parallel_loop3A_1108 = arith.shli %parallel_loop3A_1106, %parallel_loop3A_1107 : i32
      %parallel_loop3A_1109 = tpu.assume_multiple %parallel_loop3A_1108, 16 : i32
      %parallel_loop3A_1110 = arith.index_cast %parallel_loop3A_1104 : i32 to index
      %parallel_loop3A_1111 = arith.index_cast %parallel_loop3A_1109 : i32 to index
      %parallel_loop3A_1112 = tpu.vector_load %arg13[%parallel_loop3A_1110, %parallel_loop3A_1111] {strides = array<i32>} : memref<16x1024xf32, #tpu.memory_space<vmem>>, vector<1x16xf32>,
      %parallel_loop3A_1113 = vector.shape_cast %parallel_loop3A_1112 : vector<1x16xf32> to vector<16xf32>
      %parallel_loop3A_1114 = arith.index_cast %parallel_loop3A_1104 : i32 to index
      %parallel_loop3A_1115 = arith.index_cast %parallel_loop3A_1109 : i32 to index
      %parallel_loop3A_1116 = tpu.vector_load %arg7[%parallel_loop3A_1114, %parallel_loop3A_1115] {strides = array<i32>} : memref<16x1024xf32, #tpu.memory_space<vmem>>, vector<1x16xf32>,
      %parallel_loop3A_1117 = vector.shape_cast %parallel_loop3A_1116 : vector<1x16xf32> to vector<16xf32>
      %parallel_loop3A_1118 = vector.shape_cast %parallel_loop3A_1113 : vector<16xf32> to vector<1x16xf32>
      tpu.vector_store %arg7[%parallel_loop3A_1114, %parallel_loop3A_1115], %parallel_loop3A_1118 {add = true, strides = array<i32>} : memref<16x1024xf32, #tpu.memory_space<vmem>>, vector<1x16xf32>,
    } {sc.loop_unroll_factor = 4 : i64, sc.parallel_access}
    %add3A_609 = arith.constant 12288 : i32
    %add3A_610 = arith.addi %add3A_609, %mul3A_2 : i32
    %add3A_611 = arith.constant 48 : i32
    %add3A_612 = arith.addi %add3A_610, %add3A_611 : i32
    %dma_start3A_613 = arith.constant 0 : i32
    %dma_start3A_614 = tpu.memref_slice %arg5[%add3A_612, %dma_start3A_613] : memref<16384x1024xf32, #tpu.memory_space<hbm>> -> memref<16x1024xf32, #tpu.memory_space<hbm>>
    %dma_start3A_615 = arith.constant 0 : i32
    %dma_start3A_616 = tpu.memref_slice %arg5[%add3A_612, %dma_start3A_615] : memref<16384x1024xf32, #tpu.memory_space<hbm>> -> memref<16x1024xf32, #tpu.memory_space<hbm>>
    tpu.enqueue_dma source(%arg7 : memref<16x1024xf32, #tpu.memory_space<vmem>>) target(%dma_start3A_616 : memref<16x1024xf32, #tpu.memory_space<hbm>>) target_semaphore(%arg15 : memref<!tpu.dma_semaphore, #tpu.memory_space<semaphore_mem>>)
    %dma_wait3A_617 = arith.constant 0 : i32
    %dma_wait3A_618 = tpu.memref_slice %arg5[%add3A_583, %dma_wait3A_617] : memref<16384x1024xf32, #tpu.memory_space<hbm>> -> memref<16x1024xf32, #tpu.memory_space<hbm>>
    %dma_wait3A_619 = arith.constant 0 : i32
    %dma_wait3A_620 = tpu.memref_slice %arg5[%add3A_583, %dma_wait3A_619] : memref<16384x1024xf32, #tpu.memory_space<hbm>> -> memref<16x1024xf32, #tpu.memory_space<hbm>>
    tpu.wait_dma2 semaphore(%arg15 : memref<!tpu.dma_semaphore, #tpu.memory_space<semaphore_mem>>) src(%arg11 : memref<16x1024xf32, #tpu.memory_space<vmem>>) dst(%dma_wait3A_620 : memref<16x1024xf32, #tpu.memory_space<hbm>>)
    %dma_start3A_621 = arith.constant 3 : i32
    %dma_start3A_622 = arith.constant 64 : i32
    %dma_start3A_623 = tpu.memref_slice %arg6[%dma_start3A_621, %dma_start3A_622] : memref<4x128xi32, #tpu.memory_space<vmem>> -> memref<1x16xi32, #tpu.memory_space<vmem>>
    %dma_start3A_624 = tpu.memref_squeeze %dma_start3A_623 : memref<1x16xi32, #tpu.memory_space<vmem>> -> memref<16xi32, #tpu.memory_space<vmem>>
    %dma_start3A_625 = arith.constant 0 : i32
    %dma_start3A_626 = arith.constant 0 : i32
    %dma_start3A_627 = tpu.memref_slice %arg3[%dma_start3A_625, %dma_start3A_626] : memref<100000x1024xf32, #tpu.memory_space<hbm>> -> memref<100000x1024xf32, #tpu.memory_space<hbm>>
    tpu.enqueue_indirect_dma source(%dma_start3A_627 : memref<100000x1024xf32, #tpu.memory_space<hbm>>) target(%arg11 : memref<16x1024xf32, #tpu.memory_space<vmem>>) offsets(%dma_start3A_624 : memref<16xi32, #tpu.memory_space<vmem>>) semaphore(%arg14 : memref<!tpu.dma_semaphore, #tpu.memory_space<semaphore_mem>>)
    %dma_wait3A_628 = arith.constant 0 : i32
    %dma_wait3A_629 = tpu.memref_slice %arg4[%add3A_529, %dma_wait3A_628] : memref<8192x1024xf32, #tpu.memory_space<hbm>> -> memref<16x1024xf32, #tpu.memory_space<hbm>>
    %dma_wait3A_630 = arith.constant 0 : i32
    %dma_wait3A_631 = tpu.memref_slice %arg4[%add3A_529, %dma_wait3A_630] : memref<8192x1024xf32, #tpu.memory_space<hbm>> -> memref<16x1024xf32, #tpu.memory_space<hbm>>
    tpu.wait_dma2 semaphore(%arg16 : memref<!tpu.dma_semaphore, #tpu.memory_space<semaphore_mem>>) src(%dma_wait3A_631 : memref<16x1024xf32, #tpu.memory_space<hbm>>) dst(%arg12 : memref<16x1024xf32, #tpu.memory_space<vmem>>)
    %dma_wait3A_632 = arith.constant 0 : i32
    %dma_wait3A_633 = arith.constant 64 : i32
    %dma_wait3A_634 = tpu.memref_slice %arg6[%dma_wait3A_632, %dma_wait3A_633] : memref<4x128xi32, #tpu.memory_space<vmem>> -> memref<1x16xi32, #tpu.memory_space<vmem>>
    %dma_wait3A_635 = tpu.memref_squeeze %dma_wait3A_634 : memref<1x16xi32, #tpu.memory_space<vmem>> -> memref<16xi32, #tpu.memory_space<vmem>>
    %dma_wait3A_636 = arith.constant 0 : i32
    %dma_wait3A_637 = arith.constant 0 : i32
    %dma_wait3A_638 = tpu.memref_slice %arg3[%dma_wait3A_636, %dma_wait3A_637] : memref<100000x1024xf32, #tpu.memory_space<hbm>> -> memref<100000x1024xf32, #tpu.memory_space<hbm>>
    tpu.wait_indirect_dma semaphore(%arg14 : memref<!tpu.dma_semaphore, #tpu.memory_space<semaphore_mem>>) src(%dma_wait3A_638 : memref<100000x1024xf32, #tpu.memory_space<hbm>>) dst(%arg8 : memref<16x1024xf32, #tpu.memory_space<vmem>>)
    %parallel_loop3A_639 = arith.constant 0 : i32
    %parallel_loop3A_640 = arith.constant 1024 : i32
    %parallel_loop3A_641 = arith.constant 1 : i32
    scf.for %parallel_loop3A_1102 = %parallel_loop3A_639 to %parallel_loop3A_640 step %parallel_loop3A_641  : i32 {
      %parallel_loop3A_1103 = arith.constant 6 : i32
      %parallel_loop3A_1104 = arith.shrsi %parallel_loop3A_1102, %parallel_loop3A_1103 : i32
      %parallel_loop3A_1105 = arith.constant 63 : i32
      %parallel_loop3A_1106 = arith.andi %parallel_loop3A_1102, %parallel_loop3A_1105 : i32
      %parallel_loop3A_1107 = arith.constant 4 : i32
      %parallel_loop3A_1108 = arith.shli %parallel_loop3A_1106, %parallel_loop3A_1107 : i32
      %parallel_loop3A_1109 = tpu.assume_multiple %parallel_loop3A_1108, 16 : i32
      %parallel_loop3A_1110 = arith.index_cast %parallel_loop3A_1104 : i32 to index
      %parallel_loop3A_1111 = arith.index_cast %parallel_loop3A_1109 : i32 to index
      %parallel_loop3A_1112 = tpu.vector_load %arg12[%parallel_loop3A_1110, %parallel_loop3A_1111] {strides = array<i32>} : memref<16x1024xf32, #tpu.memory_space<vmem>>, vector<1x16xf32>,
      %parallel_loop3A_1113 = vector.shape_cast %parallel_loop3A_1112 : vector<1x16xf32> to vector<16xf32>
      %parallel_loop3A_1114 = arith.index_cast %parallel_loop3A_1104 : i32 to index
      %parallel_loop3A_1115 = arith.index_cast %parallel_loop3A_1109 : i32 to index
      %parallel_loop3A_1116 = tpu.vector_load %arg8[%parallel_loop3A_1114, %parallel_loop3A_1115] {strides = array<i32>} : memref<16x1024xf32, #tpu.memory_space<vmem>>, vector<1x16xf32>,
      %parallel_loop3A_1117 = vector.shape_cast %parallel_loop3A_1116 : vector<1x16xf32> to vector<16xf32>
      %parallel_loop3A_1118 = vector.shape_cast %parallel_loop3A_1113 : vector<16xf32> to vector<1x16xf32>
      tpu.vector_store %arg8[%parallel_loop3A_1114, %parallel_loop3A_1115], %parallel_loop3A_1118 {add = true, strides = array<i32>} : memref<16x1024xf32, #tpu.memory_space<vmem>>, vector<1x16xf32>,
    } {sc.loop_unroll_factor = 4 : i64, sc.parallel_access}
    %add3A_642 = arith.constant 0 : i32
    %add3A_643 = arith.addi %add3A_642, %mul3A_2 : i32
    %add3A_644 = arith.constant 64 : i32
    %add3A_645 = arith.addi %add3A_643, %add3A_644 : i32
    %dma_start3A_646 = arith.constant 0 : i32
    %dma_start3A_647 = tpu.memref_slice %arg5[%add3A_645, %dma_start3A_646] : memref<16384x1024xf32, #tpu.memory_space<hbm>> -> memref<16x1024xf32, #tpu.memory_space<hbm>>
    %dma_start3A_648 = arith.constant 0 : i32
    %dma_start3A_649 = tpu.memref_slice %arg5[%add3A_645, %dma_start3A_648] : memref<16384x1024xf32, #tpu.memory_space<hbm>> -> memref<16x1024xf32, #tpu.memory_space<hbm>>
    tpu.enqueue_dma source(%arg8 : memref<16x1024xf32, #tpu.memory_space<vmem>>) target(%dma_start3A_649 : memref<16x1024xf32, #tpu.memory_space<hbm>>) target_semaphore(%arg15 : memref<!tpu.dma_semaphore, #tpu.memory_space<semaphore_mem>>)
    %dma_wait3A_650 = arith.constant 0 : i32
    %dma_wait3A_651 = tpu.memref_slice %arg5[%add3A_612, %dma_wait3A_650] : memref<16384x1024xf32, #tpu.memory_space<hbm>> -> memref<16x1024xf32, #tpu.memory_space<hbm>>
    %dma_wait3A_652 = arith.constant 0 : i32
    %dma_wait3A_653 = tpu.memref_slice %arg5[%add3A_612, %dma_wait3A_652] : memref<16384x1024xf32, #tpu.memory_space<hbm>> -> memref<16x1024xf32, #tpu.memory_space<hbm>>
    tpu.wait_dma2 semaphore(%arg15 : memref<!tpu.dma_semaphore, #tpu.memory_space<semaphore_mem>>) src(%arg7 : memref<16x1024xf32, #tpu.memory_space<vmem>>) dst(%dma_wait3A_653 : memref<16x1024xf32, #tpu.memory_space<hbm>>)
    %add3A_654 = arith.constant 80 : i32
    %add3A_655 = arith.addi %mul3A_2, %add3A_654 : i32
    %dma_start3A_656 = arith.constant 0 : i32
    %dma_start3A_657 = tpu.memref_slice %arg4[%add3A_655, %dma_start3A_656] : memref<8192x1024xf32, #tpu.memory_space<hbm>> -> memref<16x1024xf32, #tpu.memory_space<hbm>>
    %dma_start3A_658 = arith.constant 0 : i32
    %dma_start3A_659 = tpu.memref_slice %arg4[%add3A_655, %dma_start3A_658] : memref<8192x1024xf32, #tpu.memory_space<hbm>> -> memref<16x1024xf32, #tpu.memory_space<hbm>>
    tpu.enqueue_dma source(%dma_start3A_659 : memref<16x1024xf32, #tpu.memory_space<hbm>>) target(%arg13 : memref<16x1024xf32, #tpu.memory_space<vmem>>) target_semaphore(%arg16 : memref<!tpu.dma_semaphore, #tpu.memory_space<semaphore_mem>>)
    %dma_start3A_660 = arith.constant 0 : i32
    %dma_start3A_661 = arith.constant 80 : i32
    %dma_start3A_662 = tpu.memref_slice %arg6[%dma_start3A_660, %dma_start3A_661] : memref<4x128xi32, #tpu.memory_space<vmem>> -> memref<1x16xi32, #tpu.memory_space<vmem>>
    %dma_start3A_663 = tpu.memref_squeeze %dma_start3A_662 : memref<1x16xi32, #tpu.memory_space<vmem>> -> memref<16xi32, #tpu.memory_space<vmem>>
    %dma_start3A_664 = arith.constant 0 : i32
    %dma_start3A_665 = arith.constant 0 : i32
    %dma_start3A_666 = tpu.memref_slice %arg3[%dma_start3A_664, %dma_start3A_665] : memref<100000x1024xf32, #tpu.memory_space<hbm>> -> memref<100000x1024xf32, #tpu.memory_space<hbm>>
    tpu.enqueue_indirect_dma source(%dma_start3A_666 : memref<100000x1024xf32, #tpu.memory_space<hbm>>) target(%arg7 : memref<16x1024xf32, #tpu.memory_space<vmem>>) offsets(%dma_start3A_663 : memref<16xi32, #tpu.memory_space<vmem>>) semaphore(%arg14 : memref<!tpu.dma_semaphore, #tpu.memory_space<semaphore_mem>>)
    %dma_wait3A_667 = arith.constant 1 : i32
    %dma_wait3A_668 = arith.constant 64 : i32
    %dma_wait3A_669 = tpu.memref_slice %arg6[%dma_wait3A_667, %dma_wait3A_668] : memref<4x128xi32, #tpu.memory_space<vmem>> -> memref<1x16xi32, #tpu.memory_space<vmem>>
    %dma_wait3A_670 = tpu.memref_squeeze %dma_wait3A_669 : memref<1x16xi32, #tpu.memory_space<vmem>> -> memref<16xi32, #tpu.memory_space<vmem>>
    %dma_wait3A_671 = arith.constant 0 : i32
    %dma_wait3A_672 = arith.constant 0 : i32
    %dma_wait3A_673 = tpu.memref_slice %arg3[%dma_wait3A_671, %dma_wait3A_672] : memref<100000x1024xf32, #tpu.memory_space<hbm>> -> memref<100000x1024xf32, #tpu.memory_space<hbm>>
    tpu.wait_indirect_dma semaphore(%arg14 : memref<!tpu.dma_semaphore, #tpu.memory_space<semaphore_mem>>) src(%dma_wait3A_673 : memref<100000x1024xf32, #tpu.memory_space<hbm>>) dst(%arg9 : memref<16x1024xf32, #tpu.memory_space<vmem>>)
    %parallel_loop3A_674 = arith.constant 0 : i32
    %parallel_loop3A_675 = arith.constant 1024 : i32
    %parallel_loop3A_676 = arith.constant 1 : i32
    scf.for %parallel_loop3A_1102 = %parallel_loop3A_674 to %parallel_loop3A_675 step %parallel_loop3A_676  : i32 {
      %parallel_loop3A_1103 = arith.constant 6 : i32
      %parallel_loop3A_1104 = arith.shrsi %parallel_loop3A_1102, %parallel_loop3A_1103 : i32
      %parallel_loop3A_1105 = arith.constant 63 : i32
      %parallel_loop3A_1106 = arith.andi %parallel_loop3A_1102, %parallel_loop3A_1105 : i32
      %parallel_loop3A_1107 = arith.constant 4 : i32
      %parallel_loop3A_1108 = arith.shli %parallel_loop3A_1106, %parallel_loop3A_1107 : i32
      %parallel_loop3A_1109 = tpu.assume_multiple %parallel_loop3A_1108, 16 : i32
      %parallel_loop3A_1110 = arith.index_cast %parallel_loop3A_1104 : i32 to index
      %parallel_loop3A_1111 = arith.index_cast %parallel_loop3A_1109 : i32 to index
      %parallel_loop3A_1112 = tpu.vector_load %arg12[%parallel_loop3A_1110, %parallel_loop3A_1111] {strides = array<i32>} : memref<16x1024xf32, #tpu.memory_space<vmem>>, vector<1x16xf32>,
      %parallel_loop3A_1113 = vector.shape_cast %parallel_loop3A_1112 : vector<1x16xf32> to vector<16xf32>
      %parallel_loop3A_1114 = arith.index_cast %parallel_loop3A_1104 : i32 to index
      %parallel_loop3A_1115 = arith.index_cast %parallel_loop3A_1109 : i32 to index
      %parallel_loop3A_1116 = tpu.vector_load %arg9[%parallel_loop3A_1114, %parallel_loop3A_1115] {strides = array<i32>} : memref<16x1024xf32, #tpu.memory_space<vmem>>, vector<1x16xf32>,
      %parallel_loop3A_1117 = vector.shape_cast %parallel_loop3A_1116 : vector<1x16xf32> to vector<16xf32>
      %parallel_loop3A_1118 = vector.shape_cast %parallel_loop3A_1113 : vector<16xf32> to vector<1x16xf32>
      tpu.vector_store %arg9[%parallel_loop3A_1114, %parallel_loop3A_1115], %parallel_loop3A_1118 {add = true, strides = array<i32>} : memref<16x1024xf32, #tpu.memory_space<vmem>>, vector<1x16xf32>,
    } {sc.loop_unroll_factor = 4 : i64, sc.parallel_access}
    %add3A_677 = arith.constant 4096 : i32
    %add3A_678 = arith.addi %add3A_677, %mul3A_2 : i32
    %add3A_679 = arith.constant 64 : i32
    %add3A_680 = arith.addi %add3A_678, %add3A_679 : i32
    %dma_start3A_681 = arith.constant 0 : i32
    %dma_start3A_682 = tpu.memref_slice %arg5[%add3A_680, %dma_start3A_681] : memref<16384x1024xf32, #tpu.memory_space<hbm>> -> memref<16x1024xf32, #tpu.memory_space<hbm>>
    %dma_start3A_683 = arith.constant 0 : i32
    %dma_start3A_684 = tpu.memref_slice %arg5[%add3A_680, %dma_start3A_683] : memref<16384x1024xf32, #tpu.memory_space<hbm>> -> memref<16x1024xf32, #tpu.memory_space<hbm>>
    tpu.enqueue_dma source(%arg9 : memref<16x1024xf32, #tpu.memory_space<vmem>>) target(%dma_start3A_684 : memref<16x1024xf32, #tpu.memory_space<hbm>>) target_semaphore(%arg15 : memref<!tpu.dma_semaphore, #tpu.memory_space<semaphore_mem>>)
    %dma_wait3A_685 = arith.constant 0 : i32
    %dma_wait3A_686 = tpu.memref_slice %arg5[%add3A_645, %dma_wait3A_685] : memref<16384x1024xf32, #tpu.memory_space<hbm>> -> memref<16x1024xf32, #tpu.memory_space<hbm>>
    %dma_wait3A_687 = arith.constant 0 : i32
    %dma_wait3A_688 = tpu.memref_slice %arg5[%add3A_645, %dma_wait3A_687] : memref<16384x1024xf32, #tpu.memory_space<hbm>> -> memref<16x1024xf32, #tpu.memory_space<hbm>>
    tpu.wait_dma2 semaphore(%arg15 : memref<!tpu.dma_semaphore, #tpu.memory_space<semaphore_mem>>) src(%arg8 : memref<16x1024xf32, #tpu.memory_space<vmem>>) dst(%dma_wait3A_688 : memref<16x1024xf32, #tpu.memory_space<hbm>>)
    %dma_start3A_689 = arith.constant 1 : i32
    %dma_start3A_690 = arith.constant 80 : i32
    %dma_start3A_691 = tpu.memref_slice %arg6[%dma_start3A_689, %dma_start3A_690] : memref<4x128xi32, #tpu.memory_space<vmem>> -> memref<1x16xi32, #tpu.memory_space<vmem>>
    %dma_start3A_692 = tpu.memref_squeeze %dma_start3A_691 : memref<1x16xi32, #tpu.memory_space<vmem>> -> memref<16xi32, #tpu.memory_space<vmem>>
    %dma_start3A_693 = arith.constant 0 : i32
    %dma_start3A_694 = arith.constant 0 : i32
    %dma_start3A_695 = tpu.memref_slice %arg3[%dma_start3A_693, %dma_start3A_694] : memref<100000x1024xf32, #tpu.memory_space<hbm>> -> memref<100000x1024xf32, #tpu.memory_space<hbm>>
    tpu.enqueue_indirect_dma source(%dma_start3A_695 : memref<100000x1024xf32, #tpu.memory_space<hbm>>) target(%arg8 : memref<16x1024xf32, #tpu.memory_space<vmem>>) offsets(%dma_start3A_692 : memref<16xi32, #tpu.memory_space<vmem>>) semaphore(%arg14 : memref<!tpu.dma_semaphore, #tpu.memory_space<semaphore_mem>>)
    %dma_wait3A_696 = arith.constant 2 : i32
    %dma_wait3A_697 = arith.constant 64 : i32
    %dma_wait3A_698 = tpu.memref_slice %arg6[%dma_wait3A_696, %dma_wait3A_697] : memref<4x128xi32, #tpu.memory_space<vmem>> -> memref<1x16xi32, #tpu.memory_space<vmem>>
    %dma_wait3A_699 = tpu.memref_squeeze %dma_wait3A_698 : memref<1x16xi32, #tpu.memory_space<vmem>> -> memref<16xi32, #tpu.memory_space<vmem>>
    %dma_wait3A_700 = arith.constant 0 : i32
    %dma_wait3A_701 = arith.constant 0 : i32
    %dma_wait3A_702 = tpu.memref_slice %arg3[%dma_wait3A_700, %dma_wait3A_701] : memref<100000x1024xf32, #tpu.memory_space<hbm>> -> memref<100000x1024xf32, #tpu.memory_space<hbm>>
    tpu.wait_indirect_dma semaphore(%arg14 : memref<!tpu.dma_semaphore, #tpu.memory_space<semaphore_mem>>) src(%dma_wait3A_702 : memref<100000x1024xf32, #tpu.memory_space<hbm>>) dst(%arg10 : memref<16x1024xf32, #tpu.memory_space<vmem>>)
    %parallel_loop3A_703 = arith.constant 0 : i32
    %parallel_loop3A_704 = arith.constant 1024 : i32
    %parallel_loop3A_705 = arith.constant 1 : i32
    scf.for %parallel_loop3A_1102 = %parallel_loop3A_703 to %parallel_loop3A_704 step %parallel_loop3A_705  : i32 {
      %parallel_loop3A_1103 = arith.constant 6 : i32
      %parallel_loop3A_1104 = arith.shrsi %parallel_loop3A_1102, %parallel_loop3A_1103 : i32
      %parallel_loop3A_1105 = arith.constant 63 : i32
      %parallel_loop3A_1106 = arith.andi %parallel_loop3A_1102, %parallel_loop3A_1105 : i32
      %parallel_loop3A_1107 = arith.constant 4 : i32
      %parallel_loop3A_1108 = arith.shli %parallel_loop3A_1106, %parallel_loop3A_1107 : i32
      %parallel_loop3A_1109 = tpu.assume_multiple %parallel_loop3A_1108, 16 : i32
      %parallel_loop3A_1110 = arith.index_cast %parallel_loop3A_1104 : i32 to index
      %parallel_loop3A_1111 = arith.index_cast %parallel_loop3A_1109 : i32 to index
      %parallel_loop3A_1112 = tpu.vector_load %arg12[%parallel_loop3A_1110, %parallel_loop3A_1111] {strides = array<i32>} : memref<16x1024xf32, #tpu.memory_space<vmem>>, vector<1x16xf32>,
      %parallel_loop3A_1113 = vector.shape_cast %parallel_loop3A_1112 : vector<1x16xf32> to vector<16xf32>
      %parallel_loop3A_1114 = arith.index_cast %parallel_loop3A_1104 : i32 to index
      %parallel_loop3A_1115 = arith.index_cast %parallel_loop3A_1109 : i32 to index
      %parallel_loop3A_1116 = tpu.vector_load %arg10[%parallel_loop3A_1114, %parallel_loop3A_1115] {strides = array<i32>} : memref<16x1024xf32, #tpu.memory_space<vmem>>, vector<1x16xf32>,
      %parallel_loop3A_1117 = vector.shape_cast %parallel_loop3A_1116 : vector<1x16xf32> to vector<16xf32>
      %parallel_loop3A_1118 = vector.shape_cast %parallel_loop3A_1113 : vector<16xf32> to vector<1x16xf32>
      tpu.vector_store %arg10[%parallel_loop3A_1114, %parallel_loop3A_1115], %parallel_loop3A_1118 {add = true, strides = array<i32>} : memref<16x1024xf32, #tpu.memory_space<vmem>>, vector<1x16xf32>,
    } {sc.loop_unroll_factor = 4 : i64, sc.parallel_access}
    %add3A_706 = arith.constant 8192 : i32
    %add3A_707 = arith.addi %add3A_706, %mul3A_2 : i32
    %add3A_708 = arith.constant 64 : i32
    %add3A_709 = arith.addi %add3A_707, %add3A_708 : i32
    %dma_start3A_710 = arith.constant 0 : i32
    %dma_start3A_711 = tpu.memref_slice %arg5[%add3A_709, %dma_start3A_710] : memref<16384x1024xf32, #tpu.memory_space<hbm>> -> memref<16x1024xf32, #tpu.memory_space<hbm>>
    %dma_start3A_712 = arith.constant 0 : i32
    %dma_start3A_713 = tpu.memref_slice %arg5[%add3A_709, %dma_start3A_712] : memref<16384x1024xf32, #tpu.memory_space<hbm>> -> memref<16x1024xf32, #tpu.memory_space<hbm>>
    tpu.enqueue_dma source(%arg10 : memref<16x1024xf32, #tpu.memory_space<vmem>>) target(%dma_start3A_713 : memref<16x1024xf32, #tpu.memory_space<hbm>>) target_semaphore(%arg15 : memref<!tpu.dma_semaphore, #tpu.memory_space<semaphore_mem>>)
    %dma_wait3A_714 = arith.constant 0 : i32
    %dma_wait3A_715 = tpu.memref_slice %arg5[%add3A_680, %dma_wait3A_714] : memref<16384x1024xf32, #tpu.memory_space<hbm>> -> memref<16x1024xf32, #tpu.memory_space<hbm>>
    %dma_wait3A_716 = arith.constant 0 : i32
    %dma_wait3A_717 = tpu.memref_slice %arg5[%add3A_680, %dma_wait3A_716] : memref<16384x1024xf32, #tpu.memory_space<hbm>> -> memref<16x1024xf32, #tpu.memory_space<hbm>>
    tpu.wait_dma2 semaphore(%arg15 : memref<!tpu.dma_semaphore, #tpu.memory_space<semaphore_mem>>) src(%arg9 : memref<16x1024xf32, #tpu.memory_space<vmem>>) dst(%dma_wait3A_717 : memref<16x1024xf32, #tpu.memory_space<hbm>>)
    %dma_start3A_718 = arith.constant 2 : i32
    %dma_start3A_719 = arith.constant 80 : i32
    %dma_start3A_720 = tpu.memref_slice %arg6[%dma_start3A_718, %dma_start3A_719] : memref<4x128xi32, #tpu.memory_space<vmem>> -> memref<1x16xi32, #tpu.memory_space<vmem>>
    %dma_start3A_721 = tpu.memref_squeeze %dma_start3A_720 : memref<1x16xi32, #tpu.memory_space<vmem>> -> memref<16xi32, #tpu.memory_space<vmem>>
    %dma_start3A_722 = arith.constant 0 : i32
    %dma_start3A_723 = arith.constant 0 : i32
    %dma_start3A_724 = tpu.memref_slice %arg3[%dma_start3A_722, %dma_start3A_723] : memref<100000x1024xf32, #tpu.memory_space<hbm>> -> memref<100000x1024xf32, #tpu.memory_space<hbm>>
    tpu.enqueue_indirect_dma source(%dma_start3A_724 : memref<100000x1024xf32, #tpu.memory_space<hbm>>) target(%arg9 : memref<16x1024xf32, #tpu.memory_space<vmem>>) offsets(%dma_start3A_721 : memref<16xi32, #tpu.memory_space<vmem>>) semaphore(%arg14 : memref<!tpu.dma_semaphore, #tpu.memory_space<semaphore_mem>>)
    %dma_wait3A_725 = arith.constant 3 : i32
    %dma_wait3A_726 = arith.constant 64 : i32
    %dma_wait3A_727 = tpu.memref_slice %arg6[%dma_wait3A_725, %dma_wait3A_726] : memref<4x128xi32, #tpu.memory_space<vmem>> -> memref<1x16xi32, #tpu.memory_space<vmem>>
    %dma_wait3A_728 = tpu.memref_squeeze %dma_wait3A_727 : memref<1x16xi32, #tpu.memory_space<vmem>> -> memref<16xi32, #tpu.memory_space<vmem>>
    %dma_wait3A_729 = arith.constant 0 : i32
    %dma_wait3A_730 = arith.constant 0 : i32
    %dma_wait3A_731 = tpu.memref_slice %arg3[%dma_wait3A_729, %dma_wait3A_730] : memref<100000x1024xf32, #tpu.memory_space<hbm>> -> memref<100000x1024xf32, #tpu.memory_space<hbm>>
    tpu.wait_indirect_dma semaphore(%arg14 : memref<!tpu.dma_semaphore, #tpu.memory_space<semaphore_mem>>) src(%dma_wait3A_731 : memref<100000x1024xf32, #tpu.memory_space<hbm>>) dst(%arg11 : memref<16x1024xf32, #tpu.memory_space<vmem>>)
    %parallel_loop3A_732 = arith.constant 0 : i32
    %parallel_loop3A_733 = arith.constant 1024 : i32
    %parallel_loop3A_734 = arith.constant 1 : i32
    scf.for %parallel_loop3A_1102 = %parallel_loop3A_732 to %parallel_loop3A_733 step %parallel_loop3A_734  : i32 {
      %parallel_loop3A_1103 = arith.constant 6 : i32
      %parallel_loop3A_1104 = arith.shrsi %parallel_loop3A_1102, %parallel_loop3A_1103 : i32
      %parallel_loop3A_1105 = arith.constant 63 : i32
      %parallel_loop3A_1106 = arith.andi %parallel_loop3A_1102, %parallel_loop3A_1105 : i32
      %parallel_loop3A_1107 = arith.constant 4 : i32
      %parallel_loop3A_1108 = arith.shli %parallel_loop3A_1106, %parallel_loop3A_1107 : i32
      %parallel_loop3A_1109 = tpu.assume_multiple %parallel_loop3A_1108, 16 : i32
      %parallel_loop3A_1110 = arith.index_cast %parallel_loop3A_1104 : i32 to index
      %parallel_loop3A_1111 = arith.index_cast %parallel_loop3A_1109 : i32 to index
      %parallel_loop3A_1112 = tpu.vector_load %arg12[%parallel_loop3A_1110, %parallel_loop3A_1111] {strides = array<i32>} : memref<16x1024xf32, #tpu.memory_space<vmem>>, vector<1x16xf32>,
      %parallel_loop3A_1113 = vector.shape_cast %parallel_loop3A_1112 : vector<1x16xf32> to vector<16xf32>
      %parallel_loop3A_1114 = arith.index_cast %parallel_loop3A_1104 : i32 to index
      %parallel_loop3A_1115 = arith.index_cast %parallel_loop3A_1109 : i32 to index
      %parallel_loop3A_1116 = tpu.vector_load %arg11[%parallel_loop3A_1114, %parallel_loop3A_1115] {strides = array<i32>} : memref<16x1024xf32, #tpu.memory_space<vmem>>, vector<1x16xf32>,
      %parallel_loop3A_1117 = vector.shape_cast %parallel_loop3A_1116 : vector<1x16xf32> to vector<16xf32>
      %parallel_loop3A_1118 = vector.shape_cast %parallel_loop3A_1113 : vector<16xf32> to vector<1x16xf32>
      tpu.vector_store %arg11[%parallel_loop3A_1114, %parallel_loop3A_1115], %parallel_loop3A_1118 {add = true, strides = array<i32>} : memref<16x1024xf32, #tpu.memory_space<vmem>>, vector<1x16xf32>,
    } {sc.loop_unroll_factor = 4 : i64, sc.parallel_access}
    %add3A_735 = arith.constant 12288 : i32
    %add3A_736 = arith.addi %add3A_735, %mul3A_2 : i32
    %add3A_737 = arith.constant 64 : i32
    %add3A_738 = arith.addi %add3A_736, %add3A_737 : i32
    %dma_start3A_739 = arith.constant 0 : i32
    %dma_start3A_740 = tpu.memref_slice %arg5[%add3A_738, %dma_start3A_739] : memref<16384x1024xf32, #tpu.memory_space<hbm>> -> memref<16x1024xf32, #tpu.memory_space<hbm>>
    %dma_start3A_741 = arith.constant 0 : i32
    %dma_start3A_742 = tpu.memref_slice %arg5[%add3A_738, %dma_start3A_741] : memref<16384x1024xf32, #tpu.memory_space<hbm>> -> memref<16x1024xf32, #tpu.memory_space<hbm>>
    tpu.enqueue_dma source(%arg11 : memref<16x1024xf32, #tpu.memory_space<vmem>>) target(%dma_start3A_742 : memref<16x1024xf32, #tpu.memory_space<hbm>>) target_semaphore(%arg15 : memref<!tpu.dma_semaphore, #tpu.memory_space<semaphore_mem>>)
    %dma_wait3A_743 = arith.constant 0 : i32
    %dma_wait3A_744 = tpu.memref_slice %arg5[%add3A_709, %dma_wait3A_743] : memref<16384x1024xf32, #tpu.memory_space<hbm>> -> memref<16x1024xf32, #tpu.memory_space<hbm>>
    %dma_wait3A_745 = arith.constant 0 : i32
    %dma_wait3A_746 = tpu.memref_slice %arg5[%add3A_709, %dma_wait3A_745] : memref<16384x1024xf32, #tpu.memory_space<hbm>> -> memref<16x1024xf32, #tpu.memory_space<hbm>>
    tpu.wait_dma2 semaphore(%arg15 : memref<!tpu.dma_semaphore, #tpu.memory_space<semaphore_mem>>) src(%arg10 : memref<16x1024xf32, #tpu.memory_space<vmem>>) dst(%dma_wait3A_746 : memref<16x1024xf32, #tpu.memory_space<hbm>>)
    %dma_start3A_747 = arith.constant 3 : i32
    %dma_start3A_748 = arith.constant 80 : i32
    %dma_start3A_749 = tpu.memref_slice %arg6[%dma_start3A_747, %dma_start3A_748] : memref<4x128xi32, #tpu.memory_space<vmem>> -> memref<1x16xi32, #tpu.memory_space<vmem>>
    %dma_start3A_750 = tpu.memref_squeeze %dma_start3A_749 : memref<1x16xi32, #tpu.memory_space<vmem>> -> memref<16xi32, #tpu.memory_space<vmem>>
    %dma_start3A_751 = arith.constant 0 : i32
    %dma_start3A_752 = arith.constant 0 : i32
    %dma_start3A_753 = tpu.memref_slice %arg3[%dma_start3A_751, %dma_start3A_752] : memref<100000x1024xf32, #tpu.memory_space<hbm>> -> memref<100000x1024xf32, #tpu.memory_space<hbm>>
    tpu.enqueue_indirect_dma source(%dma_start3A_753 : memref<100000x1024xf32, #tpu.memory_space<hbm>>) target(%arg10 : memref<16x1024xf32, #tpu.memory_space<vmem>>) offsets(%dma_start3A_750 : memref<16xi32, #tpu.memory_space<vmem>>) semaphore(%arg14 : memref<!tpu.dma_semaphore, #tpu.memory_space<semaphore_mem>>)
    %dma_wait3A_754 = arith.constant 0 : i32
    %dma_wait3A_755 = tpu.memref_slice %arg4[%add3A_655, %dma_wait3A_754] : memref<8192x1024xf32, #tpu.memory_space<hbm>> -> memref<16x1024xf32, #tpu.memory_space<hbm>>
    %dma_wait3A_756 = arith.constant 0 : i32
    %dma_wait3A_757 = tpu.memref_slice %arg4[%add3A_655, %dma_wait3A_756] : memref<8192x1024xf32, #tpu.memory_space<hbm>> -> memref<16x1024xf32, #tpu.memory_space<hbm>>
    tpu.wait_dma2 semaphore(%arg16 : memref<!tpu.dma_semaphore, #tpu.memory_space<semaphore_mem>>) src(%dma_wait3A_757 : memref<16x1024xf32, #tpu.memory_space<hbm>>) dst(%arg13 : memref<16x1024xf32, #tpu.memory_space<vmem>>)
    %dma_wait3A_758 = arith.constant 0 : i32
    %dma_wait3A_759 = arith.constant 80 : i32
    %dma_wait3A_760 = tpu.memref_slice %arg6[%dma_wait3A_758, %dma_wait3A_759] : memref<4x128xi32, #tpu.memory_space<vmem>> -> memref<1x16xi32, #tpu.memory_space<vmem>>
    %dma_wait3A_761 = tpu.memref_squeeze %dma_wait3A_760 : memref<1x16xi32, #tpu.memory_space<vmem>> -> memref<16xi32, #tpu.memory_space<vmem>>
    %dma_wait3A_762 = arith.constant 0 : i32
    %dma_wait3A_763 = arith.constant 0 : i32
    %dma_wait3A_764 = tpu.memref_slice %arg3[%dma_wait3A_762, %dma_wait3A_763] : memref<100000x1024xf32, #tpu.memory_space<hbm>> -> memref<100000x1024xf32, #tpu.memory_space<hbm>>
    tpu.wait_indirect_dma semaphore(%arg14 : memref<!tpu.dma_semaphore, #tpu.memory_space<semaphore_mem>>) src(%dma_wait3A_764 : memref<100000x1024xf32, #tpu.memory_space<hbm>>) dst(%arg7 : memref<16x1024xf32, #tpu.memory_space<vmem>>)
    %parallel_loop3A_765 = arith.constant 0 : i32
    %parallel_loop3A_766 = arith.constant 1024 : i32
    %parallel_loop3A_767 = arith.constant 1 : i32
    scf.for %parallel_loop3A_1102 = %parallel_loop3A_765 to %parallel_loop3A_766 step %parallel_loop3A_767  : i32 {
      %parallel_loop3A_1103 = arith.constant 6 : i32
      %parallel_loop3A_1104 = arith.shrsi %parallel_loop3A_1102, %parallel_loop3A_1103 : i32
      %parallel_loop3A_1105 = arith.constant 63 : i32
      %parallel_loop3A_1106 = arith.andi %parallel_loop3A_1102, %parallel_loop3A_1105 : i32
      %parallel_loop3A_1107 = arith.constant 4 : i32
      %parallel_loop3A_1108 = arith.shli %parallel_loop3A_1106, %parallel_loop3A_1107 : i32
      %parallel_loop3A_1109 = tpu.assume_multiple %parallel_loop3A_1108, 16 : i32
      %parallel_loop3A_1110 = arith.index_cast %parallel_loop3A_1104 : i32 to index
      %parallel_loop3A_1111 = arith.index_cast %parallel_loop3A_1109 : i32 to index
      %parallel_loop3A_1112 = tpu.vector_load %arg13[%parallel_loop3A_1110, %parallel_loop3A_1111] {strides = array<i32>} : memref<16x1024xf32, #tpu.memory_space<vmem>>, vector<1x16xf32>,
      %parallel_loop3A_1113 = vector.shape_cast %parallel_loop3A_1112 : vector<1x16xf32> to vector<16xf32>
      %parallel_loop3A_1114 = arith.index_cast %parallel_loop3A_1104 : i32 to index
      %parallel_loop3A_1115 = arith.index_cast %parallel_loop3A_1109 : i32 to index
      %parallel_loop3A_1116 = tpu.vector_load %arg7[%parallel_loop3A_1114, %parallel_loop3A_1115] {strides = array<i32>} : memref<16x1024xf32, #tpu.memory_space<vmem>>, vector<1x16xf32>,
      %parallel_loop3A_1117 = vector.shape_cast %parallel_loop3A_1116 : vector<1x16xf32> to vector<16xf32>
      %parallel_loop3A_1118 = vector.shape_cast %parallel_loop3A_1113 : vector<16xf32> to vector<1x16xf32>
      tpu.vector_store %arg7[%parallel_loop3A_1114, %parallel_loop3A_1115], %parallel_loop3A_1118 {add = true, strides = array<i32>} : memref<16x1024xf32, #tpu.memory_space<vmem>>, vector<1x16xf32>,
    } {sc.loop_unroll_factor = 4 : i64, sc.parallel_access}
    %add3A_768 = arith.constant 0 : i32
    %add3A_769 = arith.addi %add3A_768, %mul3A_2 : i32
    %add3A_770 = arith.constant 80 : i32
    %add3A_771 = arith.addi %add3A_769, %add3A_770 : i32
    %dma_start3A_772 = arith.constant 0 : i32
    %dma_start3A_773 = tpu.memref_slice %arg5[%add3A_771, %dma_start3A_772] : memref<16384x1024xf32, #tpu.memory_space<hbm>> -> memref<16x1024xf32, #tpu.memory_space<hbm>>
    %dma_start3A_774 = arith.constant 0 : i32
    %dma_start3A_775 = tpu.memref_slice %arg5[%add3A_771, %dma_start3A_774] : memref<16384x1024xf32, #tpu.memory_space<hbm>> -> memref<16x1024xf32, #tpu.memory_space<hbm>>
    tpu.enqueue_dma source(%arg7 : memref<16x1024xf32, #tpu.memory_space<vmem>>) target(%dma_start3A_775 : memref<16x1024xf32, #tpu.memory_space<hbm>>) target_semaphore(%arg15 : memref<!tpu.dma_semaphore, #tpu.memory_space<semaphore_mem>>)
    %dma_wait3A_776 = arith.constant 0 : i32
    %dma_wait3A_777 = tpu.memref_slice %arg5[%add3A_738, %dma_wait3A_776] : memref<16384x1024xf32, #tpu.memory_space<hbm>> -> memref<16x1024xf32, #tpu.memory_space<hbm>>
    %dma_wait3A_778 = arith.constant 0 : i32
    %dma_wait3A_779 = tpu.memref_slice %arg5[%add3A_738, %dma_wait3A_778] : memref<16384x1024xf32, #tpu.memory_space<hbm>> -> memref<16x1024xf32, #tpu.memory_space<hbm>>
    tpu.wait_dma2 semaphore(%arg15 : memref<!tpu.dma_semaphore, #tpu.memory_space<semaphore_mem>>) src(%arg11 : memref<16x1024xf32, #tpu.memory_space<vmem>>) dst(%dma_wait3A_779 : memref<16x1024xf32, #tpu.memory_space<hbm>>)
    %add3A_780 = arith.constant 96 : i32
    %add3A_781 = arith.addi %mul3A_2, %add3A_780 : i32
    %dma_start3A_782 = arith.constant 0 : i32
    %dma_start3A_783 = tpu.memref_slice %arg4[%add3A_781, %dma_start3A_782] : memref<8192x1024xf32, #tpu.memory_space<hbm>> -> memref<16x1024xf32, #tpu.memory_space<hbm>>
    %dma_start3A_784 = arith.constant 0 : i32
    %dma_start3A_785 = tpu.memref_slice %arg4[%add3A_781, %dma_start3A_784] : memref<8192x1024xf32, #tpu.memory_space<hbm>> -> memref<16x1024xf32, #tpu.memory_space<hbm>>
    tpu.enqueue_dma source(%dma_start3A_785 : memref<16x1024xf32, #tpu.memory_space<hbm>>) target(%arg12 : memref<16x1024xf32, #tpu.memory_space<vmem>>) target_semaphore(%arg16 : memref<!tpu.dma_semaphore, #tpu.memory_space<semaphore_mem>>)
    %dma_start3A_786 = arith.constant 0 : i32
    %dma_start3A_787 = arith.constant 96 : i32
    %dma_start3A_788 = tpu.memref_slice %arg6[%dma_start3A_786, %dma_start3A_787] : memref<4x128xi32, #tpu.memory_space<vmem>> -> memref<1x16xi32, #tpu.memory_space<vmem>>
    %dma_start3A_789 = tpu.memref_squeeze %dma_start3A_788 : memref<1x16xi32, #tpu.memory_space<vmem>> -> memref<16xi32, #tpu.memory_space<vmem>>
    %dma_start3A_790 = arith.constant 0 : i32
    %dma_start3A_791 = arith.constant 0 : i32
    %dma_start3A_792 = tpu.memref_slice %arg3[%dma_start3A_790, %dma_start3A_791] : memref<100000x1024xf32, #tpu.memory_space<hbm>> -> memref<100000x1024xf32, #tpu.memory_space<hbm>>
    tpu.enqueue_indirect_dma source(%dma_start3A_792 : memref<100000x1024xf32, #tpu.memory_space<hbm>>) target(%arg11 : memref<16x1024xf32, #tpu.memory_space<vmem>>) offsets(%dma_start3A_789 : memref<16xi32, #tpu.memory_space<vmem>>) semaphore(%arg14 : memref<!tpu.dma_semaphore, #tpu.memory_space<semaphore_mem>>)
    %dma_wait3A_793 = arith.constant 1 : i32
    %dma_wait3A_794 = arith.constant 80 : i32
    %dma_wait3A_795 = tpu.memref_slice %arg6[%dma_wait3A_793, %dma_wait3A_794] : memref<4x128xi32, #tpu.memory_space<vmem>> -> memref<1x16xi32, #tpu.memory_space<vmem>>
    %dma_wait3A_796 = tpu.memref_squeeze %dma_wait3A_795 : memref<1x16xi32, #tpu.memory_space<vmem>> -> memref<16xi32, #tpu.memory_space<vmem>>
    %dma_wait3A_797 = arith.constant 0 : i32
    %dma_wait3A_798 = arith.constant 0 : i32
    %dma_wait3A_799 = tpu.memref_slice %arg3[%dma_wait3A_797, %dma_wait3A_798] : memref<100000x1024xf32, #tpu.memory_space<hbm>> -> memref<100000x1024xf32, #tpu.memory_space<hbm>>
    tpu.wait_indirect_dma semaphore(%arg14 : memref<!tpu.dma_semaphore, #tpu.memory_space<semaphore_mem>>) src(%dma_wait3A_799 : memref<100000x1024xf32, #tpu.memory_space<hbm>>) dst(%arg8 : memref<16x1024xf32, #tpu.memory_space<vmem>>)
    %parallel_loop3A_800 = arith.constant 0 : i32
    %parallel_loop3A_801 = arith.constant 1024 : i32
    %parallel_loop3A_802 = arith.constant 1 : i32
    scf.for %parallel_loop3A_1102 = %parallel_loop3A_800 to %parallel_loop3A_801 step %parallel_loop3A_802  : i32 {
      %parallel_loop3A_1103 = arith.constant 6 : i32
      %parallel_loop3A_1104 = arith.shrsi %parallel_loop3A_1102, %parallel_loop3A_1103 : i32
      %parallel_loop3A_1105 = arith.constant 63 : i32
      %parallel_loop3A_1106 = arith.andi %parallel_loop3A_1102, %parallel_loop3A_1105 : i32
      %parallel_loop3A_1107 = arith.constant 4 : i32
      %parallel_loop3A_1108 = arith.shli %parallel_loop3A_1106, %parallel_loop3A_1107 : i32
      %parallel_loop3A_1109 = tpu.assume_multiple %parallel_loop3A_1108, 16 : i32
      %parallel_loop3A_1110 = arith.index_cast %parallel_loop3A_1104 : i32 to index
      %parallel_loop3A_1111 = arith.index_cast %parallel_loop3A_1109 : i32 to index
      %parallel_loop3A_1112 = tpu.vector_load %arg13[%parallel_loop3A_1110, %parallel_loop3A_1111] {strides = array<i32>} : memref<16x1024xf32, #tpu.memory_space<vmem>>, vector<1x16xf32>,
      %parallel_loop3A_1113 = vector.shape_cast %parallel_loop3A_1112 : vector<1x16xf32> to vector<16xf32>
      %parallel_loop3A_1114 = arith.index_cast %parallel_loop3A_1104 : i32 to index
      %parallel_loop3A_1115 = arith.index_cast %parallel_loop3A_1109 : i32 to index
      %parallel_loop3A_1116 = tpu.vector_load %arg8[%parallel_loop3A_1114, %parallel_loop3A_1115] {strides = array<i32>} : memref<16x1024xf32, #tpu.memory_space<vmem>>, vector<1x16xf32>,
      %parallel_loop3A_1117 = vector.shape_cast %parallel_loop3A_1116 : vector<1x16xf32> to vector<16xf32>
      %parallel_loop3A_1118 = vector.shape_cast %parallel_loop3A_1113 : vector<16xf32> to vector<1x16xf32>
      tpu.vector_store %arg8[%parallel_loop3A_1114, %parallel_loop3A_1115], %parallel_loop3A_1118 {add = true, strides = array<i32>} : memref<16x1024xf32, #tpu.memory_space<vmem>>, vector<1x16xf32>,
    } {sc.loop_unroll_factor = 4 : i64, sc.parallel_access}
    %add3A_803 = arith.constant 4096 : i32
    %add3A_804 = arith.addi %add3A_803, %mul3A_2 : i32
    %add3A_805 = arith.constant 80 : i32
    %add3A_806 = arith.addi %add3A_804, %add3A_805 : i32
    %dma_start3A_807 = arith.constant 0 : i32
    %dma_start3A_808 = tpu.memref_slice %arg5[%add3A_806, %dma_start3A_807] : memref<16384x1024xf32, #tpu.memory_space<hbm>> -> memref<16x1024xf32, #tpu.memory_space<hbm>>
    %dma_start3A_809 = arith.constant 0 : i32
    %dma_start3A_810 = tpu.memref_slice %arg5[%add3A_806, %dma_start3A_809] : memref<16384x1024xf32, #tpu.memory_space<hbm>> -> memref<16x1024xf32, #tpu.memory_space<hbm>>
    tpu.enqueue_dma source(%arg8 : memref<16x1024xf32, #tpu.memory_space<vmem>>) target(%dma_start3A_810 : memref<16x1024xf32, #tpu.memory_space<hbm>>) target_semaphore(%arg15 : memref<!tpu.dma_semaphore, #tpu.memory_space<semaphore_mem>>)
    %dma_wait3A_811 = arith.constant 0 : i32
    %dma_wait3A_812 = tpu.memref_slice %arg5[%add3A_771, %dma_wait3A_811] : memref<16384x1024xf32, #tpu.memory_space<hbm>> -> memref<16x1024xf32, #tpu.memory_space<hbm>>
    %dma_wait3A_813 = arith.constant 0 : i32
    %dma_wait3A_814 = tpu.memref_slice %arg5[%add3A_771, %dma_wait3A_813] : memref<16384x1024xf32, #tpu.memory_space<hbm>> -> memref<16x1024xf32, #tpu.memory_space<hbm>>
    tpu.wait_dma2 semaphore(%arg15 : memref<!tpu.dma_semaphore, #tpu.memory_space<semaphore_mem>>) src(%arg7 : memref<16x1024xf32, #tpu.memory_space<vmem>>) dst(%dma_wait3A_814 : memref<16x1024xf32, #tpu.memory_space<hbm>>)
    %dma_start3A_815 = arith.constant 1 : i32
    %dma_start3A_816 = arith.constant 96 : i32
    %dma_start3A_817 = tpu.memref_slice %arg6[%dma_start3A_815, %dma_start3A_816] : memref<4x128xi32, #tpu.memory_space<vmem>> -> memref<1x16xi32, #tpu.memory_space<vmem>>
    %dma_start3A_818 = tpu.memref_squeeze %dma_start3A_817 : memref<1x16xi32, #tpu.memory_space<vmem>> -> memref<16xi32, #tpu.memory_space<vmem>>
    %dma_start3A_819 = arith.constant 0 : i32
    %dma_start3A_820 = arith.constant 0 : i32
    %dma_start3A_821 = tpu.memref_slice %arg3[%dma_start3A_819, %dma_start3A_820] : memref<100000x1024xf32, #tpu.memory_space<hbm>> -> memref<100000x1024xf32, #tpu.memory_space<hbm>>
    tpu.enqueue_indirect_dma source(%dma_start3A_821 : memref<100000x1024xf32, #tpu.memory_space<hbm>>) target(%arg7 : memref<16x1024xf32, #tpu.memory_space<vmem>>) offsets(%dma_start3A_818 : memref<16xi32, #tpu.memory_space<vmem>>) semaphore(%arg14 : memref<!tpu.dma_semaphore, #tpu.memory_space<semaphore_mem>>)
    %dma_wait3A_822 = arith.constant 2 : i32
    %dma_wait3A_823 = arith.constant 80 : i32
    %dma_wait3A_824 = tpu.memref_slice %arg6[%dma_wait3A_822, %dma_wait3A_823] : memref<4x128xi32, #tpu.memory_space<vmem>> -> memref<1x16xi32, #tpu.memory_space<vmem>>
    %dma_wait3A_825 = tpu.memref_squeeze %dma_wait3A_824 : memref<1x16xi32, #tpu.memory_space<vmem>> -> memref<16xi32, #tpu.memory_space<vmem>>
    %dma_wait3A_826 = arith.constant 0 : i32
    %dma_wait3A_827 = arith.constant 0 : i32
    %dma_wait3A_828 = tpu.memref_slice %arg3[%dma_wait3A_826, %dma_wait3A_827] : memref<100000x1024xf32, #tpu.memory_space<hbm>> -> memref<100000x1024xf32, #tpu.memory_space<hbm>>
    tpu.wait_indirect_dma semaphore(%arg14 : memref<!tpu.dma_semaphore, #tpu.memory_space<semaphore_mem>>) src(%dma_wait3A_828 : memref<100000x1024xf32, #tpu.memory_space<hbm>>) dst(%arg9 : memref<16x1024xf32, #tpu.memory_space<vmem>>)
    %parallel_loop3A_829 = arith.constant 0 : i32
    %parallel_loop3A_830 = arith.constant 1024 : i32
    %parallel_loop3A_831 = arith.constant 1 : i32
    scf.for %parallel_loop3A_1102 = %parallel_loop3A_829 to %parallel_loop3A_830 step %parallel_loop3A_831  : i32 {
      %parallel_loop3A_1103 = arith.constant 6 : i32
      %parallel_loop3A_1104 = arith.shrsi %parallel_loop3A_1102, %parallel_loop3A_1103 : i32
      %parallel_loop3A_1105 = arith.constant 63 : i32
      %parallel_loop3A_1106 = arith.andi %parallel_loop3A_1102, %parallel_loop3A_1105 : i32
      %parallel_loop3A_1107 = arith.constant 4 : i32
      %parallel_loop3A_1108 = arith.shli %parallel_loop3A_1106, %parallel_loop3A_1107 : i32
      %parallel_loop3A_1109 = tpu.assume_multiple %parallel_loop3A_1108, 16 : i32
      %parallel_loop3A_1110 = arith.index_cast %parallel_loop3A_1104 : i32 to index
      %parallel_loop3A_1111 = arith.index_cast %parallel_loop3A_1109 : i32 to index
      %parallel_loop3A_1112 = tpu.vector_load %arg13[%parallel_loop3A_1110, %parallel_loop3A_1111] {strides = array<i32>} : memref<16x1024xf32, #tpu.memory_space<vmem>>, vector<1x16xf32>,
      %parallel_loop3A_1113 = vector.shape_cast %parallel_loop3A_1112 : vector<1x16xf32> to vector<16xf32>
      %parallel_loop3A_1114 = arith.index_cast %parallel_loop3A_1104 : i32 to index
      %parallel_loop3A_1115 = arith.index_cast %parallel_loop3A_1109 : i32 to index
      %parallel_loop3A_1116 = tpu.vector_load %arg9[%parallel_loop3A_1114, %parallel_loop3A_1115] {strides = array<i32>} : memref<16x1024xf32, #tpu.memory_space<vmem>>, vector<1x16xf32>,
      %parallel_loop3A_1117 = vector.shape_cast %parallel_loop3A_1116 : vector<1x16xf32> to vector<16xf32>
      %parallel_loop3A_1118 = vector.shape_cast %parallel_loop3A_1113 : vector<16xf32> to vector<1x16xf32>
      tpu.vector_store %arg9[%parallel_loop3A_1114, %parallel_loop3A_1115], %parallel_loop3A_1118 {add = true, strides = array<i32>} : memref<16x1024xf32, #tpu.memory_space<vmem>>, vector<1x16xf32>,
    } {sc.loop_unroll_factor = 4 : i64, sc.parallel_access}
    %add3A_832 = arith.constant 8192 : i32
    %add3A_833 = arith.addi %add3A_832, %mul3A_2 : i32
    %add3A_834 = arith.constant 80 : i32
    %add3A_835 = arith.addi %add3A_833, %add3A_834 : i32
    %dma_start3A_836 = arith.constant 0 : i32
    %dma_start3A_837 = tpu.memref_slice %arg5[%add3A_835, %dma_start3A_836] : memref<16384x1024xf32, #tpu.memory_space<hbm>> -> memref<16x1024xf32, #tpu.memory_space<hbm>>
    %dma_start3A_838 = arith.constant 0 : i32
    %dma_start3A_839 = tpu.memref_slice %arg5[%add3A_835, %dma_start3A_838] : memref<16384x1024xf32, #tpu.memory_space<hbm>> -> memref<16x1024xf32, #tpu.memory_space<hbm>>
    tpu.enqueue_dma source(%arg9 : memref<16x1024xf32, #tpu.memory_space<vmem>>) target(%dma_start3A_839 : memref<16x1024xf32, #tpu.memory_space<hbm>>) target_semaphore(%arg15 : memref<!tpu.dma_semaphore, #tpu.memory_space<semaphore_mem>>)
    %dma_wait3A_840 = arith.constant 0 : i32
    %dma_wait3A_841 = tpu.memref_slice %arg5[%add3A_806, %dma_wait3A_840] : memref<16384x1024xf32, #tpu.memory_space<hbm>> -> memref<16x1024xf32, #tpu.memory_space<hbm>>
    %dma_wait3A_842 = arith.constant 0 : i32
    %dma_wait3A_843 = tpu.memref_slice %arg5[%add3A_806, %dma_wait3A_842] : memref<16384x1024xf32, #tpu.memory_space<hbm>> -> memref<16x1024xf32, #tpu.memory_space<hbm>>
    tpu.wait_dma2 semaphore(%arg15 : memref<!tpu.dma_semaphore, #tpu.memory_space<semaphore_mem>>) src(%arg8 : memref<16x1024xf32, #tpu.memory_space<vmem>>) dst(%dma_wait3A_843 : memref<16x1024xf32, #tpu.memory_space<hbm>>)
    %dma_start3A_844 = arith.constant 2 : i32
    %dma_start3A_845 = arith.constant 96 : i32
    %dma_start3A_846 = tpu.memref_slice %arg6[%dma_start3A_844, %dma_start3A_845] : memref<4x128xi32, #tpu.memory_space<vmem>> -> memref<1x16xi32, #tpu.memory_space<vmem>>
    %dma_start3A_847 = tpu.memref_squeeze %dma_start3A_846 : memref<1x16xi32, #tpu.memory_space<vmem>> -> memref<16xi32, #tpu.memory_space<vmem>>
    %dma_start3A_848 = arith.constant 0 : i32
    %dma_start3A_849 = arith.constant 0 : i32
    %dma_start3A_850 = tpu.memref_slice %arg3[%dma_start3A_848, %dma_start3A_849] : memref<100000x1024xf32, #tpu.memory_space<hbm>> -> memref<100000x1024xf32, #tpu.memory_space<hbm>>
    tpu.enqueue_indirect_dma source(%dma_start3A_850 : memref<100000x1024xf32, #tpu.memory_space<hbm>>) target(%arg8 : memref<16x1024xf32, #tpu.memory_space<vmem>>) offsets(%dma_start3A_847 : memref<16xi32, #tpu.memory_space<vmem>>) semaphore(%arg14 : memref<!tpu.dma_semaphore, #tpu.memory_space<semaphore_mem>>)
    %dma_wait3A_851 = arith.constant 3 : i32
    %dma_wait3A_852 = arith.constant 80 : i32
    %dma_wait3A_853 = tpu.memref_slice %arg6[%dma_wait3A_851, %dma_wait3A_852] : memref<4x128xi32, #tpu.memory_space<vmem>> -> memref<1x16xi32, #tpu.memory_space<vmem>>
    %dma_wait3A_854 = tpu.memref_squeeze %dma_wait3A_853 : memref<1x16xi32, #tpu.memory_space<vmem>> -> memref<16xi32, #tpu.memory_space<vmem>>
    %dma_wait3A_855 = arith.constant 0 : i32
    %dma_wait3A_856 = arith.constant 0 : i32
    %dma_wait3A_857 = tpu.memref_slice %arg3[%dma_wait3A_855, %dma_wait3A_856] : memref<100000x1024xf32, #tpu.memory_space<hbm>> -> memref<100000x1024xf32, #tpu.memory_space<hbm>>
    tpu.wait_indirect_dma semaphore(%arg14 : memref<!tpu.dma_semaphore, #tpu.memory_space<semaphore_mem>>) src(%dma_wait3A_857 : memref<100000x1024xf32, #tpu.memory_space<hbm>>) dst(%arg10 : memref<16x1024xf32, #tpu.memory_space<vmem>>)
    %parallel_loop3A_858 = arith.constant 0 : i32
    %parallel_loop3A_859 = arith.constant 1024 : i32
    %parallel_loop3A_860 = arith.constant 1 : i32
    scf.for %parallel_loop3A_1102 = %parallel_loop3A_858 to %parallel_loop3A_859 step %parallel_loop3A_860  : i32 {
      %parallel_loop3A_1103 = arith.constant 6 : i32
      %parallel_loop3A_1104 = arith.shrsi %parallel_loop3A_1102, %parallel_loop3A_1103 : i32
      %parallel_loop3A_1105 = arith.constant 63 : i32
      %parallel_loop3A_1106 = arith.andi %parallel_loop3A_1102, %parallel_loop3A_1105 : i32
      %parallel_loop3A_1107 = arith.constant 4 : i32
      %parallel_loop3A_1108 = arith.shli %parallel_loop3A_1106, %parallel_loop3A_1107 : i32
      %parallel_loop3A_1109 = tpu.assume_multiple %parallel_loop3A_1108, 16 : i32
      %parallel_loop3A_1110 = arith.index_cast %parallel_loop3A_1104 : i32 to index
      %parallel_loop3A_1111 = arith.index_cast %parallel_loop3A_1109 : i32 to index
      %parallel_loop3A_1112 = tpu.vector_load %arg13[%parallel_loop3A_1110, %parallel_loop3A_1111] {strides = array<i32>} : memref<16x1024xf32, #tpu.memory_space<vmem>>, vector<1x16xf32>,
      %parallel_loop3A_1113 = vector.shape_cast %parallel_loop3A_1112 : vector<1x16xf32> to vector<16xf32>
      %parallel_loop3A_1114 = arith.index_cast %parallel_loop3A_1104 : i32 to index
      %parallel_loop3A_1115 = arith.index_cast %parallel_loop3A_1109 : i32 to index
      %parallel_loop3A_1116 = tpu.vector_load %arg10[%parallel_loop3A_1114, %parallel_loop3A_1115] {strides = array<i32>} : memref<16x1024xf32, #tpu.memory_space<vmem>>, vector<1x16xf32>,
      %parallel_loop3A_1117 = vector.shape_cast %parallel_loop3A_1116 : vector<1x16xf32> to vector<16xf32>
      %parallel_loop3A_1118 = vector.shape_cast %parallel_loop3A_1113 : vector<16xf32> to vector<1x16xf32>
      tpu.vector_store %arg10[%parallel_loop3A_1114, %parallel_loop3A_1115], %parallel_loop3A_1118 {add = true, strides = array<i32>} : memref<16x1024xf32, #tpu.memory_space<vmem>>, vector<1x16xf32>,
    } {sc.loop_unroll_factor = 4 : i64, sc.parallel_access}
    %add3A_861 = arith.constant 12288 : i32
    %add3A_862 = arith.addi %add3A_861, %mul3A_2 : i32
    %add3A_863 = arith.constant 80 : i32
    %add3A_864 = arith.addi %add3A_862, %add3A_863 : i32
    %dma_start3A_865 = arith.constant 0 : i32
    %dma_start3A_866 = tpu.memref_slice %arg5[%add3A_864, %dma_start3A_865] : memref<16384x1024xf32, #tpu.memory_space<hbm>> -> memref<16x1024xf32, #tpu.memory_space<hbm>>
    %dma_start3A_867 = arith.constant 0 : i32
    %dma_start3A_868 = tpu.memref_slice %arg5[%add3A_864, %dma_start3A_867] : memref<16384x1024xf32, #tpu.memory_space<hbm>> -> memref<16x1024xf32, #tpu.memory_space<hbm>>
    tpu.enqueue_dma source(%arg10 : memref<16x1024xf32, #tpu.memory_space<vmem>>) target(%dma_start3A_868 : memref<16x1024xf32, #tpu.memory_space<hbm>>) target_semaphore(%arg15 : memref<!tpu.dma_semaphore, #tpu.memory_space<semaphore_mem>>)
    %dma_wait3A_869 = arith.constant 0 : i32
    %dma_wait3A_870 = tpu.memref_slice %arg5[%add3A_835, %dma_wait3A_869] : memref<16384x1024xf32, #tpu.memory_space<hbm>> -> memref<16x1024xf32, #tpu.memory_space<hbm>>
    %dma_wait3A_871 = arith.constant 0 : i32
    %dma_wait3A_872 = tpu.memref_slice %arg5[%add3A_835, %dma_wait3A_871] : memref<16384x1024xf32, #tpu.memory_space<hbm>> -> memref<16x1024xf32, #tpu.memory_space<hbm>>
    tpu.wait_dma2 semaphore(%arg15 : memref<!tpu.dma_semaphore, #tpu.memory_space<semaphore_mem>>) src(%arg9 : memref<16x1024xf32, #tpu.memory_space<vmem>>) dst(%dma_wait3A_872 : memref<16x1024xf32, #tpu.memory_space<hbm>>)
    %dma_start3A_873 = arith.constant 3 : i32
    %dma_start3A_874 = arith.constant 96 : i32
    %dma_start3A_875 = tpu.memref_slice %arg6[%dma_start3A_873, %dma_start3A_874] : memref<4x128xi32, #tpu.memory_space<vmem>> -> memref<1x16xi32, #tpu.memory_space<vmem>>
    %dma_start3A_876 = tpu.memref_squeeze %dma_start3A_875 : memref<1x16xi32, #tpu.memory_space<vmem>> -> memref<16xi32, #tpu.memory_space<vmem>>
    %dma_start3A_877 = arith.constant 0 : i32
    %dma_start3A_878 = arith.constant 0 : i32
    %dma_start3A_879 = tpu.memref_slice %arg3[%dma_start3A_877, %dma_start3A_878] : memref<100000x1024xf32, #tpu.memory_space<hbm>> -> memref<100000x1024xf32, #tpu.memory_space<hbm>>
    tpu.enqueue_indirect_dma source(%dma_start3A_879 : memref<100000x1024xf32, #tpu.memory_space<hbm>>) target(%arg9 : memref<16x1024xf32, #tpu.memory_space<vmem>>) offsets(%dma_start3A_876 : memref<16xi32, #tpu.memory_space<vmem>>) semaphore(%arg14 : memref<!tpu.dma_semaphore, #tpu.memory_space<semaphore_mem>>)
    %dma_wait3A_880 = arith.constant 0 : i32
    %dma_wait3A_881 = tpu.memref_slice %arg4[%add3A_781, %dma_wait3A_880] : memref<8192x1024xf32, #tpu.memory_space<hbm>> -> memref<16x1024xf32, #tpu.memory_space<hbm>>
    %dma_wait3A_882 = arith.constant 0 : i32
    %dma_wait3A_883 = tpu.memref_slice %arg4[%add3A_781, %dma_wait3A_882] : memref<8192x1024xf32, #tpu.memory_space<hbm>> -> memref<16x1024xf32, #tpu.memory_space<hbm>>
    tpu.wait_dma2 semaphore(%arg16 : memref<!tpu.dma_semaphore, #tpu.memory_space<semaphore_mem>>) src(%dma_wait3A_883 : memref<16x1024xf32, #tpu.memory_space<hbm>>) dst(%arg12 : memref<16x1024xf32, #tpu.memory_space<vmem>>)
    %dma_wait3A_884 = arith.constant 0 : i32
    %dma_wait3A_885 = arith.constant 96 : i32
    %dma_wait3A_886 = tpu.memref_slice %arg6[%dma_wait3A_884, %dma_wait3A_885] : memref<4x128xi32, #tpu.memory_space<vmem>> -> memref<1x16xi32, #tpu.memory_space<vmem>>
    %dma_wait3A_887 = tpu.memref_squeeze %dma_wait3A_886 : memref<1x16xi32, #tpu.memory_space<vmem>> -> memref<16xi32, #tpu.memory_space<vmem>>
    %dma_wait3A_888 = arith.constant 0 : i32
    %dma_wait3A_889 = arith.constant 0 : i32
    %dma_wait3A_890 = tpu.memref_slice %arg3[%dma_wait3A_888, %dma_wait3A_889] : memref<100000x1024xf32, #tpu.memory_space<hbm>> -> memref<100000x1024xf32, #tpu.memory_space<hbm>>
    tpu.wait_indirect_dma semaphore(%arg14 : memref<!tpu.dma_semaphore, #tpu.memory_space<semaphore_mem>>) src(%dma_wait3A_890 : memref<100000x1024xf32, #tpu.memory_space<hbm>>) dst(%arg11 : memref<16x1024xf32, #tpu.memory_space<vmem>>)
    %parallel_loop3A_891 = arith.constant 0 : i32
    %parallel_loop3A_892 = arith.constant 1024 : i32
    %parallel_loop3A_893 = arith.constant 1 : i32
    scf.for %parallel_loop3A_1102 = %parallel_loop3A_891 to %parallel_loop3A_892 step %parallel_loop3A_893  : i32 {
      %parallel_loop3A_1103 = arith.constant 6 : i32
      %parallel_loop3A_1104 = arith.shrsi %parallel_loop3A_1102, %parallel_loop3A_1103 : i32
      %parallel_loop3A_1105 = arith.constant 63 : i32
      %parallel_loop3A_1106 = arith.andi %parallel_loop3A_1102, %parallel_loop3A_1105 : i32
      %parallel_loop3A_1107 = arith.constant 4 : i32
      %parallel_loop3A_1108 = arith.shli %parallel_loop3A_1106, %parallel_loop3A_1107 : i32
      %parallel_loop3A_1109 = tpu.assume_multiple %parallel_loop3A_1108, 16 : i32
      %parallel_loop3A_1110 = arith.index_cast %parallel_loop3A_1104 : i32 to index
      %parallel_loop3A_1111 = arith.index_cast %parallel_loop3A_1109 : i32 to index
      %parallel_loop3A_1112 = tpu.vector_load %arg12[%parallel_loop3A_1110, %parallel_loop3A_1111] {strides = array<i32>} : memref<16x1024xf32, #tpu.memory_space<vmem>>, vector<1x16xf32>,
      %parallel_loop3A_1113 = vector.shape_cast %parallel_loop3A_1112 : vector<1x16xf32> to vector<16xf32>
      %parallel_loop3A_1114 = arith.index_cast %parallel_loop3A_1104 : i32 to index
      %parallel_loop3A_1115 = arith.index_cast %parallel_loop3A_1109 : i32 to index
      %parallel_loop3A_1116 = tpu.vector_load %arg11[%parallel_loop3A_1114, %parallel_loop3A_1115] {strides = array<i32>} : memref<16x1024xf32, #tpu.memory_space<vmem>>, vector<1x16xf32>,
      %parallel_loop3A_1117 = vector.shape_cast %parallel_loop3A_1116 : vector<1x16xf32> to vector<16xf32>
      %parallel_loop3A_1118 = vector.shape_cast %parallel_loop3A_1113 : vector<16xf32> to vector<1x16xf32>
      tpu.vector_store %arg11[%parallel_loop3A_1114, %parallel_loop3A_1115], %parallel_loop3A_1118 {add = true, strides = array<i32>} : memref<16x1024xf32, #tpu.memory_space<vmem>>, vector<1x16xf32>,
    } {sc.loop_unroll_factor = 4 : i64, sc.parallel_access}
    %add3A_894 = arith.constant 0 : i32
    %add3A_895 = arith.addi %add3A_894, %mul3A_2 : i32
    %add3A_896 = arith.constant 96 : i32
    %add3A_897 = arith.addi %add3A_895, %add3A_896 : i32
    %dma_start3A_898 = arith.constant 0 : i32
    %dma_start3A_899 = tpu.memref_slice %arg5[%add3A_897, %dma_start3A_898] : memref<16384x1024xf32, #tpu.memory_space<hbm>> -> memref<16x1024xf32, #tpu.memory_space<hbm>>
    %dma_start3A_900 = arith.constant 0 : i32
    %dma_start3A_901 = tpu.memref_slice %arg5[%add3A_897, %dma_start3A_900] : memref<16384x1024xf32, #tpu.memory_space<hbm>> -> memref<16x1024xf32, #tpu.memory_space<hbm>>
    tpu.enqueue_dma source(%arg11 : memref<16x1024xf32, #tpu.memory_space<vmem>>) target(%dma_start3A_901 : memref<16x1024xf32, #tpu.memory_space<hbm>>) target_semaphore(%arg15 : memref<!tpu.dma_semaphore, #tpu.memory_space<semaphore_mem>>)
    %dma_wait3A_902 = arith.constant 0 : i32
    %dma_wait3A_903 = tpu.memref_slice %arg5[%add3A_864, %dma_wait3A_902] : memref<16384x1024xf32, #tpu.memory_space<hbm>> -> memref<16x1024xf32, #tpu.memory_space<hbm>>
    %dma_wait3A_904 = arith.constant 0 : i32
    %dma_wait3A_905 = tpu.memref_slice %arg5[%add3A_864, %dma_wait3A_904] : memref<16384x1024xf32, #tpu.memory_space<hbm>> -> memref<16x1024xf32, #tpu.memory_space<hbm>>
    tpu.wait_dma2 semaphore(%arg15 : memref<!tpu.dma_semaphore, #tpu.memory_space<semaphore_mem>>) src(%arg10 : memref<16x1024xf32, #tpu.memory_space<vmem>>) dst(%dma_wait3A_905 : memref<16x1024xf32, #tpu.memory_space<hbm>>)
    %add3A_906 = arith.constant 112 : i32
    %add3A_907 = arith.addi %mul3A_2, %add3A_906 : i32
    %dma_start3A_908 = arith.constant 0 : i32
    %dma_start3A_909 = tpu.memref_slice %arg4[%add3A_907, %dma_start3A_908] : memref<8192x1024xf32, #tpu.memory_space<hbm>> -> memref<16x1024xf32, #tpu.memory_space<hbm>>
    %dma_start3A_910 = arith.constant 0 : i32
    %dma_start3A_911 = tpu.memref_slice %arg4[%add3A_907, %dma_start3A_910] : memref<8192x1024xf32, #tpu.memory_space<hbm>> -> memref<16x1024xf32, #tpu.memory_space<hbm>>
    tpu.enqueue_dma source(%dma_start3A_911 : memref<16x1024xf32, #tpu.memory_space<hbm>>) target(%arg13 : memref<16x1024xf32, #tpu.memory_space<vmem>>) target_semaphore(%arg16 : memref<!tpu.dma_semaphore, #tpu.memory_space<semaphore_mem>>)
    %dma_start3A_912 = arith.constant 0 : i32
    %dma_start3A_913 = arith.constant 112 : i32
    %dma_start3A_914 = tpu.memref_slice %arg6[%dma_start3A_912, %dma_start3A_913] : memref<4x128xi32, #tpu.memory_space<vmem>> -> memref<1x16xi32, #tpu.memory_space<vmem>>
    %dma_start3A_915 = tpu.memref_squeeze %dma_start3A_914 : memref<1x16xi32, #tpu.memory_space<vmem>> -> memref<16xi32, #tpu.memory_space<vmem>>
    %dma_start3A_916 = arith.constant 0 : i32
    %dma_start3A_917 = arith.constant 0 : i32
    %dma_start3A_918 = tpu.memref_slice %arg3[%dma_start3A_916, %dma_start3A_917] : memref<100000x1024xf32, #tpu.memory_space<hbm>> -> memref<100000x1024xf32, #tpu.memory_space<hbm>>
    tpu.enqueue_indirect_dma source(%dma_start3A_918 : memref<100000x1024xf32, #tpu.memory_space<hbm>>) target(%arg10 : memref<16x1024xf32, #tpu.memory_space<vmem>>) offsets(%dma_start3A_915 : memref<16xi32, #tpu.memory_space<vmem>>) semaphore(%arg14 : memref<!tpu.dma_semaphore, #tpu.memory_space<semaphore_mem>>)
    %dma_wait3A_919 = arith.constant 1 : i32
    %dma_wait3A_920 = arith.constant 96 : i32
    %dma_wait3A_921 = tpu.memref_slice %arg6[%dma_wait3A_919, %dma_wait3A_920] : memref<4x128xi32, #tpu.memory_space<vmem>> -> memref<1x16xi32, #tpu.memory_space<vmem>>
    %dma_wait3A_922 = tpu.memref_squeeze %dma_wait3A_921 : memref<1x16xi32, #tpu.memory_space<vmem>> -> memref<16xi32, #tpu.memory_space<vmem>>
    %dma_wait3A_923 = arith.constant 0 : i32
    %dma_wait3A_924 = arith.constant 0 : i32
    %dma_wait3A_925 = tpu.memref_slice %arg3[%dma_wait3A_923, %dma_wait3A_924] : memref<100000x1024xf32, #tpu.memory_space<hbm>> -> memref<100000x1024xf32, #tpu.memory_space<hbm>>
    tpu.wait_indirect_dma semaphore(%arg14 : memref<!tpu.dma_semaphore, #tpu.memory_space<semaphore_mem>>) src(%dma_wait3A_925 : memref<100000x1024xf32, #tpu.memory_space<hbm>>) dst(%arg7 : memref<16x1024xf32, #tpu.memory_space<vmem>>)
    %parallel_loop3A_926 = arith.constant 0 : i32
    %parallel_loop3A_927 = arith.constant 1024 : i32
    %parallel_loop3A_928 = arith.constant 1 : i32
    scf.for %parallel_loop3A_1102 = %parallel_loop3A_926 to %parallel_loop3A_927 step %parallel_loop3A_928  : i32 {
      %parallel_loop3A_1103 = arith.constant 6 : i32
      %parallel_loop3A_1104 = arith.shrsi %parallel_loop3A_1102, %parallel_loop3A_1103 : i32
      %parallel_loop3A_1105 = arith.constant 63 : i32
      %parallel_loop3A_1106 = arith.andi %parallel_loop3A_1102, %parallel_loop3A_1105 : i32
      %parallel_loop3A_1107 = arith.constant 4 : i32
      %parallel_loop3A_1108 = arith.shli %parallel_loop3A_1106, %parallel_loop3A_1107 : i32
      %parallel_loop3A_1109 = tpu.assume_multiple %parallel_loop3A_1108, 16 : i32
      %parallel_loop3A_1110 = arith.index_cast %parallel_loop3A_1104 : i32 to index
      %parallel_loop3A_1111 = arith.index_cast %parallel_loop3A_1109 : i32 to index
      %parallel_loop3A_1112 = tpu.vector_load %arg12[%parallel_loop3A_1110, %parallel_loop3A_1111] {strides = array<i32>} : memref<16x1024xf32, #tpu.memory_space<vmem>>, vector<1x16xf32>,
      %parallel_loop3A_1113 = vector.shape_cast %parallel_loop3A_1112 : vector<1x16xf32> to vector<16xf32>
      %parallel_loop3A_1114 = arith.index_cast %parallel_loop3A_1104 : i32 to index
      %parallel_loop3A_1115 = arith.index_cast %parallel_loop3A_1109 : i32 to index
      %parallel_loop3A_1116 = tpu.vector_load %arg7[%parallel_loop3A_1114, %parallel_loop3A_1115] {strides = array<i32>} : memref<16x1024xf32, #tpu.memory_space<vmem>>, vector<1x16xf32>,
      %parallel_loop3A_1117 = vector.shape_cast %parallel_loop3A_1116 : vector<1x16xf32> to vector<16xf32>
      %parallel_loop3A_1118 = vector.shape_cast %parallel_loop3A_1113 : vector<16xf32> to vector<1x16xf32>
      tpu.vector_store %arg7[%parallel_loop3A_1114, %parallel_loop3A_1115], %parallel_loop3A_1118 {add = true, strides = array<i32>} : memref<16x1024xf32, #tpu.memory_space<vmem>>, vector<1x16xf32>,
    } {sc.loop_unroll_factor = 4 : i64, sc.parallel_access}
    %add3A_929 = arith.constant 4096 : i32
    %add3A_930 = arith.addi %add3A_929, %mul3A_2 : i32
    %add3A_931 = arith.constant 96 : i32
    %add3A_932 = arith.addi %add3A_930, %add3A_931 : i32
    %dma_start3A_933 = arith.constant 0 : i32
    %dma_start3A_934 = tpu.memref_slice %arg5[%add3A_932, %dma_start3A_933] : memref<16384x1024xf32, #tpu.memory_space<hbm>> -> memref<16x1024xf32, #tpu.memory_space<hbm>>
    %dma_start3A_935 = arith.constant 0 : i32
    %dma_start3A_936 = tpu.memref_slice %arg5[%add3A_932, %dma_start3A_935] : memref<16384x1024xf32, #tpu.memory_space<hbm>> -> memref<16x1024xf32, #tpu.memory_space<hbm>>
    tpu.enqueue_dma source(%arg7 : memref<16x1024xf32, #tpu.memory_space<vmem>>) target(%dma_start3A_936 : memref<16x1024xf32, #tpu.memory_space<hbm>>) target_semaphore(%arg15 : memref<!tpu.dma_semaphore, #tpu.memory_space<semaphore_mem>>)
    %dma_wait3A_937 = arith.constant 0 : i32
    %dma_wait3A_938 = tpu.memref_slice %arg5[%add3A_897, %dma_wait3A_937] : memref<16384x1024xf32, #tpu.memory_space<hbm>> -> memref<16x1024xf32, #tpu.memory_space<hbm>>
    %dma_wait3A_939 = arith.constant 0 : i32
    %dma_wait3A_940 = tpu.memref_slice %arg5[%add3A_897, %dma_wait3A_939] : memref<16384x1024xf32, #tpu.memory_space<hbm>> -> memref<16x1024xf32, #tpu.memory_space<hbm>>
    tpu.wait_dma2 semaphore(%arg15 : memref<!tpu.dma_semaphore, #tpu.memory_space<semaphore_mem>>) src(%arg11 : memref<16x1024xf32, #tpu.memory_space<vmem>>) dst(%dma_wait3A_940 : memref<16x1024xf32, #tpu.memory_space<hbm>>)
    %dma_start3A_941 = arith.constant 1 : i32
    %dma_start3A_942 = arith.constant 112 : i32
    %dma_start3A_943 = tpu.memref_slice %arg6[%dma_start3A_941, %dma_start3A_942] : memref<4x128xi32, #tpu.memory_space<vmem>> -> memref<1x16xi32, #tpu.memory_space<vmem>>
    %dma_start3A_944 = tpu.memref_squeeze %dma_start3A_943 : memref<1x16xi32, #tpu.memory_space<vmem>> -> memref<16xi32, #tpu.memory_space<vmem>>
    %dma_start3A_945 = arith.constant 0 : i32
    %dma_start3A_946 = arith.constant 0 : i32
    %dma_start3A_947 = tpu.memref_slice %arg3[%dma_start3A_945, %dma_start3A_946] : memref<100000x1024xf32, #tpu.memory_space<hbm>> -> memref<100000x1024xf32, #tpu.memory_space<hbm>>
    tpu.enqueue_indirect_dma source(%dma_start3A_947 : memref<100000x1024xf32, #tpu.memory_space<hbm>>) target(%arg11 : memref<16x1024xf32, #tpu.memory_space<vmem>>) offsets(%dma_start3A_944 : memref<16xi32, #tpu.memory_space<vmem>>) semaphore(%arg14 : memref<!tpu.dma_semaphore, #tpu.memory_space<semaphore_mem>>)
    %dma_wait3A_948 = arith.constant 2 : i32
    %dma_wait3A_949 = arith.constant 96 : i32
    %dma_wait3A_950 = tpu.memref_slice %arg6[%dma_wait3A_948, %dma_wait3A_949] : memref<4x128xi32, #tpu.memory_space<vmem>> -> memref<1x16xi32, #tpu.memory_space<vmem>>
    %dma_wait3A_951 = tpu.memref_squeeze %dma_wait3A_950 : memref<1x16xi32, #tpu.memory_space<vmem>> -> memref<16xi32, #tpu.memory_space<vmem>>
    %dma_wait3A_952 = arith.constant 0 : i32
    %dma_wait3A_953 = arith.constant 0 : i32
    %dma_wait3A_954 = tpu.memref_slice %arg3[%dma_wait3A_952, %dma_wait3A_953] : memref<100000x1024xf32, #tpu.memory_space<hbm>> -> memref<100000x1024xf32, #tpu.memory_space<hbm>>
    tpu.wait_indirect_dma semaphore(%arg14 : memref<!tpu.dma_semaphore, #tpu.memory_space<semaphore_mem>>) src(%dma_wait3A_954 : memref<100000x1024xf32, #tpu.memory_space<hbm>>) dst(%arg8 : memref<16x1024xf32, #tpu.memory_space<vmem>>)
    %parallel_loop3A_955 = arith.constant 0 : i32
    %parallel_loop3A_956 = arith.constant 1024 : i32
    %parallel_loop3A_957 = arith.constant 1 : i32
    scf.for %parallel_loop3A_1102 = %parallel_loop3A_955 to %parallel_loop3A_956 step %parallel_loop3A_957  : i32 {
      %parallel_loop3A_1103 = arith.constant 6 : i32
      %parallel_loop3A_1104 = arith.shrsi %parallel_loop3A_1102, %parallel_loop3A_1103 : i32
      %parallel_loop3A_1105 = arith.constant 63 : i32
      %parallel_loop3A_1106 = arith.andi %parallel_loop3A_1102, %parallel_loop3A_1105 : i32
      %parallel_loop3A_1107 = arith.constant 4 : i32
      %parallel_loop3A_1108 = arith.shli %parallel_loop3A_1106, %parallel_loop3A_1107 : i32
      %parallel_loop3A_1109 = tpu.assume_multiple %parallel_loop3A_1108, 16 : i32
      %parallel_loop3A_1110 = arith.index_cast %parallel_loop3A_1104 : i32 to index
      %parallel_loop3A_1111 = arith.index_cast %parallel_loop3A_1109 : i32 to index
      %parallel_loop3A_1112 = tpu.vector_load %arg12[%parallel_loop3A_1110, %parallel_loop3A_1111] {strides = array<i32>} : memref<16x1024xf32, #tpu.memory_space<vmem>>, vector<1x16xf32>,
      %parallel_loop3A_1113 = vector.shape_cast %parallel_loop3A_1112 : vector<1x16xf32> to vector<16xf32>
      %parallel_loop3A_1114 = arith.index_cast %parallel_loop3A_1104 : i32 to index
      %parallel_loop3A_1115 = arith.index_cast %parallel_loop3A_1109 : i32 to index
      %parallel_loop3A_1116 = tpu.vector_load %arg8[%parallel_loop3A_1114, %parallel_loop3A_1115] {strides = array<i32>} : memref<16x1024xf32, #tpu.memory_space<vmem>>, vector<1x16xf32>,
      %parallel_loop3A_1117 = vector.shape_cast %parallel_loop3A_1116 : vector<1x16xf32> to vector<16xf32>
      %parallel_loop3A_1118 = vector.shape_cast %parallel_loop3A_1113 : vector<16xf32> to vector<1x16xf32>
      tpu.vector_store %arg8[%parallel_loop3A_1114, %parallel_loop3A_1115], %parallel_loop3A_1118 {add = true, strides = array<i32>} : memref<16x1024xf32, #tpu.memory_space<vmem>>, vector<1x16xf32>,
    } {sc.loop_unroll_factor = 4 : i64, sc.parallel_access}
    %add3A_958 = arith.constant 8192 : i32
    %add3A_959 = arith.addi %add3A_958, %mul3A_2 : i32
    %add3A_960 = arith.constant 96 : i32
    %add3A_961 = arith.addi %add3A_959, %add3A_960 : i32
    %dma_start3A_962 = arith.constant 0 : i32
    %dma_start3A_963 = tpu.memref_slice %arg5[%add3A_961, %dma_start3A_962] : memref<16384x1024xf32, #tpu.memory_space<hbm>> -> memref<16x1024xf32, #tpu.memory_space<hbm>>
    %dma_start3A_964 = arith.constant 0 : i32
    %dma_start3A_965 = tpu.memref_slice %arg5[%add3A_961, %dma_start3A_964] : memref<16384x1024xf32, #tpu.memory_space<hbm>> -> memref<16x1024xf32, #tpu.memory_space<hbm>>
    tpu.enqueue_dma source(%arg8 : memref<16x1024xf32, #tpu.memory_space<vmem>>) target(%dma_start3A_965 : memref<16x1024xf32, #tpu.memory_space<hbm>>) target_semaphore(%arg15 : memref<!tpu.dma_semaphore, #tpu.memory_space<semaphore_mem>>)
    %dma_wait3A_966 = arith.constant 0 : i32
    %dma_wait3A_967 = tpu.memref_slice %arg5[%add3A_932, %dma_wait3A_966] : memref<16384x1024xf32, #tpu.memory_space<hbm>> -> memref<16x1024xf32, #tpu.memory_space<hbm>>
    %dma_wait3A_968 = arith.constant 0 : i32
    %dma_wait3A_969 = tpu.memref_slice %arg5[%add3A_932, %dma_wait3A_968] : memref<16384x1024xf32, #tpu.memory_space<hbm>> -> memref<16x1024xf32, #tpu.memory_space<hbm>>
    tpu.wait_dma2 semaphore(%arg15 : memref<!tpu.dma_semaphore, #tpu.memory_space<semaphore_mem>>) src(%arg7 : memref<16x1024xf32, #tpu.memory_space<vmem>>) dst(%dma_wait3A_969 : memref<16x1024xf32, #tpu.memory_space<hbm>>)
    %dma_start3A_970 = arith.constant 2 : i32
    %dma_start3A_971 = arith.constant 112 : i32
    %dma_start3A_972 = tpu.memref_slice %arg6[%dma_start3A_970, %dma_start3A_971] : memref<4x128xi32, #tpu.memory_space<vmem>> -> memref<1x16xi32, #tpu.memory_space<vmem>>
    %dma_start3A_973 = tpu.memref_squeeze %dma_start3A_972 : memref<1x16xi32, #tpu.memory_space<vmem>> -> memref<16xi32, #tpu.memory_space<vmem>>
    %dma_start3A_974 = arith.constant 0 : i32
    %dma_start3A_975 = arith.constant 0 : i32
    %dma_start3A_976 = tpu.memref_slice %arg3[%dma_start3A_974, %dma_start3A_975] : memref<100000x1024xf32, #tpu.memory_space<hbm>> -> memref<100000x1024xf32, #tpu.memory_space<hbm>>
    tpu.enqueue_indirect_dma source(%dma_start3A_976 : memref<100000x1024xf32, #tpu.memory_space<hbm>>) target(%arg7 : memref<16x1024xf32, #tpu.memory_space<vmem>>) offsets(%dma_start3A_973 : memref<16xi32, #tpu.memory_space<vmem>>) semaphore(%arg14 : memref<!tpu.dma_semaphore, #tpu.memory_space<semaphore_mem>>)
    %dma_wait3A_977 = arith.constant 3 : i32
    %dma_wait3A_978 = arith.constant 96 : i32
    %dma_wait3A_979 = tpu.memref_slice %arg6[%dma_wait3A_977, %dma_wait3A_978] : memref<4x128xi32, #tpu.memory_space<vmem>> -> memref<1x16xi32, #tpu.memory_space<vmem>>
    %dma_wait3A_980 = tpu.memref_squeeze %dma_wait3A_979 : memref<1x16xi32, #tpu.memory_space<vmem>> -> memref<16xi32, #tpu.memory_space<vmem>>
    %dma_wait3A_981 = arith.constant 0 : i32
    %dma_wait3A_982 = arith.constant 0 : i32
    %dma_wait3A_983 = tpu.memref_slice %arg3[%dma_wait3A_981, %dma_wait3A_982] : memref<100000x1024xf32, #tpu.memory_space<hbm>> -> memref<100000x1024xf32, #tpu.memory_space<hbm>>
    tpu.wait_indirect_dma semaphore(%arg14 : memref<!tpu.dma_semaphore, #tpu.memory_space<semaphore_mem>>) src(%dma_wait3A_983 : memref<100000x1024xf32, #tpu.memory_space<hbm>>) dst(%arg9 : memref<16x1024xf32, #tpu.memory_space<vmem>>)
    %parallel_loop3A_984 = arith.constant 0 : i32
    %parallel_loop3A_985 = arith.constant 1024 : i32
    %parallel_loop3A_986 = arith.constant 1 : i32
    scf.for %parallel_loop3A_1102 = %parallel_loop3A_984 to %parallel_loop3A_985 step %parallel_loop3A_986  : i32 {
      %parallel_loop3A_1103 = arith.constant 6 : i32
      %parallel_loop3A_1104 = arith.shrsi %parallel_loop3A_1102, %parallel_loop3A_1103 : i32
      %parallel_loop3A_1105 = arith.constant 63 : i32
      %parallel_loop3A_1106 = arith.andi %parallel_loop3A_1102, %parallel_loop3A_1105 : i32
      %parallel_loop3A_1107 = arith.constant 4 : i32
      %parallel_loop3A_1108 = arith.shli %parallel_loop3A_1106, %parallel_loop3A_1107 : i32
      %parallel_loop3A_1109 = tpu.assume_multiple %parallel_loop3A_1108, 16 : i32
      %parallel_loop3A_1110 = arith.index_cast %parallel_loop3A_1104 : i32 to index
      %parallel_loop3A_1111 = arith.index_cast %parallel_loop3A_1109 : i32 to index
      %parallel_loop3A_1112 = tpu.vector_load %arg12[%parallel_loop3A_1110, %parallel_loop3A_1111] {strides = array<i32>} : memref<16x1024xf32, #tpu.memory_space<vmem>>, vector<1x16xf32>,
      %parallel_loop3A_1113 = vector.shape_cast %parallel_loop3A_1112 : vector<1x16xf32> to vector<16xf32>
      %parallel_loop3A_1114 = arith.index_cast %parallel_loop3A_1104 : i32 to index
      %parallel_loop3A_1115 = arith.index_cast %parallel_loop3A_1109 : i32 to index
      %parallel_loop3A_1116 = tpu.vector_load %arg9[%parallel_loop3A_1114, %parallel_loop3A_1115] {strides = array<i32>} : memref<16x1024xf32, #tpu.memory_space<vmem>>, vector<1x16xf32>,
      %parallel_loop3A_1117 = vector.shape_cast %parallel_loop3A_1116 : vector<1x16xf32> to vector<16xf32>
      %parallel_loop3A_1118 = vector.shape_cast %parallel_loop3A_1113 : vector<16xf32> to vector<1x16xf32>
      tpu.vector_store %arg9[%parallel_loop3A_1114, %parallel_loop3A_1115], %parallel_loop3A_1118 {add = true, strides = array<i32>} : memref<16x1024xf32, #tpu.memory_space<vmem>>, vector<1x16xf32>,
    } {sc.loop_unroll_factor = 4 : i64, sc.parallel_access}
    %add3A_987 = arith.constant 12288 : i32
    %add3A_988 = arith.addi %add3A_987, %mul3A_2 : i32
    %add3A_989 = arith.constant 96 : i32
    %add3A_990 = arith.addi %add3A_988, %add3A_989 : i32
    %dma_start3A_991 = arith.constant 0 : i32
    %dma_start3A_992 = tpu.memref_slice %arg5[%add3A_990, %dma_start3A_991] : memref<16384x1024xf32, #tpu.memory_space<hbm>> -> memref<16x1024xf32, #tpu.memory_space<hbm>>
    %dma_start3A_993 = arith.constant 0 : i32
    %dma_start3A_994 = tpu.memref_slice %arg5[%add3A_990, %dma_start3A_993] : memref<16384x1024xf32, #tpu.memory_space<hbm>> -> memref<16x1024xf32, #tpu.memory_space<hbm>>
    tpu.enqueue_dma source(%arg9 : memref<16x1024xf32, #tpu.memory_space<vmem>>) target(%dma_start3A_994 : memref<16x1024xf32, #tpu.memory_space<hbm>>) target_semaphore(%arg15 : memref<!tpu.dma_semaphore, #tpu.memory_space<semaphore_mem>>)
    %dma_wait3A_995 = arith.constant 0 : i32
    %dma_wait3A_996 = tpu.memref_slice %arg5[%add3A_961, %dma_wait3A_995] : memref<16384x1024xf32, #tpu.memory_space<hbm>> -> memref<16x1024xf32, #tpu.memory_space<hbm>>
    %dma_wait3A_997 = arith.constant 0 : i32
    %dma_wait3A_998 = tpu.memref_slice %arg5[%add3A_961, %dma_wait3A_997] : memref<16384x1024xf32, #tpu.memory_space<hbm>> -> memref<16x1024xf32, #tpu.memory_space<hbm>>
    tpu.wait_dma2 semaphore(%arg15 : memref<!tpu.dma_semaphore, #tpu.memory_space<semaphore_mem>>) src(%arg8 : memref<16x1024xf32, #tpu.memory_space<vmem>>) dst(%dma_wait3A_998 : memref<16x1024xf32, #tpu.memory_space<hbm>>)
    %dma_start3A_999 = arith.constant 3 : i32
    %dma_start3A_1000 = arith.constant 112 : i32
    %dma_start3A_1001 = tpu.memref_slice %arg6[%dma_start3A_999, %dma_start3A_1000] : memref<4x128xi32, #tpu.memory_space<vmem>> -> memref<1x16xi32, #tpu.memory_space<vmem>>
    %dma_start3A_1002 = tpu.memref_squeeze %dma_start3A_1001 : memref<1x16xi32, #tpu.memory_space<vmem>> -> memref<16xi32, #tpu.memory_space<vmem>>
    %dma_start3A_1003 = arith.constant 0 : i32
    %dma_start3A_1004 = arith.constant 0 : i32
    %dma_start3A_1005 = tpu.memref_slice %arg3[%dma_start3A_1003, %dma_start3A_1004] : memref<100000x1024xf32, #tpu.memory_space<hbm>> -> memref<100000x1024xf32, #tpu.memory_space<hbm>>
    tpu.enqueue_indirect_dma source(%dma_start3A_1005 : memref<100000x1024xf32, #tpu.memory_space<hbm>>) target(%arg8 : memref<16x1024xf32, #tpu.memory_space<vmem>>) offsets(%dma_start3A_1002 : memref<16xi32, #tpu.memory_space<vmem>>) semaphore(%arg14 : memref<!tpu.dma_semaphore, #tpu.memory_space<semaphore_mem>>)
    %dma_wait3A_1006 = arith.constant 0 : i32
    %dma_wait3A_1007 = tpu.memref_slice %arg4[%add3A_907, %dma_wait3A_1006] : memref<8192x1024xf32, #tpu.memory_space<hbm>> -> memref<16x1024xf32, #tpu.memory_space<hbm>>
    %dma_wait3A_1008 = arith.constant 0 : i32
    %dma_wait3A_1009 = tpu.memref_slice %arg4[%add3A_907, %dma_wait3A_1008] : memref<8192x1024xf32, #tpu.memory_space<hbm>> -> memref<16x1024xf32, #tpu.memory_space<hbm>>
    tpu.wait_dma2 semaphore(%arg16 : memref<!tpu.dma_semaphore, #tpu.memory_space<semaphore_mem>>) src(%dma_wait3A_1009 : memref<16x1024xf32, #tpu.memory_space<hbm>>) dst(%arg13 : memref<16x1024xf32, #tpu.memory_space<vmem>>)
    %dma_wait3A_1010 = arith.constant 0 : i32
    %dma_wait3A_1011 = arith.constant 112 : i32
    %dma_wait3A_1012 = tpu.memref_slice %arg6[%dma_wait3A_1010, %dma_wait3A_1011] : memref<4x128xi32, #tpu.memory_space<vmem>> -> memref<1x16xi32, #tpu.memory_space<vmem>>
    %dma_wait3A_1013 = tpu.memref_squeeze %dma_wait3A_1012 : memref<1x16xi32, #tpu.memory_space<vmem>> -> memref<16xi32, #tpu.memory_space<vmem>>
    %dma_wait3A_1014 = arith.constant 0 : i32
    %dma_wait3A_1015 = arith.constant 0 : i32
    %dma_wait3A_1016 = tpu.memref_slice %arg3[%dma_wait3A_1014, %dma_wait3A_1015] : memref<100000x1024xf32, #tpu.memory_space<hbm>> -> memref<100000x1024xf32, #tpu.memory_space<hbm>>
    tpu.wait_indirect_dma semaphore(%arg14 : memref<!tpu.dma_semaphore, #tpu.memory_space<semaphore_mem>>) src(%dma_wait3A_1016 : memref<100000x1024xf32, #tpu.memory_space<hbm>>) dst(%arg10 : memref<16x1024xf32, #tpu.memory_space<vmem>>)
    %parallel_loop3A_1017 = arith.constant 0 : i32
    %parallel_loop3A_1018 = arith.constant 1024 : i32
    %parallel_loop3A_1019 = arith.constant 1 : i32
    scf.for %parallel_loop3A_1102 = %parallel_loop3A_1017 to %parallel_loop3A_1018 step %parallel_loop3A_1019  : i32 {
      %parallel_loop3A_1103 = arith.constant 6 : i32
      %parallel_loop3A_1104 = arith.shrsi %parallel_loop3A_1102, %parallel_loop3A_1103 : i32
      %parallel_loop3A_1105 = arith.constant 63 : i32
      %parallel_loop3A_1106 = arith.andi %parallel_loop3A_1102, %parallel_loop3A_1105 : i32
      %parallel_loop3A_1107 = arith.constant 4 : i32
      %parallel_loop3A_1108 = arith.shli %parallel_loop3A_1106, %parallel_loop3A_1107 : i32
      %parallel_loop3A_1109 = tpu.assume_multiple %parallel_loop3A_1108, 16 : i32
      %parallel_loop3A_1110 = arith.index_cast %parallel_loop3A_1104 : i32 to index
      %parallel_loop3A_1111 = arith.index_cast %parallel_loop3A_1109 : i32 to index
      %parallel_loop3A_1112 = tpu.vector_load %arg13[%parallel_loop3A_1110, %parallel_loop3A_1111] {strides = array<i32>} : memref<16x1024xf32, #tpu.memory_space<vmem>>, vector<1x16xf32>,
      %parallel_loop3A_1113 = vector.shape_cast %parallel_loop3A_1112 : vector<1x16xf32> to vector<16xf32>
      %parallel_loop3A_1114 = arith.index_cast %parallel_loop3A_1104 : i32 to index
      %parallel_loop3A_1115 = arith.index_cast %parallel_loop3A_1109 : i32 to index
      %parallel_loop3A_1116 = tpu.vector_load %arg10[%parallel_loop3A_1114, %parallel_loop3A_1115] {strides = array<i32>} : memref<16x1024xf32, #tpu.memory_space<vmem>>, vector<1x16xf32>,
      %parallel_loop3A_1117 = vector.shape_cast %parallel_loop3A_1116 : vector<1x16xf32> to vector<16xf32>
      %parallel_loop3A_1118 = vector.shape_cast %parallel_loop3A_1113 : vector<16xf32> to vector<1x16xf32>
      tpu.vector_store %arg10[%parallel_loop3A_1114, %parallel_loop3A_1115], %parallel_loop3A_1118 {add = true, strides = array<i32>} : memref<16x1024xf32, #tpu.memory_space<vmem>>, vector<1x16xf32>,
    } {sc.loop_unroll_factor = 4 : i64, sc.parallel_access}
    %add3A_1020 = arith.constant 0 : i32
    %add3A_1021 = arith.addi %add3A_1020, %mul3A_2 : i32
    %add3A_1022 = arith.constant 112 : i32
    %add3A_1023 = arith.addi %add3A_1021, %add3A_1022 : i32
    %dma_start3A_1024 = arith.constant 0 : i32
    %dma_start3A_1025 = tpu.memref_slice %arg5[%add3A_1023, %dma_start3A_1024] : memref<16384x1024xf32, #tpu.memory_space<hbm>> -> memref<16x1024xf32, #tpu.memory_space<hbm>>
    %dma_start3A_1026 = arith.constant 0 : i32
    %dma_start3A_1027 = tpu.memref_slice %arg5[%add3A_1023, %dma_start3A_1026] : memref<16384x1024xf32, #tpu.memory_space<hbm>> -> memref<16x1024xf32, #tpu.memory_space<hbm>>
    tpu.enqueue_dma source(%arg10 : memref<16x1024xf32, #tpu.memory_space<vmem>>) target(%dma_start3A_1027 : memref<16x1024xf32, #tpu.memory_space<hbm>>) target_semaphore(%arg15 : memref<!tpu.dma_semaphore, #tpu.memory_space<semaphore_mem>>)
    %dma_wait3A_1028 = arith.constant 1 : i32
    %dma_wait3A_1029 = arith.constant 112 : i32
    %dma_wait3A_1030 = tpu.memref_slice %arg6[%dma_wait3A_1028, %dma_wait3A_1029] : memref<4x128xi32, #tpu.memory_space<vmem>> -> memref<1x16xi32, #tpu.memory_space<vmem>>
    %dma_wait3A_1031 = tpu.memref_squeeze %dma_wait3A_1030 : memref<1x16xi32, #tpu.memory_space<vmem>> -> memref<16xi32, #tpu.memory_space<vmem>>
    %dma_wait3A_1032 = arith.constant 0 : i32
    %dma_wait3A_1033 = arith.constant 0 : i32
    %dma_wait3A_1034 = tpu.memref_slice %arg3[%dma_wait3A_1032, %dma_wait3A_1033] : memref<100000x1024xf32, #tpu.memory_space<hbm>> -> memref<100000x1024xf32, #tpu.memory_space<hbm>>
    tpu.wait_indirect_dma semaphore(%arg14 : memref<!tpu.dma_semaphore, #tpu.memory_space<semaphore_mem>>) src(%dma_wait3A_1034 : memref<100000x1024xf32, #tpu.memory_space<hbm>>) dst(%arg11 : memref<16x1024xf32, #tpu.memory_space<vmem>>)
    %parallel_loop3A_1035 = arith.constant 0 : i32
    %parallel_loop3A_1036 = arith.constant 1024 : i32
    %parallel_loop3A_1037 = arith.constant 1 : i32
    scf.for %parallel_loop3A_1102 = %parallel_loop3A_1035 to %parallel_loop3A_1036 step %parallel_loop3A_1037  : i32 {
      %parallel_loop3A_1103 = arith.constant 6 : i32
      %parallel_loop3A_1104 = arith.shrsi %parallel_loop3A_1102, %parallel_loop3A_1103 : i32
      %parallel_loop3A_1105 = arith.constant 63 : i32
      %parallel_loop3A_1106 = arith.andi %parallel_loop3A_1102, %parallel_loop3A_1105 : i32
      %parallel_loop3A_1107 = arith.constant 4 : i32
      %parallel_loop3A_1108 = arith.shli %parallel_loop3A_1106, %parallel_loop3A_1107 : i32
      %parallel_loop3A_1109 = tpu.assume_multiple %parallel_loop3A_1108, 16 : i32
      %parallel_loop3A_1110 = arith.index_cast %parallel_loop3A_1104 : i32 to index
      %parallel_loop3A_1111 = arith.index_cast %parallel_loop3A_1109 : i32 to index
      %parallel_loop3A_1112 = tpu.vector_load %arg13[%parallel_loop3A_1110, %parallel_loop3A_1111] {strides = array<i32>} : memref<16x1024xf32, #tpu.memory_space<vmem>>, vector<1x16xf32>,
      %parallel_loop3A_1113 = vector.shape_cast %parallel_loop3A_1112 : vector<1x16xf32> to vector<16xf32>
      %parallel_loop3A_1114 = arith.index_cast %parallel_loop3A_1104 : i32 to index
      %parallel_loop3A_1115 = arith.index_cast %parallel_loop3A_1109 : i32 to index
      %parallel_loop3A_1116 = tpu.vector_load %arg11[%parallel_loop3A_1114, %parallel_loop3A_1115] {strides = array<i32>} : memref<16x1024xf32, #tpu.memory_space<vmem>>, vector<1x16xf32>,
      %parallel_loop3A_1117 = vector.shape_cast %parallel_loop3A_1116 : vector<1x16xf32> to vector<16xf32>
      %parallel_loop3A_1118 = vector.shape_cast %parallel_loop3A_1113 : vector<16xf32> to vector<1x16xf32>
      tpu.vector_store %arg11[%parallel_loop3A_1114, %parallel_loop3A_1115], %parallel_loop3A_1118 {add = true, strides = array<i32>} : memref<16x1024xf32, #tpu.memory_space<vmem>>, vector<1x16xf32>,
    } {sc.loop_unroll_factor = 4 : i64, sc.parallel_access}
    %add3A_1038 = arith.constant 4096 : i32
    %add3A_1039 = arith.addi %add3A_1038, %mul3A_2 : i32
    %add3A_1040 = arith.constant 112 : i32
    %add3A_1041 = arith.addi %add3A_1039, %add3A_1040 : i32
    %dma_start3A_1042 = arith.constant 0 : i32
    %dma_start3A_1043 = tpu.memref_slice %arg5[%add3A_1041, %dma_start3A_1042] : memref<16384x1024xf32, #tpu.memory_space<hbm>> -> memref<16x1024xf32, #tpu.memory_space<hbm>>
    %dma_start3A_1044 = arith.constant 0 : i32
    %dma_start3A_1045 = tpu.memref_slice %arg5[%add3A_1041, %dma_start3A_1044] : memref<16384x1024xf32, #tpu.memory_space<hbm>> -> memref<16x1024xf32, #tpu.memory_space<hbm>>
    tpu.enqueue_dma source(%arg11 : memref<16x1024xf32, #tpu.memory_space<vmem>>) target(%dma_start3A_1045 : memref<16x1024xf32, #tpu.memory_space<hbm>>) target_semaphore(%arg15 : memref<!tpu.dma_semaphore, #tpu.memory_space<semaphore_mem>>)
    %dma_wait3A_1046 = arith.constant 2 : i32
    %dma_wait3A_1047 = arith.constant 112 : i32
    %dma_wait3A_1048 = tpu.memref_slice %arg6[%dma_wait3A_1046, %dma_wait3A_1047] : memref<4x128xi32, #tpu.memory_space<vmem>> -> memref<1x16xi32, #tpu.memory_space<vmem>>
    %dma_wait3A_1049 = tpu.memref_squeeze %dma_wait3A_1048 : memref<1x16xi32, #tpu.memory_space<vmem>> -> memref<16xi32, #tpu.memory_space<vmem>>
    %dma_wait3A_1050 = arith.constant 0 : i32
    %dma_wait3A_1051 = arith.constant 0 : i32
    %dma_wait3A_1052 = tpu.memref_slice %arg3[%dma_wait3A_1050, %dma_wait3A_1051] : memref<100000x1024xf32, #tpu.memory_space<hbm>> -> memref<100000x1024xf32, #tpu.memory_space<hbm>>
    tpu.wait_indirect_dma semaphore(%arg14 : memref<!tpu.dma_semaphore, #tpu.memory_space<semaphore_mem>>) src(%dma_wait3A_1052 : memref<100000x1024xf32, #tpu.memory_space<hbm>>) dst(%arg7 : memref<16x1024xf32, #tpu.memory_space<vmem>>)
    %parallel_loop3A_1053 = arith.constant 0 : i32
    %parallel_loop3A_1054 = arith.constant 1024 : i32
    %parallel_loop3A_1055 = arith.constant 1 : i32
    scf.for %parallel_loop3A_1102 = %parallel_loop3A_1053 to %parallel_loop3A_1054 step %parallel_loop3A_1055  : i32 {
      %parallel_loop3A_1103 = arith.constant 6 : i32
      %parallel_loop3A_1104 = arith.shrsi %parallel_loop3A_1102, %parallel_loop3A_1103 : i32
      %parallel_loop3A_1105 = arith.constant 63 : i32
      %parallel_loop3A_1106 = arith.andi %parallel_loop3A_1102, %parallel_loop3A_1105 : i32
      %parallel_loop3A_1107 = arith.constant 4 : i32
      %parallel_loop3A_1108 = arith.shli %parallel_loop3A_1106, %parallel_loop3A_1107 : i32
      %parallel_loop3A_1109 = tpu.assume_multiple %parallel_loop3A_1108, 16 : i32
      %parallel_loop3A_1110 = arith.index_cast %parallel_loop3A_1104 : i32 to index
      %parallel_loop3A_1111 = arith.index_cast %parallel_loop3A_1109 : i32 to index
      %parallel_loop3A_1112 = tpu.vector_load %arg13[%parallel_loop3A_1110, %parallel_loop3A_1111] {strides = array<i32>} : memref<16x1024xf32, #tpu.memory_space<vmem>>, vector<1x16xf32>,
      %parallel_loop3A_1113 = vector.shape_cast %parallel_loop3A_1112 : vector<1x16xf32> to vector<16xf32>
      %parallel_loop3A_1114 = arith.index_cast %parallel_loop3A_1104 : i32 to index
      %parallel_loop3A_1115 = arith.index_cast %parallel_loop3A_1109 : i32 to index
      %parallel_loop3A_1116 = tpu.vector_load %arg7[%parallel_loop3A_1114, %parallel_loop3A_1115] {strides = array<i32>} : memref<16x1024xf32, #tpu.memory_space<vmem>>, vector<1x16xf32>,
      %parallel_loop3A_1117 = vector.shape_cast %parallel_loop3A_1116 : vector<1x16xf32> to vector<16xf32>
      %parallel_loop3A_1118 = vector.shape_cast %parallel_loop3A_1113 : vector<16xf32> to vector<1x16xf32>
      tpu.vector_store %arg7[%parallel_loop3A_1114, %parallel_loop3A_1115], %parallel_loop3A_1118 {add = true, strides = array<i32>} : memref<16x1024xf32, #tpu.memory_space<vmem>>, vector<1x16xf32>,
    } {sc.loop_unroll_factor = 4 : i64, sc.parallel_access}
    %add3A_1056 = arith.constant 8192 : i32
    %add3A_1057 = arith.addi %add3A_1056, %mul3A_2 : i32
    %add3A_1058 = arith.constant 112 : i32
    %add3A_1059 = arith.addi %add3A_1057, %add3A_1058 : i32
    %dma_start3A_1060 = arith.constant 0 : i32
    %dma_start3A_1061 = tpu.memref_slice %arg5[%add3A_1059, %dma_start3A_1060] : memref<16384x1024xf32, #tpu.memory_space<hbm>> -> memref<16x1024xf32, #tpu.memory_space<hbm>>
    %dma_start3A_1062 = arith.constant 0 : i32
    %dma_start3A_1063 = tpu.memref_slice %arg5[%add3A_1059, %dma_start3A_1062] : memref<16384x1024xf32, #tpu.memory_space<hbm>> -> memref<16x1024xf32, #tpu.memory_space<hbm>>
    tpu.enqueue_dma source(%arg7 : memref<16x1024xf32, #tpu.memory_space<vmem>>) target(%dma_start3A_1063 : memref<16x1024xf32, #tpu.memory_space<hbm>>) target_semaphore(%arg15 : memref<!tpu.dma_semaphore, #tpu.memory_space<semaphore_mem>>)
    %dma_wait3A_1064 = arith.constant 3 : i32
    %dma_wait3A_1065 = arith.constant 112 : i32
    %dma_wait3A_1066 = tpu.memref_slice %arg6[%dma_wait3A_1064, %dma_wait3A_1065] : memref<4x128xi32, #tpu.memory_space<vmem>> -> memref<1x16xi32, #tpu.memory_space<vmem>>
    %dma_wait3A_1067 = tpu.memref_squeeze %dma_wait3A_1066 : memref<1x16xi32, #tpu.memory_space<vmem>> -> memref<16xi32, #tpu.memory_space<vmem>>
    %dma_wait3A_1068 = arith.constant 0 : i32
    %dma_wait3A_1069 = arith.constant 0 : i32
    %dma_wait3A_1070 = tpu.memref_slice %arg3[%dma_wait3A_1068, %dma_wait3A_1069] : memref<100000x1024xf32, #tpu.memory_space<hbm>> -> memref<100000x1024xf32, #tpu.memory_space<hbm>>
    tpu.wait_indirect_dma semaphore(%arg14 : memref<!tpu.dma_semaphore, #tpu.memory_space<semaphore_mem>>) src(%dma_wait3A_1070 : memref<100000x1024xf32, #tpu.memory_space<hbm>>) dst(%arg8 : memref<16x1024xf32, #tpu.memory_space<vmem>>)
    %parallel_loop3A_1071 = arith.constant 0 : i32
    %parallel_loop3A_1072 = arith.constant 1024 : i32
    %parallel_loop3A_1073 = arith.constant 1 : i32
    scf.for %parallel_loop3A_1102 = %parallel_loop3A_1071 to %parallel_loop3A_1072 step %parallel_loop3A_1073  : i32 {
      %parallel_loop3A_1103 = arith.constant 6 : i32
      %parallel_loop3A_1104 = arith.shrsi %parallel_loop3A_1102, %parallel_loop3A_1103 : i32
      %parallel_loop3A_1105 = arith.constant 63 : i32
      %parallel_loop3A_1106 = arith.andi %parallel_loop3A_1102, %parallel_loop3A_1105 : i32
      %parallel_loop3A_1107 = arith.constant 4 : i32
      %parallel_loop3A_1108 = arith.shli %parallel_loop3A_1106, %parallel_loop3A_1107 : i32
      %parallel_loop3A_1109 = tpu.assume_multiple %parallel_loop3A_1108, 16 : i32
      %parallel_loop3A_1110 = arith.index_cast %parallel_loop3A_1104 : i32 to index
      %parallel_loop3A_1111 = arith.index_cast %parallel_loop3A_1109 : i32 to index
      %parallel_loop3A_1112 = tpu.vector_load %arg13[%parallel_loop3A_1110, %parallel_loop3A_1111] {strides = array<i32>} : memref<16x1024xf32, #tpu.memory_space<vmem>>, vector<1x16xf32>,
      %parallel_loop3A_1113 = vector.shape_cast %parallel_loop3A_1112 : vector<1x16xf32> to vector<16xf32>
      %parallel_loop3A_1114 = arith.index_cast %parallel_loop3A_1104 : i32 to index
      %parallel_loop3A_1115 = arith.index_cast %parallel_loop3A_1109 : i32 to index
      %parallel_loop3A_1116 = tpu.vector_load %arg8[%parallel_loop3A_1114, %parallel_loop3A_1115] {strides = array<i32>} : memref<16x1024xf32, #tpu.memory_space<vmem>>, vector<1x16xf32>,
      %parallel_loop3A_1117 = vector.shape_cast %parallel_loop3A_1116 : vector<1x16xf32> to vector<16xf32>
      %parallel_loop3A_1118 = vector.shape_cast %parallel_loop3A_1113 : vector<16xf32> to vector<1x16xf32>
      tpu.vector_store %arg8[%parallel_loop3A_1114, %parallel_loop3A_1115], %parallel_loop3A_1118 {add = true, strides = array<i32>} : memref<16x1024xf32, #tpu.memory_space<vmem>>, vector<1x16xf32>,
    } {sc.loop_unroll_factor = 4 : i64, sc.parallel_access}
    %add3A_1074 = arith.constant 12288 : i32
    %add3A_1075 = arith.addi %add3A_1074, %mul3A_2 : i32
    %add3A_1076 = arith.constant 112 : i32
    %add3A_1077 = arith.addi %add3A_1075, %add3A_1076 : i32
    %dma_start3A_1078 = arith.constant 0 : i32
    %dma_start3A_1079 = tpu.memref_slice %arg5[%add3A_1077, %dma_start3A_1078] : memref<16384x1024xf32, #tpu.memory_space<hbm>> -> memref<16x1024xf32, #tpu.memory_space<hbm>>
    %dma_start3A_1080 = arith.constant 0 : i32
    %dma_start3A_1081 = tpu.memref_slice %arg5[%add3A_1077, %dma_start3A_1080] : memref<16384x1024xf32, #tpu.memory_space<hbm>> -> memref<16x1024xf32, #tpu.memory_space<hbm>>
    tpu.enqueue_dma source(%arg8 : memref<16x1024xf32, #tpu.memory_space<vmem>>) target(%dma_start3A_1081 : memref<16x1024xf32, #tpu.memory_space<hbm>>) target_semaphore(%arg15 : memref<!tpu.dma_semaphore, #tpu.memory_space<semaphore_mem>>)
    %dma_wait3A_1082 = arith.constant 0 : i32
    %dma_wait3A_1083 = tpu.memref_slice %arg5[%add3A_990, %dma_wait3A_1082] : memref<16384x1024xf32, #tpu.memory_space<hbm>> -> memref<16x1024xf32, #tpu.memory_space<hbm>>
    %dma_wait3A_1084 = arith.constant 0 : i32
    %dma_wait3A_1085 = tpu.memref_slice %arg5[%add3A_990, %dma_wait3A_1084] : memref<16384x1024xf32, #tpu.memory_space<hbm>> -> memref<16x1024xf32, #tpu.memory_space<hbm>>
    tpu.wait_dma2 semaphore(%arg15 : memref<!tpu.dma_semaphore, #tpu.memory_space<semaphore_mem>>) src(%arg9 : memref<16x1024xf32, #tpu.memory_space<vmem>>) dst(%dma_wait3A_1085 : memref<16x1024xf32, #tpu.memory_space<hbm>>)
    %dma_wait3A_1086 = arith.constant 0 : i32
    %dma_wait3A_1087 = tpu.memref_slice %arg5[%add3A_1023, %dma_wait3A_1086] : memref<16384x1024xf32, #tpu.memory_space<hbm>> -> memref<16x1024xf32, #tpu.memory_space<hbm>>
    %dma_wait3A_1088 = arith.constant 0 : i32
    %dma_wait3A_1089 = tpu.memref_slice %arg5[%add3A_1023, %dma_wait3A_1088] : memref<16384x1024xf32, #tpu.memory_space<hbm>> -> memref<16x1024xf32, #tpu.memory_space<hbm>>
    tpu.wait_dma2 semaphore(%arg15 : memref<!tpu.dma_semaphore, #tpu.memory_space<semaphore_mem>>) src(%arg10 : memref<16x1024xf32, #tpu.memory_space<vmem>>) dst(%dma_wait3A_1089 : memref<16x1024xf32, #tpu.memory_space<hbm>>)
    %dma_wait3A_1090 = arith.constant 0 : i32
    %dma_wait3A_1091 = tpu.memref_slice %arg5[%add3A_1041, %dma_wait3A_1090] : memref<16384x1024xf32, #tpu.memory_space<hbm>> -> memref<16x1024xf32, #tpu.memory_space<hbm>>
    %dma_wait3A_1092 = arith.constant 0 : i32
    %dma_wait3A_1093 = tpu.memref_slice %arg5[%add3A_1041, %dma_wait3A_1092] : memref<16384x1024xf32, #tpu.memory_space<hbm>> -> memref<16x1024xf32, #tpu.memory_space<hbm>>
    tpu.wait_dma2 semaphore(%arg15 : memref<!tpu.dma_semaphore, #tpu.memory_space<semaphore_mem>>) src(%arg11 : memref<16x1024xf32, #tpu.memory_space<vmem>>) dst(%dma_wait3A_1093 : memref<16x1024xf32, #tpu.memory_space<hbm>>)
    %dma_wait3A_1094 = arith.constant 0 : i32
    %dma_wait3A_1095 = tpu.memref_slice %arg5[%add3A_1059, %dma_wait3A_1094] : memref<16384x1024xf32, #tpu.memory_space<hbm>> -> memref<16x1024xf32, #tpu.memory_space<hbm>>
    %dma_wait3A_1096 = arith.constant 0 : i32
    %dma_wait3A_1097 = tpu.memref_slice %arg5[%add3A_1059, %dma_wait3A_1096] : memref<16384x1024xf32, #tpu.memory_space<hbm>> -> memref<16x1024xf32, #tpu.memory_space<hbm>>
    tpu.wait_dma2 semaphore(%arg15 : memref<!tpu.dma_semaphore, #tpu.memory_space<semaphore_mem>>) src(%arg7 : memref<16x1024xf32, #tpu.memory_space<vmem>>) dst(%dma_wait3A_1097 : memref<16x1024xf32, #tpu.memory_space<hbm>>)
    %dma_wait3A_1098 = arith.constant 0 : i32
    %dma_wait3A_1099 = tpu.memref_slice %arg5[%add3A_1077, %dma_wait3A_1098] : memref<16384x1024xf32, #tpu.memory_space<hbm>> -> memref<16x1024xf32, #tpu.memory_space<hbm>>
    %dma_wait3A_1100 = arith.constant 0 : i32
    %dma_wait3A_1101 = tpu.memref_slice %arg5[%add3A_1077, %dma_wait3A_1100] : memref<16384x1024xf32, #tpu.memory_space<hbm>> -> memref<16x1024xf32, #tpu.memory_space<hbm>>
    tpu.wait_dma2 semaphore(%arg15 : memref<!tpu.dma_semaphore, #tpu.memory_space<semaphore_mem>>) src(%arg8 : memref<16x1024xf32, #tpu.memory_space<vmem>>) dst(%dma_wait3A_1101 : memref<16x1024xf32, #tpu.memory_space<hbm>>)
    return
  }
}

</mosaic_0001>

<sc_bundles>
// kernel: kernel.3.cloned.1.call-start
scs
__scs_entry_jumppad:
0x0: {  	(pc) =	sbr.rel $0x88, $3  }
0x1: {  	(tag) =	ssettag $0x0;
	lr =	simm.s32 $0x1  }
0x2: {  	[smem:$0x3F9E] =	sst lr;
	_ =	strace $0xD0000000  }
0x3: {  	_ = 	snop  }
0x4: {  	_ = 	snop  }
0x5: {  	_ = 	snop  }
0x6: {  	_ = 	snop  }
0x7: {  	_ = 	snop  }
__scs_overlays_trampoline_lowered:
0x8: {  	[smem:$0x3FAD] =	sst s0  }
0x9: {  	[smem:$0x3FAE] =	sst s1  }
0xa: {  	[smem:$0x3FAF] =	sst s2  }
0xb: {  	[smem:$0x3FB0] =	sst s3  }
0xc: {  	[smem:$0x3FB1] =	sst s4  }
0xd: {  	[smem:$0x3FB2] =	sst s5  }
0xe: {  	[smem:$0x3FB3] =	sst s6  }
0xf: {  	[smem:$0x3FB4] =	sst s7  }
0x10: {  	[smem:$0x3FB5] =	sst s8  }
0x11: {  	[smem:$0x3FB6] =	sst s9;
	s0 =	simm.s32 @!p0 $0x0  }
0x12: {  	s1 =	sld [smem:$0x3F9C];
	s0 =	simm.s32 @p0 $0x1  }
0x13: {  	[smem:$0x3FB7] =	sst s0;
	s0 =	simm.s32 @!p1 $0x0  }
0x14: {  	s2 =	sld [smem:$0x3F9B];
	s0 =	simm.s32 @p1 $0x1  }
0x15: {  	[smem:$0x3FB8] =	sst s0;
	s0 =	simm.s32 @!p2 $0x0  }
0x16: {  	s3 =	sld [smem:$0x3FDB];
	s0 =	simm.s32 @p2 $0x1  }
0x17: {  	s4 =	simm.s32 $0x1BF5;
	[smem:$0x3FBA] =	sst s0  }
0x18: {  	s0 =	sld [smem:$0x3F9D];
	_ =	swait.ge [sflag:s4], $0x0  }
0x19: {  	s7 =	sld [smem:$0x3F9E]  }
0x1a: {  	s8 =	sadd.s32 $0xFFFFE003, lr  }
0x1b: {  	s9 =	sadd.s32 $0xFFFFFEF7, lr;
	s5 =	simm.s32 $0xFFFFFFFF;
	p2 =	slt.u32 s8, $0xFFFFF086  }
0x1c: {  	p1 =	slt.u32 s9, $0xF7A;
	s5 =	simm.s32 @!p2 $0x0  }
0x1d: {  	s5 =	simm.s32 @p1 $0x1;
	p0 =	seq.s32 s7, s2  }
0x1e: {  	s7 =	smul.u32 @!p0 $0xF7A, s2;
	p2 =	seq.s32 @!p0 s5, $0x0  }
0x1f: {  	s9 =	smul.u32 $0xF7A, s1;
	s8 =	simm.s32 @!p0 $0x1BF5;
	p2 =	por !p2, p0  }
0x20: {  	[sflag:s8] =	ssyncset.s32 @!p0 $0xFFFFF086;
	s6 =	sadd.s32 @!p0 s3, s7;
	s7 =	simm.s32 @!p0 $0x108  }
0x21: {  	s3 =	sadd.s32 s3, s9;
	s6 =	sadd.s32 @!p0 $0x88, s6;
	s7 =	simm.s32 @p2 $0x1082  }
0x22: {  	[simem:s7], [sflag:s8] =	dma.local @!p0 [hbm:s6], $0xF7A  }
0x23: {  	s9 =	sor.u32 $0xD0000000, s2;
	s6 =	simm.s32 $0x108;
	_ =	swait.ge @!p0 [sflag:s8], $0x0  }
0x24: {  	s3 =	sadd.s32 $0x88, s3;
	s6 =	simm.s32 @!p1 $0x1082;
	[sflag:s4] =	ssyncset.s32 $0xFFFFF086  }
0x25: {  	[simem:s6], [sflag:s4] =	dma.local [hbm:s3], $0xF7A  }
0x26: {  	[smem:$0x3F9E] =	sst s1;
	(tag) =	ssettag s2;
	_ =	strace s9  }
0x27: {  	s1 =	sld [smem:$0x3FAE]  }
0x28: {  	s2 =	sld [smem:$0x3FAF]  }
0x29: {  	s4 =	sld [smem:$0x3FB1]  }
0x2a: {  	p0 =	seq.s32 s5, $0x0;
	s5 =	sld [smem:$0x3FB2]  }
0x2b: {  	s6 =	sld [smem:$0x3FB3]  }
0x2c: {  	s7 =	sld [smem:$0x3FB4]  }
0x2d: {  	s3 =	simm.s32 $0x108;
	s8 =	sld [smem:$0x3FB5]  }
0x2e: {  	s3 =	simm.s32 @!p0 $0x1082;
	s9 =	sld [smem:$0x3FB6]  }
0x2f: {  	lr =	sadd.s32 s0, s3;
	s0 =	sld [smem:$0x3FAD]  }
0x30: {  	s3 =	sld [smem:$0x3FB0]  }
0x31: {  	[smem:$0x3FB9] =	sst s10  }
0x32: {  	s10 =	sld [smem:$0x3FB7];
	_ =	sdelay $0x3  }
0x33: {  	p0 =	seq.s32 s10, $0x1;
	s10 =	sld [smem:$0x3FB9];
	_ =	sdelay $0x3  }
0x34: {  	[smem:$0x3FB9] =	sst s10  }
0x35: {  	s10 =	sld [smem:$0x3FB8];
	_ =	sdelay $0x3  }
0x36: {  	p1 =	seq.s32 s10, $0x1;
	s10 =	sld [smem:$0x3FB9];
	_ =	sdelay $0x3  }
0x37: {  	[smem:$0x3FB9] =	sst s10  }
0x38: {  	s10 =	sld [smem:$0x3FBA]  }
0x39: {  	_ = 	snop;
	(pc) =	sbr.ind lr, $3  }
0x3a: {  	_ = 	snop  }
0x3b: {  	_ = 	snop  }
0x3c: {  	p2 =	seq.s32 s10, $0x1;
	s10 =	sld [smem:$0x3FB9]  }
0x3d: {  	_ =	shalt  }
0x3e: {  	_ =	shalt  }
0x3f: {  	_ =	shalt  }
0x40: {  	_ =	shalt  }
0x41: {  	_ =	shalt  }
0x42: {  	_ =	shalt  }
0x43: {  	_ =	shalt  }
0x44: {  	_ =	shalt  }
0x45: {  	_ =	shalt  }
0x46: {  	_ =	shalt  }
0x47: {  	_ =	shalt  }
0x48: {  	_ =	shalt  }
0x49: {  	_ =	shalt  }
0x4a: {  	_ =	shalt  }
0x4b: {  	_ =	shalt  }
0x4c: {  	_ =	shalt  }
0x4d: {  	_ =	shalt  }
0x4e: {  	_ =	shalt  }
0x4f: {  	_ =	shalt  }
0x50: {  	_ =	shalt  }
0x51: {  	_ =	shalt  }
0x52: {  	_ =	shalt  }
0x53: {  	_ =	shalt  }
0x54: {  	_ =	shalt  }
0x55: {  	_ =	shalt  }
0x56: {  	_ =	shalt  }
0x57: {  	_ =	shalt  }
0x58: {  	_ =	shalt  }
0x59: {  	_ =	shalt  }
0x5a: {  	_ =	shalt  }
0x5b: {  	_ =	shalt  }
0x5c: {  	_ =	shalt  }
0x5d: {  	_ =	shalt  }
0x5e: {  	_ =	shalt  }
0x5f: {  	_ =	shalt  }
0x60: {  	_ =	shalt  }
0x61: {  	_ =	shalt  }
0x62: {  	_ =	shalt  }
0x63: {  	_ =	shalt  }
0x64: {  	_ =	shalt  }
0x65: {  	_ =	shalt  }
0x66: {  	_ =	shalt  }
0x67: {  	_ =	shalt  }
0x68: {  	_ =	shalt  }
0x69: {  	_ =	shalt  }
0x6a: {  	_ =	shalt  }
0x6b: {  	_ =	shalt  }
0x6c: {  	_ =	shalt  }
0x6d: {  	_ =	shalt  }
0x6e: {  	_ =	shalt  }
0x6f: {  	_ =	shalt  }
0x70: {  	_ =	shalt  }
0x71: {  	_ =	shalt  }
0x72: {  	_ =	shalt  }
0x73: {  	_ =	shalt  }
0x74: {  	_ =	shalt  }
0x75: {  	_ =	shalt  }
0x76: {  	_ =	shalt  }
0x77: {  	_ =	shalt  }
0x78: {  	_ =	shalt  }
0x79: {  	_ =	shalt  }
0x7a: {  	_ =	shalt  }
0x7b: {  	_ =	shalt  }
0x7c: {  	_ =	shalt  }
0x7d: {  	_ =	shalt  }
0x7e: {  	_ =	shalt  }
0x7f: {  	_ =	shalt  }
0x80: {  	_ =	shalt  }
0x81: {  	_ =	shalt  }
0x82: {  	_ =	shalt  }
0x83: {  	_ =	shalt  }
0x84: {  	_ =	shalt  }
0x85: {  	_ =	shalt  }
0x86: {  	_ =	shalt  }
0x87: {  	_ =	shalt  }
.Lfunc_end0:
.L_simem_size_0:
called_computation_lowered:
.L_overlay_start_0:
0x88: {  	s2 =	sld [smem:$0x3FD9]  }
0x89: {  	s3 =	sld [smem:$0x3FFE];
	_ =	sdelay $0x1  }
0x8a: {  	s1 =	srdreg.scid  }
0x8b: {  	s0 =	sand.u32 $0x1, s1  }
0x8c: {  	s18 =	sshll.u32 s0, $0xA;
	s2 =	sadd.s32 s3, s2  }
0x8d: {  	s2 =	sadd.s32 s2, s18  }
0x8e: {  	[smem:$0x3FC5] =	sst s2  }
0x8f: {  	_ = 	snop  }
0x90: {  	s2 =	sld [smem:$0x3FC9]  }
0x91: {  	s19 =	sld [smem:$0x3FC8]  }
0x92: {  	s4 =	sld [smem:$0x3FC7]  }
0x93: {  	s5 =	sld [smem:$0x3FD0];
	(tm) =	ssettm $0x1  }
0x94: {  	s6 =	sld [smem:$0x3FFB];
	_ =	sdelay $0x3  }
0x95: {  	_ =	strace s6  }
0x96: {  	s6 =	sld [smem:$0x3FFC];
	_ =	sdelay $0x3  }
0x97: {  	_ =	strace s6  }
0x98: {  	s6 =	sld [smem:$0x3FFD];
	_ =	sdelay $0x3  }
0x99: {  	_ =	strace s6  }
0x9a: {  	_ =	strace $0x8FFFFFFF  }
0x9b: {  	s20 =	sld [smem:$0x3FDB];
	_ =	sdelay $0x1  }
0x9c: {  	s7 =	simm.s32 $_scs_section_size  }
0x9d: {  	s8 =	simm.s32 $_size__tile_overlayer_lowered;
	s9 =	simm.s32 $_tile_overlayer_lowered  }
0x9e: {  	s23 =	simm.s32 $0x1BFF;
	s22 =	sshll.u32 s9, $0x1;
	s6 =	sadd.s32 s7, s20  }
0x9f: {  	s10 =	simm.s32 $0x0;
	s21 =	sshll.u32 s8, $0x1;
	s8 =	sadd.s32 s22, s6  }
0xa0: {  	[timem:s10], [sflag:s23] =	dma.local [hbm:s8], s21  }
0xa1: {  	_ =	swait.ge [sflag:s23], s21  }
0xa2: {  	s7 =	ssub.s32 $0x0, s21;
	[sflag:s23] =	ssyncset.done $0x0  }
0xa3: {  	[sflag:s23] =	ssyncadd.s32 s7;
	_ =	sdelay $0x1  }
0xa4: {  	s24 =	simm.s32 $0x1B8B  }
0xa5: {  	_ =	swait.ge [sflag:s24], $0x1  }
0xa6: {  	[sflag:s24] =	ssyncset.done $0x0  }
0xa7: {  	s25 =	simm.s32 $0x1B8E;
	[sflag:s24] =	ssyncadd.s32 $0xFFFFFFFF  }
0xa8: {  	s26 =	simm.s32 $execute0_lowered;
	[smem:$0x3FD2] =	sst s25  }
0xa9: {  	s7 =	sshll.u32 s26, $0x1;
	_ =	strace $0x80000046;
	[dreg:$0x1] =	wrdreg $0xFFFFFFFF  }
0xaa: {  	s28 =	simm.s32 $_size_execute0_lowered;
	s6 =	sadd.s32 s6, s7;
	[dreg:$0x0] =	wrdreg $0x0  }
0xab: {  	s7 =	sshll.u32 s28, $0x1;
	[dreg:$0x2] =	wrdreg s6  }
0xac: {  	[dreg:$0x3] =	wrdreg s7  }
0xad: {  	[dreg:$0x4] =	wrdreg $0xC0  }
0xae: {  	_ =	task [dreg:s10], $0x5FFFF  }
0xaf: {  	[dreg:$0x1] =	wrdreg $0xFFFFFFFF  }
0xb0: {  	[dreg:$0x0] =	wrdreg $0x60  }
0xb1: {  	[dreg:$0x2] =	wrdreg s2  }
0xb2: {  	[dreg:$0x3] =	wrdreg s19  }
0xb3: {  	[dreg:$0x4] =	wrdreg s4  }
0xb4: {  	[dreg:$0x5] =	wrdreg s5  }
0xb5: {  	[dreg:$0x6] =	wrdreg $0x9  }
0xb6: {  	_ =	task.clear_ibuf [dreg:s10], $0x7FFFF;
	_ =	strace $0x90000046  }
0xb7: {  	s29 =	simm.s32 $0x9;
	_ =	strace $0x80000048  }
0xb8: {  	_ =	swait.ge [sflag:s29], $0x1  }
0xb9: {  	[sflag:s29] =	ssyncadd.s32 $0xFFFFFFFF  }
0xba: {  	_ =	strace $0x90000048  }
0xbb: {  	_ =	sfence  }
0xbc: {  	s30 =	sld [smem:$0x0];
	_ =	sdelay $0x2  }
0xbd: {  	s31 =	sshll.u32 s1, $0xD;
	s1 =	sshrl.u32 s1, $0x2  }
0xbe: {  	s3 =	sand.u32 $0x4000, s31;
	s1 =	sadd.s32 s1, s30  }
0xbf: {  	s0 =	sor.u32 s3, s0;
	s1 =	sshll.u32 s1, $0x11  }
0xc0: {  	s0 =	sor.u32 s1, s0  }
0xc1: {  	s0 =	sadd.s32 $0x8F2B, s0  }
0xc2: {  	[sflag:s0] =	ssyncadd.remote.s32 $0x1  }
0xc3: {  	_ =	sfence.sel $0xFFFF  }
0xc4: {  	[dreg:$0x0] =	wrdreg $0xFFFFFFFF;
	(pc) =	sbr.abs _section_cstart, $3  }
0xc5: {  	[dreg:$0x1] =	wrdreg $0xFFFFFFFF  }
0xc6: {  	_ =	task.clear_ibuf [dreg:s10], $0x2FFFF;
	_ =	strace $0x9FFFFFFF  }
0xc7: {  	(tm) =	ssettm $0x7FFFFFFF  }
tec
execute0_lowered:
.L_overlay_start_1:
0x0: {  	(tag) =	ssettag $0x1  }
0x1: {  	s0 =	rddreg [dreg:$0x0];
	s2 =	srdreg.scid  }
0x2: {  	s1 =	rddreg [dreg:$0x1];
	s3 =	stileid.u32;
	s2 =	sand.u32 $0x1, s2  }
0x3: {  	s4 =	rddreg [dreg:$0x2];
	s6 =	sshll.u32 s3, $0x8;
	s7 =	sshll.u32 s2, $0x7  }
0x4: {  	s5 =	rddreg [dreg:$0x3];
	s3 =	simm.s32 $0x0;
	s6 =	sor.u32 s7, s6  }
0x5: {  	[smem:$0x7FF] =	sst s3;
	s2 =	ssub.s32 $0x2, s2;
	s7 =	sshrl.u32 s6, $0x1  }
0x6: {  	_ =	strace $0x80000047;
	s23 =	sshll.u32 s6, $0x7;
	s7 =	sadd.s32 s0, s7  }
0x7: {  	s8 =	sshrl.u32 s2, $0x1;
	s9 =	sadd.s32 s4, s23;
	[dreg:$0x5] =	wrdreg s7  }
0x8: {  	s0 =	ssub.s32 s2, s8;
	s8 =	sadd.s32 s5, s23;
	[dreg:$0x9] =	wrdreg s9  }
0x9: {  	s22 =	sadd.s32 $0x10, s7;
	[dreg:$0xa] =	wrdreg s8  }
0xa: {  	s24 =	sadd.s32 $0x20, s7;
	[dreg:$0x6] =	wrdreg s22  }
0xb: {  	s26 =	sor.u32 $0x800, s23;
	s25 =	sadd.s32 $0x30, s7;
	[dreg:$0x7] =	wrdreg s24  }
0xc: {  	s10 =	sadd.s32 s4, s26;
	[dreg:$0x8] =	wrdreg s25  }
0xd: {  	s11 =	sor.u32 $0x1000, s23;
	s6 =	sadd.s32 s5, s26;
	[dreg:$0xb] =	wrdreg s10  }
0xe: {  	s12 =	sor.u32 $0x1800, s23;
	s9 =	sadd.s32 s4, s11;
	[dreg:$0xc] =	wrdreg s6  }
0xf: {  	s13 =	sadd.s32 s4, s12;
	[dreg:$0xd] =	wrdreg s9  }
0x10: {  	s15 =	sor.u32 $0x2000, s23;
	s14 =	sadd.s32 s5, s12;
	[dreg:$0xf] =	wrdreg s13  }
0x11: {  	s16 =	sor.u32 $0x2800, s23;
	s17 =	sadd.s32 s4, s15;
	[dreg:$0x10] =	wrdreg s14  }
0x12: {  	s18 =	sadd.s32 s4, s16;
	[dreg:$0x11] =	wrdreg s17  }
0x13: {  	s20 =	sor.u32 $0x3000, s23;
	s19 =	sadd.s32 s5, s16;
	[dreg:$0x13] =	wrdreg s18  }
0x14: {  	s2 =	sor.u32 $0x3800, s23;
	s21 =	sadd.s32 s4, s20;
	[dreg:$0x14] =	wrdreg s19  }
0x15: {  	s4 =	sadd.s32 s4, s2;
	[dreg:$0x15] =	wrdreg s21  }
0x16: {  	s2 =	sadd.s32 s5, s2;
	[dreg:$0x17] =	wrdreg s4  }
0x17: {  	s0 =	smax.u32 s0, $0x1;
	[dreg:$0x18] =	wrdreg s2  }
0x18: {  	s23 =	sadd.s32 $0x100000, s8;
	[dreg:$0x19] =	wrdreg s0  }
0x19: {  	s7 =	sadd.s32 $0x101000, s8;
	[dreg:$0x1b] =	wrdreg s23  }
0x1a: {  	s12 =	sadd.s32 $0x181800, s8;
	[smem:$0x7ED] =	sst s7  }
0x1b: {  	s16 =	sadd.s32 $0x102800, s8;
	[smem:$0x7F1] =	sst s12  }
0x1c: {  	s6 =	sadd.s32 s5, s11;
	[smem:$0x7F5] =	sst s16  }
0x1d: {  	s22 =	sadd.s32 $0x80000, s8;
	[dreg:$0xe] =	wrdreg s6  }
0x1e: {  	s25 =	sadd.s32 $0x180000, s8;
	[dreg:$0x1a] =	wrdreg s22  }
0x1f: {  	s2 =	sadd.s32 $0x100800, s8;
	[dreg:$0x1c] =	wrdreg s25  }
0x20: {  	s30 =	simm.s32 $0x3;
	s4 =	sadd.s32 $0x80800, s8;
	[dreg:$0x1d] =	wrdreg s2  }
0x21: {  	s31 =	simm.s32 $0x200;
	s9 =	sadd.s32 $0x181000, s8;
	[dreg:$0x1e] =	wrdreg s4  }
0x22: {  	s29 =	simm.s32 $0xC200;
	s10 =	sadd.s32 $0x101800, s8;
	[smem:$0x7EE] =	sst s9  }
0x23: {  	s28 =	sadd.s32 $0x300, s1;
	s11 =	sadd.s32 $0x81800, s8;
	[smem:$0x7EF] =	sst s10  }
0x24: {  	s26 =	sadd.s32 $0x200, s1;
	s13 =	sadd.s32 $0x82000, s8;
	[smem:$0x7F0] =	sst s11  }
0x25: {  	s24 =	sadd.s32 $0x100, s1;
	s14 =	sadd.s32 $0x102000, s8;
	[smem:$0x7F2] =	sst s13  }
0x26: {  	s17 =	sadd.s32 $0x82800, s8;
	s18 =	sadd.s32 $0x182800, s8;
	[smem:$0x7F3] =	sst s14  }
0x27: {  	s19 =	sadd.s32 $0x83000, s8;
	s21 =	sadd.s32 $0x183000, s8;
	[smem:$0x7F6] =	sst s17  }
0x28: {  	s23 =	sadd.s32 $0x103800, s8;
	s12 =	simm.s32 $0x4A00;
	[smem:$0x7F7] =	sst s18  }
0x29: {  	s16 =	simm.s32 $0x6A00;
	s6 =	sadd.s32 s5, s15;
	[smem:$0x7F8] =	sst s19  }
0x2a: {  	s15 =	sadd.s32 $0x182000, s8;
	[smem:$0x7FA] =	sst s21;
	s22 =	sadd.s32 $0x83800, s8  }
0x2b: {  	[smem:$0x7FC] =	sst s23;
	s25 =	sadd.s32 $0x183800, s8;
	s10 =	simm.s32 $0x3A00  }
0x2c: {  	s11 =	simm.s32 $0x4200;
	s13 =	simm.s32 $0x5200;
	[dreg:$0x12] =	wrdreg s6  }
0x2d: {  	s14 =	simm.s32 $0x5A00;
	s17 =	simm.s32 $0x7200;
	[smem:$0x7F4] =	sst s15  }
0x2e: {  	s18 =	simm.s32 $0x7A00;
	s19 =	simm.s32 $0x8200;
	[smem:$0x7FB] =	sst s22  }
0x2f: {  	s21 =	simm.s32 $0x10200;
	s6 =	sadd.s32 s5, s20;
	[smem:$0x7FD] =	sst s25  }
0x30: {  	s4 =	simm.s32 $0x0;
	s5 =	sadd.s32 $0x180800, s8;
	[dreg:$0x16] =	wrdreg s6  }
0x31: {  	v2 =	vlaneseq.u32;
	s20 =	sadd.s32 $0x103000, s8;
	s15 =	simm.s32 $0x6200;
	[dreg:$0x1f] =	wrdreg s5  }
0x32: {  	vm0 =	vmmov $0xffff;
	v1 =	vshrl.u32 v2, $0x3;
	s25 =	simm.s32 $0x2;
	s6 =	sadd.s32 $0x81000, s8;
	[smem:$0x7F9] =	sst s20  }
0x33: {  	v0 =	vand.u32 $0x7, v2;
	v2 =	vor.u32 $0x8, v2;
	v1 =	vmul.u32 $0x8, v1;
	s8 =	simm.s32 $0x3200;
	s20 =	simm.s32 $0x1;
	[smem:$0x7EC] =	sst s6  }
.LBB2_1:
0x34: {  	s0 =	rddreg [dreg:$0x5]  }
0x35: {  	[tilespmem:s3], [sflag:$0x3] =	stream.linear.gather [hbm4b:s0+s3], $0x80, $0x38;
	[tilespmem:$0x1C200] =	vst v63  }
0x36: {  	s9 =	rddreg [dreg:$0x6];
	s2 =	simm.s32 $0x80  }
0x37: {  	[tilespmem:s2], [sflag:$0x3] =	stream.linear.gather [hbm4b:s9+s3], $0x80, $0x38;
	[tilespmem:$0x1C200] =	vst v63  }
0x38: {  	s22 =	rddreg [dreg:$0x7];
	s23 =	simm.s32 $0x100  }
0x39: {  	[tilespmem:s23], [sflag:$0x3] =	stream.linear.gather [hbm4b:s22+s3], $0x80, $0x38;
	[tilespmem:$0x1C200] =	vst v63  }
0x3a: {  	s5 =	simm.s32 $0x180;
	s2 =	rddreg [dreg:$0x8]  }
0x3b: {  	[tilespmem:s5], [sflag:$0x3] =	stream.linear.gather [hbm4b:s2+s3], $0x80, $0x38;
	[tilespmem:$0x1C200] =	vst v63  }
0x3c: {  	s6 =	rddreg [dreg:$0x9];
	s7 =	simm.s32 $0x14200  }
0x3d: {  	[tilespmem:s7], [sflag:$0x3] =	stream.linear.gather [hbm4b:s6+s3], $0x4000, $0x38;
	[tilespmem:$0x1C200] =	vst v63  }
0x3e: {  	_ =	swait.ge [sflag:s30], $0x80  }
0x3f: {  	[sflag:s30] =	ssyncset.done $0x0  }
0x40: {  	[sflag:s30] =	ssyncadd.s32 $0xFFFFFF80  }
0x41: {  	_ =	swait.ge [sflag:s30], $0x80  }
0x42: {  	[sflag:s30] =	ssyncset.done $0x0  }
0x43: {  	[sflag:s30] =	ssyncadd.s32 $0xFFFFFF80  }
0x44: {  	_ =	swait.ge [sflag:s30], $0x80  }
0x45: {  	[sflag:s30] =	ssyncset.done $0x0  }
0x46: {  	[sflag:s30] =	ssyncadd.s32 $0xFFFFFF80  }
0x47: {  	_ =	swait.ge [sflag:s30], $0x80  }
0x48: {  	[sflag:s30] =	ssyncset.done $0x0  }
0x49: {  	[sflag:s30] =	ssyncadd.s32 $0xFFFFFF80  }
0x4a: {  	_ =	swait.ge [sflag:s30], $0x4000  }
0x4b: {  	[sflag:s30] =	ssyncset.done $0x0  }
0x4c: {  	[sflag:s30] =	ssyncadd.s32 $0xFFFFC000  }
0x4d: {  	v3 =	vld [tilespmem:$0x0];
	_ =	sdelay $0x4  }
0x4e: {  	v4 =	vshll.u32 v3, $0x3  }
0x4f: {  	v3 =	vand.u32 $0x7, v3;
	v4 =	vand.u32 $0xFFFFFFC0, v4  }
0x50: {  	v3 =	vor.u32 v3, v4  }
0x51: {  	v4 =	vperm.xlane v3, v0;
	_ =	sdelay $0x1  }
0x52: {  	v4 =	vadd.s32 v1, v4;
	_ =	sdelay $0x4  }
0x53: {  	[tilespmem:s31], [sflag:$0x1] =	stream.indirect_vreg.gather [hbm4b:s1+s3], $0x80, v4, vm0, $0xb8;
	[tilespmem:$0x1C200] =	vst v63  }
0x54: {  	s9 =	simm.s32 $0xA00;
	v3 =	vperm.xlane v3, v2  }
0x55: {  	[tilespmem:s9], [sflag:$0x1] =	stream.indirect_vreg.gather [hbm4b:s24+s3], $0x80, v4, vm0, $0xb8;
	[tilespmem:$0x1C200] =	vst v63  }
0x56: {  	s22 =	simm.s32 $0x1200;
	v3 =	vadd.s32 v1, v3  }
0x57: {  	[tilespmem:s22], [sflag:$0x1] =	stream.indirect_vreg.gather [hbm4b:s26+s3], $0x80, v4, vm0, $0xb8;
	[tilespmem:$0x1C200] =	vst v63  }
0x58: {  	s23 =	simm.s32 $0x1A00  }
0x59: {  	[tilespmem:s23], [sflag:$0x1] =	stream.indirect_vreg.gather [hbm4b:s28+s3], $0x80, v4, vm0, $0xb8;
	[tilespmem:$0x1C200] =	vst v63  }
0x5a: {  	s2 =	simm.s32 $0x2200  }
0x5b: {  	[tilespmem:s2], [sflag:$0x1] =	stream.indirect_vreg.gather [hbm4b:s1+s3], $0x80, v3, vm0, $0xb8;
	[tilespmem:$0x1C200] =	vst v63  }
0x5c: {  	s5 =	simm.s32 $0x2A00  }
0x5d: {  	[tilespmem:s5], [sflag:$0x1] =	stream.indirect_vreg.gather [hbm4b:s24+s3], $0x80, v3, vm0, $0xb8;
	[tilespmem:$0x1C200] =	vst v63  }
0x5e: {  	_ = 	snop  }
0x5f: {  	[tilespmem:s8], [sflag:$0x1] =	stream.indirect_vreg.gather [hbm4b:s26+s3], $0x80, v3, vm0, $0xb8;
	[tilespmem:$0x1C200] =	vst v63  }
0x60: {  	_ = 	snop  }
0x61: {  	[tilespmem:s10], [sflag:$0x1] =	stream.indirect_vreg.gather [hbm4b:s28+s3], $0x80, v3, vm0, $0xb8;
	[tilespmem:$0x1C200] =	vst v63  }
0x62: {  	v3 =	vld [tilespmem:$0x80];
	_ =	sdelay $0x4  }
0x63: {  	v4 =	vshll.u32 v3, $0x3  }
0x64: {  	v3 =	vand.u32 $0x7, v3;
	v4 =	vand.u32 $0xFFFFFFC0, v4  }
0x65: {  	v3 =	vor.u32 v3, v4  }
0x66: {  	v4 =	vperm.xlane v3, v0;
	_ =	sdelay $0x1  }
0x67: {  	v4 =	vadd.s32 v1, v4;
	_ =	sdelay $0x4  }
0x68: {  	[tilespmem:s11], [sflag:$0x1] =	stream.indirect_vreg.gather [hbm4b:s1+s3], $0x80, v4, vm0, $0xb8;
	[tilespmem:$0x1C200] =	vst v63  }
0x69: {  	v3 =	vperm.xlane v3, v2  }
0x6a: {  	[tilespmem:s12], [sflag:$0x1] =	stream.indirect_vreg.gather [hbm4b:s24+s3], $0x80, v4, vm0, $0xb8;
	[tilespmem:$0x1C200] =	vst v63  }
0x6b: {  	v3 =	vadd.s32 v1, v3  }
0x6c: {  	[tilespmem:s13], [sflag:$0x1] =	stream.indirect_vreg.gather [hbm4b:s26+s3], $0x80, v4, vm0, $0xb8;
	[tilespmem:$0x1C200] =	vst v63  }
0x6d: {  	_ = 	snop  }
0x6e: {  	[tilespmem:s14], [sflag:$0x1] =	stream.indirect_vreg.gather [hbm4b:s28+s3], $0x80, v4, vm0, $0xb8;
	[tilespmem:$0x1C200] =	vst v63  }
0x6f: {  	_ = 	snop  }
0x70: {  	[tilespmem:s15], [sflag:$0x1] =	stream.indirect_vreg.gather [hbm4b:s1+s3], $0x80, v3, vm0, $0xb8;
	[tilespmem:$0x1C200] =	vst v63  }
0x71: {  	_ = 	snop  }
0x72: {  	[tilespmem:s16], [sflag:$0x1] =	stream.indirect_vreg.gather [hbm4b:s24+s3], $0x80, v3, vm0, $0xb8;
	[tilespmem:$0x1C200] =	vst v63  }
0x73: {  	_ = 	snop  }
0x74: {  	[tilespmem:s17], [sflag:$0x1] =	stream.indirect_vreg.gather [hbm4b:s26+s3], $0x80, v3, vm0, $0xb8;
	[tilespmem:$0x1C200] =	vst v63  }
0x75: {  	_ = 	snop  }
0x76: {  	[tilespmem:s18], [sflag:$0x1] =	stream.indirect_vreg.gather [hbm4b:s28+s3], $0x80, v3, vm0, $0xb8;
	[tilespmem:$0x1C200] =	vst v63  }
0x77: {  	v3 =	vld [tilespmem:$0x100];
	_ =	sdelay $0x4  }
0x78: {  	v4 =	vshll.u32 v3, $0x3  }
0x79: {  	v3 =	vand.u32 $0x7, v3;
	v4 =	vand.u32 $0xFFFFFFC0, v4  }
0x7a: {  	v3 =	vor.u32 v3, v4  }
0x7b: {  	v4 =	vperm.xlane v3, v0;
	_ =	sdelay $0x1  }
0x7c: {  	v4 =	vadd.s32 v1, v4;
	_ =	sdelay $0x4  }
0x7d: {  	[tilespmem:s19], [sflag:$0x1] =	stream.indirect_vreg.gather [hbm4b:s1+s3], $0x80, v4, vm0, $0xb8;
	[tilespmem:$0x1C200] =	vst v63  }
0x7e: {  	s6 =	simm.s32 $0x8A00;
	v3 =	vperm.xlane v3, v2  }
0x7f: {  	[tilespmem:s6], [sflag:$0x1] =	stream.indirect_vreg.gather [hbm4b:s24+s3], $0x80, v4, vm0, $0xb8;
	[tilespmem:$0x1C200] =	vst v63  }
0x80: {  	s7 =	simm.s32 $0x9200;
	v3 =	vadd.s32 v1, v3  }
0x81: {  	[tilespmem:s7], [sflag:$0x1] =	stream.indirect_vreg.gather [hbm4b:s26+s3], $0x80, v4, vm0, $0xb8;
	[tilespmem:$0x1C200] =	vst v63  }
0x82: {  	s9 =	simm.s32 $0x9A00  }
0x83: {  	[tilespmem:s9], [sflag:$0x1] =	stream.indirect_vreg.gather [hbm4b:s28+s3], $0x80, v4, vm0, $0xb8;
	[tilespmem:$0x1C200] =	vst v63  }
0x84: {  	s22 =	simm.s32 $0xA200  }
0x85: {  	[tilespmem:s22], [sflag:$0x1] =	stream.indirect_vreg.gather [hbm4b:s1+s3], $0x80, v3, vm0, $0xb8;
	[tilespmem:$0x1C200] =	vst v63  }
0x86: {  	s23 =	simm.s32 $0xAA00  }
0x87: {  	[tilespmem:s23], [sflag:$0x1] =	stream.indirect_vreg.gather [hbm4b:s24+s3], $0x80, v3, vm0, $0xb8;
	[tilespmem:$0x1C200] =	vst v63  }
0x88: {  	s2 =	simm.s32 $0xB200  }
0x89: {  	[tilespmem:s2], [sflag:$0x1] =	stream.indirect_vreg.gather [hbm4b:s26+s3], $0x80, v3, vm0, $0xb8;
	[tilespmem:$0x1C200] =	vst v63  }
0x8a: {  	s5 =	simm.s32 $0xBA00  }
0x8b: {  	[tilespmem:s5], [sflag:$0x1] =	stream.indirect_vreg.gather [hbm4b:s28+s3], $0x80, v3, vm0, $0xb8;
	[tilespmem:$0x1C200] =	vst v63  }
0x8c: {  	v3 =	vld [tilespmem:$0x180];
	_ =	sdelay $0x4  }
0x8d: {  	v4 =	vshll.u32 v3, $0x3  }
0x8e: {  	v3 =	vand.u32 $0x7, v3;
	v4 =	vand.u32 $0xFFFFFFC0, v4  }
0x8f: {  	v3 =	vor.u32 v3, v4  }
0x90: {  	v4 =	vperm.xlane v3, v0;
	_ =	sdelay $0x1  }
0x91: {  	v4 =	vadd.s32 v1, v4;
	_ =	sdelay $0x4  }
0x92: {  	[tilespmem:s29], [sflag:$0x1] =	stream.indirect_vreg.gather [hbm4b:s1+s3], $0x80, v4, vm0, $0xb8;
	[tilespmem:$0x1C200] =	vst v63  }
0x93: {  	s6 =	simm.s32 $0xCA00;
	v3 =	vperm.xlane v3, v2  }
0x94: {  	[tilespmem:s6], [sflag:$0x1] =	stream.indirect_vreg.gather [hbm4b:s24+s3], $0x80, v4, vm0, $0xb8;
	[tilespmem:$0x1C200] =	vst v63  }
0x95: {  	s7 =	simm.s32 $0xD200;
	v3 =	vadd.s32 v1, v3  }
0x96: {  	[tilespmem:s7], [sflag:$0x1] =	stream.indirect_vreg.gather [hbm4b:s26+s3], $0x80, v4, vm0, $0xb8;
	[tilespmem:$0x1C200] =	vst v63  }
0x97: {  	s9 =	simm.s32 $0xDA00  }
0x98: {  	[tilespmem:s9], [sflag:$0x1] =	stream.indirect_vreg.gather [hbm4b:s28+s3], $0x80, v4, vm0, $0xb8;
	[tilespmem:$0x1C200] =	vst v63  }
0x99: {  	s22 =	simm.s32 $0xE200  }
0x9a: {  	[tilespmem:s22], [sflag:$0x1] =	stream.indirect_vreg.gather [hbm4b:s1+s3], $0x80, v3, vm0, $0xb8;
	[tilespmem:$0x1C200] =	vst v63  }
0x9b: {  	s23 =	simm.s32 $0xEA00  }
0x9c: {  	[tilespmem:s23], [sflag:$0x1] =	stream.indirect_vreg.gather [hbm4b:s24+s3], $0x80, v3, vm0, $0xb8;
	[tilespmem:$0x1C200] =	vst v63  }
0x9d: {  	s2 =	simm.s32 $0xF200;
	s5 =	simm.s32 $0xFA00;
	s6 =	simm.s32 $0x0  }
0x9e: {  	[tilespmem:s2], [sflag:$0x1] =	stream.indirect_vreg.gather [hbm4b:s26+s3], $0x80, v3, vm0, $0xb8;
	[tilespmem:$0x1C200] =	vst v63  }
0x9f: {  	s0 =	sand.u32 $0x2000, s6;
	s7 =	sand.u32 $0x1C00, s3;
	s9 =	simm.s32 $0x0  }
0xa0: {  	[tilespmem:s5], [sflag:$0x1] =	stream.indirect_vreg.gather [hbm4b:s28+s3], $0x80, v3, vm0, $0xb8;
	[tilespmem:$0x1C200] =	vst v63  }
0xa1: {  	s0 =	sor.u32 s7, s0;
	s22 =	sand.u32 $0x380, s9;
	_ =	swait.ge [sflag:s20], $0x4000  }
0xa2: {  	s0 =	sor.u32 s22, s0;
	s23 =	sand.u32 $0x40, s3;
	[sflag:s20] =	ssyncset.done $0x0  }
0xa3: {  	s22 =	sor.u32 s23, s0;
	[sflag:s20] =	ssyncadd.s32 $0xFFFFC000  }
0xa4: {  	v4 =	vld [tilespmem:s22+$0x14230]  }
0xa5: {  	v5 =	vld [tilespmem:s22+$0x14200]  }
0xa6: {  	v6 =	vld [tilespmem:s22+$0x14210]  }
0xa7: {  	s9 =	simm.s32 $0x200;
	s5 =	simm.s32 $0x40  }
0xa8: {  	s6 =	sand.u32 $0x1C00, s9;
	s23 =	simm.s32 $0x8;
	s0 =	sand.u32 $0x2000, s5;
	v3 =	vld [tilespmem:s22+$0x14220]  }
0xa9: {  	s23 =	sand.u32 $0x380, s23;
	s2 =	simm.s32 $0x40;
	s0 =	sor.u32 s6, s0;
	[tilespmem:s22+$0x230] =	vst.add.f32.msk $0xffff, v4  }
0xaa: {  	s7 =	sand.u32 $0x40, s2;
	s0 =	sor.u32 s23, s0;
	[tilespmem:s22+$0x200] =	vst.add.f32.msk $0xffff, v5  }
0xab: {  	s23 =	sor.u32 s7, s0;
	[tilespmem:s22+$0x210] =	vst.add.f32.msk $0xffff, v6  }
0xac: {  	v5 =	vld [tilespmem:s23+$0x14230]  }
0xad: {  	s0 =	simm.s32 $0x4;
	v4 =	vld [tilespmem:s23+$0x14200]  }
.LBB2_2:
0xae: {  	s0 =	sadd.s32 $0x4, s0;
	v6 =	vld [tilespmem:s23+$0x14210];
	s9 =	sadd.s32 $0x200, s9  }
0xaf: {  	s2 =	sadd.s32 $0x40, s2;
	s5 =	sshll.u32 s0, $0x4;
	p0 =	slt.u32 s0, $0x3FC;
	v7 =	vld [tilespmem:s23+$0x14220]  }
0xb0: {  	s6 =	sand.u32 $0x1C00, s9;
	s7 =	sshll.u32 s0, $0x1;
	s5 =	sand.u32 $0x2000, s5;
	[tilespmem:s22+$0x220] =	vst.add.f32.msk $0xffff, v3  }
.Ltmp0:
0xb1: {  	s5 =	sor.u32 s6, s5;
	s6 =	sand.u32 $0x380, s7;
	[tilespmem:s23+$0x230] =	vst.add.f32.msk $0xffff, v5;
	(pc) =	sbr.rel @p0 .LBB2_2-.Ltmp0, $4  }
0xb2: {  	s22 =	smov.u32 s23;
	s7 =	sand.u32 $0x40, s2;
	s5 =	sor.u32 s6, s5;
	[tilespmem:s23+$0x200] =	vst.add.f32.msk $0xffff, v4  }
0xb3: {  	s23 =	sor.u32 s7, s5;
	[tilespmem:s22+$0x210] =	vst.add.f32.msk $0xffff, v6  }
0xb4: {  	v5 =	vld [tilespmem:s23+$0x14230];
	v3 =	vmov v7  }
0xb5: {  	v4 =	vld [tilespmem:s23+$0x14200]  }
0xb6: {  	v6 =	vld [tilespmem:s23+$0x14210]  }
0xb7: {  	v7 =	vld [tilespmem:s23+$0x14220]  }
0xb8: {  	[tilespmem:s22+$0x220] =	vst.add.f32.msk $0xffff, v3  }
0xb9: {  	[tilespmem:s23+$0x230] =	vst.add.f32.msk $0xffff, v5  }
0xba: {  	[tilespmem:s23+$0x200] =	vst.add.f32.msk $0xffff, v4  }
0xbb: {  	[tilespmem:s23+$0x210] =	vst.add.f32.msk $0xffff, v6  }
0xbc: {  	[tilespmem:s23+$0x220] =	vst.add.f32.msk $0xffff, v7  }
0xbd: {  	s0 =	simm.s32 $0x0;
	s2 =	rddreg [dreg:$0xa]  }
0xbe: {  	[hbm4b:s2+s0] =	stream.linear.scatter [tilespmem:s31], [sflag:$0x2], $0x4000, $0x38;
	[tilespmem:$0x1C200] =	vst v63  }
0xbf: {  	s5 =	simm.s32 $0x18200;
	s6 =	rddreg [dreg:$0xb]  }
0xc0: {  	[tilespmem:s5], [sflag:$0x3] =	stream.linear.gather [hbm4b:s6+s0], $0x4000, $0x38;
	[tilespmem:$0x1C200] =	vst v63  }
0xc1: {  	v3 =	vld [tilespmem:$0x10];
	_ =	sdelay $0x4  }
0xc2: {  	v4 =	vshll.u32 v3, $0x3  }
0xc3: {  	v3 =	vand.u32 $0x7, v3;
	v4 =	vand.u32 $0xFFFFFFC0, v4  }
0xc4: {  	v3 =	vor.u32 v3, v4  }
0xc5: {  	v4 =	vperm.xlane v3, v0;
	_ =	sdelay $0x1  }
0xc6: {  	v4 =	vadd.s32 v1, v4;
	_ =	sdelay $0x4  }
0xc7: {  	[tilespmem:s21], [sflag:$0x1] =	stream.indirect_vreg.gather [hbm4b:s1+s0], $0x80, v4, vm0, $0xb8;
	[tilespmem:$0x1C200] =	vst v63  }
0xc8: {  	s7 =	simm.s32 $0x10A00;
	v3 =	vperm.xlane v3, v2  }
0xc9: {  	[tilespmem:s7], [sflag:$0x1] =	stream.indirect_vreg.gather [hbm4b:s24+s0], $0x80, v4, vm0, $0xb8;
	[tilespmem:$0x1C200] =	vst v63  }
0xca: {  	s9 =	simm.s32 $0x11200;
	v3 =	vadd.s32 v1, v3  }
0xcb: {  	[tilespmem:s9], [sflag:$0x1] =	stream.indirect_vreg.gather [hbm4b:s26+s0], $0x80, v4, vm0, $0xb8;
	[tilespmem:$0x1C200] =	vst v63  }
0xcc: {  	s22 =	simm.s32 $0x11A00  }
0xcd: {  	[tilespmem:s22], [sflag:$0x1] =	stream.indirect_vreg.gather [hbm4b:s28+s0], $0x80, v4, vm0, $0xb8;
	[tilespmem:$0x1C200] =	vst v63  }
0xce: {  	s23 =	simm.s32 $0x12200  }
0xcf: {  	[tilespmem:s23], [sflag:$0x1] =	stream.indirect_vreg.gather [hbm4b:s1+s0], $0x80, v3, vm0, $0xb8;
	[tilespmem:$0x1C200] =	vst v63  }
0xd0: {  	s5 =	simm.s32 $0x12A00  }
0xd1: {  	[tilespmem:s5], [sflag:$0x1] =	stream.indirect_vreg.gather [hbm4b:s24+s0], $0x80, v3, vm0, $0xb8;
	[tilespmem:$0x1C200] =	vst v63  }
0xd2: {  	s6 =	simm.s32 $0x13200;
	s7 =	simm.s32 $0x13A00;
	s9 =	simm.s32 $0x0  }
0xd3: {  	[tilespmem:s6], [sflag:$0x1] =	stream.indirect_vreg.gather [hbm4b:s26+s0], $0x80, v3, vm0, $0xb8;
	[tilespmem:$0x1C200] =	vst v63  }
0xd4: {  	s2 =	sand.u32 $0x2000, s9;
	s22 =	sand.u32 $0x1C00, s0;
	s6 =	simm.s32 $0x0  }
0xd5: {  	[tilespmem:s7], [sflag:$0x1] =	stream.indirect_vreg.gather [hbm4b:s28+s0], $0x80, v3, vm0, $0xb8;
	[tilespmem:$0x1C200] =	vst v63  }
0xd6: {  	s2 =	sor.u32 s22, s2;
	s23 =	sand.u32 $0x380, s6;
	_ =	swait.ge [sflag:s20], $0x4000  }
0xd7: {  	s0 =	sand.u32 $0x40, s0;
	s2 =	sor.u32 s23, s2;
	[sflag:s20] =	ssyncset.done $0x0  }
0xd8: {  	s22 =	sor.u32 s0, s2;
	[sflag:s20] =	ssyncadd.s32 $0xFFFFC000  }
0xd9: {  	v4 =	vld [tilespmem:s22+$0x14230]  }
0xda: {  	v5 =	vld [tilespmem:s22+$0x14200]  }
0xdb: {  	v6 =	vld [tilespmem:s22+$0x14210]  }
0xdc: {  	s9 =	simm.s32 $0x200;
	s5 =	simm.s32 $0x40  }
0xdd: {  	s6 =	sand.u32 $0x1C00, s9;
	s7 =	simm.s32 $0x8;
	s0 =	sand.u32 $0x2000, s5;
	v3 =	vld [tilespmem:s22+$0x14220]  }
0xde: {  	s5 =	sand.u32 $0x380, s7;
	s2 =	simm.s32 $0x40;
	s0 =	sor.u32 s6, s0;
	[tilespmem:s22+$0x4230] =	vst.add.f32.msk $0xffff, v4  }
0xdf: {  	s23 =	sand.u32 $0x40, s2;
	s0 =	sor.u32 s5, s0;
	[tilespmem:s22+$0x4200] =	vst.add.f32.msk $0xffff, v5  }
0xe0: {  	s23 =	sor.u32 s23, s0;
	[tilespmem:s22+$0x4210] =	vst.add.f32.msk $0xffff, v6  }
0xe1: {  	v5 =	vld [tilespmem:s23+$0x14230]  }
0xe2: {  	s0 =	simm.s32 $0x4;
	v4 =	vld [tilespmem:s23+$0x14200]  }
.LBB2_4:
0xe3: {  	s0 =	sadd.s32 $0x4, s0;
	v6 =	vld [tilespmem:s23+$0x14210];
	s9 =	sadd.s32 $0x200, s9  }
0xe4: {  	s2 =	sadd.s32 $0x40, s2;
	s5 =	sshll.u32 s0, $0x4;
	p0 =	slt.u32 s0, $0x3FC;
	v7 =	vld [tilespmem:s23+$0x14220]  }
0xe5: {  	s6 =	sand.u32 $0x1C00, s9;
	s7 =	sshll.u32 s0, $0x1;
	s5 =	sand.u32 $0x2000, s5;
	[tilespmem:s22+$0x4220] =	vst.add.f32.msk $0xffff, v3  }
.Ltmp1:
0xe6: {  	s5 =	sor.u32 s6, s5;
	s6 =	sand.u32 $0x380, s7;
	[tilespmem:s23+$0x4230] =	vst.add.f32.msk $0xffff, v5;
	(pc) =	sbr.rel @p0 .LBB2_4-.Ltmp1, $4  }
0xe7: {  	s22 =	smov.u32 s23;
	s7 =	sand.u32 $0x40, s2;
	s5 =	sor.u32 s6, s5;
	[tilespmem:s23+$0x4200] =	vst.add.f32.msk $0xffff, v4  }
0xe8: {  	s23 =	sor.u32 s7, s5;
	[tilespmem:s22+$0x4210] =	vst.add.f32.msk $0xffff, v6  }
0xe9: {  	v5 =	vld [tilespmem:s23+$0x14230];
	v3 =	vmov v7  }
0xea: {  	v4 =	vld [tilespmem:s23+$0x14200]  }
0xeb: {  	v6 =	vld [tilespmem:s23+$0x14210]  }
0xec: {  	v7 =	vld [tilespmem:s23+$0x14220]  }
0xed: {  	[tilespmem:s22+$0x4220] =	vst.add.f32.msk $0xffff, v3  }
0xee: {  	[tilespmem:s23+$0x4230] =	vst.add.f32.msk $0xffff, v5  }
0xef: {  	[tilespmem:s23+$0x4200] =	vst.add.f32.msk $0xffff, v4  }
0xf0: {  	[tilespmem:s23+$0x4210] =	vst.add.f32.msk $0xffff, v6  }
0xf1: {  	[tilespmem:s23+$0x4220] =	vst.add.f32.msk $0xffff, v7  }
0xf2: {  	s0 =	simm.s32 $0x0;
	s2 =	rddreg [dreg:$0x1a]  }
0xf3: {  	[hbm4b:s2+s0] =	stream.linear.scatter [tilespmem:s11], [sflag:$0x2], $0x4000, $0x38;
	[tilespmem:$0x1C200] =	vst v63  }
0xf4: {  	_ =	swait.ge [sflag:s25], $0x4000  }
0xf5: {  	[sflag:s25] =	ssyncset.done $0x0  }
0xf6: {  	[sflag:s25] =	ssyncadd.s32 $0xFFFFC000  }
0xf7: {  	v3 =	vld [tilespmem:$0x90];
	_ =	sdelay $0x4  }
0xf8: {  	v4 =	vshll.u32 v3, $0x3  }
0xf9: {  	v3 =	vand.u32 $0x7, v3;
	v4 =	vand.u32 $0xFFFFFFC0, v4  }
0xfa: {  	v3 =	vor.u32 v3, v4  }
0xfb: {  	v4 =	vperm.xlane v3, v0;
	_ =	sdelay $0x1  }
0xfc: {  	v4 =	vadd.s32 v1, v4;
	_ =	sdelay $0x4  }
0xfd: {  	[tilespmem:s31], [sflag:$0x1] =	stream.indirect_vreg.gather [hbm4b:s1+s0], $0x80, v4, vm0, $0xb8;
	[tilespmem:$0x1C200] =	vst v63  }
0xfe: {  	s23 =	simm.s32 $0xA00;
	v3 =	vperm.xlane v3, v2  }
0xff: {  	[tilespmem:s23], [sflag:$0x1] =	stream.indirect_vreg.gather [hbm4b:s24+s0], $0x80, v4, vm0, $0xb8;
	[tilespmem:$0x1C200] =	vst v63  }
0x100: {  	s5 =	simm.s32 $0x1200;
	v3 =	vadd.s32 v1, v3  }
0x101: {  	[tilespmem:s5], [sflag:$0x1] =	stream.indirect_vreg.gather [hbm4b:s26+s0], $0x80, v4, vm0, $0xb8;
	[tilespmem:$0x1C200] =	vst v63  }
0x102: {  	s6 =	simm.s32 $0x1A00  }
0x103: {  	[tilespmem:s6], [sflag:$0x1] =	stream.indirect_vreg.gather [hbm4b:s28+s0], $0x80, v4, vm0, $0xb8;
	[tilespmem:$0x1C200] =	vst v63  }
0x104: {  	s7 =	simm.s32 $0x2200  }
0x105: {  	[tilespmem:s7], [sflag:$0x1] =	stream.indirect_vreg.gather [hbm4b:s1+s0], $0x80, v3, vm0, $0xb8;
	[tilespmem:$0x1C200] =	vst v63  }
0x106: {  	s9 =	simm.s32 $0x2A00  }
0x107: {  	[tilespmem:s9], [sflag:$0x1] =	stream.indirect_vreg.gather [hbm4b:s24+s0], $0x80, v3, vm0, $0xb8;
	[tilespmem:$0x1C200] =	vst v63  }
0x108: {  	s22 =	simm.s32 $0x0  }
0x109: {  	[tilespmem:s8], [sflag:$0x1] =	stream.indirect_vreg.gather [hbm4b:s26+s0], $0x80, v3, vm0, $0xb8;
	[tilespmem:$0x1C200] =	vst v63  }
0x10a: {  	s2 =	sand.u32 $0x2000, s22;
	s5 =	sand.u32 $0x1C00, s0;
	s6 =	simm.s32 $0x0  }
0x10b: {  	[tilespmem:s10], [sflag:$0x1] =	stream.indirect_vreg.gather [hbm4b:s28+s0], $0x80, v3, vm0, $0xb8;
	[tilespmem:$0x1C200] =	vst v63  }
0x10c: {  	s2 =	sor.u32 s5, s2;
	s23 =	sand.u32 $0x380, s6;
	_ =	swait.ge [sflag:s20], $0x4000  }
0x10d: {  	s2 =	sor.u32 s23, s2;
	s0 =	sand.u32 $0x40, s0;
	[sflag:s20] =	ssyncset.done $0x0  }
0x10e: {  	s22 =	sor.u32 s0, s2;
	[sflag:s20] =	ssyncadd.s32 $0xFFFFC000  }
0x10f: {  	v4 =	vld [tilespmem:s22+$0x14230]  }
0x110: {  	v5 =	vld [tilespmem:s22+$0x14200]  }
0x111: {  	v6 =	vld [tilespmem:s22+$0x14210]  }
0x112: {  	s5 =	simm.s32 $0x40;
	s9 =	simm.s32 $0x200  }
0x113: {  	s7 =	simm.s32 $0x8;
	s6 =	sand.u32 $0x1C00, s9;
	s0 =	sand.u32 $0x2000, s5;
	v3 =	vld [tilespmem:s22+$0x14220]  }
0x114: {  	s5 =	sand.u32 $0x380, s7;
	s2 =	simm.s32 $0x40;
	s0 =	sor.u32 s6, s0;
	[tilespmem:s22+$0x8230] =	vst.add.f32.msk $0xffff, v4  }
0x115: {  	s23 =	sand.u32 $0x40, s2;
	s0 =	sor.u32 s5, s0;
	[tilespmem:s22+$0x8200] =	vst.add.f32.msk $0xffff, v5  }
0x116: {  	s23 =	sor.u32 s23, s0;
	[tilespmem:s22+$0x8210] =	vst.add.f32.msk $0xffff, v6  }
0x117: {  	v5 =	vld [tilespmem:s23+$0x14230]  }
0x118: {  	s0 =	simm.s32 $0x4;
	v4 =	vld [tilespmem:s23+$0x14200]  }
.LBB2_6:
0x119: {  	s0 =	sadd.s32 $0x4, s0;
	v6 =	vld [tilespmem:s23+$0x14210];
	s9 =	sadd.s32 $0x200, s9  }
0x11a: {  	s2 =	sadd.s32 $0x40, s2;
	s5 =	sshll.u32 s0, $0x4;
	p0 =	slt.u32 s0, $0x3FC;
	v7 =	vld [tilespmem:s23+$0x14220]  }
0x11b: {  	s6 =	sand.u32 $0x1C00, s9;
	s7 =	sshll.u32 s0, $0x1;
	s5 =	sand.u32 $0x2000, s5;
	[tilespmem:s22+$0x8220] =	vst.add.f32.msk $0xffff, v3  }
.Ltmp2:
0x11c: {  	s5 =	sor.u32 s6, s5;
	s6 =	sand.u32 $0x380, s7;
	[tilespmem:s23+$0x8230] =	vst.add.f32.msk $0xffff, v5;
	(pc) =	sbr.rel @p0 .LBB2_6-.Ltmp2, $4  }
0x11d: {  	s22 =	smov.u32 s23;
	s7 =	sand.u32 $0x40, s2;
	s5 =	sor.u32 s6, s5;
	[tilespmem:s23+$0x8200] =	vst.add.f32.msk $0xffff, v4  }
0x11e: {  	s23 =	sor.u32 s7, s5;
	[tilespmem:s22+$0x8210] =	vst.add.f32.msk $0xffff, v6  }
0x11f: {  	v5 =	vld [tilespmem:s23+$0x14230];
	v3 =	vmov v7  }
0x120: {  	v4 =	vld [tilespmem:s23+$0x14200]  }
0x121: {  	v6 =	vld [tilespmem:s23+$0x14210]  }
0x122: {  	v7 =	vld [tilespmem:s23+$0x14220]  }
0x123: {  	[tilespmem:s22+$0x8220] =	vst.add.f32.msk $0xffff, v3  }
0x124: {  	[tilespmem:s23+$0x8230] =	vst.add.f32.msk $0xffff, v5  }
0x125: {  	[tilespmem:s23+$0x8200] =	vst.add.f32.msk $0xffff, v4  }
0x126: {  	[tilespmem:s23+$0x8210] =	vst.add.f32.msk $0xffff, v6  }
0x127: {  	[tilespmem:s23+$0x8220] =	vst.add.f32.msk $0xffff, v7  }
0x128: {  	s0 =	simm.s32 $0x0;
	s2 =	rddreg [dreg:$0x1b]  }
0x129: {  	[hbm4b:s2+s0] =	stream.linear.scatter [tilespmem:s19], [sflag:$0x2], $0x4000, $0x38;
	[tilespmem:$0x1C200] =	vst v63  }
0x12a: {  	_ =	swait.ge [sflag:s25], $0x4000  }
0x12b: {  	[sflag:s25] =	ssyncset.done $0x0  }
0x12c: {  	[sflag:s25] =	ssyncadd.s32 $0xFFFFC000  }
0x12d: {  	v3 =	vld [tilespmem:$0x110];
	_ =	sdelay $0x4  }
0x12e: {  	v4 =	vshll.u32 v3, $0x3  }
0x12f: {  	v3 =	vand.u32 $0x7, v3;
	v4 =	vand.u32 $0xFFFFFFC0, v4  }
0x130: {  	v3 =	vor.u32 v3, v4  }
0x131: {  	v4 =	vperm.xlane v3, v0;
	_ =	sdelay $0x1  }
0x132: {  	v4 =	vadd.s32 v1, v4;
	_ =	sdelay $0x4  }
0x133: {  	[tilespmem:s11], [sflag:$0x1] =	stream.indirect_vreg.gather [hbm4b:s1+s0], $0x80, v4, vm0, $0xb8;
	[tilespmem:$0x1C200] =	vst v63  }
0x134: {  	v3 =	vperm.xlane v3, v2  }
0x135: {  	[tilespmem:s12], [sflag:$0x1] =	stream.indirect_vreg.gather [hbm4b:s24+s0], $0x80, v4, vm0, $0xb8;
	[tilespmem:$0x1C200] =	vst v63  }
0x136: {  	v3 =	vadd.s32 v1, v3  }
0x137: {  	[tilespmem:s13], [sflag:$0x1] =	stream.indirect_vreg.gather [hbm4b:s26+s0], $0x80, v4, vm0, $0xb8;
	[tilespmem:$0x1C200] =	vst v63  }
0x138: {  	_ = 	snop  }
0x139: {  	[tilespmem:s14], [sflag:$0x1] =	stream.indirect_vreg.gather [hbm4b:s28+s0], $0x80, v4, vm0, $0xb8;
	[tilespmem:$0x1C200] =	vst v63  }
0x13a: {  	_ = 	snop  }
0x13b: {  	[tilespmem:s15], [sflag:$0x1] =	stream.indirect_vreg.gather [hbm4b:s1+s0], $0x80, v3, vm0, $0xb8;
	[tilespmem:$0x1C200] =	vst v63  }
0x13c: {  	_ = 	snop  }
0x13d: {  	[tilespmem:s16], [sflag:$0x1] =	stream.indirect_vreg.gather [hbm4b:s24+s0], $0x80, v3, vm0, $0xb8;
	[tilespmem:$0x1C200] =	vst v63  }
0x13e: {  	s22 =	simm.s32 $0x0  }
0x13f: {  	[tilespmem:s17], [sflag:$0x1] =	stream.indirect_vreg.gather [hbm4b:s26+s0], $0x80, v3, vm0, $0xb8;
	[tilespmem:$0x1C200] =	vst v63  }
0x140: {  	s6 =	simm.s32 $0x0;
	s5 =	sand.u32 $0x1C00, s0;
	s2 =	sand.u32 $0x2000, s22  }
0x141: {  	[tilespmem:s18], [sflag:$0x1] =	stream.indirect_vreg.gather [hbm4b:s28+s0], $0x80, v3, vm0, $0xb8;
	[tilespmem:$0x1C200] =	vst v63  }
0x142: {  	s23 =	sand.u32 $0x380, s6;
	s2 =	sor.u32 s5, s2;
	_ =	swait.ge [sflag:s20], $0x4000  }
0x143: {  	s2 =	sor.u32 s23, s2;
	s0 =	sand.u32 $0x40, s0;
	[sflag:s20] =	ssyncset.done $0x0  }
0x144: {  	s22 =	sor.u32 s0, s2;
	[sflag:s20] =	ssyncadd.s32 $0xFFFFC000  }
0x145: {  	v4 =	vld [tilespmem:s22+$0x14230]  }
0x146: {  	v5 =	vld [tilespmem:s22+$0x14200]  }
0x147: {  	v6 =	vld [tilespmem:s22+$0x14210]  }
0x148: {  	s9 =	simm.s32 $0x200;
	s5 =	simm.s32 $0x40  }
0x149: {  	s7 =	simm.s32 $0x8;
	s6 =	sand.u32 $0x1C00, s9;
	s0 =	sand.u32 $0x2000, s5;
	v3 =	vld [tilespmem:s22+$0x14220]  }
0x14a: {  	s5 =	sand.u32 $0x380, s7;
	s2 =	simm.s32 $0x40;
	s0 =	sor.u32 s6, s0;
	[tilespmem:s22+$0xC230] =	vst.add.f32.msk $0xffff, v4  }
0x14b: {  	s23 =	sand.u32 $0x40, s2;
	s0 =	sor.u32 s5, s0;
	[tilespmem:s22+$0xC200] =	vst.add.f32.msk $0xffff, v5  }
0x14c: {  	s23 =	sor.u32 s23, s0;
	[tilespmem:s22+$0xC210] =	vst.add.f32.msk $0xffff, v6  }
0x14d: {  	v5 =	vld [tilespmem:s23+$0x14230]  }
0x14e: {  	s0 =	simm.s32 $0x4;
	v4 =	vld [tilespmem:s23+$0x14200]  }
.LBB2_8:
0x14f: {  	s0 =	sadd.s32 $0x4, s0;
	v6 =	vld [tilespmem:s23+$0x14210];
	s9 =	sadd.s32 $0x200, s9  }
0x150: {  	s2 =	sadd.s32 $0x40, s2;
	s5 =	sshll.u32 s0, $0x4;
	p0 =	slt.u32 s0, $0x3FC;
	v7 =	vld [tilespmem:s23+$0x14220]  }
0x151: {  	s6 =	sand.u32 $0x1C00, s9;
	s7 =	sshll.u32 s0, $0x1;
	s5 =	sand.u32 $0x2000, s5;
	[tilespmem:s22+$0xC220] =	vst.add.f32.msk $0xffff, v3  }
.Ltmp3:
0x152: {  	s5 =	sor.u32 s6, s5;
	s6 =	sand.u32 $0x380, s7;
	[tilespmem:s23+$0xC230] =	vst.add.f32.msk $0xffff, v5;
	(pc) =	sbr.rel @p0 .LBB2_8-.Ltmp3, $4  }
0x153: {  	s22 =	smov.u32 s23;
	s7 =	sand.u32 $0x40, s2;
	s5 =	sor.u32 s6, s5;
	[tilespmem:s23+$0xC200] =	vst.add.f32.msk $0xffff, v4  }
0x154: {  	s23 =	sor.u32 s7, s5;
	[tilespmem:s22+$0xC210] =	vst.add.f32.msk $0xffff, v6  }
0x155: {  	v5 =	vld [tilespmem:s23+$0x14230];
	v3 =	vmov v7  }
0x156: {  	v4 =	vld [tilespmem:s23+$0x14200]  }
0x157: {  	v6 =	vld [tilespmem:s23+$0x14210]  }
0x158: {  	v7 =	vld [tilespmem:s23+$0x14220]  }
0x159: {  	[tilespmem:s22+$0xC220] =	vst.add.f32.msk $0xffff, v3  }
0x15a: {  	[tilespmem:s23+$0xC230] =	vst.add.f32.msk $0xffff, v5  }
0x15b: {  	[tilespmem:s23+$0xC200] =	vst.add.f32.msk $0xffff, v4  }
0x15c: {  	[tilespmem:s23+$0xC210] =	vst.add.f32.msk $0xffff, v6  }
0x15d: {  	[tilespmem:s23+$0xC220] =	vst.add.f32.msk $0xffff, v7  }
0x15e: {  	s0 =	simm.s32 $0x0;
	s2 =	rddreg [dreg:$0x1c]  }
0x15f: {  	[hbm4b:s2+s0] =	stream.linear.scatter [tilespmem:s29], [sflag:$0x2], $0x4000, $0x38;
	[tilespmem:$0x1C200] =	vst v63  }
0x160: {  	_ =	swait.ge [sflag:s25], $0x4000  }
0x161: {  	[sflag:s25] =	ssyncset.done $0x0  }
0x162: {  	[sflag:s25] =	ssyncadd.s32 $0xFFFFC000  }
0x163: {  	v3 =	vld [tilespmem:$0x190];
	_ =	sdelay $0x4  }
0x164: {  	v4 =	vshll.u32 v3, $0x3  }
0x165: {  	v3 =	vand.u32 $0x7, v3;
	v4 =	vand.u32 $0xFFFFFFC0, v4  }
0x166: {  	v3 =	vor.u32 v3, v4  }
0x167: {  	v4 =	vperm.xlane v3, v0;
	_ =	sdelay $0x1  }
0x168: {  	v4 =	vadd.s32 v1, v4;
	_ =	sdelay $0x4  }
0x169: {  	[tilespmem:s19], [sflag:$0x1] =	stream.indirect_vreg.gather [hbm4b:s1+s0], $0x80, v4, vm0, $0xb8;
	[tilespmem:$0x1C200] =	vst v63  }
0x16a: {  	s9 =	simm.s32 $0x8A00;
	v3 =	vperm.xlane v3, v2  }
0x16b: {  	[tilespmem:s9], [sflag:$0x1] =	stream.indirect_vreg.gather [hbm4b:s24+s0], $0x80, v4, vm0, $0xb8;
	[tilespmem:$0x1C200] =	vst v63  }
0x16c: {  	s22 =	simm.s32 $0x9200;
	v3 =	vadd.s32 v1, v3  }
0x16d: {  	[tilespmem:s22], [sflag:$0x1] =	stream.indirect_vreg.gather [hbm4b:s26+s0], $0x80, v4, vm0, $0xb8;
	[tilespmem:$0x1C200] =	vst v63  }
0x16e: {  	s23 =	simm.s32 $0x9A00  }
0x16f: {  	[tilespmem:s23], [sflag:$0x1] =	stream.indirect_vreg.gather [hbm4b:s28+s0], $0x80, v4, vm0, $0xb8;
	[tilespmem:$0x1C200] =	vst v63  }
0x170: {  	s5 =	simm.s32 $0xA200  }
0x171: {  	[tilespmem:s5], [sflag:$0x1] =	stream.indirect_vreg.gather [hbm4b:s1+s0], $0x80, v3, vm0, $0xb8;
	[tilespmem:$0x1C200] =	vst v63  }
0x172: {  	s6 =	simm.s32 $0xAA00  }
0x173: {  	[tilespmem:s6], [sflag:$0x1] =	stream.indirect_vreg.gather [hbm4b:s24+s0], $0x80, v3, vm0, $0xb8;
	[tilespmem:$0x1C200] =	vst v63  }
0x174: {  	s7 =	simm.s32 $0xB200  }
0x175: {  	[tilespmem:s7], [sflag:$0x1] =	stream.indirect_vreg.gather [hbm4b:s26+s0], $0x80, v3, vm0, $0xb8;
	[tilespmem:$0x1C200] =	vst v63  }
0x176: {  	s9 =	simm.s32 $0xBA00  }
0x177: {  	[tilespmem:s9], [sflag:$0x1] =	stream.indirect_vreg.gather [hbm4b:s28+s0], $0x80, v3, vm0, $0xb8;
	[tilespmem:$0x1C200] =	vst v63  }
0x178: {  	s22 =	simm.s32 $0x0;
	_ =	swait.ge [sflag:s30], $0x4000  }
0x179: {  	s2 =	sand.u32 $0x2000, s22;
	[sflag:s30] =	ssyncset.done $0x0  }
0x17a: {  	s5 =	sand.u32 $0x1C00, s0;
	s6 =	simm.s32 $0x0;
	[sflag:s30] =	ssyncadd.s32 $0xFFFFC000  }
0x17b: {  	s2 =	sor.u32 s5, s2;
	s23 =	sand.u32 $0x380, s6;
	_ =	swait.ge [sflag:s20], $0x4000  }
0x17c: {  	s2 =	sor.u32 s23, s2;
	s0 =	sand.u32 $0x40, s0;
	[sflag:s20] =	ssyncset.done $0x0  }
0x17d: {  	s22 =	sor.u32 s0, s2;
	[sflag:s20] =	ssyncadd.s32 $0xFFFFC000  }
0x17e: {  	v4 =	vld [tilespmem:s22+$0x18230]  }
0x17f: {  	v5 =	vld [tilespmem:s22+$0x18200]  }
0x180: {  	v6 =	vld [tilespmem:s22+$0x18210]  }
0x181: {  	s5 =	simm.s32 $0x40;
	s9 =	simm.s32 $0x200  }
0x182: {  	s7 =	simm.s32 $0x8;
	s0 =	sand.u32 $0x2000, s5;
	s6 =	sand.u32 $0x1C00, s9;
	v3 =	vld [tilespmem:s22+$0x18220]  }
0x183: {  	s5 =	sand.u32 $0x380, s7;
	s2 =	simm.s32 $0x40;
	s0 =	sor.u32 s6, s0;
	[tilespmem:s22+$0x10230] =	vst.add.f32.msk $0xffff, v4  }
0x184: {  	s23 =	sand.u32 $0x40, s2;
	s0 =	sor.u32 s5, s0;
	[tilespmem:s22+$0x10200] =	vst.add.f32.msk $0xffff, v5  }
0x185: {  	s23 =	sor.u32 s23, s0;
	[tilespmem:s22+$0x10210] =	vst.add.f32.msk $0xffff, v6  }
0x186: {  	v5 =	vld [tilespmem:s23+$0x18230]  }
0x187: {  	s0 =	simm.s32 $0x4;
	v4 =	vld [tilespmem:s23+$0x18200]  }
.LBB2_10:
0x188: {  	s0 =	sadd.s32 $0x4, s0;
	v6 =	vld [tilespmem:s23+$0x18210];
	s9 =	sadd.s32 $0x200, s9  }
0x189: {  	s2 =	sadd.s32 $0x40, s2;
	s5 =	sshll.u32 s0, $0x4;
	p0 =	slt.u32 s0, $0x3FC;
	v7 =	vld [tilespmem:s23+$0x18220]  }
0x18a: {  	s6 =	sand.u32 $0x1C00, s9;
	s7 =	sshll.u32 s0, $0x1;
	s5 =	sand.u32 $0x2000, s5;
	[tilespmem:s22+$0x10220] =	vst.add.f32.msk $0xffff, v3  }
.Ltmp4:
0x18b: {  	s5 =	sor.u32 s6, s5;
	s6 =	sand.u32 $0x380, s7;
	[tilespmem:s23+$0x10230] =	vst.add.f32.msk $0xffff, v5;
	(pc) =	sbr.rel @p0 .LBB2_10-.Ltmp4, $4  }
0x18c: {  	s22 =	smov.u32 s23;
	s7 =	sand.u32 $0x40, s2;
	s5 =	sor.u32 s6, s5;
	[tilespmem:s23+$0x10200] =	vst.add.f32.msk $0xffff, v4  }
0x18d: {  	s23 =	sor.u32 s7, s5;
	[tilespmem:s22+$0x10210] =	vst.add.f32.msk $0xffff, v6  }
0x18e: {  	v5 =	vld [tilespmem:s23+$0x18230];
	v3 =	vmov v7  }
0x18f: {  	v4 =	vld [tilespmem:s23+$0x18200]  }
0x190: {  	v6 =	vld [tilespmem:s23+$0x18210]  }
0x191: {  	v7 =	vld [tilespmem:s23+$0x18220]  }
0x192: {  	[tilespmem:s22+$0x10220] =	vst.add.f32.msk $0xffff, v3  }
0x193: {  	[tilespmem:s23+$0x10230] =	vst.add.f32.msk $0xffff, v5  }
0x194: {  	[tilespmem:s23+$0x10200] =	vst.add.f32.msk $0xffff, v4  }
0x195: {  	[tilespmem:s23+$0x10210] =	vst.add.f32.msk $0xffff, v6  }
0x196: {  	[tilespmem:s23+$0x10220] =	vst.add.f32.msk $0xffff, v7  }
0x197: {  	s0 =	simm.s32 $0x0;
	s2 =	rddreg [dreg:$0xc]  }
0x198: {  	[hbm4b:s2+s0] =	stream.linear.scatter [tilespmem:s21], [sflag:$0x2], $0x4000, $0x38;
	[tilespmem:$0x1C200] =	vst v63  }
0x199: {  	_ =	swait.ge [sflag:s25], $0x4000  }
0x19a: {  	[sflag:s25] =	ssyncset.done $0x0  }
0x19b: {  	s5 =	simm.s32 $0x14200;
	s6 =	rddreg [dreg:$0xd];
	[sflag:s25] =	ssyncadd.s32 $0xFFFFC000  }
0x19c: {  	[tilespmem:s5], [sflag:$0x3] =	stream.linear.gather [hbm4b:s6+s0], $0x4000, $0x38;
	[tilespmem:$0x1C200] =	vst v63  }
0x19d: {  	v3 =	vld [tilespmem:$0x20];
	_ =	sdelay $0x4  }
0x19e: {  	v4 =	vshll.u32 v3, $0x3  }
0x19f: {  	v3 =	vand.u32 $0x7, v3;
	v4 =	vand.u32 $0xFFFFFFC0, v4  }
0x1a0: {  	v3 =	vor.u32 v3, v4  }
0x1a1: {  	v4 =	vperm.xlane v3, v0;
	_ =	sdelay $0x1  }
0x1a2: {  	v4 =	vadd.s32 v1, v4;
	_ =	sdelay $0x4  }
0x1a3: {  	[tilespmem:s29], [sflag:$0x1] =	stream.indirect_vreg.gather [hbm4b:s1+s0], $0x80, v4, vm0, $0xb8;
	[tilespmem:$0x1C200] =	vst v63  }
0x1a4: {  	s7 =	simm.s32 $0xCA00;
	v3 =	vperm.xlane v3, v2  }
0x1a5: {  	[tilespmem:s7], [sflag:$0x1] =	stream.indirect_vreg.gather [hbm4b:s24+s0], $0x80, v4, vm0, $0xb8;
	[tilespmem:$0x1C200] =	vst v63  }
0x1a6: {  	s9 =	simm.s32 $0xD200;
	v3 =	vadd.s32 v1, v3  }
0x1a7: {  	[tilespmem:s9], [sflag:$0x1] =	stream.indirect_vreg.gather [hbm4b:s26+s0], $0x80, v4, vm0, $0xb8;
	[tilespmem:$0x1C200] =	vst v63  }
0x1a8: {  	s22 =	simm.s32 $0xDA00  }
0x1a9: {  	[tilespmem:s22], [sflag:$0x1] =	stream.indirect_vreg.gather [hbm4b:s28+s0], $0x80, v4, vm0, $0xb8;
	[tilespmem:$0x1C200] =	vst v63  }
0x1aa: {  	s23 =	simm.s32 $0xE200  }
0x1ab: {  	[tilespmem:s23], [sflag:$0x1] =	stream.indirect_vreg.gather [hbm4b:s1+s0], $0x80, v3, vm0, $0xb8;
	[tilespmem:$0x1C200] =	vst v63  }
0x1ac: {  	s5 =	simm.s32 $0xEA00  }
0x1ad: {  	[tilespmem:s5], [sflag:$0x1] =	stream.indirect_vreg.gather [hbm4b:s24+s0], $0x80, v3, vm0, $0xb8;
	[tilespmem:$0x1C200] =	vst v63  }
0x1ae: {  	s6 =	simm.s32 $0xF200;
	s7 =	simm.s32 $0xFA00;
	s9 =	simm.s32 $0x0  }
0x1af: {  	[tilespmem:s6], [sflag:$0x1] =	stream.indirect_vreg.gather [hbm4b:s26+s0], $0x80, v3, vm0, $0xb8;
	[tilespmem:$0x1C200] =	vst v63  }
0x1b0: {  	s2 =	sand.u32 $0x2000, s9;
	s22 =	sand.u32 $0x1C00, s0;
	s6 =	simm.s32 $0x0  }
0x1b1: {  	[tilespmem:s7], [sflag:$0x1] =	stream.indirect_vreg.gather [hbm4b:s28+s0], $0x80, v3, vm0, $0xb8;
	[tilespmem:$0x1C200] =	vst v63  }
0x1b2: {  	s2 =	sor.u32 s22, s2;
	s23 =	sand.u32 $0x380, s6;
	_ =	swait.ge [sflag:s20], $0x4000  }
0x1b3: {  	s0 =	sand.u32 $0x40, s0;
	s2 =	sor.u32 s23, s2;
	[sflag:s20] =	ssyncset.done $0x0  }
0x1b4: {  	s22 =	sor.u32 s0, s2;
	[sflag:s20] =	ssyncadd.s32 $0xFFFFC000  }
0x1b5: {  	v4 =	vld [tilespmem:s22+$0x18230]  }
0x1b6: {  	v5 =	vld [tilespmem:s22+$0x18200]  }
0x1b7: {  	v6 =	vld [tilespmem:s22+$0x18210]  }
0x1b8: {  	s9 =	simm.s32 $0x200;
	s5 =	simm.s32 $0x40  }
0x1b9: {  	s6 =	sand.u32 $0x1C00, s9;
	s7 =	simm.s32 $0x8;
	s0 =	sand.u32 $0x2000, s5;
	v3 =	vld [tilespmem:s22+$0x18220]  }
0x1ba: {  	s5 =	sand.u32 $0x380, s7;
	s2 =	simm.s32 $0x40;
	s0 =	sor.u32 s6, s0;
	[tilespmem:s22+$0x230] =	vst.add.f32.msk $0xffff, v4  }
0x1bb: {  	s23 =	sand.u32 $0x40, s2;
	s0 =	sor.u32 s5, s0;
	[tilespmem:s22+$0x200] =	vst.add.f32.msk $0xffff, v5  }
0x1bc: {  	s23 =	sor.u32 s23, s0;
	[tilespmem:s22+$0x210] =	vst.add.f32.msk $0xffff, v6  }
0x1bd: {  	v5 =	vld [tilespmem:s23+$0x18230]  }
0x1be: {  	s0 =	simm.s32 $0x4;
	v4 =	vld [tilespmem:s23+$0x18200]  }
.LBB2_12:
0x1bf: {  	s0 =	sadd.s32 $0x4, s0;
	v6 =	vld [tilespmem:s23+$0x18210];
	s9 =	sadd.s32 $0x200, s9  }
0x1c0: {  	s2 =	sadd.s32 $0x40, s2;
	s5 =	sshll.u32 s0, $0x4;
	p0 =	slt.u32 s0, $0x3FC;
	v7 =	vld [tilespmem:s23+$0x18220]  }
0x1c1: {  	s6 =	sand.u32 $0x1C00, s9;
	s7 =	sshll.u32 s0, $0x1;
	s5 =	sand.u32 $0x2000, s5;
	[tilespmem:s22+$0x220] =	vst.add.f32.msk $0xffff, v3  }
.Ltmp5:
0x1c2: {  	s5 =	sor.u32 s6, s5;
	s6 =	sand.u32 $0x380, s7;
	[tilespmem:s23+$0x230] =	vst.add.f32.msk $0xffff, v5;
	(pc) =	sbr.rel @p0 .LBB2_12-.Ltmp5, $4  }
0x1c3: {  	s22 =	smov.u32 s23;
	s7 =	sand.u32 $0x40, s2;
	s5 =	sor.u32 s6, s5;
	[tilespmem:s23+$0x200] =	vst.add.f32.msk $0xffff, v4  }
0x1c4: {  	s23 =	sor.u32 s7, s5;
	[tilespmem:s22+$0x210] =	vst.add.f32.msk $0xffff, v6  }
0x1c5: {  	v5 =	vld [tilespmem:s23+$0x18230];
	v3 =	vmov v7  }
0x1c6: {  	v4 =	vld [tilespmem:s23+$0x18200]  }
0x1c7: {  	v6 =	vld [tilespmem:s23+$0x18210]  }
0x1c8: {  	v7 =	vld [tilespmem:s23+$0x18220]  }
0x1c9: {  	[tilespmem:s22+$0x220] =	vst.add.f32.msk $0xffff, v3  }
0x1ca: {  	[tilespmem:s23+$0x230] =	vst.add.f32.msk $0xffff, v5  }
0x1cb: {  	[tilespmem:s23+$0x200] =	vst.add.f32.msk $0xffff, v4  }
0x1cc: {  	[tilespmem:s23+$0x210] =	vst.add.f32.msk $0xffff, v6  }
0x1cd: {  	[tilespmem:s23+$0x220] =	vst.add.f32.msk $0xffff, v7  }
0x1ce: {  	s0 =	simm.s32 $0x0;
	s2 =	rddreg [dreg:$0x1e]  }
0x1cf: {  	[hbm4b:s2+s0] =	stream.linear.scatter [tilespmem:s31], [sflag:$0x2], $0x4000, $0x38;
	[tilespmem:$0x1C200] =	vst v63  }
0x1d0: {  	_ =	swait.ge [sflag:s25], $0x4000  }
0x1d1: {  	[sflag:s25] =	ssyncset.done $0x0  }
0x1d2: {  	[sflag:s25] =	ssyncadd.s32 $0xFFFFC000  }
0x1d3: {  	v3 =	vld [tilespmem:$0xA0];
	_ =	sdelay $0x4  }
0x1d4: {  	v4 =	vshll.u32 v3, $0x3  }
0x1d5: {  	v3 =	vand.u32 $0x7, v3;
	v4 =	vand.u32 $0xFFFFFFC0, v4  }
0x1d6: {  	v3 =	vor.u32 v3, v4  }
0x1d7: {  	v4 =	vperm.xlane v3, v0;
	_ =	sdelay $0x1  }
0x1d8: {  	v4 =	vadd.s32 v1, v4;
	_ =	sdelay $0x4  }
0x1d9: {  	[tilespmem:s21], [sflag:$0x1] =	stream.indirect_vreg.gather [hbm4b:s1+s0], $0x80, v4, vm0, $0xb8;
	[tilespmem:$0x1C200] =	vst v63  }
0x1da: {  	s9 =	simm.s32 $0x10A00;
	v3 =	vperm.xlane v3, v2  }
0x1db: {  	[tilespmem:s9], [sflag:$0x1] =	stream.indirect_vreg.gather [hbm4b:s24+s0], $0x80, v4, vm0, $0xb8;
	[tilespmem:$0x1C200] =	vst v63  }
0x1dc: {  	s22 =	simm.s32 $0x11200;
	v3 =	vadd.s32 v1, v3  }
0x1dd: {  	[tilespmem:s22], [sflag:$0x1] =	stream.indirect_vreg.gather [hbm4b:s26+s0], $0x80, v4, vm0, $0xb8;
	[tilespmem:$0x1C200] =	vst v63  }
0x1de: {  	s23 =	simm.s32 $0x11A00  }
0x1df: {  	[tilespmem:s23], [sflag:$0x1] =	stream.indirect_vreg.gather [hbm4b:s28+s0], $0x80, v4, vm0, $0xb8;
	[tilespmem:$0x1C200] =	vst v63  }
0x1e0: {  	s5 =	simm.s32 $0x12200  }
0x1e1: {  	[tilespmem:s5], [sflag:$0x1] =	stream.indirect_vreg.gather [hbm4b:s1+s0], $0x80, v3, vm0, $0xb8;
	[tilespmem:$0x1C200] =	vst v63  }
0x1e2: {  	s6 =	simm.s32 $0x12A00  }
0x1e3: {  	[tilespmem:s6], [sflag:$0x1] =	stream.indirect_vreg.gather [hbm4b:s24+s0], $0x80, v3, vm0, $0xb8;
	[tilespmem:$0x1C200] =	vst v63  }
0x1e4: {  	s7 =	simm.s32 $0x13200;
	s9 =	simm.s32 $0x13A00;
	s22 =	simm.s32 $0x0  }
0x1e5: {  	[tilespmem:s7], [sflag:$0x1] =	stream.indirect_vreg.gather [hbm4b:s26+s0], $0x80, v3, vm0, $0xb8;
	[tilespmem:$0x1C200] =	vst v63  }
0x1e6: {  	s2 =	sand.u32 $0x2000, s22;
	s5 =	sand.u32 $0x1C00, s0;
	s6 =	simm.s32 $0x0  }
0x1e7: {  	[tilespmem:s9], [sflag:$0x1] =	stream.indirect_vreg.gather [hbm4b:s28+s0], $0x80, v3, vm0, $0xb8;
	[tilespmem:$0x1C200] =	vst v63  }
0x1e8: {  	s2 =	sor.u32 s5, s2;
	s23 =	sand.u32 $0x380, s6;
	_ =	swait.ge [sflag:s20], $0x4000  }
0x1e9: {  	s2 =	sor.u32 s23, s2;
	s0 =	sand.u32 $0x40, s0;
	[sflag:s20] =	ssyncset.done $0x0  }
0x1ea: {  	s22 =	sor.u32 s0, s2;
	[sflag:s20] =	ssyncadd.s32 $0xFFFFC000  }
0x1eb: {  	v4 =	vld [tilespmem:s22+$0x18230]  }
0x1ec: {  	v5 =	vld [tilespmem:s22+$0x18200]  }
0x1ed: {  	v6 =	vld [tilespmem:s22+$0x18210]  }
0x1ee: {  	s5 =	simm.s32 $0x40;
	s9 =	simm.s32 $0x200  }
0x1ef: {  	s7 =	simm.s32 $0x8;
	s0 =	sand.u32 $0x2000, s5;
	s6 =	sand.u32 $0x1C00, s9;
	v3 =	vld [tilespmem:s22+$0x18220]  }
0x1f0: {  	s5 =	sand.u32 $0x380, s7;
	s2 =	simm.s32 $0x40;
	s0 =	sor.u32 s6, s0;
	[tilespmem:s22+$0x4230] =	vst.add.f32.msk $0xffff, v4  }
0x1f1: {  	s23 =	sand.u32 $0x40, s2;
	s0 =	sor.u32 s5, s0;
	[tilespmem:s22+$0x4200] =	vst.add.f32.msk $0xffff, v5  }
0x1f2: {  	s23 =	sor.u32 s23, s0;
	[tilespmem:s22+$0x4210] =	vst.add.f32.msk $0xffff, v6  }
0x1f3: {  	v5 =	vld [tilespmem:s23+$0x18230]  }
0x1f4: {  	s0 =	simm.s32 $0x4;
	v4 =	vld [tilespmem:s23+$0x18200]  }
.LBB2_14:
0x1f5: {  	s0 =	sadd.s32 $0x4, s0;
	v6 =	vld [tilespmem:s23+$0x18210];
	s9 =	sadd.s32 $0x200, s9  }
0x1f6: {  	s2 =	sadd.s32 $0x40, s2;
	s5 =	sshll.u32 s0, $0x4;
	p0 =	slt.u32 s0, $0x3FC;
	v7 =	vld [tilespmem:s23+$0x18220]  }
0x1f7: {  	s6 =	sand.u32 $0x1C00, s9;
	s7 =	sshll.u32 s0, $0x1;
	s5 =	sand.u32 $0x2000, s5;
	[tilespmem:s22+$0x4220] =	vst.add.f32.msk $0xffff, v3  }
.Ltmp6:
0x1f8: {  	s5 =	sor.u32 s6, s5;
	s6 =	sand.u32 $0x380, s7;
	[tilespmem:s23+$0x4230] =	vst.add.f32.msk $0xffff, v5;
	(pc) =	sbr.rel @p0 .LBB2_14-.Ltmp6, $4  }
0x1f9: {  	s22 =	smov.u32 s23;
	s7 =	sand.u32 $0x40, s2;
	s5 =	sor.u32 s6, s5;
	[tilespmem:s23+$0x4200] =	vst.add.f32.msk $0xffff, v4  }
0x1fa: {  	s23 =	sor.u32 s7, s5;
	[tilespmem:s22+$0x4210] =	vst.add.f32.msk $0xffff, v6  }
0x1fb: {  	v5 =	vld [tilespmem:s23+$0x18230];
	v3 =	vmov v7  }
0x1fc: {  	v4 =	vld [tilespmem:s23+$0x18200]  }
0x1fd: {  	v6 =	vld [tilespmem:s23+$0x18210]  }
0x1fe: {  	v7 =	vld [tilespmem:s23+$0x18220]  }
0x1ff: {  	[tilespmem:s22+$0x4220] =	vst.add.f32.msk $0xffff, v3  }
0x200: {  	[tilespmem:s23+$0x4230] =	vst.add.f32.msk $0xffff, v5  }
0x201: {  	[tilespmem:s23+$0x4200] =	vst.add.f32.msk $0xffff, v4  }
0x202: {  	[tilespmem:s23+$0x4210] =	vst.add.f32.msk $0xffff, v6  }
0x203: {  	[tilespmem:s23+$0x4220] =	vst.add.f32.msk $0xffff, v7  }
0x204: {  	s0 =	simm.s32 $0x0;
	s2 =	rddreg [dreg:$0x1d]  }
0x205: {  	[hbm4b:s2+s0] =	stream.linear.scatter [tilespmem:s11], [sflag:$0x2], $0x4000, $0x38;
	[tilespmem:$0x1C200] =	vst v63  }
0x206: {  	_ =	swait.ge [sflag:s25], $0x4000  }
0x207: {  	[sflag:s25] =	ssyncset.done $0x0  }
0x208: {  	[sflag:s25] =	ssyncadd.s32 $0xFFFFC000  }
0x209: {  	v3 =	vld [tilespmem:$0x120];
	_ =	sdelay $0x4  }
0x20a: {  	v4 =	vshll.u32 v3, $0x3  }
0x20b: {  	v3 =	vand.u32 $0x7, v3;
	v4 =	vand.u32 $0xFFFFFFC0, v4  }
0x20c: {  	v3 =	vor.u32 v3, v4  }
0x20d: {  	v4 =	vperm.xlane v3, v0;
	_ =	sdelay $0x1  }
0x20e: {  	v4 =	vadd.s32 v1, v4;
	_ =	sdelay $0x4  }
0x20f: {  	[tilespmem:s31], [sflag:$0x1] =	stream.indirect_vreg.gather [hbm4b:s1+s0], $0x80, v4, vm0, $0xb8;
	[tilespmem:$0x1C200] =	vst v63  }
0x210: {  	s23 =	simm.s32 $0xA00;
	v3 =	vperm.xlane v3, v2  }
0x211: {  	[tilespmem:s23], [sflag:$0x1] =	stream.indirect_vreg.gather [hbm4b:s24+s0], $0x80, v4, vm0, $0xb8;
	[tilespmem:$0x1C200] =	vst v63  }
0x212: {  	s5 =	simm.s32 $0x1200;
	v3 =	vadd.s32 v1, v3  }
0x213: {  	[tilespmem:s5], [sflag:$0x1] =	stream.indirect_vreg.gather [hbm4b:s26+s0], $0x80, v4, vm0, $0xb8;
	[tilespmem:$0x1C200] =	vst v63  }
0x214: {  	s6 =	simm.s32 $0x1A00  }
0x215: {  	[tilespmem:s6], [sflag:$0x1] =	stream.indirect_vreg.gather [hbm4b:s28+s0], $0x80, v4, vm0, $0xb8;
	[tilespmem:$0x1C200] =	vst v63  }
0x216: {  	s7 =	simm.s32 $0x2200  }
0x217: {  	[tilespmem:s7], [sflag:$0x1] =	stream.indirect_vreg.gather [hbm4b:s1+s0], $0x80, v3, vm0, $0xb8;
	[tilespmem:$0x1C200] =	vst v63  }
0x218: {  	s9 =	simm.s32 $0x2A00  }
0x219: {  	[tilespmem:s9], [sflag:$0x1] =	stream.indirect_vreg.gather [hbm4b:s24+s0], $0x80, v3, vm0, $0xb8;
	[tilespmem:$0x1C200] =	vst v63  }
0x21a: {  	s22 =	simm.s32 $0x0  }
0x21b: {  	[tilespmem:s8], [sflag:$0x1] =	stream.indirect_vreg.gather [hbm4b:s26+s0], $0x80, v3, vm0, $0xb8;
	[tilespmem:$0x1C200] =	vst v63  }
0x21c: {  	s2 =	sand.u32 $0x2000, s22;
	s5 =	sand.u32 $0x1C00, s0;
	s6 =	simm.s32 $0x0  }
0x21d: {  	[tilespmem:s10], [sflag:$0x1] =	stream.indirect_vreg.gather [hbm4b:s28+s0], $0x80, v3, vm0, $0xb8;
	[tilespmem:$0x1C200] =	vst v63  }
0x21e: {  	s2 =	sor.u32 s5, s2;
	s23 =	sand.u32 $0x380, s6;
	_ =	swait.ge [sflag:s20], $0x4000  }
0x21f: {  	s2 =	sor.u32 s23, s2;
	s0 =	sand.u32 $0x40, s0;
	[sflag:s20] =	ssyncset.done $0x0  }
0x220: {  	s22 =	sor.u32 s0, s2;
	[sflag:s20] =	ssyncadd.s32 $0xFFFFC000  }
0x221: {  	v4 =	vld [tilespmem:s22+$0x18230]  }
0x222: {  	v5 =	vld [tilespmem:s22+$0x18200]  }
0x223: {  	v6 =	vld [tilespmem:s22+$0x18210]  }
0x224: {  	s5 =	simm.s32 $0x40;
	s9 =	simm.s32 $0x200  }
0x225: {  	s7 =	simm.s32 $0x8;
	s6 =	sand.u32 $0x1C00, s9;
	s0 =	sand.u32 $0x2000, s5;
	v3 =	vld [tilespmem:s22+$0x18220]  }
0x226: {  	s5 =	sand.u32 $0x380, s7;
	s2 =	simm.s32 $0x40;
	s0 =	sor.u32 s6, s0;
	[tilespmem:s22+$0x8230] =	vst.add.f32.msk $0xffff, v4  }
0x227: {  	s23 =	sand.u32 $0x40, s2;
	s0 =	sor.u32 s5, s0;
	[tilespmem:s22+$0x8200] =	vst.add.f32.msk $0xffff, v5  }
0x228: {  	s23 =	sor.u32 s23, s0;
	[tilespmem:s22+$0x8210] =	vst.add.f32.msk $0xffff, v6  }
0x229: {  	v5 =	vld [tilespmem:s23+$0x18230]  }
0x22a: {  	s0 =	simm.s32 $0x4;
	v4 =	vld [tilespmem:s23+$0x18200]  }
.LBB2_16:
0x22b: {  	s0 =	sadd.s32 $0x4, s0;
	v6 =	vld [tilespmem:s23+$0x18210];
	s9 =	sadd.s32 $0x200, s9  }
0x22c: {  	s2 =	sadd.s32 $0x40, s2;
	s5 =	sshll.u32 s0, $0x4;
	p0 =	slt.u32 s0, $0x3FC;
	v7 =	vld [tilespmem:s23+$0x18220]  }
0x22d: {  	s6 =	sand.u32 $0x1C00, s9;
	s7 =	sshll.u32 s0, $0x1;
	s5 =	sand.u32 $0x2000, s5;
	[tilespmem:s22+$0x8220] =	vst.add.f32.msk $0xffff, v3  }
.Ltmp7:
0x22e: {  	s5 =	sor.u32 s6, s5;
	s6 =	sand.u32 $0x380, s7;
	[tilespmem:s23+$0x8230] =	vst.add.f32.msk $0xffff, v5;
	(pc) =	sbr.rel @p0 .LBB2_16-.Ltmp7, $4  }
0x22f: {  	s22 =	smov.u32 s23;
	s7 =	sand.u32 $0x40, s2;
	s5 =	sor.u32 s6, s5;
	[tilespmem:s23+$0x8200] =	vst.add.f32.msk $0xffff, v4  }
0x230: {  	s23 =	sor.u32 s7, s5;
	[tilespmem:s22+$0x8210] =	vst.add.f32.msk $0xffff, v6  }
0x231: {  	v5 =	vld [tilespmem:s23+$0x18230];
	v3 =	vmov v7  }
0x232: {  	v4 =	vld [tilespmem:s23+$0x18200]  }
0x233: {  	v6 =	vld [tilespmem:s23+$0x18210]  }
0x234: {  	v7 =	vld [tilespmem:s23+$0x18220]  }
0x235: {  	[tilespmem:s22+$0x8220] =	vst.add.f32.msk $0xffff, v3  }
0x236: {  	[tilespmem:s23+$0x8230] =	vst.add.f32.msk $0xffff, v5  }
0x237: {  	[tilespmem:s23+$0x8200] =	vst.add.f32.msk $0xffff, v4  }
0x238: {  	[tilespmem:s23+$0x8210] =	vst.add.f32.msk $0xffff, v6  }
0x239: {  	[tilespmem:s23+$0x8220] =	vst.add.f32.msk $0xffff, v7  }
0x23a: {  	s0 =	simm.s32 $0x0;
	s2 =	rddreg [dreg:$0x1f]  }
0x23b: {  	[hbm4b:s2+s0] =	stream.linear.scatter [tilespmem:s19], [sflag:$0x2], $0x4000, $0x38;
	[tilespmem:$0x1C200] =	vst v63  }
0x23c: {  	_ =	swait.ge [sflag:s25], $0x4000  }
0x23d: {  	[sflag:s25] =	ssyncset.done $0x0  }
0x23e: {  	[sflag:s25] =	ssyncadd.s32 $0xFFFFC000  }
0x23f: {  	v3 =	vld [tilespmem:$0x1A0];
	_ =	sdelay $0x4  }
0x240: {  	v4 =	vshll.u32 v3, $0x3  }
0x241: {  	v3 =	vand.u32 $0x7, v3;
	v4 =	vand.u32 $0xFFFFFFC0, v4  }
0x242: {  	v3 =	vor.u32 v3, v4  }
0x243: {  	v4 =	vperm.xlane v3, v0;
	_ =	sdelay $0x1  }
0x244: {  	v4 =	vadd.s32 v1, v4;
	_ =	sdelay $0x4  }
0x245: {  	[tilespmem:s11], [sflag:$0x1] =	stream.indirect_vreg.gather [hbm4b:s1+s0], $0x80, v4, vm0, $0xb8;
	[tilespmem:$0x1C200] =	vst v63  }
0x246: {  	v3 =	vperm.xlane v3, v2  }
0x247: {  	[tilespmem:s12], [sflag:$0x1] =	stream.indirect_vreg.gather [hbm4b:s24+s0], $0x80, v4, vm0, $0xb8;
	[tilespmem:$0x1C200] =	vst v63  }
0x248: {  	v3 =	vadd.s32 v1, v3  }
0x249: {  	[tilespmem:s13], [sflag:$0x1] =	stream.indirect_vreg.gather [hbm4b:s26+s0], $0x80, v4, vm0, $0xb8;
	[tilespmem:$0x1C200] =	vst v63  }
0x24a: {  	_ = 	snop  }
0x24b: {  	[tilespmem:s14], [sflag:$0x1] =	stream.indirect_vreg.gather [hbm4b:s28+s0], $0x80, v4, vm0, $0xb8;
	[tilespmem:$0x1C200] =	vst v63  }
0x24c: {  	_ = 	snop  }
0x24d: {  	[tilespmem:s15], [sflag:$0x1] =	stream.indirect_vreg.gather [hbm4b:s1+s0], $0x80, v3, vm0, $0xb8;
	[tilespmem:$0x1C200] =	vst v63  }
0x24e: {  	_ = 	snop  }
0x24f: {  	[tilespmem:s16], [sflag:$0x1] =	stream.indirect_vreg.gather [hbm4b:s24+s0], $0x80, v3, vm0, $0xb8;
	[tilespmem:$0x1C200] =	vst v63  }
0x250: {  	_ = 	snop  }
0x251: {  	[tilespmem:s17], [sflag:$0x1] =	stream.indirect_vreg.gather [hbm4b:s26+s0], $0x80, v3, vm0, $0xb8;
	[tilespmem:$0x1C200] =	vst v63  }
0x252: {  	_ = 	snop  }
0x253: {  	[tilespmem:s18], [sflag:$0x1] =	stream.indirect_vreg.gather [hbm4b:s28+s0], $0x80, v3, vm0, $0xb8;
	[tilespmem:$0x1C200] =	vst v63  }
0x254: {  	_ =	swait.ge [sflag:s30], $0x4000  }
0x255: {  	s22 =	simm.s32 $0x0;
	s6 =	simm.s32 $0x0;
	[sflag:s30] =	ssyncset.done $0x0  }
0x256: {  	s5 =	sand.u32 $0x1C00, s0;
	s2 =	sand.u32 $0x2000, s22;
	[sflag:s30] =	ssyncadd.s32 $0xFFFFC000  }
0x257: {  	s23 =	sand.u32 $0x380, s6;
	s2 =	sor.u32 s5, s2;
	_ =	swait.ge [sflag:s20], $0x4000  }
0x258: {  	s2 =	sor.u32 s23, s2;
	s0 =	sand.u32 $0x40, s0;
	[sflag:s20] =	ssyncset.done $0x0  }
0x259: {  	s22 =	sor.u32 s0, s2;
	[sflag:s20] =	ssyncadd.s32 $0xFFFFC000  }
0x25a: {  	v4 =	vld [tilespmem:s22+$0x14230]  }
0x25b: {  	v5 =	vld [tilespmem:s22+$0x14200]  }
0x25c: {  	v6 =	vld [tilespmem:s22+$0x14210]  }
0x25d: {  	s9 =	simm.s32 $0x200;
	s5 =	simm.s32 $0x40  }
0x25e: {  	s7 =	simm.s32 $0x8;
	s6 =	sand.u32 $0x1C00, s9;
	s0 =	sand.u32 $0x2000, s5;
	v3 =	vld [tilespmem:s22+$0x14220]  }
0x25f: {  	s5 =	sand.u32 $0x380, s7;
	s2 =	simm.s32 $0x40;
	s0 =	sor.u32 s6, s0;
	[tilespmem:s22+$0xC230] =	vst.add.f32.msk $0xffff, v4  }
0x260: {  	s23 =	sand.u32 $0x40, s2;
	s0 =	sor.u32 s5, s0;
	[tilespmem:s22+$0xC200] =	vst.add.f32.msk $0xffff, v5  }
0x261: {  	s23 =	sor.u32 s23, s0;
	[tilespmem:s22+$0xC210] =	vst.add.f32.msk $0xffff, v6  }
0x262: {  	v5 =	vld [tilespmem:s23+$0x14230]  }
0x263: {  	s0 =	simm.s32 $0x4;
	v4 =	vld [tilespmem:s23+$0x14200]  }
.LBB2_18:
0x264: {  	s0 =	sadd.s32 $0x4, s0;
	v6 =	vld [tilespmem:s23+$0x14210];
	s9 =	sadd.s32 $0x200, s9  }
0x265: {  	s2 =	sadd.s32 $0x40, s2;
	s5 =	sshll.u32 s0, $0x4;
	p0 =	slt.u32 s0, $0x3FC;
	v7 =	vld [tilespmem:s23+$0x14220]  }
0x266: {  	s6 =	sand.u32 $0x1C00, s9;
	s7 =	sshll.u32 s0, $0x1;
	s5 =	sand.u32 $0x2000, s5;
	[tilespmem:s22+$0xC220] =	vst.add.f32.msk $0xffff, v3  }
.Ltmp8:
0x267: {  	s5 =	sor.u32 s6, s5;
	s6 =	sand.u32 $0x380, s7;
	[tilespmem:s23+$0xC230] =	vst.add.f32.msk $0xffff, v5;
	(pc) =	sbr.rel @p0 .LBB2_18-.Ltmp8, $4  }
0x268: {  	s22 =	smov.u32 s23;
	s7 =	sand.u32 $0x40, s2;
	s5 =	sor.u32 s6, s5;
	[tilespmem:s23+$0xC200] =	vst.add.f32.msk $0xffff, v4  }
0x269: {  	s23 =	sor.u32 s7, s5;
	[tilespmem:s22+$0xC210] =	vst.add.f32.msk $0xffff, v6  }
0x26a: {  	v5 =	vld [tilespmem:s23+$0x14230];
	v3 =	vmov v7  }
0x26b: {  	v4 =	vld [tilespmem:s23+$0x14200]  }
0x26c: {  	v6 =	vld [tilespmem:s23+$0x14210]  }
0x26d: {  	v7 =	vld [tilespmem:s23+$0x14220]  }
0x26e: {  	[tilespmem:s22+$0xC220] =	vst.add.f32.msk $0xffff, v3  }
0x26f: {  	[tilespmem:s23+$0xC230] =	vst.add.f32.msk $0xffff, v5  }
0x270: {  	[tilespmem:s23+$0xC200] =	vst.add.f32.msk $0xffff, v4  }
0x271: {  	[tilespmem:s23+$0xC210] =	vst.add.f32.msk $0xffff, v6  }
0x272: {  	[tilespmem:s23+$0xC220] =	vst.add.f32.msk $0xffff, v7  }
0x273: {  	s0 =	simm.s32 $0x0;
	s2 =	rddreg [dreg:$0xe]  }
0x274: {  	[hbm4b:s2+s0] =	stream.linear.scatter [tilespmem:s29], [sflag:$0x2], $0x4000, $0x38;
	[tilespmem:$0x1C200] =	vst v63  }
0x275: {  	_ =	swait.ge [sflag:s25], $0x4000  }
0x276: {  	[sflag:s25] =	ssyncset.done $0x0  }
0x277: {  	s5 =	simm.s32 $0x18200;
	s6 =	rddreg [dreg:$0xf];
	[sflag:s25] =	ssyncadd.s32 $0xFFFFC000  }
0x278: {  	[tilespmem:s5], [sflag:$0x3] =	stream.linear.gather [hbm4b:s6+s0], $0x4000, $0x38;
	[tilespmem:$0x1C200] =	vst v63  }
0x279: {  	v3 =	vld [tilespmem:$0x30];
	_ =	sdelay $0x4  }
0x27a: {  	v4 =	vshll.u32 v3, $0x3  }
0x27b: {  	v3 =	vand.u32 $0x7, v3;
	v4 =	vand.u32 $0xFFFFFFC0, v4  }
0x27c: {  	v3 =	vor.u32 v3, v4  }
0x27d: {  	v4 =	vperm.xlane v3, v0;
	_ =	sdelay $0x1  }
0x27e: {  	v4 =	vadd.s32 v1, v4;
	_ =	sdelay $0x4  }
0x27f: {  	[tilespmem:s19], [sflag:$0x1] =	stream.indirect_vreg.gather [hbm4b:s1+s0], $0x80, v4, vm0, $0xb8;
	[tilespmem:$0x1C200] =	vst v63  }
0x280: {  	s7 =	simm.s32 $0x8A00;
	v3 =	vperm.xlane v3, v2  }
0x281: {  	[tilespmem:s7], [sflag:$0x1] =	stream.indirect_vreg.gather [hbm4b:s24+s0], $0x80, v4, vm0, $0xb8;
	[tilespmem:$0x1C200] =	vst v63  }
0x282: {  	s9 =	simm.s32 $0x9200;
	v3 =	vadd.s32 v1, v3  }
0x283: {  	[tilespmem:s9], [sflag:$0x1] =	stream.indirect_vreg.gather [hbm4b:s26+s0], $0x80, v4, vm0, $0xb8;
	[tilespmem:$0x1C200] =	vst v63  }
0x284: {  	s22 =	simm.s32 $0x9A00  }
0x285: {  	[tilespmem:s22], [sflag:$0x1] =	stream.indirect_vreg.gather [hbm4b:s28+s0], $0x80, v4, vm0, $0xb8;
	[tilespmem:$0x1C200] =	vst v63  }
0x286: {  	s23 =	simm.s32 $0xA200  }
0x287: {  	[tilespmem:s23], [sflag:$0x1] =	stream.indirect_vreg.gather [hbm4b:s1+s0], $0x80, v3, vm0, $0xb8;
	[tilespmem:$0x1C200] =	vst v63  }
0x288: {  	s5 =	simm.s32 $0xAA00  }
0x289: {  	[tilespmem:s5], [sflag:$0x1] =	stream.indirect_vreg.gather [hbm4b:s24+s0], $0x80, v3, vm0, $0xb8;
	[tilespmem:$0x1C200] =	vst v63  }
0x28a: {  	s6 =	simm.s32 $0xB200;
	s7 =	simm.s32 $0xBA00;
	s9 =	simm.s32 $0x0  }
0x28b: {  	[tilespmem:s6], [sflag:$0x1] =	stream.indirect_vreg.gather [hbm4b:s26+s0], $0x80, v3, vm0, $0xb8;
	[tilespmem:$0x1C200] =	vst v63  }
0x28c: {  	s2 =	sand.u32 $0x2000, s9;
	s22 =	sand.u32 $0x1C00, s0;
	s6 =	simm.s32 $0x0  }
0x28d: {  	[tilespmem:s7], [sflag:$0x1] =	stream.indirect_vreg.gather [hbm4b:s28+s0], $0x80, v3, vm0, $0xb8;
	[tilespmem:$0x1C200] =	vst v63  }
0x28e: {  	s2 =	sor.u32 s22, s2;
	s23 =	sand.u32 $0x380, s6;
	_ =	swait.ge [sflag:s20], $0x4000  }
0x28f: {  	s0 =	sand.u32 $0x40, s0;
	s2 =	sor.u32 s23, s2;
	[sflag:s20] =	ssyncset.done $0x0  }
0x290: {  	s22 =	sor.u32 s0, s2;
	[sflag:s20] =	ssyncadd.s32 $0xFFFFC000  }
0x291: {  	v4 =	vld [tilespmem:s22+$0x14230]  }
0x292: {  	v5 =	vld [tilespmem:s22+$0x14200]  }
0x293: {  	v6 =	vld [tilespmem:s22+$0x14210]  }
0x294: {  	s9 =	simm.s32 $0x200;
	s5 =	simm.s32 $0x40  }
0x295: {  	s6 =	sand.u32 $0x1C00, s9;
	s7 =	simm.s32 $0x8;
	s0 =	sand.u32 $0x2000, s5;
	v3 =	vld [tilespmem:s22+$0x14220]  }
0x296: {  	s5 =	sand.u32 $0x380, s7;
	s2 =	simm.s32 $0x40;
	s0 =	sor.u32 s6, s0;
	[tilespmem:s22+$0x10230] =	vst.add.f32.msk $0xffff, v4  }
0x297: {  	s23 =	sand.u32 $0x40, s2;
	s0 =	sor.u32 s5, s0;
	[tilespmem:s22+$0x10200] =	vst.add.f32.msk $0xffff, v5  }
0x298: {  	s23 =	sor.u32 s23, s0;
	[tilespmem:s22+$0x10210] =	vst.add.f32.msk $0xffff, v6  }
0x299: {  	v5 =	vld [tilespmem:s23+$0x14230]  }
0x29a: {  	s0 =	simm.s32 $0x4;
	v4 =	vld [tilespmem:s23+$0x14200]  }
.LBB2_20:
0x29b: {  	s0 =	sadd.s32 $0x4, s0;
	v6 =	vld [tilespmem:s23+$0x14210];
	s9 =	sadd.s32 $0x200, s9  }
0x29c: {  	s2 =	sadd.s32 $0x40, s2;
	s5 =	sshll.u32 s0, $0x4;
	p0 =	slt.u32 s0, $0x3FC;
	v7 =	vld [tilespmem:s23+$0x14220]  }
0x29d: {  	s6 =	sand.u32 $0x1C00, s9;
	s7 =	sshll.u32 s0, $0x1;
	s5 =	sand.u32 $0x2000, s5;
	[tilespmem:s22+$0x10220] =	vst.add.f32.msk $0xffff, v3  }
.Ltmp9:
0x29e: {  	s5 =	sor.u32 s6, s5;
	s6 =	sand.u32 $0x380, s7;
	[tilespmem:s23+$0x10230] =	vst.add.f32.msk $0xffff, v5;
	(pc) =	sbr.rel @p0 .LBB2_20-.Ltmp9, $4  }
0x29f: {  	s22 =	smov.u32 s23;
	s7 =	sand.u32 $0x40, s2;
	s5 =	sor.u32 s6, s5;
	[tilespmem:s23+$0x10200] =	vst.add.f32.msk $0xffff, v4  }
0x2a0: {  	s23 =	sor.u32 s7, s5;
	[tilespmem:s22+$0x10210] =	vst.add.f32.msk $0xffff, v6  }
0x2a1: {  	v5 =	vld [tilespmem:s23+$0x14230];
	v3 =	vmov v7  }
0x2a2: {  	v4 =	vld [tilespmem:s23+$0x14200]  }
0x2a3: {  	v6 =	vld [tilespmem:s23+$0x14210]  }
0x2a4: {  	v7 =	vld [tilespmem:s23+$0x14220]  }
0x2a5: {  	[tilespmem:s22+$0x10220] =	vst.add.f32.msk $0xffff, v3  }
0x2a6: {  	[tilespmem:s23+$0x10230] =	vst.add.f32.msk $0xffff, v5  }
0x2a7: {  	[tilespmem:s23+$0x10200] =	vst.add.f32.msk $0xffff, v4  }
0x2a8: {  	[tilespmem:s23+$0x10210] =	vst.add.f32.msk $0xffff, v6  }
0x2a9: {  	[tilespmem:s23+$0x10220] =	vst.add.f32.msk $0xffff, v7  }
0x2aa: {  	s2 =	sld [smem:$0x7EC];
	_ =	sdelay $0x1  }
0x2ab: {  	s0 =	simm.s32 $0x0  }
0x2ac: {  	[hbm4b:s2+s0] =	stream.linear.scatter [tilespmem:s21], [sflag:$0x2], $0x4000, $0x38;
	[tilespmem:$0x1C200] =	vst v63  }
0x2ad: {  	_ =	swait.ge [sflag:s25], $0x4000  }
0x2ae: {  	[sflag:s25] =	ssyncset.done $0x0  }
0x2af: {  	[sflag:s25] =	ssyncadd.s32 $0xFFFFC000  }
0x2b0: {  	v3 =	vld [tilespmem:$0xB0];
	_ =	sdelay $0x4  }
0x2b1: {  	v4 =	vshll.u32 v3, $0x3  }
0x2b2: {  	v3 =	vand.u32 $0x7, v3;
	v4 =	vand.u32 $0xFFFFFFC0, v4  }
0x2b3: {  	v3 =	vor.u32 v3, v4  }
0x2b4: {  	v4 =	vperm.xlane v3, v0;
	_ =	sdelay $0x1  }
0x2b5: {  	v4 =	vadd.s32 v1, v4;
	_ =	sdelay $0x4  }
0x2b6: {  	[tilespmem:s29], [sflag:$0x1] =	stream.indirect_vreg.gather [hbm4b:s1+s0], $0x80, v4, vm0, $0xb8;
	[tilespmem:$0x1C200] =	vst v63  }
0x2b7: {  	s9 =	simm.s32 $0xCA00;
	v3 =	vperm.xlane v3, v2  }
0x2b8: {  	[tilespmem:s9], [sflag:$0x1] =	stream.indirect_vreg.gather [hbm4b:s24+s0], $0x80, v4, vm0, $0xb8;
	[tilespmem:$0x1C200] =	vst v63  }
0x2b9: {  	s22 =	simm.s32 $0xD200;
	v3 =	vadd.s32 v1, v3  }
0x2ba: {  	[tilespmem:s22], [sflag:$0x1] =	stream.indirect_vreg.gather [hbm4b:s26+s0], $0x80, v4, vm0, $0xb8;
	[tilespmem:$0x1C200] =	vst v63  }
0x2bb: {  	s23 =	simm.s32 $0xDA00  }
0x2bc: {  	[tilespmem:s23], [sflag:$0x1] =	stream.indirect_vreg.gather [hbm4b:s28+s0], $0x80, v4, vm0, $0xb8;
	[tilespmem:$0x1C200] =	vst v63  }
0x2bd: {  	s5 =	simm.s32 $0xE200  }
0x2be: {  	[tilespmem:s5], [sflag:$0x1] =	stream.indirect_vreg.gather [hbm4b:s1+s0], $0x80, v3, vm0, $0xb8;
	[tilespmem:$0x1C200] =	vst v63  }
0x2bf: {  	s6 =	simm.s32 $0xEA00  }
0x2c0: {  	[tilespmem:s6], [sflag:$0x1] =	stream.indirect_vreg.gather [hbm4b:s24+s0], $0x80, v3, vm0, $0xb8;
	[tilespmem:$0x1C200] =	vst v63  }
0x2c1: {  	s7 =	simm.s32 $0xF200;
	s9 =	simm.s32 $0xFA00;
	s22 =	simm.s32 $0x0  }
0x2c2: {  	[tilespmem:s7], [sflag:$0x1] =	stream.indirect_vreg.gather [hbm4b:s26+s0], $0x80, v3, vm0, $0xb8;
	[tilespmem:$0x1C200] =	vst v63  }
0x2c3: {  	s2 =	sand.u32 $0x2000, s22;
	s5 =	sand.u32 $0x1C00, s0;
	s6 =	simm.s32 $0x0  }
0x2c4: {  	[tilespmem:s9], [sflag:$0x1] =	stream.indirect_vreg.gather [hbm4b:s28+s0], $0x80, v3, vm0, $0xb8;
	[tilespmem:$0x1C200] =	vst v63  }
0x2c5: {  	s2 =	sor.u32 s5, s2;
	s23 =	sand.u32 $0x380, s6;
	_ =	swait.ge [sflag:s20], $0x4000  }
0x2c6: {  	s2 =	sor.u32 s23, s2;
	s0 =	sand.u32 $0x40, s0;
	[sflag:s20] =	ssyncset.done $0x0  }
0x2c7: {  	s22 =	sor.u32 s0, s2;
	[sflag:s20] =	ssyncadd.s32 $0xFFFFC000  }
0x2c8: {  	v4 =	vld [tilespmem:s22+$0x14230]  }
0x2c9: {  	v5 =	vld [tilespmem:s22+$0x14200]  }
0x2ca: {  	v6 =	vld [tilespmem:s22+$0x14210]  }
0x2cb: {  	s5 =	simm.s32 $0x40;
	s9 =	simm.s32 $0x200  }
0x2cc: {  	s7 =	simm.s32 $0x8;
	s0 =	sand.u32 $0x2000, s5;
	s6 =	sand.u32 $0x1C00, s9;
	v3 =	vld [tilespmem:s22+$0x14220]  }
0x2cd: {  	s5 =	sand.u32 $0x380, s7;
	s2 =	simm.s32 $0x40;
	s0 =	sor.u32 s6, s0;
	[tilespmem:s22+$0x230] =	vst.add.f32.msk $0xffff, v4  }
0x2ce: {  	s23 =	sand.u32 $0x40, s2;
	s0 =	sor.u32 s5, s0;
	[tilespmem:s22+$0x200] =	vst.add.f32.msk $0xffff, v5  }
0x2cf: {  	s23 =	sor.u32 s23, s0;
	[tilespmem:s22+$0x210] =	vst.add.f32.msk $0xffff, v6  }
0x2d0: {  	v5 =	vld [tilespmem:s23+$0x14230]  }
0x2d1: {  	s0 =	simm.s32 $0x4;
	v4 =	vld [tilespmem:s23+$0x14200]  }
.LBB2_22:
0x2d2: {  	s0 =	sadd.s32 $0x4, s0;
	v6 =	vld [tilespmem:s23+$0x14210];
	s9 =	sadd.s32 $0x200, s9  }
0x2d3: {  	s2 =	sadd.s32 $0x40, s2;
	s5 =	sshll.u32 s0, $0x4;
	p0 =	slt.u32 s0, $0x3FC;
	v7 =	vld [tilespmem:s23+$0x14220]  }
0x2d4: {  	s6 =	sand.u32 $0x1C00, s9;
	s7 =	sshll.u32 s0, $0x1;
	s5 =	sand.u32 $0x2000, s5;
	[tilespmem:s22+$0x220] =	vst.add.f32.msk $0xffff, v3  }
.Ltmp10:
0x2d5: {  	s5 =	sor.u32 s6, s5;
	s6 =	sand.u32 $0x380, s7;
	[tilespmem:s23+$0x230] =	vst.add.f32.msk $0xffff, v5;
	(pc) =	sbr.rel @p0 .LBB2_22-.Ltmp10, $4  }
0x2d6: {  	s22 =	smov.u32 s23;
	s7 =	sand.u32 $0x40, s2;
	s5 =	sor.u32 s6, s5;
	[tilespmem:s23+$0x200] =	vst.add.f32.msk $0xffff, v4  }
0x2d7: {  	s23 =	sor.u32 s7, s5;
	[tilespmem:s22+$0x210] =	vst.add.f32.msk $0xffff, v6  }
0x2d8: {  	v5 =	vld [tilespmem:s23+$0x14230];
	v3 =	vmov v7  }
0x2d9: {  	v4 =	vld [tilespmem:s23+$0x14200]  }
0x2da: {  	v6 =	vld [tilespmem:s23+$0x14210]  }
0x2db: {  	v7 =	vld [tilespmem:s23+$0x14220]  }
0x2dc: {  	[tilespmem:s22+$0x220] =	vst.add.f32.msk $0xffff, v3  }
0x2dd: {  	[tilespmem:s23+$0x230] =	vst.add.f32.msk $0xffff, v5  }
0x2de: {  	[tilespmem:s23+$0x200] =	vst.add.f32.msk $0xffff, v4  }
0x2df: {  	[tilespmem:s23+$0x210] =	vst.add.f32.msk $0xffff, v6  }
0x2e0: {  	[tilespmem:s23+$0x220] =	vst.add.f32.msk $0xffff, v7  }
0x2e1: {  	s2 =	sld [smem:$0x7ED];
	_ =	sdelay $0x1  }
0x2e2: {  	s0 =	simm.s32 $0x0  }
0x2e3: {  	[hbm4b:s2+s0] =	stream.linear.scatter [tilespmem:s31], [sflag:$0x2], $0x4000, $0x38;
	[tilespmem:$0x1C200] =	vst v63  }
0x2e4: {  	_ =	swait.ge [sflag:s25], $0x4000  }
0x2e5: {  	[sflag:s25] =	ssyncset.done $0x0  }
0x2e6: {  	[sflag:s25] =	ssyncadd.s32 $0xFFFFC000  }
0x2e7: {  	v3 =	vld [tilespmem:$0x130];
	_ =	sdelay $0x4  }
0x2e8: {  	v4 =	vshll.u32 v3, $0x3  }
0x2e9: {  	v3 =	vand.u32 $0x7, v3;
	v4 =	vand.u32 $0xFFFFFFC0, v4  }
0x2ea: {  	v3 =	vor.u32 v3, v4  }
0x2eb: {  	v4 =	vperm.xlane v3, v0;
	_ =	sdelay $0x1  }
0x2ec: {  	v4 =	vadd.s32 v1, v4;
	_ =	sdelay $0x4  }
0x2ed: {  	[tilespmem:s21], [sflag:$0x1] =	stream.indirect_vreg.gather [hbm4b:s1+s0], $0x80, v4, vm0, $0xb8;
	[tilespmem:$0x1C200] =	vst v63  }
0x2ee: {  	s9 =	simm.s32 $0x10A00;
	v3 =	vperm.xlane v3, v2  }
0x2ef: {  	[tilespmem:s9], [sflag:$0x1] =	stream.indirect_vreg.gather [hbm4b:s24+s0], $0x80, v4, vm0, $0xb8;
	[tilespmem:$0x1C200] =	vst v63  }
0x2f0: {  	s22 =	simm.s32 $0x11200;
	v3 =	vadd.s32 v1, v3  }
0x2f1: {  	[tilespmem:s22], [sflag:$0x1] =	stream.indirect_vreg.gather [hbm4b:s26+s0], $0x80, v4, vm0, $0xb8;
	[tilespmem:$0x1C200] =	vst v63  }
0x2f2: {  	s23 =	simm.s32 $0x11A00  }
0x2f3: {  	[tilespmem:s23], [sflag:$0x1] =	stream.indirect_vreg.gather [hbm4b:s28+s0], $0x80, v4, vm0, $0xb8;
	[tilespmem:$0x1C200] =	vst v63  }
0x2f4: {  	s5 =	simm.s32 $0x12200  }
0x2f5: {  	[tilespmem:s5], [sflag:$0x1] =	stream.indirect_vreg.gather [hbm4b:s1+s0], $0x80, v3, vm0, $0xb8;
	[tilespmem:$0x1C200] =	vst v63  }
0x2f6: {  	s6 =	simm.s32 $0x12A00  }
0x2f7: {  	[tilespmem:s6], [sflag:$0x1] =	stream.indirect_vreg.gather [hbm4b:s24+s0], $0x80, v3, vm0, $0xb8;
	[tilespmem:$0x1C200] =	vst v63  }
0x2f8: {  	s7 =	simm.s32 $0x13200;
	s9 =	simm.s32 $0x13A00;
	s22 =	simm.s32 $0x0  }
0x2f9: {  	[tilespmem:s7], [sflag:$0x1] =	stream.indirect_vreg.gather [hbm4b:s26+s0], $0x80, v3, vm0, $0xb8;
	[tilespmem:$0x1C200] =	vst v63  }
0x2fa: {  	s2 =	sand.u32 $0x2000, s22;
	s5 =	sand.u32 $0x1C00, s0;
	s6 =	simm.s32 $0x0  }
0x2fb: {  	[tilespmem:s9], [sflag:$0x1] =	stream.indirect_vreg.gather [hbm4b:s28+s0], $0x80, v3, vm0, $0xb8;
	[tilespmem:$0x1C200] =	vst v63  }
0x2fc: {  	s2 =	sor.u32 s5, s2;
	s23 =	sand.u32 $0x380, s6;
	_ =	swait.ge [sflag:s20], $0x4000  }
0x2fd: {  	s2 =	sor.u32 s23, s2;
	s0 =	sand.u32 $0x40, s0;
	[sflag:s20] =	ssyncset.done $0x0  }
0x2fe: {  	s22 =	sor.u32 s0, s2;
	[sflag:s20] =	ssyncadd.s32 $0xFFFFC000  }
0x2ff: {  	v4 =	vld [tilespmem:s22+$0x14230]  }
0x300: {  	v5 =	vld [tilespmem:s22+$0x14200]  }
0x301: {  	v6 =	vld [tilespmem:s22+$0x14210]  }
0x302: {  	s5 =	simm.s32 $0x40;
	s9 =	simm.s32 $0x200  }
0x303: {  	s7 =	simm.s32 $0x8;
	s0 =	sand.u32 $0x2000, s5;
	s6 =	sand.u32 $0x1C00, s9;
	v3 =	vld [tilespmem:s22+$0x14220]  }
0x304: {  	s5 =	sand.u32 $0x380, s7;
	s2 =	simm.s32 $0x40;
	s0 =	sor.u32 s6, s0;
	[tilespmem:s22+$0x4230] =	vst.add.f32.msk $0xffff, v4  }
0x305: {  	s23 =	sand.u32 $0x40, s2;
	s0 =	sor.u32 s5, s0;
	[tilespmem:s22+$0x4200] =	vst.add.f32.msk $0xffff, v5  }
0x306: {  	s23 =	sor.u32 s23, s0;
	[tilespmem:s22+$0x4210] =	vst.add.f32.msk $0xffff, v6  }
0x307: {  	v5 =	vld [tilespmem:s23+$0x14230]  }
0x308: {  	s0 =	simm.s32 $0x4;
	v4 =	vld [tilespmem:s23+$0x14200]  }
.LBB2_24:
0x309: {  	s0 =	sadd.s32 $0x4, s0;
	v6 =	vld [tilespmem:s23+$0x14210];
	s9 =	sadd.s32 $0x200, s9  }
0x30a: {  	s2 =	sadd.s32 $0x40, s2;
	s5 =	sshll.u32 s0, $0x4;
	p0 =	slt.u32 s0, $0x3FC;
	v7 =	vld [tilespmem:s23+$0x14220]  }
0x30b: {  	s6 =	sand.u32 $0x1C00, s9;
	s7 =	sshll.u32 s0, $0x1;
	s5 =	sand.u32 $0x2000, s5;
	[tilespmem:s22+$0x4220] =	vst.add.f32.msk $0xffff, v3  }
.Ltmp11:
0x30c: {  	s5 =	sor.u32 s6, s5;
	s6 =	sand.u32 $0x380, s7;
	[tilespmem:s23+$0x4230] =	vst.add.f32.msk $0xffff, v5;
	(pc) =	sbr.rel @p0 .LBB2_24-.Ltmp11, $4  }
0x30d: {  	s22 =	smov.u32 s23;
	s7 =	sand.u32 $0x40, s2;
	s5 =	sor.u32 s6, s5;
	[tilespmem:s23+$0x4200] =	vst.add.f32.msk $0xffff, v4  }
0x30e: {  	s23 =	sor.u32 s7, s5;
	[tilespmem:s22+$0x4210] =	vst.add.f32.msk $0xffff, v6  }
0x30f: {  	v5 =	vld [tilespmem:s23+$0x14230];
	v3 =	vmov v7  }
0x310: {  	v4 =	vld [tilespmem:s23+$0x14200]  }
0x311: {  	v6 =	vld [tilespmem:s23+$0x14210]  }
0x312: {  	v7 =	vld [tilespmem:s23+$0x14220]  }
0x313: {  	[tilespmem:s22+$0x4220] =	vst.add.f32.msk $0xffff, v3  }
0x314: {  	[tilespmem:s23+$0x4230] =	vst.add.f32.msk $0xffff, v5  }
0x315: {  	[tilespmem:s23+$0x4200] =	vst.add.f32.msk $0xffff, v4  }
0x316: {  	[tilespmem:s23+$0x4210] =	vst.add.f32.msk $0xffff, v6  }
0x317: {  	[tilespmem:s23+$0x4220] =	vst.add.f32.msk $0xffff, v7  }
0x318: {  	s2 =	sld [smem:$0x7EE];
	_ =	sdelay $0x1  }
0x319: {  	s0 =	simm.s32 $0x0  }
0x31a: {  	[hbm4b:s2+s0] =	stream.linear.scatter [tilespmem:s11], [sflag:$0x2], $0x4000, $0x38;
	[tilespmem:$0x1C200] =	vst v63  }
0x31b: {  	_ =	swait.ge [sflag:s25], $0x4000  }
0x31c: {  	[sflag:s25] =	ssyncset.done $0x0  }
0x31d: {  	[sflag:s25] =	ssyncadd.s32 $0xFFFFC000  }
0x31e: {  	v3 =	vld [tilespmem:$0x1B0];
	_ =	sdelay $0x4  }
0x31f: {  	v4 =	vshll.u32 v3, $0x3  }
0x320: {  	v3 =	vand.u32 $0x7, v3;
	v4 =	vand.u32 $0xFFFFFFC0, v4  }
0x321: {  	v3 =	vor.u32 v3, v4  }
0x322: {  	v4 =	vperm.xlane v3, v0;
	_ =	sdelay $0x1  }
0x323: {  	v4 =	vadd.s32 v1, v4;
	_ =	sdelay $0x4  }
0x324: {  	[tilespmem:s31], [sflag:$0x1] =	stream.indirect_vreg.gather [hbm4b:s1+s0], $0x80, v4, vm0, $0xb8;
	[tilespmem:$0x1C200] =	vst v63  }
0x325: {  	s23 =	simm.s32 $0xA00;
	v3 =	vperm.xlane v3, v2  }
0x326: {  	[tilespmem:s23], [sflag:$0x1] =	stream.indirect_vreg.gather [hbm4b:s24+s0], $0x80, v4, vm0, $0xb8;
	[tilespmem:$0x1C200] =	vst v63  }
0x327: {  	s5 =	simm.s32 $0x1200;
	v3 =	vadd.s32 v1, v3  }
0x328: {  	[tilespmem:s5], [sflag:$0x1] =	stream.indirect_vreg.gather [hbm4b:s26+s0], $0x80, v4, vm0, $0xb8;
	[tilespmem:$0x1C200] =	vst v63  }
0x329: {  	s6 =	simm.s32 $0x1A00  }
0x32a: {  	[tilespmem:s6], [sflag:$0x1] =	stream.indirect_vreg.gather [hbm4b:s28+s0], $0x80, v4, vm0, $0xb8;
	[tilespmem:$0x1C200] =	vst v63  }
0x32b: {  	s7 =	simm.s32 $0x2200  }
0x32c: {  	[tilespmem:s7], [sflag:$0x1] =	stream.indirect_vreg.gather [hbm4b:s1+s0], $0x80, v3, vm0, $0xb8;
	[tilespmem:$0x1C200] =	vst v63  }
0x32d: {  	s9 =	simm.s32 $0x2A00  }
0x32e: {  	[tilespmem:s9], [sflag:$0x1] =	stream.indirect_vreg.gather [hbm4b:s24+s0], $0x80, v3, vm0, $0xb8;
	[tilespmem:$0x1C200] =	vst v63  }
0x32f: {  	_ = 	snop  }
0x330: {  	[tilespmem:s8], [sflag:$0x1] =	stream.indirect_vreg.gather [hbm4b:s26+s0], $0x80, v3, vm0, $0xb8;
	[tilespmem:$0x1C200] =	vst v63  }
0x331: {  	_ = 	snop  }
0x332: {  	[tilespmem:s10], [sflag:$0x1] =	stream.indirect_vreg.gather [hbm4b:s28+s0], $0x80, v3, vm0, $0xb8;
	[tilespmem:$0x1C200] =	vst v63  }
0x333: {  	s22 =	simm.s32 $0x0;
	_ =	swait.ge [sflag:s30], $0x4000  }
0x334: {  	s2 =	sand.u32 $0x2000, s22;
	[sflag:s30] =	ssyncset.done $0x0  }
0x335: {  	s5 =	sand.u32 $0x1C00, s0;
	s6 =	simm.s32 $0x0;
	[sflag:s30] =	ssyncadd.s32 $0xFFFFC000  }
0x336: {  	s2 =	sor.u32 s5, s2;
	s23 =	sand.u32 $0x380, s6;
	_ =	swait.ge [sflag:s20], $0x4000  }
0x337: {  	s2 =	sor.u32 s23, s2;
	s0 =	sand.u32 $0x40, s0;
	[sflag:s20] =	ssyncset.done $0x0  }
0x338: {  	s22 =	sor.u32 s0, s2;
	[sflag:s20] =	ssyncadd.s32 $0xFFFFC000  }
0x339: {  	v4 =	vld [tilespmem:s22+$0x18230]  }
0x33a: {  	v5 =	vld [tilespmem:s22+$0x18200]  }
0x33b: {  	v6 =	vld [tilespmem:s22+$0x18210]  }
0x33c: {  	s5 =	simm.s32 $0x40;
	s9 =	simm.s32 $0x200  }
0x33d: {  	s7 =	simm.s32 $0x8;
	s6 =	sand.u32 $0x1C00, s9;
	s0 =	sand.u32 $0x2000, s5;
	v3 =	vld [tilespmem:s22+$0x18220]  }
0x33e: {  	s5 =	sand.u32 $0x380, s7;
	s2 =	simm.s32 $0x40;
	s0 =	sor.u32 s6, s0;
	[tilespmem:s22+$0x8230] =	vst.add.f32.msk $0xffff, v4  }
0x33f: {  	s23 =	sand.u32 $0x40, s2;
	s0 =	sor.u32 s5, s0;
	[tilespmem:s22+$0x8200] =	vst.add.f32.msk $0xffff, v5  }
0x340: {  	s23 =	sor.u32 s23, s0;
	[tilespmem:s22+$0x8210] =	vst.add.f32.msk $0xffff, v6  }
0x341: {  	v5 =	vld [tilespmem:s23+$0x18230]  }
0x342: {  	s0 =	simm.s32 $0x4;
	v4 =	vld [tilespmem:s23+$0x18200]  }
.LBB2_26:
0x343: {  	s0 =	sadd.s32 $0x4, s0;
	v6 =	vld [tilespmem:s23+$0x18210];
	s9 =	sadd.s32 $0x200, s9  }
0x344: {  	s2 =	sadd.s32 $0x40, s2;
	s5 =	sshll.u32 s0, $0x4;
	p0 =	slt.u32 s0, $0x3FC;
	v7 =	vld [tilespmem:s23+$0x18220]  }
0x345: {  	s6 =	sand.u32 $0x1C00, s9;
	s7 =	sshll.u32 s0, $0x1;
	s5 =	sand.u32 $0x2000, s5;
	[tilespmem:s22+$0x8220] =	vst.add.f32.msk $0xffff, v3  }
.Ltmp12:
0x346: {  	s5 =	sor.u32 s6, s5;
	s6 =	sand.u32 $0x380, s7;
	[tilespmem:s23+$0x8230] =	vst.add.f32.msk $0xffff, v5;
	(pc) =	sbr.rel @p0 .LBB2_26-.Ltmp12, $4  }
0x347: {  	s22 =	smov.u32 s23;
	s7 =	sand.u32 $0x40, s2;
	s5 =	sor.u32 s6, s5;
	[tilespmem:s23+$0x8200] =	vst.add.f32.msk $0xffff, v4  }
0x348: {  	s23 =	sor.u32 s7, s5;
	[tilespmem:s22+$0x8210] =	vst.add.f32.msk $0xffff, v6  }
0x349: {  	v5 =	vld [tilespmem:s23+$0x18230];
	v3 =	vmov v7  }
0x34a: {  	v4 =	vld [tilespmem:s23+$0x18200]  }
0x34b: {  	v6 =	vld [tilespmem:s23+$0x18210]  }
0x34c: {  	v7 =	vld [tilespmem:s23+$0x18220]  }
0x34d: {  	[tilespmem:s22+$0x8220] =	vst.add.f32.msk $0xffff, v3  }
0x34e: {  	[tilespmem:s23+$0x8230] =	vst.add.f32.msk $0xffff, v5  }
0x34f: {  	[tilespmem:s23+$0x8200] =	vst.add.f32.msk $0xffff, v4  }
0x350: {  	[tilespmem:s23+$0x8210] =	vst.add.f32.msk $0xffff, v6  }
0x351: {  	[tilespmem:s23+$0x8220] =	vst.add.f32.msk $0xffff, v7  }
0x352: {  	s0 =	simm.s32 $0x0;
	s2 =	rddreg [dreg:$0x10]  }
0x353: {  	[hbm4b:s2+s0] =	stream.linear.scatter [tilespmem:s19], [sflag:$0x2], $0x4000, $0x38;
	[tilespmem:$0x1C200] =	vst v63  }
0x354: {  	_ =	swait.ge [sflag:s25], $0x4000  }
0x355: {  	[sflag:s25] =	ssyncset.done $0x0  }
0x356: {  	s5 =	simm.s32 $0x14200;
	s7 =	rddreg [dreg:$0x11];
	[sflag:s25] =	ssyncadd.s32 $0xFFFFC000  }
0x357: {  	[tilespmem:s5], [sflag:$0x3] =	stream.linear.gather [hbm4b:s7+s0], $0x4000, $0x38;
	[tilespmem:$0x1C200] =	vst v63  }
0x358: {  	v3 =	vld [tilespmem:$0x40];
	_ =	sdelay $0x4  }
0x359: {  	v4 =	vshll.u32 v3, $0x3  }
0x35a: {  	v3 =	vand.u32 $0x7, v3;
	v4 =	vand.u32 $0xFFFFFFC0, v4  }
0x35b: {  	v3 =	vor.u32 v3, v4  }
0x35c: {  	v4 =	vperm.xlane v3, v0;
	_ =	sdelay $0x1  }
0x35d: {  	v4 =	vadd.s32 v1, v4;
	_ =	sdelay $0x4  }
0x35e: {  	[tilespmem:s11], [sflag:$0x1] =	stream.indirect_vreg.gather [hbm4b:s1+s0], $0x80, v4, vm0, $0xb8;
	[tilespmem:$0x1C200] =	vst v63  }
0x35f: {  	v3 =	vperm.xlane v3, v2  }
0x360: {  	[tilespmem:s12], [sflag:$0x1] =	stream.indirect_vreg.gather [hbm4b:s24+s0], $0x80, v4, vm0, $0xb8;
	[tilespmem:$0x1C200] =	vst v63  }
0x361: {  	v3 =	vadd.s32 v1, v3  }
0x362: {  	[tilespmem:s13], [sflag:$0x1] =	stream.indirect_vreg.gather [hbm4b:s26+s0], $0x80, v4, vm0, $0xb8;
	[tilespmem:$0x1C200] =	vst v63  }
0x363: {  	_ = 	snop  }
0x364: {  	[tilespmem:s14], [sflag:$0x1] =	stream.indirect_vreg.gather [hbm4b:s28+s0], $0x80, v4, vm0, $0xb8;
	[tilespmem:$0x1C200] =	vst v63  }
0x365: {  	_ = 	snop  }
0x366: {  	[tilespmem:s15], [sflag:$0x1] =	stream.indirect_vreg.gather [hbm4b:s1+s0], $0x80, v3, vm0, $0xb8;
	[tilespmem:$0x1C200] =	vst v63  }
0x367: {  	_ = 	snop  }
0x368: {  	[tilespmem:s16], [sflag:$0x1] =	stream.indirect_vreg.gather [hbm4b:s24+s0], $0x80, v3, vm0, $0xb8;
	[tilespmem:$0x1C200] =	vst v63  }
0x369: {  	s9 =	simm.s32 $0x0  }
0x36a: {  	[tilespmem:s17], [sflag:$0x1] =	stream.indirect_vreg.gather [hbm4b:s26+s0], $0x80, v3, vm0, $0xb8;
	[tilespmem:$0x1C200] =	vst v63  }
0x36b: {  	s6 =	simm.s32 $0x0;
	s22 =	sand.u32 $0x1C00, s0;
	s2 =	sand.u32 $0x2000, s9  }
0x36c: {  	[tilespmem:s18], [sflag:$0x1] =	stream.indirect_vreg.gather [hbm4b:s28+s0], $0x80, v3, vm0, $0xb8;
	[tilespmem:$0x1C200] =	vst v63  }
0x36d: {  	s23 =	sand.u32 $0x380, s6;
	s2 =	sor.u32 s22, s2;
	_ =	swait.ge [sflag:s20], $0x4000  }
0x36e: {  	s2 =	sor.u32 s23, s2;
	s0 =	sand.u32 $0x40, s0;
	[sflag:s20] =	ssyncset.done $0x0  }
0x36f: {  	s22 =	sor.u32 s0, s2;
	[sflag:s20] =	ssyncadd.s32 $0xFFFFC000  }
0x370: {  	v4 =	vld [tilespmem:s22+$0x18230]  }
0x371: {  	v5 =	vld [tilespmem:s22+$0x18200]  }
0x372: {  	v6 =	vld [tilespmem:s22+$0x18210]  }
0x373: {  	s9 =	simm.s32 $0x200;
	s5 =	simm.s32 $0x40  }
0x374: {  	s6 =	sand.u32 $0x1C00, s9;
	s7 =	simm.s32 $0x8;
	s0 =	sand.u32 $0x2000, s5;
	v3 =	vld [tilespmem:s22+$0x18220]  }
0x375: {  	s5 =	sand.u32 $0x380, s7;
	s2 =	simm.s32 $0x40;
	s0 =	sor.u32 s6, s0;
	[tilespmem:s22+$0xC230] =	vst.add.f32.msk $0xffff, v4  }
0x376: {  	s23 =	sand.u32 $0x40, s2;
	s0 =	sor.u32 s5, s0;
	[tilespmem:s22+$0xC200] =	vst.add.f32.msk $0xffff, v5  }
0x377: {  	s23 =	sor.u32 s23, s0;
	[tilespmem:s22+$0xC210] =	vst.add.f32.msk $0xffff, v6  }
0x378: {  	v5 =	vld [tilespmem:s23+$0x18230]  }
0x379: {  	s0 =	simm.s32 $0x4;
	v4 =	vld [tilespmem:s23+$0x18200]  }
.LBB2_28:
0x37a: {  	s0 =	sadd.s32 $0x4, s0;
	v6 =	vld [tilespmem:s23+$0x18210];
	s9 =	sadd.s32 $0x200, s9  }
0x37b: {  	s2 =	sadd.s32 $0x40, s2;
	s5 =	sshll.u32 s0, $0x4;
	p0 =	slt.u32 s0, $0x3FC;
	v7 =	vld [tilespmem:s23+$0x18220]  }
0x37c: {  	s6 =	sand.u32 $0x1C00, s9;
	s7 =	sshll.u32 s0, $0x1;
	s5 =	sand.u32 $0x2000, s5;
	[tilespmem:s22+$0xC220] =	vst.add.f32.msk $0xffff, v3  }
.Ltmp13:
0x37d: {  	s5 =	sor.u32 s6, s5;
	s6 =	sand.u32 $0x380, s7;
	[tilespmem:s23+$0xC230] =	vst.add.f32.msk $0xffff, v5;
	(pc) =	sbr.rel @p0 .LBB2_28-.Ltmp13, $4  }
0x37e: {  	s22 =	smov.u32 s23;
	s7 =	sand.u32 $0x40, s2;
	s5 =	sor.u32 s6, s5;
	[tilespmem:s23+$0xC200] =	vst.add.f32.msk $0xffff, v4  }
0x37f: {  	s23 =	sor.u32 s7, s5;
	[tilespmem:s22+$0xC210] =	vst.add.f32.msk $0xffff, v6  }
0x380: {  	v5 =	vld [tilespmem:s23+$0x18230];
	v3 =	vmov v7  }
0x381: {  	v4 =	vld [tilespmem:s23+$0x18200]  }
0x382: {  	v6 =	vld [tilespmem:s23+$0x18210]  }
0x383: {  	v7 =	vld [tilespmem:s23+$0x18220]  }
0x384: {  	[tilespmem:s22+$0xC220] =	vst.add.f32.msk $0xffff, v3  }
0x385: {  	[tilespmem:s23+$0xC230] =	vst.add.f32.msk $0xffff, v5  }
0x386: {  	[tilespmem:s23+$0xC200] =	vst.add.f32.msk $0xffff, v4  }
0x387: {  	[tilespmem:s23+$0xC210] =	vst.add.f32.msk $0xffff, v6  }
0x388: {  	[tilespmem:s23+$0xC220] =	vst.add.f32.msk $0xffff, v7  }
0x389: {  	s2 =	sld [smem:$0x7F0];
	_ =	sdelay $0x1  }
0x38a: {  	s0 =	simm.s32 $0x0  }
0x38b: {  	[hbm4b:s2+s0] =	stream.linear.scatter [tilespmem:s29], [sflag:$0x2], $0x4000, $0x38;
	[tilespmem:$0x1C200] =	vst v63  }
0x38c: {  	_ =	swait.ge [sflag:s25], $0x4000  }
0x38d: {  	[sflag:s25] =	ssyncset.done $0x0  }
0x38e: {  	[sflag:s25] =	ssyncadd.s32 $0xFFFFC000  }
0x38f: {  	v3 =	vld [tilespmem:$0xC0];
	_ =	sdelay $0x4  }
0x390: {  	v4 =	vshll.u32 v3, $0x3  }
0x391: {  	v3 =	vand.u32 $0x7, v3;
	v4 =	vand.u32 $0xFFFFFFC0, v4  }
0x392: {  	v3 =	vor.u32 v3, v4  }
0x393: {  	v4 =	vperm.xlane v3, v0;
	_ =	sdelay $0x1  }
0x394: {  	v4 =	vadd.s32 v1, v4;
	_ =	sdelay $0x4  }
0x395: {  	[tilespmem:s19], [sflag:$0x1] =	stream.indirect_vreg.gather [hbm4b:s1+s0], $0x80, v4, vm0, $0xb8;
	[tilespmem:$0x1C200] =	vst v63  }
0x396: {  	s9 =	simm.s32 $0x8A00;
	v3 =	vperm.xlane v3, v2  }
0x397: {  	[tilespmem:s9], [sflag:$0x1] =	stream.indirect_vreg.gather [hbm4b:s24+s0], $0x80, v4, vm0, $0xb8;
	[tilespmem:$0x1C200] =	vst v63  }
0x398: {  	s22 =	simm.s32 $0x9200;
	v3 =	vadd.s32 v1, v3  }
0x399: {  	[tilespmem:s22], [sflag:$0x1] =	stream.indirect_vreg.gather [hbm4b:s26+s0], $0x80, v4, vm0, $0xb8;
	[tilespmem:$0x1C200] =	vst v63  }
0x39a: {  	s23 =	simm.s32 $0x9A00  }
0x39b: {  	[tilespmem:s23], [sflag:$0x1] =	stream.indirect_vreg.gather [hbm4b:s28+s0], $0x80, v4, vm0, $0xb8;
	[tilespmem:$0x1C200] =	vst v63  }
0x39c: {  	s5 =	simm.s32 $0xA200  }
0x39d: {  	[tilespmem:s5], [sflag:$0x1] =	stream.indirect_vreg.gather [hbm4b:s1+s0], $0x80, v3, vm0, $0xb8;
	[tilespmem:$0x1C200] =	vst v63  }
0x39e: {  	s6 =	simm.s32 $0xAA00  }
0x39f: {  	[tilespmem:s6], [sflag:$0x1] =	stream.indirect_vreg.gather [hbm4b:s24+s0], $0x80, v3, vm0, $0xb8;
	[tilespmem:$0x1C200] =	vst v63  }
0x3a0: {  	s7 =	simm.s32 $0xB200;
	s9 =	simm.s32 $0xBA00;
	s22 =	simm.s32 $0x0  }
0x3a1: {  	[tilespmem:s7], [sflag:$0x1] =	stream.indirect_vreg.gather [hbm4b:s26+s0], $0x80, v3, vm0, $0xb8;
	[tilespmem:$0x1C200] =	vst v63  }
0x3a2: {  	s2 =	sand.u32 $0x2000, s22;
	s5 =	sand.u32 $0x1C00, s0;
	s6 =	simm.s32 $0x0  }
0x3a3: {  	[tilespmem:s9], [sflag:$0x1] =	stream.indirect_vreg.gather [hbm4b:s28+s0], $0x80, v3, vm0, $0xb8;
	[tilespmem:$0x1C200] =	vst v63  }
0x3a4: {  	s2 =	sor.u32 s5, s2;
	s23 =	sand.u32 $0x380, s6;
	_ =	swait.ge [sflag:s20], $0x4000  }
0x3a5: {  	s2 =	sor.u32 s23, s2;
	s0 =	sand.u32 $0x40, s0;
	[sflag:s20] =	ssyncset.done $0x0  }
0x3a6: {  	s22 =	sor.u32 s0, s2;
	[sflag:s20] =	ssyncadd.s32 $0xFFFFC000  }
0x3a7: {  	v4 =	vld [tilespmem:s22+$0x18230]  }
0x3a8: {  	v5 =	vld [tilespmem:s22+$0x18200]  }
0x3a9: {  	v6 =	vld [tilespmem:s22+$0x18210]  }
0x3aa: {  	s5 =	simm.s32 $0x40;
	s9 =	simm.s32 $0x200  }
0x3ab: {  	s7 =	simm.s32 $0x8;
	s0 =	sand.u32 $0x2000, s5;
	s6 =	sand.u32 $0x1C00, s9;
	v3 =	vld [tilespmem:s22+$0x18220]  }
0x3ac: {  	s5 =	sand.u32 $0x380, s7;
	s2 =	simm.s32 $0x40;
	s0 =	sor.u32 s6, s0;
	[tilespmem:s22+$0x10230] =	vst.add.f32.msk $0xffff, v4  }
0x3ad: {  	s23 =	sand.u32 $0x40, s2;
	s0 =	sor.u32 s5, s0;
	[tilespmem:s22+$0x10200] =	vst.add.f32.msk $0xffff, v5  }
0x3ae: {  	s23 =	sor.u32 s23, s0;
	[tilespmem:s22+$0x10210] =	vst.add.f32.msk $0xffff, v6  }
0x3af: {  	v5 =	vld [tilespmem:s23+$0x18230]  }
0x3b0: {  	s0 =	simm.s32 $0x4;
	v4 =	vld [tilespmem:s23+$0x18200]  }
.LBB2_30:
0x3b1: {  	s0 =	sadd.s32 $0x4, s0;
	v6 =	vld [tilespmem:s23+$0x18210];
	s9 =	sadd.s32 $0x200, s9  }
0x3b2: {  	s2 =	sadd.s32 $0x40, s2;
	s5 =	sshll.u32 s0, $0x4;
	p0 =	slt.u32 s0, $0x3FC;
	v7 =	vld [tilespmem:s23+$0x18220]  }
0x3b3: {  	s6 =	sand.u32 $0x1C00, s9;
	s7 =	sshll.u32 s0, $0x1;
	s5 =	sand.u32 $0x2000, s5;
	[tilespmem:s22+$0x10220] =	vst.add.f32.msk $0xffff, v3  }
.Ltmp14:
0x3b4: {  	s5 =	sor.u32 s6, s5;
	s6 =	sand.u32 $0x380, s7;
	[tilespmem:s23+$0x10230] =	vst.add.f32.msk $0xffff, v5;
	(pc) =	sbr.rel @p0 .LBB2_30-.Ltmp14, $4  }
0x3b5: {  	s22 =	smov.u32 s23;
	s7 =	sand.u32 $0x40, s2;
	s5 =	sor.u32 s6, s5;
	[tilespmem:s23+$0x10200] =	vst.add.f32.msk $0xffff, v4  }
0x3b6: {  	s23 =	sor.u32 s7, s5;
	[tilespmem:s22+$0x10210] =	vst.add.f32.msk $0xffff, v6  }
0x3b7: {  	v5 =	vld [tilespmem:s23+$0x18230];
	v3 =	vmov v7  }
0x3b8: {  	v4 =	vld [tilespmem:s23+$0x18200]  }
0x3b9: {  	v6 =	vld [tilespmem:s23+$0x18210]  }
0x3ba: {  	v7 =	vld [tilespmem:s23+$0x18220]  }
0x3bb: {  	[tilespmem:s22+$0x10220] =	vst.add.f32.msk $0xffff, v3  }
0x3bc: {  	[tilespmem:s23+$0x10230] =	vst.add.f32.msk $0xffff, v5  }
0x3bd: {  	[tilespmem:s23+$0x10200] =	vst.add.f32.msk $0xffff, v4  }
0x3be: {  	[tilespmem:s23+$0x10210] =	vst.add.f32.msk $0xffff, v6  }
0x3bf: {  	[tilespmem:s23+$0x10220] =	vst.add.f32.msk $0xffff, v7  }
0x3c0: {  	s2 =	sld [smem:$0x7EF];
	_ =	sdelay $0x1  }
0x3c1: {  	s0 =	simm.s32 $0x0  }
0x3c2: {  	[hbm4b:s2+s0] =	stream.linear.scatter [tilespmem:s21], [sflag:$0x2], $0x4000, $0x38;
	[tilespmem:$0x1C200] =	vst v63  }
0x3c3: {  	_ =	swait.ge [sflag:s25], $0x4000  }
0x3c4: {  	[sflag:s25] =	ssyncset.done $0x0  }
0x3c5: {  	[sflag:s25] =	ssyncadd.s32 $0xFFFFC000  }
0x3c6: {  	v3 =	vld [tilespmem:$0x140];
	_ =	sdelay $0x4  }
0x3c7: {  	v4 =	vshll.u32 v3, $0x3  }
0x3c8: {  	v3 =	vand.u32 $0x7, v3;
	v4 =	vand.u32 $0xFFFFFFC0, v4  }
0x3c9: {  	v3 =	vor.u32 v3, v4  }
0x3ca: {  	v4 =	vperm.xlane v3, v0;
	_ =	sdelay $0x1  }
0x3cb: {  	v4 =	vadd.s32 v1, v4;
	_ =	sdelay $0x4  }
0x3cc: {  	[tilespmem:s29], [sflag:$0x1] =	stream.indirect_vreg.gather [hbm4b:s1+s0], $0x80, v4, vm0, $0xb8;
	[tilespmem:$0x1C200] =	vst v63  }
0x3cd: {  	s9 =	simm.s32 $0xCA00;
	v3 =	vperm.xlane v3, v2  }
0x3ce: {  	[tilespmem:s9], [sflag:$0x1] =	stream.indirect_vreg.gather [hbm4b:s24+s0], $0x80, v4, vm0, $0xb8;
	[tilespmem:$0x1C200] =	vst v63  }
0x3cf: {  	s22 =	simm.s32 $0xD200;
	v3 =	vadd.s32 v1, v3  }
0x3d0: {  	[tilespmem:s22], [sflag:$0x1] =	stream.indirect_vreg.gather [hbm4b:s26+s0], $0x80, v4, vm0, $0xb8;
	[tilespmem:$0x1C200] =	vst v63  }
0x3d1: {  	s23 =	simm.s32 $0xDA00  }
0x3d2: {  	[tilespmem:s23], [sflag:$0x1] =	stream.indirect_vreg.gather [hbm4b:s28+s0], $0x80, v4, vm0, $0xb8;
	[tilespmem:$0x1C200] =	vst v63  }
0x3d3: {  	s5 =	simm.s32 $0xE200  }
0x3d4: {  	[tilespmem:s5], [sflag:$0x1] =	stream.indirect_vreg.gather [hbm4b:s1+s0], $0x80, v3, vm0, $0xb8;
	[tilespmem:$0x1C200] =	vst v63  }
0x3d5: {  	s6 =	simm.s32 $0xEA00  }
0x3d6: {  	[tilespmem:s6], [sflag:$0x1] =	stream.indirect_vreg.gather [hbm4b:s24+s0], $0x80, v3, vm0, $0xb8;
	[tilespmem:$0x1C200] =	vst v63  }
0x3d7: {  	s7 =	simm.s32 $0xF200;
	s9 =	simm.s32 $0xFA00;
	s22 =	simm.s32 $0x0  }
0x3d8: {  	[tilespmem:s7], [sflag:$0x1] =	stream.indirect_vreg.gather [hbm4b:s26+s0], $0x80, v3, vm0, $0xb8;
	[tilespmem:$0x1C200] =	vst v63  }
0x3d9: {  	s2 =	sand.u32 $0x2000, s22;
	s5 =	sand.u32 $0x1C00, s0;
	s6 =	simm.s32 $0x0  }
0x3da: {  	[tilespmem:s9], [sflag:$0x1] =	stream.indirect_vreg.gather [hbm4b:s28+s0], $0x80, v3, vm0, $0xb8;
	[tilespmem:$0x1C200] =	vst v63  }
0x3db: {  	s2 =	sor.u32 s5, s2;
	s23 =	sand.u32 $0x380, s6;
	_ =	swait.ge [sflag:s20], $0x4000  }
0x3dc: {  	s2 =	sor.u32 s23, s2;
	s0 =	sand.u32 $0x40, s0;
	[sflag:s20] =	ssyncset.done $0x0  }
0x3dd: {  	s22 =	sor.u32 s0, s2;
	[sflag:s20] =	ssyncadd.s32 $0xFFFFC000  }
0x3de: {  	v4 =	vld [tilespmem:s22+$0x18230]  }
0x3df: {  	v5 =	vld [tilespmem:s22+$0x18200]  }
0x3e0: {  	v6 =	vld [tilespmem:s22+$0x18210]  }
0x3e1: {  	s5 =	simm.s32 $0x40;
	s9 =	simm.s32 $0x200  }
0x3e2: {  	s7 =	simm.s32 $0x8;
	s0 =	sand.u32 $0x2000, s5;
	s6 =	sand.u32 $0x1C00, s9;
	v3 =	vld [tilespmem:s22+$0x18220]  }
0x3e3: {  	s5 =	sand.u32 $0x380, s7;
	s2 =	simm.s32 $0x40;
	s0 =	sor.u32 s6, s0;
	[tilespmem:s22+$0x230] =	vst.add.f32.msk $0xffff, v4  }
0x3e4: {  	s23 =	sand.u32 $0x40, s2;
	s0 =	sor.u32 s5, s0;
	[tilespmem:s22+$0x200] =	vst.add.f32.msk $0xffff, v5  }
0x3e5: {  	s23 =	sor.u32 s23, s0;
	[tilespmem:s22+$0x210] =	vst.add.f32.msk $0xffff, v6  }
0x3e6: {  	v5 =	vld [tilespmem:s23+$0x18230]  }
0x3e7: {  	s0 =	simm.s32 $0x4;
	v4 =	vld [tilespmem:s23+$0x18200]  }
.LBB2_32:
0x3e8: {  	s0 =	sadd.s32 $0x4, s0;
	v6 =	vld [tilespmem:s23+$0x18210];
	s9 =	sadd.s32 $0x200, s9  }
0x3e9: {  	s2 =	sadd.s32 $0x40, s2;
	s5 =	sshll.u32 s0, $0x4;
	p0 =	slt.u32 s0, $0x3FC;
	v7 =	vld [tilespmem:s23+$0x18220]  }
0x3ea: {  	s6 =	sand.u32 $0x1C00, s9;
	s7 =	sshll.u32 s0, $0x1;
	s5 =	sand.u32 $0x2000, s5;
	[tilespmem:s22+$0x220] =	vst.add.f32.msk $0xffff, v3  }
.Ltmp15:
0x3eb: {  	s5 =	sor.u32 s6, s5;
	s6 =	sand.u32 $0x380, s7;
	[tilespmem:s23+$0x230] =	vst.add.f32.msk $0xffff, v5;
	(pc) =	sbr.rel @p0 .LBB2_32-.Ltmp15, $4  }
0x3ec: {  	s22 =	smov.u32 s23;
	s7 =	sand.u32 $0x40, s2;
	s5 =	sor.u32 s6, s5;
	[tilespmem:s23+$0x200] =	vst.add.f32.msk $0xffff, v4  }
0x3ed: {  	s23 =	sor.u32 s7, s5;
	[tilespmem:s22+$0x210] =	vst.add.f32.msk $0xffff, v6  }
0x3ee: {  	v5 =	vld [tilespmem:s23+$0x18230];
	v3 =	vmov v7  }
0x3ef: {  	v4 =	vld [tilespmem:s23+$0x18200]  }
0x3f0: {  	v6 =	vld [tilespmem:s23+$0x18210]  }
0x3f1: {  	v7 =	vld [tilespmem:s23+$0x18220]  }
0x3f2: {  	[tilespmem:s22+$0x220] =	vst.add.f32.msk $0xffff, v3  }
0x3f3: {  	[tilespmem:s23+$0x230] =	vst.add.f32.msk $0xffff, v5  }
0x3f4: {  	[tilespmem:s23+$0x200] =	vst.add.f32.msk $0xffff, v4  }
0x3f5: {  	[tilespmem:s23+$0x210] =	vst.add.f32.msk $0xffff, v6  }
0x3f6: {  	[tilespmem:s23+$0x220] =	vst.add.f32.msk $0xffff, v7  }
0x3f7: {  	s2 =	sld [smem:$0x7F1];
	_ =	sdelay $0x1  }
0x3f8: {  	s0 =	simm.s32 $0x0  }
0x3f9: {  	[hbm4b:s2+s0] =	stream.linear.scatter [tilespmem:s31], [sflag:$0x2], $0x4000, $0x38;
	[tilespmem:$0x1C200] =	vst v63  }
0x3fa: {  	_ =	swait.ge [sflag:s25], $0x4000  }
0x3fb: {  	[sflag:s25] =	ssyncset.done $0x0  }
0x3fc: {  	[sflag:s25] =	ssyncadd.s32 $0xFFFFC000  }
0x3fd: {  	v3 =	vld [tilespmem:$0x1C0];
	_ =	sdelay $0x4  }
0x3fe: {  	v4 =	vshll.u32 v3, $0x3  }
0x3ff: {  	v3 =	vand.u32 $0x7, v3;
	v4 =	vand.u32 $0xFFFFFFC0, v4  }
0x400: {  	v3 =	vor.u32 v3, v4  }
0x401: {  	v4 =	vperm.xlane v3, v0;
	_ =	sdelay $0x1  }
0x402: {  	v4 =	vadd.s32 v1, v4;
	_ =	sdelay $0x4  }
0x403: {  	[tilespmem:s21], [sflag:$0x1] =	stream.indirect_vreg.gather [hbm4b:s1+s0], $0x80, v4, vm0, $0xb8;
	[tilespmem:$0x1C200] =	vst v63  }
0x404: {  	s9 =	simm.s32 $0x10A00;
	v3 =	vperm.xlane v3, v2  }
0x405: {  	[tilespmem:s9], [sflag:$0x1] =	stream.indirect_vreg.gather [hbm4b:s24+s0], $0x80, v4, vm0, $0xb8;
	[tilespmem:$0x1C200] =	vst v63  }
0x406: {  	s22 =	simm.s32 $0x11200;
	v3 =	vadd.s32 v1, v3  }
0x407: {  	[tilespmem:s22], [sflag:$0x1] =	stream.indirect_vreg.gather [hbm4b:s26+s0], $0x80, v4, vm0, $0xb8;
	[tilespmem:$0x1C200] =	vst v63  }
0x408: {  	s23 =	simm.s32 $0x11A00  }
0x409: {  	[tilespmem:s23], [sflag:$0x1] =	stream.indirect_vreg.gather [hbm4b:s28+s0], $0x80, v4, vm0, $0xb8;
	[tilespmem:$0x1C200] =	vst v63  }
0x40a: {  	s5 =	simm.s32 $0x12200  }
0x40b: {  	[tilespmem:s5], [sflag:$0x1] =	stream.indirect_vreg.gather [hbm4b:s1+s0], $0x80, v3, vm0, $0xb8;
	[tilespmem:$0x1C200] =	vst v63  }
0x40c: {  	s6 =	simm.s32 $0x12A00  }
0x40d: {  	[tilespmem:s6], [sflag:$0x1] =	stream.indirect_vreg.gather [hbm4b:s24+s0], $0x80, v3, vm0, $0xb8;
	[tilespmem:$0x1C200] =	vst v63  }
0x40e: {  	s7 =	simm.s32 $0x13200  }
0x40f: {  	[tilespmem:s7], [sflag:$0x1] =	stream.indirect_vreg.gather [hbm4b:s26+s0], $0x80, v3, vm0, $0xb8;
	[tilespmem:$0x1C200] =	vst v63  }
0x410: {  	s9 =	simm.s32 $0x13A00  }
0x411: {  	[tilespmem:s9], [sflag:$0x1] =	stream.indirect_vreg.gather [hbm4b:s28+s0], $0x80, v3, vm0, $0xb8;
	[tilespmem:$0x1C200] =	vst v63  }
0x412: {  	s22 =	simm.s32 $0x0;
	_ =	swait.ge [sflag:s30], $0x4000  }
0x413: {  	s2 =	sand.u32 $0x2000, s22;
	[sflag:s30] =	ssyncset.done $0x0  }
0x414: {  	s5 =	sand.u32 $0x1C00, s0;
	s6 =	simm.s32 $0x0;
	[sflag:s30] =	ssyncadd.s32 $0xFFFFC000  }
0x415: {  	s2 =	sor.u32 s5, s2;
	s23 =	sand.u32 $0x380, s6;
	_ =	swait.ge [sflag:s20], $0x4000  }
0x416: {  	s2 =	sor.u32 s23, s2;
	s0 =	sand.u32 $0x40, s0;
	[sflag:s20] =	ssyncset.done $0x0  }
0x417: {  	s22 =	sor.u32 s0, s2;
	[sflag:s20] =	ssyncadd.s32 $0xFFFFC000  }
0x418: {  	v4 =	vld [tilespmem:s22+$0x14230]  }
0x419: {  	v5 =	vld [tilespmem:s22+$0x14200]  }
0x41a: {  	v6 =	vld [tilespmem:s22+$0x14210]  }
0x41b: {  	s5 =	simm.s32 $0x40;
	s9 =	simm.s32 $0x200  }
0x41c: {  	s7 =	simm.s32 $0x8;
	s0 =	sand.u32 $0x2000, s5;
	s6 =	sand.u32 $0x1C00, s9;
	v3 =	vld [tilespmem:s22+$0x14220]  }
0x41d: {  	s5 =	sand.u32 $0x380, s7;
	s2 =	simm.s32 $0x40;
	s0 =	sor.u32 s6, s0;
	[tilespmem:s22+$0x4230] =	vst.add.f32.msk $0xffff, v4  }
0x41e: {  	s23 =	sand.u32 $0x40, s2;
	s0 =	sor.u32 s5, s0;
	[tilespmem:s22+$0x4200] =	vst.add.f32.msk $0xffff, v5  }
0x41f: {  	s23 =	sor.u32 s23, s0;
	[tilespmem:s22+$0x4210] =	vst.add.f32.msk $0xffff, v6  }
0x420: {  	v5 =	vld [tilespmem:s23+$0x14230]  }
0x421: {  	s0 =	simm.s32 $0x4;
	v4 =	vld [tilespmem:s23+$0x14200]  }
.LBB2_34:
0x422: {  	s0 =	sadd.s32 $0x4, s0;
	v6 =	vld [tilespmem:s23+$0x14210];
	s9 =	sadd.s32 $0x200, s9  }
0x423: {  	s2 =	sadd.s32 $0x40, s2;
	s5 =	sshll.u32 s0, $0x4;
	p0 =	slt.u32 s0, $0x3FC;
	v7 =	vld [tilespmem:s23+$0x14220]  }
0x424: {  	s6 =	sand.u32 $0x1C00, s9;
	s7 =	sshll.u32 s0, $0x1;
	s5 =	sand.u32 $0x2000, s5;
	[tilespmem:s22+$0x4220] =	vst.add.f32.msk $0xffff, v3  }
.Ltmp16:
0x425: {  	s5 =	sor.u32 s6, s5;
	s6 =	sand.u32 $0x380, s7;
	[tilespmem:s23+$0x4230] =	vst.add.f32.msk $0xffff, v5;
	(pc) =	sbr.rel @p0 .LBB2_34-.Ltmp16, $4  }
0x426: {  	s22 =	smov.u32 s23;
	s7 =	sand.u32 $0x40, s2;
	s5 =	sor.u32 s6, s5;
	[tilespmem:s23+$0x4200] =	vst.add.f32.msk $0xffff, v4  }
0x427: {  	s23 =	sor.u32 s7, s5;
	[tilespmem:s22+$0x4210] =	vst.add.f32.msk $0xffff, v6  }
0x428: {  	v5 =	vld [tilespmem:s23+$0x14230];
	v3 =	vmov v7  }
0x429: {  	v4 =	vld [tilespmem:s23+$0x14200]  }
0x42a: {  	v6 =	vld [tilespmem:s23+$0x14210]  }
0x42b: {  	v7 =	vld [tilespmem:s23+$0x14220]  }
0x42c: {  	[tilespmem:s22+$0x4220] =	vst.add.f32.msk $0xffff, v3  }
0x42d: {  	[tilespmem:s23+$0x4230] =	vst.add.f32.msk $0xffff, v5  }
0x42e: {  	[tilespmem:s23+$0x4200] =	vst.add.f32.msk $0xffff, v4  }
0x42f: {  	[tilespmem:s23+$0x4210] =	vst.add.f32.msk $0xffff, v6  }
0x430: {  	[tilespmem:s23+$0x4220] =	vst.add.f32.msk $0xffff, v7  }
0x431: {  	s0 =	simm.s32 $0x0;
	s2 =	rddreg [dreg:$0x12]  }
0x432: {  	[hbm4b:s2+s0] =	stream.linear.scatter [tilespmem:s11], [sflag:$0x2], $0x4000, $0x38;
	[tilespmem:$0x1C200] =	vst v63  }
0x433: {  	_ =	swait.ge [sflag:s25], $0x4000  }
0x434: {  	[sflag:s25] =	ssyncset.done $0x0  }
0x435: {  	s5 =	simm.s32 $0x18200;
	s9 =	rddreg [dreg:$0x13];
	[sflag:s25] =	ssyncadd.s32 $0xFFFFC000  }
0x436: {  	[tilespmem:s5], [sflag:$0x3] =	stream.linear.gather [hbm4b:s9+s0], $0x4000, $0x38;
	[tilespmem:$0x1C200] =	vst v63  }
0x437: {  	v3 =	vld [tilespmem:$0x50];
	_ =	sdelay $0x4  }
0x438: {  	v4 =	vshll.u32 v3, $0x3  }
0x439: {  	v3 =	vand.u32 $0x7, v3;
	v4 =	vand.u32 $0xFFFFFFC0, v4  }
0x43a: {  	v3 =	vor.u32 v3, v4  }
0x43b: {  	v4 =	vperm.xlane v3, v0;
	_ =	sdelay $0x1  }
0x43c: {  	v4 =	vadd.s32 v1, v4;
	_ =	sdelay $0x4  }
0x43d: {  	[tilespmem:s31], [sflag:$0x1] =	stream.indirect_vreg.gather [hbm4b:s1+s0], $0x80, v4, vm0, $0xb8;
	[tilespmem:$0x1C200] =	vst v63  }
0x43e: {  	s22 =	simm.s32 $0xA00;
	v3 =	vperm.xlane v3, v2  }
0x43f: {  	[tilespmem:s22], [sflag:$0x1] =	stream.indirect_vreg.gather [hbm4b:s24+s0], $0x80, v4, vm0, $0xb8;
	[tilespmem:$0x1C200] =	vst v63  }
0x440: {  	s23 =	simm.s32 $0x1200;
	v3 =	vadd.s32 v1, v3  }
0x441: {  	[tilespmem:s23], [sflag:$0x1] =	stream.indirect_vreg.gather [hbm4b:s26+s0], $0x80, v4, vm0, $0xb8;
	[tilespmem:$0x1C200] =	vst v63  }
0x442: {  	s5 =	simm.s32 $0x1A00  }
0x443: {  	[tilespmem:s5], [sflag:$0x1] =	stream.indirect_vreg.gather [hbm4b:s28+s0], $0x80, v4, vm0, $0xb8;
	[tilespmem:$0x1C200] =	vst v63  }
0x444: {  	s6 =	simm.s32 $0x2200  }
0x445: {  	[tilespmem:s6], [sflag:$0x1] =	stream.indirect_vreg.gather [hbm4b:s1+s0], $0x80, v3, vm0, $0xb8;
	[tilespmem:$0x1C200] =	vst v63  }
0x446: {  	s7 =	simm.s32 $0x2A00  }
0x447: {  	[tilespmem:s7], [sflag:$0x1] =	stream.indirect_vreg.gather [hbm4b:s24+s0], $0x80, v3, vm0, $0xb8;
	[tilespmem:$0x1C200] =	vst v63  }
0x448: {  	s9 =	simm.s32 $0x0  }
0x449: {  	[tilespmem:s8], [sflag:$0x1] =	stream.indirect_vreg.gather [hbm4b:s26+s0], $0x80, v3, vm0, $0xb8;
	[tilespmem:$0x1C200] =	vst v63  }
0x44a: {  	s2 =	sand.u32 $0x2000, s9;
	s22 =	sand.u32 $0x1C00, s0;
	s6 =	simm.s32 $0x0  }
0x44b: {  	[tilespmem:s10], [sflag:$0x1] =	stream.indirect_vreg.gather [hbm4b:s28+s0], $0x80, v3, vm0, $0xb8;
	[tilespmem:$0x1C200] =	vst v63  }
0x44c: {  	s2 =	sor.u32 s22, s2;
	s23 =	sand.u32 $0x380, s6;
	_ =	swait.ge [sflag:s20], $0x4000  }
0x44d: {  	s2 =	sor.u32 s23, s2;
	s0 =	sand.u32 $0x40, s0;
	[sflag:s20] =	ssyncset.done $0x0  }
0x44e: {  	s22 =	sor.u32 s0, s2;
	[sflag:s20] =	ssyncadd.s32 $0xFFFFC000  }
0x44f: {  	v4 =	vld [tilespmem:s22+$0x14230]  }
0x450: {  	v5 =	vld [tilespmem:s22+$0x14200]  }
0x451: {  	v6 =	vld [tilespmem:s22+$0x14210]  }
0x452: {  	s9 =	simm.s32 $0x200;
	s5 =	simm.s32 $0x40  }
0x453: {  	s6 =	sand.u32 $0x1C00, s9;
	s7 =	simm.s32 $0x8;
	s0 =	sand.u32 $0x2000, s5;
	v3 =	vld [tilespmem:s22+$0x14220]  }
0x454: {  	s5 =	sand.u32 $0x380, s7;
	s2 =	simm.s32 $0x40;
	s0 =	sor.u32 s6, s0;
	[tilespmem:s22+$0x8230] =	vst.add.f32.msk $0xffff, v4  }
0x455: {  	s23 =	sand.u32 $0x40, s2;
	s0 =	sor.u32 s5, s0;
	[tilespmem:s22+$0x8200] =	vst.add.f32.msk $0xffff, v5  }
0x456: {  	s23 =	sor.u32 s23, s0;
	[tilespmem:s22+$0x8210] =	vst.add.f32.msk $0xffff, v6  }
0x457: {  	v5 =	vld [tilespmem:s23+$0x14230]  }
0x458: {  	s0 =	simm.s32 $0x4;
	v4 =	vld [tilespmem:s23+$0x14200]  }
.LBB2_36:
0x459: {  	s0 =	sadd.s32 $0x4, s0;
	v6 =	vld [tilespmem:s23+$0x14210];
	s9 =	sadd.s32 $0x200, s9  }
0x45a: {  	s2 =	sadd.s32 $0x40, s2;
	s5 =	sshll.u32 s0, $0x4;
	p0 =	slt.u32 s0, $0x3FC;
	v7 =	vld [tilespmem:s23+$0x14220]  }
0x45b: {  	s6 =	sand.u32 $0x1C00, s9;
	s7 =	sshll.u32 s0, $0x1;
	s5 =	sand.u32 $0x2000, s5;
	[tilespmem:s22+$0x8220] =	vst.add.f32.msk $0xffff, v3  }
.Ltmp17:
0x45c: {  	s5 =	sor.u32 s6, s5;
	s6 =	sand.u32 $0x380, s7;
	[tilespmem:s23+$0x8230] =	vst.add.f32.msk $0xffff, v5;
	(pc) =	sbr.rel @p0 .LBB2_36-.Ltmp17, $4  }
0x45d: {  	s22 =	smov.u32 s23;
	s7 =	sand.u32 $0x40, s2;
	s5 =	sor.u32 s6, s5;
	[tilespmem:s23+$0x8200] =	vst.add.f32.msk $0xffff, v4  }
0x45e: {  	s23 =	sor.u32 s7, s5;
	[tilespmem:s22+$0x8210] =	vst.add.f32.msk $0xffff, v6  }
0x45f: {  	v5 =	vld [tilespmem:s23+$0x14230];
	v3 =	vmov v7  }
0x460: {  	v4 =	vld [tilespmem:s23+$0x14200]  }
0x461: {  	v6 =	vld [tilespmem:s23+$0x14210]  }
0x462: {  	v7 =	vld [tilespmem:s23+$0x14220]  }
0x463: {  	[tilespmem:s22+$0x8220] =	vst.add.f32.msk $0xffff, v3  }
0x464: {  	[tilespmem:s23+$0x8230] =	vst.add.f32.msk $0xffff, v5  }
0x465: {  	[tilespmem:s23+$0x8200] =	vst.add.f32.msk $0xffff, v4  }
0x466: {  	[tilespmem:s23+$0x8210] =	vst.add.f32.msk $0xffff, v6  }
0x467: {  	[tilespmem:s23+$0x8220] =	vst.add.f32.msk $0xffff, v7  }
0x468: {  	s2 =	sld [smem:$0x7F2];
	_ =	sdelay $0x1  }
0x469: {  	s0 =	simm.s32 $0x0  }
0x46a: {  	[hbm4b:s2+s0] =	stream.linear.scatter [tilespmem:s19], [sflag:$0x2], $0x4000, $0x38;
	[tilespmem:$0x1C200] =	vst v63  }
0x46b: {  	_ =	swait.ge [sflag:s25], $0x4000  }
0x46c: {  	[sflag:s25] =	ssyncset.done $0x0  }
0x46d: {  	[sflag:s25] =	ssyncadd.s32 $0xFFFFC000  }
0x46e: {  	v3 =	vld [tilespmem:$0xD0];
	_ =	sdelay $0x4  }
0x46f: {  	v4 =	vshll.u32 v3, $0x3  }
0x470: {  	v3 =	vand.u32 $0x7, v3;
	v4 =	vand.u32 $0xFFFFFFC0, v4  }
0x471: {  	v3 =	vor.u32 v3, v4  }
0x472: {  	v4 =	vperm.xlane v3, v0;
	_ =	sdelay $0x1  }
0x473: {  	v4 =	vadd.s32 v1, v4;
	_ =	sdelay $0x4  }
0x474: {  	[tilespmem:s11], [sflag:$0x1] =	stream.indirect_vreg.gather [hbm4b:s1+s0], $0x80, v4, vm0, $0xb8;
	[tilespmem:$0x1C200] =	vst v63  }
0x475: {  	v3 =	vperm.xlane v3, v2  }
0x476: {  	[tilespmem:s12], [sflag:$0x1] =	stream.indirect_vreg.gather [hbm4b:s24+s0], $0x80, v4, vm0, $0xb8;
	[tilespmem:$0x1C200] =	vst v63  }
0x477: {  	v3 =	vadd.s32 v1, v3  }
0x478: {  	[tilespmem:s13], [sflag:$0x1] =	stream.indirect_vreg.gather [hbm4b:s26+s0], $0x80, v4, vm0, $0xb8;
	[tilespmem:$0x1C200] =	vst v63  }
0x479: {  	_ = 	snop  }
0x47a: {  	[tilespmem:s14], [sflag:$0x1] =	stream.indirect_vreg.gather [hbm4b:s28+s0], $0x80, v4, vm0, $0xb8;
	[tilespmem:$0x1C200] =	vst v63  }
0x47b: {  	_ = 	snop  }
0x47c: {  	[tilespmem:s15], [sflag:$0x1] =	stream.indirect_vreg.gather [hbm4b:s1+s0], $0x80, v3, vm0, $0xb8;
	[tilespmem:$0x1C200] =	vst v63  }
0x47d: {  	_ = 	snop  }
0x47e: {  	[tilespmem:s16], [sflag:$0x1] =	stream.indirect_vreg.gather [hbm4b:s24+s0], $0x80, v3, vm0, $0xb8;
	[tilespmem:$0x1C200] =	vst v63  }
0x47f: {  	s22 =	simm.s32 $0x0  }
0x480: {  	[tilespmem:s17], [sflag:$0x1] =	stream.indirect_vreg.gather [hbm4b:s26+s0], $0x80, v3, vm0, $0xb8;
	[tilespmem:$0x1C200] =	vst v63  }
0x481: {  	s6 =	simm.s32 $0x0;
	s5 =	sand.u32 $0x1C00, s0;
	s2 =	sand.u32 $0x2000, s22  }
0x482: {  	[tilespmem:s18], [sflag:$0x1] =	stream.indirect_vreg.gather [hbm4b:s28+s0], $0x80, v3, vm0, $0xb8;
	[tilespmem:$0x1C200] =	vst v63  }
0x483: {  	s23 =	sand.u32 $0x380, s6;
	s2 =	sor.u32 s5, s2;
	_ =	swait.ge [sflag:s20], $0x4000  }
0x484: {  	s2 =	sor.u32 s23, s2;
	s0 =	sand.u32 $0x40, s0;
	[sflag:s20] =	ssyncset.done $0x0  }
0x485: {  	s22 =	sor.u32 s0, s2;
	[sflag:s20] =	ssyncadd.s32 $0xFFFFC000  }
0x486: {  	v4 =	vld [tilespmem:s22+$0x14230]  }
0x487: {  	v5 =	vld [tilespmem:s22+$0x14200]  }
0x488: {  	v6 =	vld [tilespmem:s22+$0x14210]  }
0x489: {  	s9 =	simm.s32 $0x200;
	s5 =	simm.s32 $0x40  }
0x48a: {  	s7 =	simm.s32 $0x8;
	s6 =	sand.u32 $0x1C00, s9;
	s0 =	sand.u32 $0x2000, s5;
	v3 =	vld [tilespmem:s22+$0x14220]  }
0x48b: {  	s5 =	sand.u32 $0x380, s7;
	s2 =	simm.s32 $0x40;
	s0 =	sor.u32 s6, s0;
	[tilespmem:s22+$0xC230] =	vst.add.f32.msk $0xffff, v4  }
0x48c: {  	s23 =	sand.u32 $0x40, s2;
	s0 =	sor.u32 s5, s0;
	[tilespmem:s22+$0xC200] =	vst.add.f32.msk $0xffff, v5  }
0x48d: {  	s23 =	sor.u32 s23, s0;
	[tilespmem:s22+$0xC210] =	vst.add.f32.msk $0xffff, v6  }
0x48e: {  	v5 =	vld [tilespmem:s23+$0x14230]  }
0x48f: {  	s0 =	simm.s32 $0x4;
	v4 =	vld [tilespmem:s23+$0x14200]  }
.LBB2_38:
0x490: {  	s0 =	sadd.s32 $0x4, s0;
	v6 =	vld [tilespmem:s23+$0x14210];
	s9 =	sadd.s32 $0x200, s9  }
0x491: {  	s2 =	sadd.s32 $0x40, s2;
	s5 =	sshll.u32 s0, $0x4;
	p0 =	slt.u32 s0, $0x3FC;
	v7 =	vld [tilespmem:s23+$0x14220]  }
0x492: {  	s6 =	sand.u32 $0x1C00, s9;
	s7 =	sshll.u32 s0, $0x1;
	s5 =	sand.u32 $0x2000, s5;
	[tilespmem:s22+$0xC220] =	vst.add.f32.msk $0xffff, v3  }
.Ltmp18:
0x493: {  	s5 =	sor.u32 s6, s5;
	s6 =	sand.u32 $0x380, s7;
	[tilespmem:s23+$0xC230] =	vst.add.f32.msk $0xffff, v5;
	(pc) =	sbr.rel @p0 .LBB2_38-.Ltmp18, $4  }
0x494: {  	s22 =	smov.u32 s23;
	s7 =	sand.u32 $0x40, s2;
	s5 =	sor.u32 s6, s5;
	[tilespmem:s23+$0xC200] =	vst.add.f32.msk $0xffff, v4  }
0x495: {  	s23 =	sor.u32 s7, s5;
	[tilespmem:s22+$0xC210] =	vst.add.f32.msk $0xffff, v6  }
0x496: {  	v5 =	vld [tilespmem:s23+$0x14230];
	v3 =	vmov v7  }
0x497: {  	v4 =	vld [tilespmem:s23+$0x14200]  }
0x498: {  	v6 =	vld [tilespmem:s23+$0x14210]  }
0x499: {  	v7 =	vld [tilespmem:s23+$0x14220]  }
0x49a: {  	[tilespmem:s22+$0xC220] =	vst.add.f32.msk $0xffff, v3  }
0x49b: {  	[tilespmem:s23+$0xC230] =	vst.add.f32.msk $0xffff, v5  }
0x49c: {  	[tilespmem:s23+$0xC200] =	vst.add.f32.msk $0xffff, v4  }
0x49d: {  	[tilespmem:s23+$0xC210] =	vst.add.f32.msk $0xffff, v6  }
0x49e: {  	[tilespmem:s23+$0xC220] =	vst.add.f32.msk $0xffff, v7  }
0x49f: {  	s2 =	sld [smem:$0x7F3];
	_ =	sdelay $0x1  }
0x4a0: {  	s0 =	simm.s32 $0x0  }
0x4a1: {  	[hbm4b:s2+s0] =	stream.linear.scatter [tilespmem:s29], [sflag:$0x2], $0x4000, $0x38;
	[tilespmem:$0x1C200] =	vst v63  }
0x4a2: {  	_ =	swait.ge [sflag:s25], $0x4000  }
0x4a3: {  	[sflag:s25] =	ssyncset.done $0x0  }
0x4a4: {  	[sflag:s25] =	ssyncadd.s32 $0xFFFFC000  }
0x4a5: {  	v3 =	vld [tilespmem:$0x150];
	_ =	sdelay $0x4  }
0x4a6: {  	v4 =	vshll.u32 v3, $0x3  }
0x4a7: {  	v3 =	vand.u32 $0x7, v3;
	v4 =	vand.u32 $0xFFFFFFC0, v4  }
0x4a8: {  	v3 =	vor.u32 v3, v4  }
0x4a9: {  	v4 =	vperm.xlane v3, v0;
	_ =	sdelay $0x1  }
0x4aa: {  	v4 =	vadd.s32 v1, v4;
	_ =	sdelay $0x4  }
0x4ab: {  	[tilespmem:s19], [sflag:$0x1] =	stream.indirect_vreg.gather [hbm4b:s1+s0], $0x80, v4, vm0, $0xb8;
	[tilespmem:$0x1C200] =	vst v63  }
0x4ac: {  	s9 =	simm.s32 $0x8A00;
	v3 =	vperm.xlane v3, v2  }
0x4ad: {  	[tilespmem:s9], [sflag:$0x1] =	stream.indirect_vreg.gather [hbm4b:s24+s0], $0x80, v4, vm0, $0xb8;
	[tilespmem:$0x1C200] =	vst v63  }
0x4ae: {  	s22 =	simm.s32 $0x9200;
	v3 =	vadd.s32 v1, v3  }
0x4af: {  	[tilespmem:s22], [sflag:$0x1] =	stream.indirect_vreg.gather [hbm4b:s26+s0], $0x80, v4, vm0, $0xb8;
	[tilespmem:$0x1C200] =	vst v63  }
0x4b0: {  	s23 =	simm.s32 $0x9A00  }
0x4b1: {  	[tilespmem:s23], [sflag:$0x1] =	stream.indirect_vreg.gather [hbm4b:s28+s0], $0x80, v4, vm0, $0xb8;
	[tilespmem:$0x1C200] =	vst v63  }
0x4b2: {  	s5 =	simm.s32 $0xA200  }
0x4b3: {  	[tilespmem:s5], [sflag:$0x1] =	stream.indirect_vreg.gather [hbm4b:s1+s0], $0x80, v3, vm0, $0xb8;
	[tilespmem:$0x1C200] =	vst v63  }
0x4b4: {  	s6 =	simm.s32 $0xAA00  }
0x4b5: {  	[tilespmem:s6], [sflag:$0x1] =	stream.indirect_vreg.gather [hbm4b:s24+s0], $0x80, v3, vm0, $0xb8;
	[tilespmem:$0x1C200] =	vst v63  }
0x4b6: {  	s7 =	simm.s32 $0xB200;
	s9 =	simm.s32 $0xBA00;
	s22 =	simm.s32 $0x0  }
0x4b7: {  	[tilespmem:s7], [sflag:$0x1] =	stream.indirect_vreg.gather [hbm4b:s26+s0], $0x80, v3, vm0, $0xb8;
	[tilespmem:$0x1C200] =	vst v63  }
0x4b8: {  	s2 =	sand.u32 $0x2000, s22;
	s5 =	sand.u32 $0x1C00, s0;
	s6 =	simm.s32 $0x0  }
0x4b9: {  	[tilespmem:s9], [sflag:$0x1] =	stream.indirect_vreg.gather [hbm4b:s28+s0], $0x80, v3, vm0, $0xb8;
	[tilespmem:$0x1C200] =	vst v63  }
0x4ba: {  	s2 =	sor.u32 s5, s2;
	s23 =	sand.u32 $0x380, s6;
	_ =	swait.ge [sflag:s20], $0x4000  }
0x4bb: {  	s2 =	sor.u32 s23, s2;
	s0 =	sand.u32 $0x40, s0;
	[sflag:s20] =	ssyncset.done $0x0  }
0x4bc: {  	s22 =	sor.u32 s0, s2;
	[sflag:s20] =	ssyncadd.s32 $0xFFFFC000  }
0x4bd: {  	v4 =	vld [tilespmem:s22+$0x14230]  }
0x4be: {  	v5 =	vld [tilespmem:s22+$0x14200]  }
0x4bf: {  	v6 =	vld [tilespmem:s22+$0x14210]  }
0x4c0: {  	s5 =	simm.s32 $0x40;
	s9 =	simm.s32 $0x200  }
0x4c1: {  	s7 =	simm.s32 $0x8;
	s0 =	sand.u32 $0x2000, s5;
	s6 =	sand.u32 $0x1C00, s9;
	v3 =	vld [tilespmem:s22+$0x14220]  }
0x4c2: {  	s5 =	sand.u32 $0x380, s7;
	s2 =	simm.s32 $0x40;
	s0 =	sor.u32 s6, s0;
	[tilespmem:s22+$0x10230] =	vst.add.f32.msk $0xffff, v4  }
0x4c3: {  	s23 =	sand.u32 $0x40, s2;
	s0 =	sor.u32 s5, s0;
	[tilespmem:s22+$0x10200] =	vst.add.f32.msk $0xffff, v5  }
0x4c4: {  	s23 =	sor.u32 s23, s0;
	[tilespmem:s22+$0x10210] =	vst.add.f32.msk $0xffff, v6  }
0x4c5: {  	v5 =	vld [tilespmem:s23+$0x14230]  }
0x4c6: {  	s0 =	simm.s32 $0x4;
	v4 =	vld [tilespmem:s23+$0x14200]  }
.LBB2_40:
0x4c7: {  	s0 =	sadd.s32 $0x4, s0;
	v6 =	vld [tilespmem:s23+$0x14210];
	s9 =	sadd.s32 $0x200, s9  }
0x4c8: {  	s2 =	sadd.s32 $0x40, s2;
	s5 =	sshll.u32 s0, $0x4;
	p0 =	slt.u32 s0, $0x3FC;
	v7 =	vld [tilespmem:s23+$0x14220]  }
0x4c9: {  	s6 =	sand.u32 $0x1C00, s9;
	s7 =	sshll.u32 s0, $0x1;
	s5 =	sand.u32 $0x2000, s5;
	[tilespmem:s22+$0x10220] =	vst.add.f32.msk $0xffff, v3  }
.Ltmp19:
0x4ca: {  	s5 =	sor.u32 s6, s5;
	s6 =	sand.u32 $0x380, s7;
	[tilespmem:s23+$0x10230] =	vst.add.f32.msk $0xffff, v5;
	(pc) =	sbr.rel @p0 .LBB2_40-.Ltmp19, $4  }
0x4cb: {  	s22 =	smov.u32 s23;
	s7 =	sand.u32 $0x40, s2;
	s5 =	sor.u32 s6, s5;
	[tilespmem:s23+$0x10200] =	vst.add.f32.msk $0xffff, v4  }
0x4cc: {  	s23 =	sor.u32 s7, s5;
	[tilespmem:s22+$0x10210] =	vst.add.f32.msk $0xffff, v6  }
0x4cd: {  	v5 =	vld [tilespmem:s23+$0x14230];
	v3 =	vmov v7  }
0x4ce: {  	v4 =	vld [tilespmem:s23+$0x14200]  }
0x4cf: {  	v6 =	vld [tilespmem:s23+$0x14210]  }
0x4d0: {  	v7 =	vld [tilespmem:s23+$0x14220]  }
0x4d1: {  	[tilespmem:s22+$0x10220] =	vst.add.f32.msk $0xffff, v3  }
0x4d2: {  	[tilespmem:s23+$0x10230] =	vst.add.f32.msk $0xffff, v5  }
0x4d3: {  	[tilespmem:s23+$0x10200] =	vst.add.f32.msk $0xffff, v4  }
0x4d4: {  	[tilespmem:s23+$0x10210] =	vst.add.f32.msk $0xffff, v6  }
0x4d5: {  	[tilespmem:s23+$0x10220] =	vst.add.f32.msk $0xffff, v7  }
0x4d6: {  	s2 =	sld [smem:$0x7F4];
	_ =	sdelay $0x1  }
0x4d7: {  	s0 =	simm.s32 $0x0  }
0x4d8: {  	[hbm4b:s2+s0] =	stream.linear.scatter [tilespmem:s21], [sflag:$0x2], $0x4000, $0x38;
	[tilespmem:$0x1C200] =	vst v63  }
0x4d9: {  	_ =	swait.ge [sflag:s25], $0x4000  }
0x4da: {  	[sflag:s25] =	ssyncset.done $0x0  }
0x4db: {  	[sflag:s25] =	ssyncadd.s32 $0xFFFFC000  }
0x4dc: {  	v3 =	vld [tilespmem:$0x1D0];
	_ =	sdelay $0x4  }
0x4dd: {  	v4 =	vshll.u32 v3, $0x3  }
0x4de: {  	v3 =	vand.u32 $0x7, v3;
	v4 =	vand.u32 $0xFFFFFFC0, v4  }
0x4df: {  	v3 =	vor.u32 v3, v4  }
0x4e0: {  	v4 =	vperm.xlane v3, v0;
	_ =	sdelay $0x1  }
0x4e1: {  	v4 =	vadd.s32 v1, v4;
	_ =	sdelay $0x4  }
0x4e2: {  	[tilespmem:s29], [sflag:$0x1] =	stream.indirect_vreg.gather [hbm4b:s1+s0], $0x80, v4, vm0, $0xb8;
	[tilespmem:$0x1C200] =	vst v63  }
0x4e3: {  	s9 =	simm.s32 $0xCA00;
	v3 =	vperm.xlane v3, v2  }
0x4e4: {  	[tilespmem:s9], [sflag:$0x1] =	stream.indirect_vreg.gather [hbm4b:s24+s0], $0x80, v4, vm0, $0xb8;
	[tilespmem:$0x1C200] =	vst v63  }
0x4e5: {  	s22 =	simm.s32 $0xD200;
	v3 =	vadd.s32 v1, v3  }
0x4e6: {  	[tilespmem:s22], [sflag:$0x1] =	stream.indirect_vreg.gather [hbm4b:s26+s0], $0x80, v4, vm0, $0xb8;
	[tilespmem:$0x1C200] =	vst v63  }
0x4e7: {  	s23 =	simm.s32 $0xDA00  }
0x4e8: {  	[tilespmem:s23], [sflag:$0x1] =	stream.indirect_vreg.gather [hbm4b:s28+s0], $0x80, v4, vm0, $0xb8;
	[tilespmem:$0x1C200] =	vst v63  }
0x4e9: {  	s5 =	simm.s32 $0xE200  }
0x4ea: {  	[tilespmem:s5], [sflag:$0x1] =	stream.indirect_vreg.gather [hbm4b:s1+s0], $0x80, v3, vm0, $0xb8;
	[tilespmem:$0x1C200] =	vst v63  }
0x4eb: {  	s6 =	simm.s32 $0xEA00  }
0x4ec: {  	[tilespmem:s6], [sflag:$0x1] =	stream.indirect_vreg.gather [hbm4b:s24+s0], $0x80, v3, vm0, $0xb8;
	[tilespmem:$0x1C200] =	vst v63  }
0x4ed: {  	s7 =	simm.s32 $0xF200  }
0x4ee: {  	[tilespmem:s7], [sflag:$0x1] =	stream.indirect_vreg.gather [hbm4b:s26+s0], $0x80, v3, vm0, $0xb8;
	[tilespmem:$0x1C200] =	vst v63  }
0x4ef: {  	s9 =	simm.s32 $0xFA00  }
0x4f0: {  	[tilespmem:s9], [sflag:$0x1] =	stream.indirect_vreg.gather [hbm4b:s28+s0], $0x80, v3, vm0, $0xb8;
	[tilespmem:$0x1C200] =	vst v63  }
0x4f1: {  	s22 =	simm.s32 $0x0;
	_ =	swait.ge [sflag:s30], $0x4000  }
0x4f2: {  	s2 =	sand.u32 $0x2000, s22;
	[sflag:s30] =	ssyncset.done $0x0  }
0x4f3: {  	s5 =	sand.u32 $0x1C00, s0;
	s6 =	simm.s32 $0x0;
	[sflag:s30] =	ssyncadd.s32 $0xFFFFC000  }
0x4f4: {  	s2 =	sor.u32 s5, s2;
	s23 =	sand.u32 $0x380, s6;
	_ =	swait.ge [sflag:s20], $0x4000  }
0x4f5: {  	s2 =	sor.u32 s23, s2;
	s0 =	sand.u32 $0x40, s0;
	[sflag:s20] =	ssyncset.done $0x0  }
0x4f6: {  	s22 =	sor.u32 s0, s2;
	[sflag:s20] =	ssyncadd.s32 $0xFFFFC000  }
0x4f7: {  	v4 =	vld [tilespmem:s22+$0x18230]  }
0x4f8: {  	v5 =	vld [tilespmem:s22+$0x18200]  }
0x4f9: {  	v6 =	vld [tilespmem:s22+$0x18210]  }
0x4fa: {  	s5 =	simm.s32 $0x40;
	s9 =	simm.s32 $0x200  }
0x4fb: {  	s7 =	simm.s32 $0x8;
	s0 =	sand.u32 $0x2000, s5;
	s6 =	sand.u32 $0x1C00, s9;
	v3 =	vld [tilespmem:s22+$0x18220]  }
0x4fc: {  	s5 =	sand.u32 $0x380, s7;
	s2 =	simm.s32 $0x40;
	s0 =	sor.u32 s6, s0;
	[tilespmem:s22+$0x230] =	vst.add.f32.msk $0xffff, v4  }
0x4fd: {  	s23 =	sand.u32 $0x40, s2;
	s0 =	sor.u32 s5, s0;
	[tilespmem:s22+$0x200] =	vst.add.f32.msk $0xffff, v5  }
0x4fe: {  	s23 =	sor.u32 s23, s0;
	[tilespmem:s22+$0x210] =	vst.add.f32.msk $0xffff, v6  }
0x4ff: {  	v5 =	vld [tilespmem:s23+$0x18230]  }
0x500: {  	s0 =	simm.s32 $0x4;
	v4 =	vld [tilespmem:s23+$0x18200]  }
.LBB2_42:
0x501: {  	s0 =	sadd.s32 $0x4, s0;
	v6 =	vld [tilespmem:s23+$0x18210];
	s9 =	sadd.s32 $0x200, s9  }
0x502: {  	s2 =	sadd.s32 $0x40, s2;
	s5 =	sshll.u32 s0, $0x4;
	p0 =	slt.u32 s0, $0x3FC;
	v7 =	vld [tilespmem:s23+$0x18220]  }
0x503: {  	s6 =	sand.u32 $0x1C00, s9;
	s7 =	sshll.u32 s0, $0x1;
	s5 =	sand.u32 $0x2000, s5;
	[tilespmem:s22+$0x220] =	vst.add.f32.msk $0xffff, v3  }
.Ltmp20:
0x504: {  	s5 =	sor.u32 s6, s5;
	s6 =	sand.u32 $0x380, s7;
	[tilespmem:s23+$0x230] =	vst.add.f32.msk $0xffff, v5;
	(pc) =	sbr.rel @p0 .LBB2_42-.Ltmp20, $4  }
0x505: {  	s22 =	smov.u32 s23;
	s7 =	sand.u32 $0x40, s2;
	s5 =	sor.u32 s6, s5;
	[tilespmem:s23+$0x200] =	vst.add.f32.msk $0xffff, v4  }
0x506: {  	s23 =	sor.u32 s7, s5;
	[tilespmem:s22+$0x210] =	vst.add.f32.msk $0xffff, v6  }
0x507: {  	v5 =	vld [tilespmem:s23+$0x18230];
	v3 =	vmov v7  }
0x508: {  	v4 =	vld [tilespmem:s23+$0x18200]  }
0x509: {  	v6 =	vld [tilespmem:s23+$0x18210]  }
0x50a: {  	v7 =	vld [tilespmem:s23+$0x18220]  }
0x50b: {  	[tilespmem:s22+$0x220] =	vst.add.f32.msk $0xffff, v3  }
0x50c: {  	[tilespmem:s23+$0x230] =	vst.add.f32.msk $0xffff, v5  }
0x50d: {  	[tilespmem:s23+$0x200] =	vst.add.f32.msk $0xffff, v4  }
0x50e: {  	[tilespmem:s23+$0x210] =	vst.add.f32.msk $0xffff, v6  }
0x50f: {  	[tilespmem:s23+$0x220] =	vst.add.f32.msk $0xffff, v7  }
0x510: {  	s0 =	simm.s32 $0x0;
	s2 =	rddreg [dreg:$0x14]  }
0x511: {  	[hbm4b:s2+s0] =	stream.linear.scatter [tilespmem:s31], [sflag:$0x2], $0x4000, $0x38;
	[tilespmem:$0x1C200] =	vst v63  }
0x512: {  	_ =	swait.ge [sflag:s25], $0x4000  }
0x513: {  	[sflag:s25] =	ssyncset.done $0x0  }
0x514: {  	s5 =	simm.s32 $0x14200;
	s6 =	rddreg [dreg:$0x15];
	[sflag:s25] =	ssyncadd.s32 $0xFFFFC000  }
0x515: {  	[tilespmem:s5], [sflag:$0x3] =	stream.linear.gather [hbm4b:s6+s0], $0x4000, $0x38;
	[tilespmem:$0x1C200] =	vst v63  }
0x516: {  	v3 =	vld [tilespmem:$0x60];
	_ =	sdelay $0x4  }
0x517: {  	v4 =	vshll.u32 v3, $0x3  }
0x518: {  	v3 =	vand.u32 $0x7, v3;
	v4 =	vand.u32 $0xFFFFFFC0, v4  }
0x519: {  	v3 =	vor.u32 v3, v4  }
0x51a: {  	v4 =	vperm.xlane v3, v0;
	_ =	sdelay $0x1  }
0x51b: {  	v4 =	vadd.s32 v1, v4;
	_ =	sdelay $0x4  }
0x51c: {  	[tilespmem:s21], [sflag:$0x1] =	stream.indirect_vreg.gather [hbm4b:s1+s0], $0x80, v4, vm0, $0xb8;
	[tilespmem:$0x1C200] =	vst v63  }
0x51d: {  	s7 =	simm.s32 $0x10A00;
	v3 =	vperm.xlane v3, v2  }
0x51e: {  	[tilespmem:s7], [sflag:$0x1] =	stream.indirect_vreg.gather [hbm4b:s24+s0], $0x80, v4, vm0, $0xb8;
	[tilespmem:$0x1C200] =	vst v63  }
0x51f: {  	s9 =	simm.s32 $0x11200;
	v3 =	vadd.s32 v1, v3  }
0x520: {  	[tilespmem:s9], [sflag:$0x1] =	stream.indirect_vreg.gather [hbm4b:s26+s0], $0x80, v4, vm0, $0xb8;
	[tilespmem:$0x1C200] =	vst v63  }
0x521: {  	s22 =	simm.s32 $0x11A00  }
0x522: {  	[tilespmem:s22], [sflag:$0x1] =	stream.indirect_vreg.gather [hbm4b:s28+s0], $0x80, v4, vm0, $0xb8;
	[tilespmem:$0x1C200] =	vst v63  }
0x523: {  	s23 =	simm.s32 $0x12200  }
0x524: {  	[tilespmem:s23], [sflag:$0x1] =	stream.indirect_vreg.gather [hbm4b:s1+s0], $0x80, v3, vm0, $0xb8;
	[tilespmem:$0x1C200] =	vst v63  }
0x525: {  	s5 =	simm.s32 $0x12A00  }
0x526: {  	[tilespmem:s5], [sflag:$0x1] =	stream.indirect_vreg.gather [hbm4b:s24+s0], $0x80, v3, vm0, $0xb8;
	[tilespmem:$0x1C200] =	vst v63  }
0x527: {  	s6 =	simm.s32 $0x13200;
	s7 =	simm.s32 $0x13A00;
	s9 =	simm.s32 $0x0  }
0x528: {  	[tilespmem:s6], [sflag:$0x1] =	stream.indirect_vreg.gather [hbm4b:s26+s0], $0x80, v3, vm0, $0xb8;
	[tilespmem:$0x1C200] =	vst v63  }
0x529: {  	s2 =	sand.u32 $0x2000, s9;
	s22 =	sand.u32 $0x1C00, s0;
	s6 =	simm.s32 $0x0  }
0x52a: {  	[tilespmem:s7], [sflag:$0x1] =	stream.indirect_vreg.gather [hbm4b:s28+s0], $0x80, v3, vm0, $0xb8;
	[tilespmem:$0x1C200] =	vst v63  }
0x52b: {  	s2 =	sor.u32 s22, s2;
	s23 =	sand.u32 $0x380, s6;
	_ =	swait.ge [sflag:s20], $0x4000  }
0x52c: {  	s0 =	sand.u32 $0x40, s0;
	s2 =	sor.u32 s23, s2;
	[sflag:s20] =	ssyncset.done $0x0  }
0x52d: {  	s22 =	sor.u32 s0, s2;
	[sflag:s20] =	ssyncadd.s32 $0xFFFFC000  }
0x52e: {  	v4 =	vld [tilespmem:s22+$0x18230]  }
0x52f: {  	v5 =	vld [tilespmem:s22+$0x18200]  }
0x530: {  	v6 =	vld [tilespmem:s22+$0x18210]  }
0x531: {  	s9 =	simm.s32 $0x200;
	s5 =	simm.s32 $0x40  }
0x532: {  	s6 =	sand.u32 $0x1C00, s9;
	s7 =	simm.s32 $0x8;
	s0 =	sand.u32 $0x2000, s5;
	v3 =	vld [tilespmem:s22+$0x18220]  }
0x533: {  	s5 =	sand.u32 $0x380, s7;
	s2 =	simm.s32 $0x40;
	s0 =	sor.u32 s6, s0;
	[tilespmem:s22+$0x4230] =	vst.add.f32.msk $0xffff, v4  }
0x534: {  	s23 =	sand.u32 $0x40, s2;
	s0 =	sor.u32 s5, s0;
	[tilespmem:s22+$0x4200] =	vst.add.f32.msk $0xffff, v5  }
0x535: {  	s23 =	sor.u32 s23, s0;
	[tilespmem:s22+$0x4210] =	vst.add.f32.msk $0xffff, v6  }
0x536: {  	v5 =	vld [tilespmem:s23+$0x18230]  }
0x537: {  	s0 =	simm.s32 $0x4;
	v4 =	vld [tilespmem:s23+$0x18200]  }
.LBB2_44:
0x538: {  	s0 =	sadd.s32 $0x4, s0;
	v6 =	vld [tilespmem:s23+$0x18210];
	s9 =	sadd.s32 $0x200, s9  }
0x539: {  	s2 =	sadd.s32 $0x40, s2;
	s5 =	sshll.u32 s0, $0x4;
	p0 =	slt.u32 s0, $0x3FC;
	v7 =	vld [tilespmem:s23+$0x18220]  }
0x53a: {  	s6 =	sand.u32 $0x1C00, s9;
	s7 =	sshll.u32 s0, $0x1;
	s5 =	sand.u32 $0x2000, s5;
	[tilespmem:s22+$0x4220] =	vst.add.f32.msk $0xffff, v3  }
.Ltmp21:
0x53b: {  	s5 =	sor.u32 s6, s5;
	s6 =	sand.u32 $0x380, s7;
	[tilespmem:s23+$0x4230] =	vst.add.f32.msk $0xffff, v5;
	(pc) =	sbr.rel @p0 .LBB2_44-.Ltmp21, $4  }
0x53c: {  	s22 =	smov.u32 s23;
	s7 =	sand.u32 $0x40, s2;
	s5 =	sor.u32 s6, s5;
	[tilespmem:s23+$0x4200] =	vst.add.f32.msk $0xffff, v4  }
0x53d: {  	s23 =	sor.u32 s7, s5;
	[tilespmem:s22+$0x4210] =	vst.add.f32.msk $0xffff, v6  }
0x53e: {  	v5 =	vld [tilespmem:s23+$0x18230];
	v3 =	vmov v7  }
0x53f: {  	v4 =	vld [tilespmem:s23+$0x18200]  }
0x540: {  	v6 =	vld [tilespmem:s23+$0x18210]  }
0x541: {  	v7 =	vld [tilespmem:s23+$0x18220]  }
0x542: {  	[tilespmem:s22+$0x4220] =	vst.add.f32.msk $0xffff, v3  }
0x543: {  	[tilespmem:s23+$0x4230] =	vst.add.f32.msk $0xffff, v5  }
0x544: {  	[tilespmem:s23+$0x4200] =	vst.add.f32.msk $0xffff, v4  }
0x545: {  	[tilespmem:s23+$0x4210] =	vst.add.f32.msk $0xffff, v6  }
0x546: {  	[tilespmem:s23+$0x4220] =	vst.add.f32.msk $0xffff, v7  }
0x547: {  	s2 =	sld [smem:$0x7F6];
	_ =	sdelay $0x1  }
0x548: {  	s0 =	simm.s32 $0x0  }
0x549: {  	[hbm4b:s2+s0] =	stream.linear.scatter [tilespmem:s11], [sflag:$0x2], $0x4000, $0x38;
	[tilespmem:$0x1C200] =	vst v63  }
0x54a: {  	_ =	swait.ge [sflag:s25], $0x4000  }
0x54b: {  	[sflag:s25] =	ssyncset.done $0x0  }
0x54c: {  	[sflag:s25] =	ssyncadd.s32 $0xFFFFC000  }
0x54d: {  	v3 =	vld [tilespmem:$0xE0];
	_ =	sdelay $0x4  }
0x54e: {  	v4 =	vshll.u32 v3, $0x3  }
0x54f: {  	v3 =	vand.u32 $0x7, v3;
	v4 =	vand.u32 $0xFFFFFFC0, v4  }
0x550: {  	v3 =	vor.u32 v3, v4  }
0x551: {  	v4 =	vperm.xlane v3, v0;
	_ =	sdelay $0x1  }
0x552: {  	v4 =	vadd.s32 v1, v4;
	_ =	sdelay $0x4  }
0x553: {  	[tilespmem:s31], [sflag:$0x1] =	stream.indirect_vreg.gather [hbm4b:s1+s0], $0x80, v4, vm0, $0xb8;
	[tilespmem:$0x1C200] =	vst v63  }
0x554: {  	s23 =	simm.s32 $0xA00;
	v3 =	vperm.xlane v3, v2  }
0x555: {  	[tilespmem:s23], [sflag:$0x1] =	stream.indirect_vreg.gather [hbm4b:s24+s0], $0x80, v4, vm0, $0xb8;
	[tilespmem:$0x1C200] =	vst v63  }
0x556: {  	s5 =	simm.s32 $0x1200;
	v3 =	vadd.s32 v1, v3  }
0x557: {  	[tilespmem:s5], [sflag:$0x1] =	stream.indirect_vreg.gather [hbm4b:s26+s0], $0x80, v4, vm0, $0xb8;
	[tilespmem:$0x1C200] =	vst v63  }
0x558: {  	s6 =	simm.s32 $0x1A00  }
0x559: {  	[tilespmem:s6], [sflag:$0x1] =	stream.indirect_vreg.gather [hbm4b:s28+s0], $0x80, v4, vm0, $0xb8;
	[tilespmem:$0x1C200] =	vst v63  }
0x55a: {  	s7 =	simm.s32 $0x2200  }
0x55b: {  	[tilespmem:s7], [sflag:$0x1] =	stream.indirect_vreg.gather [hbm4b:s1+s0], $0x80, v3, vm0, $0xb8;
	[tilespmem:$0x1C200] =	vst v63  }
0x55c: {  	s9 =	simm.s32 $0x2A00  }
0x55d: {  	[tilespmem:s9], [sflag:$0x1] =	stream.indirect_vreg.gather [hbm4b:s24+s0], $0x80, v3, vm0, $0xb8;
	[tilespmem:$0x1C200] =	vst v63  }
0x55e: {  	s22 =	simm.s32 $0x0  }
0x55f: {  	[tilespmem:s8], [sflag:$0x1] =	stream.indirect_vreg.gather [hbm4b:s26+s0], $0x80, v3, vm0, $0xb8;
	[tilespmem:$0x1C200] =	vst v63  }
0x560: {  	s2 =	sand.u32 $0x2000, s22;
	s5 =	sand.u32 $0x1C00, s0;
	s6 =	simm.s32 $0x0  }
0x561: {  	[tilespmem:s10], [sflag:$0x1] =	stream.indirect_vreg.gather [hbm4b:s28+s0], $0x80, v3, vm0, $0xb8;
	[tilespmem:$0x1C200] =	vst v63  }
0x562: {  	s2 =	sor.u32 s5, s2;
	s23 =	sand.u32 $0x380, s6;
	_ =	swait.ge [sflag:s20], $0x4000  }
0x563: {  	s2 =	sor.u32 s23, s2;
	s0 =	sand.u32 $0x40, s0;
	[sflag:s20] =	ssyncset.done $0x0  }
0x564: {  	s22 =	sor.u32 s0, s2;
	[sflag:s20] =	ssyncadd.s32 $0xFFFFC000  }
0x565: {  	v4 =	vld [tilespmem:s22+$0x18230]  }
0x566: {  	v5 =	vld [tilespmem:s22+$0x18200]  }
0x567: {  	v6 =	vld [tilespmem:s22+$0x18210]  }
0x568: {  	s5 =	simm.s32 $0x40;
	s9 =	simm.s32 $0x200  }
0x569: {  	s7 =	simm.s32 $0x8;
	s6 =	sand.u32 $0x1C00, s9;
	s0 =	sand.u32 $0x2000, s5;
	v3 =	vld [tilespmem:s22+$0x18220]  }
0x56a: {  	s5 =	sand.u32 $0x380, s7;
	s2 =	simm.s32 $0x40;
	s0 =	sor.u32 s6, s0;
	[tilespmem:s22+$0x8230] =	vst.add.f32.msk $0xffff, v4  }
0x56b: {  	s23 =	sand.u32 $0x40, s2;
	s0 =	sor.u32 s5, s0;
	[tilespmem:s22+$0x8200] =	vst.add.f32.msk $0xffff, v5  }
0x56c: {  	s23 =	sor.u32 s23, s0;
	[tilespmem:s22+$0x8210] =	vst.add.f32.msk $0xffff, v6  }
0x56d: {  	v5 =	vld [tilespmem:s23+$0x18230]  }
0x56e: {  	s0 =	simm.s32 $0x4;
	v4 =	vld [tilespmem:s23+$0x18200]  }
.LBB2_46:
0x56f: {  	s0 =	sadd.s32 $0x4, s0;
	v6 =	vld [tilespmem:s23+$0x18210];
	s9 =	sadd.s32 $0x200, s9  }
0x570: {  	s2 =	sadd.s32 $0x40, s2;
	s5 =	sshll.u32 s0, $0x4;
	p0 =	slt.u32 s0, $0x3FC;
	v7 =	vld [tilespmem:s23+$0x18220]  }
0x571: {  	s6 =	sand.u32 $0x1C00, s9;
	s7 =	sshll.u32 s0, $0x1;
	s5 =	sand.u32 $0x2000, s5;
	[tilespmem:s22+$0x8220] =	vst.add.f32.msk $0xffff, v3  }
.Ltmp22:
0x572: {  	s5 =	sor.u32 s6, s5;
	s6 =	sand.u32 $0x380, s7;
	[tilespmem:s23+$0x8230] =	vst.add.f32.msk $0xffff, v5;
	(pc) =	sbr.rel @p0 .LBB2_46-.Ltmp22, $4  }
0x573: {  	s22 =	smov.u32 s23;
	s7 =	sand.u32 $0x40, s2;
	s5 =	sor.u32 s6, s5;
	[tilespmem:s23+$0x8200] =	vst.add.f32.msk $0xffff, v4  }
0x574: {  	s23 =	sor.u32 s7, s5;
	[tilespmem:s22+$0x8210] =	vst.add.f32.msk $0xffff, v6  }
0x575: {  	v5 =	vld [tilespmem:s23+$0x18230];
	v3 =	vmov v7  }
0x576: {  	v4 =	vld [tilespmem:s23+$0x18200]  }
0x577: {  	v6 =	vld [tilespmem:s23+$0x18210]  }
0x578: {  	v7 =	vld [tilespmem:s23+$0x18220]  }
0x579: {  	[tilespmem:s22+$0x8220] =	vst.add.f32.msk $0xffff, v3  }
0x57a: {  	[tilespmem:s23+$0x8230] =	vst.add.f32.msk $0xffff, v5  }
0x57b: {  	[tilespmem:s23+$0x8200] =	vst.add.f32.msk $0xffff, v4  }
0x57c: {  	[tilespmem:s23+$0x8210] =	vst.add.f32.msk $0xffff, v6  }
0x57d: {  	[tilespmem:s23+$0x8220] =	vst.add.f32.msk $0xffff, v7  }
0x57e: {  	s2 =	sld [smem:$0x7F5];
	_ =	sdelay $0x1  }
0x57f: {  	s0 =	simm.s32 $0x0  }
0x580: {  	[hbm4b:s2+s0] =	stream.linear.scatter [tilespmem:s19], [sflag:$0x2], $0x4000, $0x38;
	[tilespmem:$0x1C200] =	vst v63  }
0x581: {  	_ =	swait.ge [sflag:s25], $0x4000  }
0x582: {  	[sflag:s25] =	ssyncset.done $0x0  }
0x583: {  	[sflag:s25] =	ssyncadd.s32 $0xFFFFC000  }
0x584: {  	v3 =	vld [tilespmem:$0x160];
	_ =	sdelay $0x4  }
0x585: {  	v4 =	vshll.u32 v3, $0x3  }
0x586: {  	v3 =	vand.u32 $0x7, v3;
	v4 =	vand.u32 $0xFFFFFFC0, v4  }
0x587: {  	v3 =	vor.u32 v3, v4  }
0x588: {  	v4 =	vperm.xlane v3, v0;
	_ =	sdelay $0x1  }
0x589: {  	v4 =	vadd.s32 v1, v4;
	_ =	sdelay $0x4  }
0x58a: {  	[tilespmem:s11], [sflag:$0x1] =	stream.indirect_vreg.gather [hbm4b:s1+s0], $0x80, v4, vm0, $0xb8;
	[tilespmem:$0x1C200] =	vst v63  }
0x58b: {  	v3 =	vperm.xlane v3, v2  }
0x58c: {  	[tilespmem:s12], [sflag:$0x1] =	stream.indirect_vreg.gather [hbm4b:s24+s0], $0x80, v4, vm0, $0xb8;
	[tilespmem:$0x1C200] =	vst v63  }
0x58d: {  	v3 =	vadd.s32 v1, v3  }
0x58e: {  	[tilespmem:s13], [sflag:$0x1] =	stream.indirect_vreg.gather [hbm4b:s26+s0], $0x80, v4, vm0, $0xb8;
	[tilespmem:$0x1C200] =	vst v63  }
0x58f: {  	_ = 	snop  }
0x590: {  	[tilespmem:s14], [sflag:$0x1] =	stream.indirect_vreg.gather [hbm4b:s28+s0], $0x80, v4, vm0, $0xb8;
	[tilespmem:$0x1C200] =	vst v63  }
0x591: {  	_ = 	snop  }
0x592: {  	[tilespmem:s15], [sflag:$0x1] =	stream.indirect_vreg.gather [hbm4b:s1+s0], $0x80, v3, vm0, $0xb8;
	[tilespmem:$0x1C200] =	vst v63  }
0x593: {  	_ = 	snop  }
0x594: {  	[tilespmem:s16], [sflag:$0x1] =	stream.indirect_vreg.gather [hbm4b:s24+s0], $0x80, v3, vm0, $0xb8;
	[tilespmem:$0x1C200] =	vst v63  }
0x595: {  	s22 =	simm.s32 $0x0  }
0x596: {  	[tilespmem:s17], [sflag:$0x1] =	stream.indirect_vreg.gather [hbm4b:s26+s0], $0x80, v3, vm0, $0xb8;
	[tilespmem:$0x1C200] =	vst v63  }
0x597: {  	s6 =	simm.s32 $0x0;
	s5 =	sand.u32 $0x1C00, s0;
	s2 =	sand.u32 $0x2000, s22  }
0x598: {  	[tilespmem:s18], [sflag:$0x1] =	stream.indirect_vreg.gather [hbm4b:s28+s0], $0x80, v3, vm0, $0xb8;
	[tilespmem:$0x1C200] =	vst v63  }
0x599: {  	s23 =	sand.u32 $0x380, s6;
	s2 =	sor.u32 s5, s2;
	_ =	swait.ge [sflag:s20], $0x4000  }
0x59a: {  	s2 =	sor.u32 s23, s2;
	s0 =	sand.u32 $0x40, s0;
	[sflag:s20] =	ssyncset.done $0x0  }
0x59b: {  	s22 =	sor.u32 s0, s2;
	[sflag:s20] =	ssyncadd.s32 $0xFFFFC000  }
0x59c: {  	v4 =	vld [tilespmem:s22+$0x18230]  }
0x59d: {  	v5 =	vld [tilespmem:s22+$0x18200]  }
0x59e: {  	v6 =	vld [tilespmem:s22+$0x18210]  }
0x59f: {  	s9 =	simm.s32 $0x200;
	s5 =	simm.s32 $0x40  }
0x5a0: {  	s7 =	simm.s32 $0x8;
	s6 =	sand.u32 $0x1C00, s9;
	s0 =	sand.u32 $0x2000, s5;
	v3 =	vld [tilespmem:s22+$0x18220]  }
0x5a1: {  	s5 =	sand.u32 $0x380, s7;
	s2 =	simm.s32 $0x40;
	s0 =	sor.u32 s6, s0;
	[tilespmem:s22+$0xC230] =	vst.add.f32.msk $0xffff, v4  }
0x5a2: {  	s23 =	sand.u32 $0x40, s2;
	s0 =	sor.u32 s5, s0;
	[tilespmem:s22+$0xC200] =	vst.add.f32.msk $0xffff, v5  }
0x5a3: {  	s23 =	sor.u32 s23, s0;
	[tilespmem:s22+$0xC210] =	vst.add.f32.msk $0xffff, v6  }
0x5a4: {  	v5 =	vld [tilespmem:s23+$0x18230]  }
0x5a5: {  	s0 =	simm.s32 $0x4;
	v4 =	vld [tilespmem:s23+$0x18200]  }
.LBB2_48:
0x5a6: {  	s0 =	sadd.s32 $0x4, s0;
	v6 =	vld [tilespmem:s23+$0x18210];
	s9 =	sadd.s32 $0x200, s9  }
0x5a7: {  	s2 =	sadd.s32 $0x40, s2;
	s5 =	sshll.u32 s0, $0x4;
	p0 =	slt.u32 s0, $0x3FC;
	v7 =	vld [tilespmem:s23+$0x18220]  }
0x5a8: {  	s6 =	sand.u32 $0x1C00, s9;
	s7 =	sshll.u32 s0, $0x1;
	s5 =	sand.u32 $0x2000, s5;
	[tilespmem:s22+$0xC220] =	vst.add.f32.msk $0xffff, v3  }
.Ltmp23:
0x5a9: {  	s5 =	sor.u32 s6, s5;
	s6 =	sand.u32 $0x380, s7;
	[tilespmem:s23+$0xC230] =	vst.add.f32.msk $0xffff, v5;
	(pc) =	sbr.rel @p0 .LBB2_48-.Ltmp23, $4  }
0x5aa: {  	s22 =	smov.u32 s23;
	s7 =	sand.u32 $0x40, s2;
	s5 =	sor.u32 s6, s5;
	[tilespmem:s23+$0xC200] =	vst.add.f32.msk $0xffff, v4  }
0x5ab: {  	s23 =	sor.u32 s7, s5;
	[tilespmem:s22+$0xC210] =	vst.add.f32.msk $0xffff, v6  }
0x5ac: {  	v5 =	vld [tilespmem:s23+$0x18230];
	v3 =	vmov v7  }
0x5ad: {  	v4 =	vld [tilespmem:s23+$0x18200]  }
0x5ae: {  	v6 =	vld [tilespmem:s23+$0x18210]  }
0x5af: {  	v7 =	vld [tilespmem:s23+$0x18220]  }
0x5b0: {  	[tilespmem:s22+$0xC220] =	vst.add.f32.msk $0xffff, v3  }
0x5b1: {  	[tilespmem:s23+$0xC230] =	vst.add.f32.msk $0xffff, v5  }
0x5b2: {  	[tilespmem:s23+$0xC200] =	vst.add.f32.msk $0xffff, v4  }
0x5b3: {  	[tilespmem:s23+$0xC210] =	vst.add.f32.msk $0xffff, v6  }
0x5b4: {  	[tilespmem:s23+$0xC220] =	vst.add.f32.msk $0xffff, v7  }
0x5b5: {  	s2 =	sld [smem:$0x7F7];
	_ =	sdelay $0x1  }
0x5b6: {  	s0 =	simm.s32 $0x0  }
0x5b7: {  	[hbm4b:s2+s0] =	stream.linear.scatter [tilespmem:s29], [sflag:$0x2], $0x4000, $0x38;
	[tilespmem:$0x1C200] =	vst v63  }
0x5b8: {  	_ =	swait.ge [sflag:s25], $0x4000  }
0x5b9: {  	[sflag:s25] =	ssyncset.done $0x0  }
0x5ba: {  	[sflag:s25] =	ssyncadd.s32 $0xFFFFC000  }
0x5bb: {  	v3 =	vld [tilespmem:$0x1E0];
	_ =	sdelay $0x4  }
0x5bc: {  	v4 =	vshll.u32 v3, $0x3  }
0x5bd: {  	v3 =	vand.u32 $0x7, v3;
	v4 =	vand.u32 $0xFFFFFFC0, v4  }
0x5be: {  	v3 =	vor.u32 v3, v4  }
0x5bf: {  	v4 =	vperm.xlane v3, v0;
	_ =	sdelay $0x1  }
0x5c0: {  	v4 =	vadd.s32 v1, v4;
	_ =	sdelay $0x4  }
0x5c1: {  	[tilespmem:s19], [sflag:$0x1] =	stream.indirect_vreg.gather [hbm4b:s1+s0], $0x80, v4, vm0, $0xb8;
	[tilespmem:$0x1C200] =	vst v63  }
0x5c2: {  	s9 =	simm.s32 $0x8A00;
	v3 =	vperm.xlane v3, v2  }
0x5c3: {  	[tilespmem:s9], [sflag:$0x1] =	stream.indirect_vreg.gather [hbm4b:s24+s0], $0x80, v4, vm0, $0xb8;
	[tilespmem:$0x1C200] =	vst v63  }
0x5c4: {  	s22 =	simm.s32 $0x9200;
	v3 =	vadd.s32 v1, v3  }
0x5c5: {  	[tilespmem:s22], [sflag:$0x1] =	stream.indirect_vreg.gather [hbm4b:s26+s0], $0x80, v4, vm0, $0xb8;
	[tilespmem:$0x1C200] =	vst v63  }
0x5c6: {  	s23 =	simm.s32 $0x9A00  }
0x5c7: {  	[tilespmem:s23], [sflag:$0x1] =	stream.indirect_vreg.gather [hbm4b:s28+s0], $0x80, v4, vm0, $0xb8;
	[tilespmem:$0x1C200] =	vst v63  }
0x5c8: {  	s5 =	simm.s32 $0xA200  }
0x5c9: {  	[tilespmem:s5], [sflag:$0x1] =	stream.indirect_vreg.gather [hbm4b:s1+s0], $0x80, v3, vm0, $0xb8;
	[tilespmem:$0x1C200] =	vst v63  }
0x5ca: {  	s6 =	simm.s32 $0xAA00  }
0x5cb: {  	[tilespmem:s6], [sflag:$0x1] =	stream.indirect_vreg.gather [hbm4b:s24+s0], $0x80, v3, vm0, $0xb8;
	[tilespmem:$0x1C200] =	vst v63  }
0x5cc: {  	s7 =	simm.s32 $0xB200  }
0x5cd: {  	[tilespmem:s7], [sflag:$0x1] =	stream.indirect_vreg.gather [hbm4b:s26+s0], $0x80, v3, vm0, $0xb8;
	[tilespmem:$0x1C200] =	vst v63  }
0x5ce: {  	s9 =	simm.s32 $0xBA00  }
0x5cf: {  	[tilespmem:s9], [sflag:$0x1] =	stream.indirect_vreg.gather [hbm4b:s28+s0], $0x80, v3, vm0, $0xb8;
	[tilespmem:$0x1C200] =	vst v63  }
0x5d0: {  	s22 =	simm.s32 $0x0;
	_ =	swait.ge [sflag:s30], $0x4000  }
0x5d1: {  	s2 =	sand.u32 $0x2000, s22;
	[sflag:s30] =	ssyncset.done $0x0  }
0x5d2: {  	s5 =	sand.u32 $0x1C00, s0;
	s6 =	simm.s32 $0x0;
	[sflag:s30] =	ssyncadd.s32 $0xFFFFC000  }
0x5d3: {  	s2 =	sor.u32 s5, s2;
	s23 =	sand.u32 $0x380, s6;
	_ =	swait.ge [sflag:s20], $0x4000  }
0x5d4: {  	s2 =	sor.u32 s23, s2;
	s0 =	sand.u32 $0x40, s0;
	[sflag:s20] =	ssyncset.done $0x0  }
0x5d5: {  	s22 =	sor.u32 s0, s2;
	[sflag:s20] =	ssyncadd.s32 $0xFFFFC000  }
0x5d6: {  	v4 =	vld [tilespmem:s22+$0x14230]  }
0x5d7: {  	v5 =	vld [tilespmem:s22+$0x14200]  }
0x5d8: {  	v6 =	vld [tilespmem:s22+$0x14210]  }
0x5d9: {  	s5 =	simm.s32 $0x40;
	s9 =	simm.s32 $0x200  }
0x5da: {  	s7 =	simm.s32 $0x8;
	s0 =	sand.u32 $0x2000, s5;
	s6 =	sand.u32 $0x1C00, s9;
	v3 =	vld [tilespmem:s22+$0x14220]  }
0x5db: {  	s5 =	sand.u32 $0x380, s7;
	s2 =	simm.s32 $0x40;
	s0 =	sor.u32 s6, s0;
	[tilespmem:s22+$0x10230] =	vst.add.f32.msk $0xffff, v4  }
0x5dc: {  	s23 =	sand.u32 $0x40, s2;
	s0 =	sor.u32 s5, s0;
	[tilespmem:s22+$0x10200] =	vst.add.f32.msk $0xffff, v5  }
0x5dd: {  	s23 =	sor.u32 s23, s0;
	[tilespmem:s22+$0x10210] =	vst.add.f32.msk $0xffff, v6  }
0x5de: {  	v5 =	vld [tilespmem:s23+$0x14230]  }
0x5df: {  	s0 =	simm.s32 $0x4;
	v4 =	vld [tilespmem:s23+$0x14200]  }
.LBB2_50:
0x5e0: {  	s0 =	sadd.s32 $0x4, s0;
	v6 =	vld [tilespmem:s23+$0x14210];
	s9 =	sadd.s32 $0x200, s9  }
0x5e1: {  	s2 =	sadd.s32 $0x40, s2;
	s5 =	sshll.u32 s0, $0x4;
	p0 =	slt.u32 s0, $0x3FC;
	v7 =	vld [tilespmem:s23+$0x14220]  }
0x5e2: {  	s6 =	sand.u32 $0x1C00, s9;
	s7 =	sshll.u32 s0, $0x1;
	s5 =	sand.u32 $0x2000, s5;
	[tilespmem:s22+$0x10220] =	vst.add.f32.msk $0xffff, v3  }
.Ltmp24:
0x5e3: {  	s5 =	sor.u32 s6, s5;
	s6 =	sand.u32 $0x380, s7;
	[tilespmem:s23+$0x10230] =	vst.add.f32.msk $0xffff, v5;
	(pc) =	sbr.rel @p0 .LBB2_50-.Ltmp24, $4  }
0x5e4: {  	s22 =	smov.u32 s23;
	s7 =	sand.u32 $0x40, s2;
	s5 =	sor.u32 s6, s5;
	[tilespmem:s23+$0x10200] =	vst.add.f32.msk $0xffff, v4  }
0x5e5: {  	s23 =	sor.u32 s7, s5;
	[tilespmem:s22+$0x10210] =	vst.add.f32.msk $0xffff, v6  }
0x5e6: {  	v5 =	vld [tilespmem:s23+$0x14230];
	v3 =	vmov v7  }
0x5e7: {  	v4 =	vld [tilespmem:s23+$0x14200]  }
0x5e8: {  	v6 =	vld [tilespmem:s23+$0x14210]  }
0x5e9: {  	v7 =	vld [tilespmem:s23+$0x14220]  }
0x5ea: {  	[tilespmem:s22+$0x10220] =	vst.add.f32.msk $0xffff, v3  }
0x5eb: {  	[tilespmem:s23+$0x10230] =	vst.add.f32.msk $0xffff, v5  }
0x5ec: {  	[tilespmem:s23+$0x10200] =	vst.add.f32.msk $0xffff, v4  }
0x5ed: {  	[tilespmem:s23+$0x10210] =	vst.add.f32.msk $0xffff, v6  }
0x5ee: {  	[tilespmem:s23+$0x10220] =	vst.add.f32.msk $0xffff, v7  }
0x5ef: {  	s0 =	simm.s32 $0x0;
	s2 =	rddreg [dreg:$0x16]  }
0x5f0: {  	[hbm4b:s2+s0] =	stream.linear.scatter [tilespmem:s21], [sflag:$0x2], $0x4000, $0x38;
	[tilespmem:$0x1C200] =	vst v63  }
0x5f1: {  	_ =	swait.ge [sflag:s25], $0x4000  }
0x5f2: {  	[sflag:s25] =	ssyncset.done $0x0  }
0x5f3: {  	s5 =	simm.s32 $0x18200;
	s6 =	rddreg [dreg:$0x17];
	[sflag:s25] =	ssyncadd.s32 $0xFFFFC000  }
0x5f4: {  	[tilespmem:s5], [sflag:$0x3] =	stream.linear.gather [hbm4b:s6+s0], $0x4000, $0x38;
	[tilespmem:$0x1C200] =	vst v63  }
0x5f5: {  	v3 =	vld [tilespmem:$0x70];
	_ =	sdelay $0x4  }
0x5f6: {  	v4 =	vshll.u32 v3, $0x3  }
0x5f7: {  	v3 =	vand.u32 $0x7, v3;
	v4 =	vand.u32 $0xFFFFFFC0, v4  }
0x5f8: {  	v3 =	vor.u32 v3, v4  }
0x5f9: {  	v4 =	vperm.xlane v3, v0;
	_ =	sdelay $0x1  }
0x5fa: {  	v4 =	vadd.s32 v1, v4;
	_ =	sdelay $0x4  }
0x5fb: {  	[tilespmem:s29], [sflag:$0x1] =	stream.indirect_vreg.gather [hbm4b:s1+s0], $0x80, v4, vm0, $0xb8;
	[tilespmem:$0x1C200] =	vst v63  }
0x5fc: {  	s7 =	simm.s32 $0xCA00;
	v3 =	vperm.xlane v3, v2  }
0x5fd: {  	[tilespmem:s7], [sflag:$0x1] =	stream.indirect_vreg.gather [hbm4b:s24+s0], $0x80, v4, vm0, $0xb8;
	[tilespmem:$0x1C200] =	vst v63  }
0x5fe: {  	s9 =	simm.s32 $0xD200;
	v3 =	vadd.s32 v1, v3  }
0x5ff: {  	[tilespmem:s9], [sflag:$0x1] =	stream.indirect_vreg.gather [hbm4b:s26+s0], $0x80, v4, vm0, $0xb8;
	[tilespmem:$0x1C200] =	vst v63  }
0x600: {  	s22 =	simm.s32 $0xDA00  }
0x601: {  	[tilespmem:s22], [sflag:$0x1] =	stream.indirect_vreg.gather [hbm4b:s28+s0], $0x80, v4, vm0, $0xb8;
	[tilespmem:$0x1C200] =	vst v63  }
0x602: {  	s23 =	simm.s32 $0xE200  }
0x603: {  	[tilespmem:s23], [sflag:$0x1] =	stream.indirect_vreg.gather [hbm4b:s1+s0], $0x80, v3, vm0, $0xb8;
	[tilespmem:$0x1C200] =	vst v63  }
0x604: {  	s5 =	simm.s32 $0xEA00  }
0x605: {  	[tilespmem:s5], [sflag:$0x1] =	stream.indirect_vreg.gather [hbm4b:s24+s0], $0x80, v3, vm0, $0xb8;
	[tilespmem:$0x1C200] =	vst v63  }
0x606: {  	s6 =	simm.s32 $0xF200;
	s7 =	simm.s32 $0xFA00;
	s9 =	simm.s32 $0x0  }
0x607: {  	[tilespmem:s6], [sflag:$0x1] =	stream.indirect_vreg.gather [hbm4b:s26+s0], $0x80, v3, vm0, $0xb8;
	[tilespmem:$0x1C200] =	vst v63  }
0x608: {  	s2 =	sand.u32 $0x2000, s9;
	s22 =	sand.u32 $0x1C00, s0;
	s6 =	simm.s32 $0x0  }
0x609: {  	[tilespmem:s7], [sflag:$0x1] =	stream.indirect_vreg.gather [hbm4b:s28+s0], $0x80, v3, vm0, $0xb8;
	[tilespmem:$0x1C200] =	vst v63  }
0x60a: {  	s2 =	sor.u32 s22, s2;
	s23 =	sand.u32 $0x380, s6;
	_ =	swait.ge [sflag:s20], $0x4000  }
0x60b: {  	s0 =	sand.u32 $0x40, s0;
	s2 =	sor.u32 s23, s2;
	[sflag:s20] =	ssyncset.done $0x0  }
0x60c: {  	s22 =	sor.u32 s0, s2;
	[sflag:s20] =	ssyncadd.s32 $0xFFFFC000  }
0x60d: {  	v4 =	vld [tilespmem:s22+$0x14230]  }
0x60e: {  	v5 =	vld [tilespmem:s22+$0x14200]  }
0x60f: {  	v6 =	vld [tilespmem:s22+$0x14210]  }
0x610: {  	s9 =	simm.s32 $0x200;
	s5 =	simm.s32 $0x40  }
0x611: {  	s6 =	sand.u32 $0x1C00, s9;
	s7 =	simm.s32 $0x8;
	s0 =	sand.u32 $0x2000, s5;
	v3 =	vld [tilespmem:s22+$0x14220]  }
0x612: {  	s5 =	sand.u32 $0x380, s7;
	s2 =	simm.s32 $0x40;
	s0 =	sor.u32 s6, s0;
	[tilespmem:s22+$0x230] =	vst.add.f32.msk $0xffff, v4  }
0x613: {  	s23 =	sand.u32 $0x40, s2;
	s0 =	sor.u32 s5, s0;
	[tilespmem:s22+$0x200] =	vst.add.f32.msk $0xffff, v5  }
0x614: {  	s23 =	sor.u32 s23, s0;
	[tilespmem:s22+$0x210] =	vst.add.f32.msk $0xffff, v6  }
0x615: {  	v5 =	vld [tilespmem:s23+$0x14230]  }
0x616: {  	s0 =	simm.s32 $0x4;
	v4 =	vld [tilespmem:s23+$0x14200]  }
.LBB2_52:
0x617: {  	s0 =	sadd.s32 $0x4, s0;
	v6 =	vld [tilespmem:s23+$0x14210];
	s9 =	sadd.s32 $0x200, s9  }
0x618: {  	s2 =	sadd.s32 $0x40, s2;
	s5 =	sshll.u32 s0, $0x4;
	p0 =	slt.u32 s0, $0x3FC;
	v7 =	vld [tilespmem:s23+$0x14220]  }
0x619: {  	s6 =	sand.u32 $0x1C00, s9;
	s7 =	sshll.u32 s0, $0x1;
	s5 =	sand.u32 $0x2000, s5;
	[tilespmem:s22+$0x220] =	vst.add.f32.msk $0xffff, v3  }
.Ltmp25:
0x61a: {  	s5 =	sor.u32 s6, s5;
	s6 =	sand.u32 $0x380, s7;
	[tilespmem:s23+$0x230] =	vst.add.f32.msk $0xffff, v5;
	(pc) =	sbr.rel @p0 .LBB2_52-.Ltmp25, $4  }
0x61b: {  	s22 =	smov.u32 s23;
	s7 =	sand.u32 $0x40, s2;
	s5 =	sor.u32 s6, s5;
	[tilespmem:s23+$0x200] =	vst.add.f32.msk $0xffff, v4  }
0x61c: {  	s23 =	sor.u32 s7, s5;
	[tilespmem:s22+$0x210] =	vst.add.f32.msk $0xffff, v6  }
0x61d: {  	v5 =	vld [tilespmem:s23+$0x14230];
	v3 =	vmov v7  }
0x61e: {  	v4 =	vld [tilespmem:s23+$0x14200]  }
0x61f: {  	v6 =	vld [tilespmem:s23+$0x14210]  }
0x620: {  	v7 =	vld [tilespmem:s23+$0x14220]  }
0x621: {  	[tilespmem:s22+$0x220] =	vst.add.f32.msk $0xffff, v3  }
0x622: {  	[tilespmem:s23+$0x230] =	vst.add.f32.msk $0xffff, v5  }
0x623: {  	[tilespmem:s23+$0x200] =	vst.add.f32.msk $0xffff, v4  }
0x624: {  	[tilespmem:s23+$0x210] =	vst.add.f32.msk $0xffff, v6  }
0x625: {  	[tilespmem:s23+$0x220] =	vst.add.f32.msk $0xffff, v7  }
0x626: {  	s2 =	sld [smem:$0x7F8];
	_ =	sdelay $0x1  }
0x627: {  	s0 =	simm.s32 $0x0  }
0x628: {  	[hbm4b:s2+s0] =	stream.linear.scatter [tilespmem:s31], [sflag:$0x2], $0x4000, $0x38;
	[tilespmem:$0x1C200] =	vst v63  }
0x629: {  	_ =	swait.ge [sflag:s25], $0x4000  }
0x62a: {  	[sflag:s25] =	ssyncset.done $0x0  }
0x62b: {  	[sflag:s25] =	ssyncadd.s32 $0xFFFFC000  }
0x62c: {  	v3 =	vld [tilespmem:$0xF0];
	_ =	sdelay $0x4  }
0x62d: {  	v4 =	vshll.u32 v3, $0x3  }
0x62e: {  	v3 =	vand.u32 $0x7, v3;
	v4 =	vand.u32 $0xFFFFFFC0, v4  }
0x62f: {  	v3 =	vor.u32 v3, v4  }
0x630: {  	v4 =	vperm.xlane v3, v0;
	_ =	sdelay $0x1  }
0x631: {  	v4 =	vadd.s32 v1, v4;
	_ =	sdelay $0x4  }
0x632: {  	[tilespmem:s21], [sflag:$0x1] =	stream.indirect_vreg.gather [hbm4b:s1+s0], $0x80, v4, vm0, $0xb8;
	[tilespmem:$0x1C200] =	vst v63  }
0x633: {  	s9 =	simm.s32 $0x10A00;
	v3 =	vperm.xlane v3, v2  }
0x634: {  	[tilespmem:s9], [sflag:$0x1] =	stream.indirect_vreg.gather [hbm4b:s24+s0], $0x80, v4, vm0, $0xb8;
	[tilespmem:$0x1C200] =	vst v63  }
0x635: {  	s22 =	simm.s32 $0x11200;
	v3 =	vadd.s32 v1, v3  }
0x636: {  	[tilespmem:s22], [sflag:$0x1] =	stream.indirect_vreg.gather [hbm4b:s26+s0], $0x80, v4, vm0, $0xb8;
	[tilespmem:$0x1C200] =	vst v63  }
0x637: {  	s23 =	simm.s32 $0x11A00  }
0x638: {  	[tilespmem:s23], [sflag:$0x1] =	stream.indirect_vreg.gather [hbm4b:s28+s0], $0x80, v4, vm0, $0xb8;
	[tilespmem:$0x1C200] =	vst v63  }
0x639: {  	s5 =	simm.s32 $0x12200  }
0x63a: {  	[tilespmem:s5], [sflag:$0x1] =	stream.indirect_vreg.gather [hbm4b:s1+s0], $0x80, v3, vm0, $0xb8;
	[tilespmem:$0x1C200] =	vst v63  }
0x63b: {  	s6 =	simm.s32 $0x12A00  }
0x63c: {  	[tilespmem:s6], [sflag:$0x1] =	stream.indirect_vreg.gather [hbm4b:s24+s0], $0x80, v3, vm0, $0xb8;
	[tilespmem:$0x1C200] =	vst v63  }
0x63d: {  	s7 =	simm.s32 $0x13200;
	s9 =	simm.s32 $0x13A00;
	s22 =	simm.s32 $0x0  }
0x63e: {  	[tilespmem:s7], [sflag:$0x1] =	stream.indirect_vreg.gather [hbm4b:s26+s0], $0x80, v3, vm0, $0xb8;
	[tilespmem:$0x1C200] =	vst v63  }
0x63f: {  	s2 =	sand.u32 $0x2000, s22;
	s5 =	sand.u32 $0x1C00, s0;
	s6 =	simm.s32 $0x0  }
0x640: {  	[tilespmem:s9], [sflag:$0x1] =	stream.indirect_vreg.gather [hbm4b:s28+s0], $0x80, v3, vm0, $0xb8;
	[tilespmem:$0x1C200] =	vst v63  }
0x641: {  	s2 =	sor.u32 s5, s2;
	s23 =	sand.u32 $0x380, s6;
	_ =	swait.ge [sflag:s20], $0x4000  }
0x642: {  	s2 =	sor.u32 s23, s2;
	s0 =	sand.u32 $0x40, s0;
	[sflag:s20] =	ssyncset.done $0x0  }
0x643: {  	s22 =	sor.u32 s0, s2;
	[sflag:s20] =	ssyncadd.s32 $0xFFFFC000  }
0x644: {  	v4 =	vld [tilespmem:s22+$0x14230]  }
0x645: {  	v5 =	vld [tilespmem:s22+$0x14200]  }
0x646: {  	v6 =	vld [tilespmem:s22+$0x14210]  }
0x647: {  	s5 =	simm.s32 $0x40;
	s9 =	simm.s32 $0x200  }
0x648: {  	s7 =	simm.s32 $0x8;
	s0 =	sand.u32 $0x2000, s5;
	s6 =	sand.u32 $0x1C00, s9;
	v3 =	vld [tilespmem:s22+$0x14220]  }
0x649: {  	s5 =	sand.u32 $0x380, s7;
	s2 =	simm.s32 $0x40;
	s0 =	sor.u32 s6, s0;
	[tilespmem:s22+$0x4230] =	vst.add.f32.msk $0xffff, v4  }
0x64a: {  	s23 =	sand.u32 $0x40, s2;
	s0 =	sor.u32 s5, s0;
	[tilespmem:s22+$0x4200] =	vst.add.f32.msk $0xffff, v5  }
0x64b: {  	s23 =	sor.u32 s23, s0;
	[tilespmem:s22+$0x4210] =	vst.add.f32.msk $0xffff, v6  }
0x64c: {  	v5 =	vld [tilespmem:s23+$0x14230]  }
0x64d: {  	s0 =	simm.s32 $0x4;
	v4 =	vld [tilespmem:s23+$0x14200]  }
.LBB2_54:
0x64e: {  	s0 =	sadd.s32 $0x4, s0;
	v6 =	vld [tilespmem:s23+$0x14210];
	s9 =	sadd.s32 $0x200, s9  }
0x64f: {  	s2 =	sadd.s32 $0x40, s2;
	s5 =	sshll.u32 s0, $0x4;
	p0 =	slt.u32 s0, $0x3FC;
	v7 =	vld [tilespmem:s23+$0x14220]  }
0x650: {  	s6 =	sand.u32 $0x1C00, s9;
	s7 =	sshll.u32 s0, $0x1;
	s5 =	sand.u32 $0x2000, s5;
	[tilespmem:s22+$0x4220] =	vst.add.f32.msk $0xffff, v3  }
.Ltmp26:
0x651: {  	s5 =	sor.u32 s6, s5;
	s6 =	sand.u32 $0x380, s7;
	[tilespmem:s23+$0x4230] =	vst.add.f32.msk $0xffff, v5;
	(pc) =	sbr.rel @p0 .LBB2_54-.Ltmp26, $4  }
0x652: {  	s22 =	smov.u32 s23;
	s7 =	sand.u32 $0x40, s2;
	s5 =	sor.u32 s6, s5;
	[tilespmem:s23+$0x4200] =	vst.add.f32.msk $0xffff, v4  }
0x653: {  	s23 =	sor.u32 s7, s5;
	[tilespmem:s22+$0x4210] =	vst.add.f32.msk $0xffff, v6  }
0x654: {  	v5 =	vld [tilespmem:s23+$0x14230];
	v3 =	vmov v7  }
0x655: {  	v4 =	vld [tilespmem:s23+$0x14200]  }
0x656: {  	v6 =	vld [tilespmem:s23+$0x14210]  }
0x657: {  	v7 =	vld [tilespmem:s23+$0x14220]  }
0x658: {  	[tilespmem:s22+$0x4220] =	vst.add.f32.msk $0xffff, v3  }
0x659: {  	[tilespmem:s23+$0x4230] =	vst.add.f32.msk $0xffff, v5  }
0x65a: {  	[tilespmem:s23+$0x4200] =	vst.add.f32.msk $0xffff, v4  }
0x65b: {  	[tilespmem:s23+$0x4210] =	vst.add.f32.msk $0xffff, v6  }
0x65c: {  	[tilespmem:s23+$0x4220] =	vst.add.f32.msk $0xffff, v7  }
0x65d: {  	s2 =	sld [smem:$0x7F9];
	_ =	sdelay $0x1  }
0x65e: {  	s0 =	simm.s32 $0x0  }
0x65f: {  	[hbm4b:s2+s0] =	stream.linear.scatter [tilespmem:s11], [sflag:$0x2], $0x4000, $0x38;
	[tilespmem:$0x1C200] =	vst v63  }
0x660: {  	_ =	swait.ge [sflag:s25], $0x4000  }
0x661: {  	[sflag:s25] =	ssyncset.done $0x0  }
0x662: {  	[sflag:s25] =	ssyncadd.s32 $0xFFFFC000  }
0x663: {  	v3 =	vld [tilespmem:$0x170];
	_ =	sdelay $0x4  }
0x664: {  	v4 =	vshll.u32 v3, $0x3  }
0x665: {  	v3 =	vand.u32 $0x7, v3;
	v4 =	vand.u32 $0xFFFFFFC0, v4  }
0x666: {  	v3 =	vor.u32 v3, v4  }
0x667: {  	v4 =	vperm.xlane v3, v0;
	_ =	sdelay $0x1  }
0x668: {  	v4 =	vadd.s32 v1, v4;
	_ =	sdelay $0x4  }
0x669: {  	[tilespmem:s31], [sflag:$0x1] =	stream.indirect_vreg.gather [hbm4b:s1+s0], $0x80, v4, vm0, $0xb8;
	[tilespmem:$0x1C200] =	vst v63  }
0x66a: {  	s23 =	simm.s32 $0xA00;
	v3 =	vperm.xlane v3, v2  }
0x66b: {  	[tilespmem:s23], [sflag:$0x1] =	stream.indirect_vreg.gather [hbm4b:s24+s0], $0x80, v4, vm0, $0xb8;
	[tilespmem:$0x1C200] =	vst v63  }
0x66c: {  	s5 =	simm.s32 $0x1200;
	v3 =	vadd.s32 v1, v3  }
0x66d: {  	[tilespmem:s5], [sflag:$0x1] =	stream.indirect_vreg.gather [hbm4b:s26+s0], $0x80, v4, vm0, $0xb8;
	[tilespmem:$0x1C200] =	vst v63  }
0x66e: {  	s6 =	simm.s32 $0x1A00  }
0x66f: {  	[tilespmem:s6], [sflag:$0x1] =	stream.indirect_vreg.gather [hbm4b:s28+s0], $0x80, v4, vm0, $0xb8;
	[tilespmem:$0x1C200] =	vst v63  }
0x670: {  	s7 =	simm.s32 $0x2200  }
0x671: {  	[tilespmem:s7], [sflag:$0x1] =	stream.indirect_vreg.gather [hbm4b:s1+s0], $0x80, v3, vm0, $0xb8;
	[tilespmem:$0x1C200] =	vst v63  }
0x672: {  	s9 =	simm.s32 $0x2A00  }
0x673: {  	[tilespmem:s9], [sflag:$0x1] =	stream.indirect_vreg.gather [hbm4b:s24+s0], $0x80, v3, vm0, $0xb8;
	[tilespmem:$0x1C200] =	vst v63  }
0x674: {  	s22 =	simm.s32 $0x0  }
0x675: {  	[tilespmem:s8], [sflag:$0x1] =	stream.indirect_vreg.gather [hbm4b:s26+s0], $0x80, v3, vm0, $0xb8;
	[tilespmem:$0x1C200] =	vst v63  }
0x676: {  	s2 =	sand.u32 $0x2000, s22;
	s5 =	sand.u32 $0x1C00, s0;
	s6 =	simm.s32 $0x0  }
0x677: {  	[tilespmem:s10], [sflag:$0x1] =	stream.indirect_vreg.gather [hbm4b:s28+s0], $0x80, v3, vm0, $0xb8;
	[tilespmem:$0x1C200] =	vst v63  }
0x678: {  	s2 =	sor.u32 s5, s2;
	s23 =	sand.u32 $0x380, s6;
	_ =	swait.ge [sflag:s20], $0x4000  }
0x679: {  	s2 =	sor.u32 s23, s2;
	s0 =	sand.u32 $0x40, s0;
	[sflag:s20] =	ssyncset.done $0x0  }
0x67a: {  	s22 =	sor.u32 s0, s2;
	[sflag:s20] =	ssyncadd.s32 $0xFFFFC000  }
0x67b: {  	v4 =	vld [tilespmem:s22+$0x14230]  }
0x67c: {  	v5 =	vld [tilespmem:s22+$0x14200]  }
0x67d: {  	v6 =	vld [tilespmem:s22+$0x14210]  }
0x67e: {  	s5 =	simm.s32 $0x40;
	s9 =	simm.s32 $0x200  }
0x67f: {  	s7 =	simm.s32 $0x8;
	s6 =	sand.u32 $0x1C00, s9;
	s0 =	sand.u32 $0x2000, s5;
	v3 =	vld [tilespmem:s22+$0x14220]  }
0x680: {  	s5 =	sand.u32 $0x380, s7;
	s2 =	simm.s32 $0x40;
	s0 =	sor.u32 s6, s0;
	[tilespmem:s22+$0x8230] =	vst.add.f32.msk $0xffff, v4  }
0x681: {  	s23 =	sand.u32 $0x40, s2;
	s0 =	sor.u32 s5, s0;
	[tilespmem:s22+$0x8200] =	vst.add.f32.msk $0xffff, v5  }
0x682: {  	s23 =	sor.u32 s23, s0;
	[tilespmem:s22+$0x8210] =	vst.add.f32.msk $0xffff, v6  }
0x683: {  	v5 =	vld [tilespmem:s23+$0x14230]  }
0x684: {  	s0 =	simm.s32 $0x4;
	v4 =	vld [tilespmem:s23+$0x14200]  }
.LBB2_56:
0x685: {  	s0 =	sadd.s32 $0x4, s0;
	v6 =	vld [tilespmem:s23+$0x14210];
	s9 =	sadd.s32 $0x200, s9  }
0x686: {  	s2 =	sadd.s32 $0x40, s2;
	s5 =	sshll.u32 s0, $0x4;
	p0 =	slt.u32 s0, $0x3FC;
	v7 =	vld [tilespmem:s23+$0x14220]  }
0x687: {  	s6 =	sand.u32 $0x1C00, s9;
	s7 =	sshll.u32 s0, $0x1;
	s5 =	sand.u32 $0x2000, s5;
	[tilespmem:s22+$0x8220] =	vst.add.f32.msk $0xffff, v3  }
.Ltmp27:
0x688: {  	s5 =	sor.u32 s6, s5;
	s6 =	sand.u32 $0x380, s7;
	[tilespmem:s23+$0x8230] =	vst.add.f32.msk $0xffff, v5;
	(pc) =	sbr.rel @p0 .LBB2_56-.Ltmp27, $4  }
0x689: {  	s22 =	smov.u32 s23;
	s7 =	sand.u32 $0x40, s2;
	s5 =	sor.u32 s6, s5;
	[tilespmem:s23+$0x8200] =	vst.add.f32.msk $0xffff, v4  }
0x68a: {  	s23 =	sor.u32 s7, s5;
	[tilespmem:s22+$0x8210] =	vst.add.f32.msk $0xffff, v6  }
0x68b: {  	v5 =	vld [tilespmem:s23+$0x14230];
	v3 =	vmov v7  }
0x68c: {  	v4 =	vld [tilespmem:s23+$0x14200]  }
0x68d: {  	v6 =	vld [tilespmem:s23+$0x14210]  }
0x68e: {  	v7 =	vld [tilespmem:s23+$0x14220]  }
0x68f: {  	[tilespmem:s22+$0x8220] =	vst.add.f32.msk $0xffff, v3  }
0x690: {  	[tilespmem:s23+$0x8230] =	vst.add.f32.msk $0xffff, v5  }
0x691: {  	[tilespmem:s23+$0x8200] =	vst.add.f32.msk $0xffff, v4  }
0x692: {  	[tilespmem:s23+$0x8210] =	vst.add.f32.msk $0xffff, v6  }
0x693: {  	[tilespmem:s23+$0x8220] =	vst.add.f32.msk $0xffff, v7  }
0x694: {  	s2 =	sld [smem:$0x7FA];
	_ =	sdelay $0x1  }
0x695: {  	s0 =	simm.s32 $0x0  }
0x696: {  	[hbm4b:s2+s0] =	stream.linear.scatter [tilespmem:s19], [sflag:$0x2], $0x4000, $0x38;
	[tilespmem:$0x1C200] =	vst v63  }
0x697: {  	_ =	swait.ge [sflag:s25], $0x4000  }
0x698: {  	[sflag:s25] =	ssyncset.done $0x0  }
0x699: {  	[sflag:s25] =	ssyncadd.s32 $0xFFFFC000  }
0x69a: {  	v3 =	vld [tilespmem:$0x1F0];
	_ =	sdelay $0x4  }
0x69b: {  	v4 =	vshll.u32 v3, $0x3  }
0x69c: {  	v3 =	vand.u32 $0x7, v3;
	v4 =	vand.u32 $0xFFFFFFC0, v4  }
0x69d: {  	v3 =	vor.u32 v3, v4  }
0x69e: {  	v4 =	vperm.xlane v3, v0;
	_ =	sdelay $0x1  }
0x69f: {  	v4 =	vadd.s32 v1, v4;
	_ =	sdelay $0x4  }
0x6a0: {  	[tilespmem:s11], [sflag:$0x1] =	stream.indirect_vreg.gather [hbm4b:s1+s0], $0x80, v4, vm0, $0xb8;
	[tilespmem:$0x1C200] =	vst v63  }
0x6a1: {  	v3 =	vperm.xlane v3, v2  }
0x6a2: {  	[tilespmem:s12], [sflag:$0x1] =	stream.indirect_vreg.gather [hbm4b:s24+s0], $0x80, v4, vm0, $0xb8;
	[tilespmem:$0x1C200] =	vst v63  }
0x6a3: {  	v3 =	vadd.s32 v1, v3  }
0x6a4: {  	[tilespmem:s13], [sflag:$0x1] =	stream.indirect_vreg.gather [hbm4b:s26+s0], $0x80, v4, vm0, $0xb8;
	[tilespmem:$0x1C200] =	vst v63  }
0x6a5: {  	_ = 	snop  }
0x6a6: {  	[tilespmem:s14], [sflag:$0x1] =	stream.indirect_vreg.gather [hbm4b:s28+s0], $0x80, v4, vm0, $0xb8;
	[tilespmem:$0x1C200] =	vst v63  }
0x6a7: {  	_ = 	snop  }
0x6a8: {  	[tilespmem:s15], [sflag:$0x1] =	stream.indirect_vreg.gather [hbm4b:s1+s0], $0x80, v3, vm0, $0xb8;
	[tilespmem:$0x1C200] =	vst v63  }
0x6a9: {  	_ = 	snop  }
0x6aa: {  	[tilespmem:s16], [sflag:$0x1] =	stream.indirect_vreg.gather [hbm4b:s24+s0], $0x80, v3, vm0, $0xb8;
	[tilespmem:$0x1C200] =	vst v63  }
0x6ab: {  	_ = 	snop  }
0x6ac: {  	[tilespmem:s17], [sflag:$0x1] =	stream.indirect_vreg.gather [hbm4b:s26+s0], $0x80, v3, vm0, $0xb8;
	[tilespmem:$0x1C200] =	vst v63  }
0x6ad: {  	_ = 	snop  }
0x6ae: {  	[tilespmem:s18], [sflag:$0x1] =	stream.indirect_vreg.gather [hbm4b:s28+s0], $0x80, v3, vm0, $0xb8;
	[tilespmem:$0x1C200] =	vst v63  }
0x6af: {  	_ =	swait.ge [sflag:s30], $0x4000  }
0x6b0: {  	s22 =	simm.s32 $0x0;
	s6 =	simm.s32 $0x0;
	[sflag:s30] =	ssyncset.done $0x0  }
0x6b1: {  	s5 =	sand.u32 $0x1C00, s0;
	s2 =	sand.u32 $0x2000, s22;
	[sflag:s30] =	ssyncadd.s32 $0xFFFFC000  }
0x6b2: {  	s23 =	sand.u32 $0x380, s6;
	s2 =	sor.u32 s5, s2;
	_ =	swait.ge [sflag:s20], $0x4000  }
0x6b3: {  	s2 =	sor.u32 s23, s2;
	s0 =	sand.u32 $0x40, s0;
	[sflag:s20] =	ssyncset.done $0x0  }
0x6b4: {  	s22 =	sor.u32 s0, s2;
	[sflag:s20] =	ssyncadd.s32 $0xFFFFC000  }
0x6b5: {  	v4 =	vld [tilespmem:s22+$0x18230]  }
0x6b6: {  	v5 =	vld [tilespmem:s22+$0x18200]  }
0x6b7: {  	v6 =	vld [tilespmem:s22+$0x18210]  }
0x6b8: {  	s9 =	simm.s32 $0x200;
	s5 =	simm.s32 $0x40  }
0x6b9: {  	s7 =	simm.s32 $0x8;
	s6 =	sand.u32 $0x1C00, s9;
	s0 =	sand.u32 $0x2000, s5;
	v3 =	vld [tilespmem:s22+$0x18220]  }
0x6ba: {  	s5 =	sand.u32 $0x380, s7;
	s2 =	simm.s32 $0x40;
	s0 =	sor.u32 s6, s0;
	[tilespmem:s22+$0xC230] =	vst.add.f32.msk $0xffff, v4  }
0x6bb: {  	s23 =	sand.u32 $0x40, s2;
	s0 =	sor.u32 s5, s0;
	[tilespmem:s22+$0xC200] =	vst.add.f32.msk $0xffff, v5  }
0x6bc: {  	s23 =	sor.u32 s23, s0;
	[tilespmem:s22+$0xC210] =	vst.add.f32.msk $0xffff, v6  }
0x6bd: {  	v5 =	vld [tilespmem:s23+$0x18230]  }
0x6be: {  	s0 =	simm.s32 $0x4;
	v4 =	vld [tilespmem:s23+$0x18200]  }
.LBB2_58:
0x6bf: {  	s0 =	sadd.s32 $0x4, s0;
	v6 =	vld [tilespmem:s23+$0x18210];
	s9 =	sadd.s32 $0x200, s9  }
0x6c0: {  	s2 =	sadd.s32 $0x40, s2;
	s5 =	sshll.u32 s0, $0x4;
	p0 =	slt.u32 s0, $0x3FC;
	v7 =	vld [tilespmem:s23+$0x18220]  }
0x6c1: {  	s6 =	sand.u32 $0x1C00, s9;
	s7 =	sshll.u32 s0, $0x1;
	s5 =	sand.u32 $0x2000, s5;
	[tilespmem:s22+$0xC220] =	vst.add.f32.msk $0xffff, v3  }
.Ltmp28:
0x6c2: {  	s5 =	sor.u32 s6, s5;
	s6 =	sand.u32 $0x380, s7;
	[tilespmem:s23+$0xC230] =	vst.add.f32.msk $0xffff, v5;
	(pc) =	sbr.rel @p0 .LBB2_58-.Ltmp28, $4  }
0x6c3: {  	s22 =	smov.u32 s23;
	s7 =	sand.u32 $0x40, s2;
	s5 =	sor.u32 s6, s5;
	[tilespmem:s23+$0xC200] =	vst.add.f32.msk $0xffff, v4  }
0x6c4: {  	s23 =	sor.u32 s7, s5;
	[tilespmem:s22+$0xC210] =	vst.add.f32.msk $0xffff, v6  }
0x6c5: {  	v5 =	vld [tilespmem:s23+$0x18230];
	v3 =	vmov v7  }
0x6c6: {  	v4 =	vld [tilespmem:s23+$0x18200]  }
0x6c7: {  	v6 =	vld [tilespmem:s23+$0x18210]  }
0x6c8: {  	v7 =	vld [tilespmem:s23+$0x18220]  }
0x6c9: {  	[tilespmem:s22+$0xC220] =	vst.add.f32.msk $0xffff, v3  }
0x6ca: {  	[tilespmem:s23+$0xC230] =	vst.add.f32.msk $0xffff, v5  }
0x6cb: {  	[tilespmem:s23+$0xC200] =	vst.add.f32.msk $0xffff, v4  }
0x6cc: {  	[tilespmem:s23+$0xC210] =	vst.add.f32.msk $0xffff, v6  }
0x6cd: {  	[tilespmem:s23+$0xC220] =	vst.add.f32.msk $0xffff, v7  }
0x6ce: {  	s0 =	simm.s32 $0x0;
	s22 =	simm.s32 $0x0;
	s2 =	rddreg [dreg:$0x18]  }
0x6cf: {  	[hbm4b:s2+s0] =	stream.linear.scatter [tilespmem:s29], [sflag:$0x2], $0x4000, $0x38;
	[tilespmem:$0x1C200] =	vst v63  }
0x6d0: {  	s6 =	simm.s32 $0x0;
	s5 =	sand.u32 $0x1C00, s0;
	s2 =	sand.u32 $0x2000, s22  }
0x6d1: {  	s23 =	sand.u32 $0x380, s6;
	_ =	swait.ge [sflag:s20], $0x4000;
	s2 =	sor.u32 s5, s2  }
0x6d2: {  	s0 =	sand.u32 $0x40, s0;
	[sflag:s20] =	ssyncset.done $0x0;
	s2 =	sor.u32 s23, s2  }
0x6d3: {  	[sflag:s20] =	ssyncadd.s32 $0xFFFFC000;
	s22 =	sor.u32 s0, s2  }
0x6d4: {  	v4 =	vld [tilespmem:s22+$0x18230]  }
0x6d5: {  	v5 =	vld [tilespmem:s22+$0x18200]  }
0x6d6: {  	v6 =	vld [tilespmem:s22+$0x18210]  }
0x6d7: {  	s9 =	simm.s32 $0x200;
	s5 =	simm.s32 $0x40  }
0x6d8: {  	s7 =	simm.s32 $0x8;
	s6 =	sand.u32 $0x1C00, s9;
	s0 =	sand.u32 $0x2000, s5;
	v3 =	vld [tilespmem:s22+$0x18220]  }
0x6d9: {  	s5 =	sand.u32 $0x380, s7;
	s2 =	simm.s32 $0x40;
	s0 =	sor.u32 s6, s0;
	[tilespmem:s22+$0x10230] =	vst.add.f32.msk $0xffff, v4  }
0x6da: {  	s23 =	sand.u32 $0x40, s2;
	s0 =	sor.u32 s5, s0;
	[tilespmem:s22+$0x10200] =	vst.add.f32.msk $0xffff, v5  }
0x6db: {  	s23 =	sor.u32 s23, s0;
	[tilespmem:s22+$0x10210] =	vst.add.f32.msk $0xffff, v6  }
0x6dc: {  	v5 =	vld [tilespmem:s23+$0x18230]  }
0x6dd: {  	s0 =	simm.s32 $0x4;
	v4 =	vld [tilespmem:s23+$0x18200]  }
.LBB2_60:
0x6de: {  	s0 =	sadd.s32 $0x4, s0;
	v6 =	vld [tilespmem:s23+$0x18210];
	s9 =	sadd.s32 $0x200, s9  }
0x6df: {  	s2 =	sadd.s32 $0x40, s2;
	s5 =	sshll.u32 s0, $0x4;
	p0 =	slt.u32 s0, $0x3FC;
	v7 =	vld [tilespmem:s23+$0x18220]  }
0x6e0: {  	s6 =	sand.u32 $0x1C00, s9;
	s7 =	sshll.u32 s0, $0x1;
	s5 =	sand.u32 $0x2000, s5;
	[tilespmem:s22+$0x10220] =	vst.add.f32.msk $0xffff, v3  }
.Ltmp29:
0x6e1: {  	s5 =	sor.u32 s6, s5;
	s6 =	sand.u32 $0x380, s7;
	[tilespmem:s23+$0x10230] =	vst.add.f32.msk $0xffff, v5;
	(pc) =	sbr.rel @p0 .LBB2_60-.Ltmp29, $4  }
0x6e2: {  	s22 =	smov.u32 s23;
	s7 =	sand.u32 $0x40, s2;
	s5 =	sor.u32 s6, s5;
	[tilespmem:s23+$0x10200] =	vst.add.f32.msk $0xffff, v4  }
0x6e3: {  	s23 =	sor.u32 s7, s5;
	[tilespmem:s22+$0x10210] =	vst.add.f32.msk $0xffff, v6  }
0x6e4: {  	v5 =	vld [tilespmem:s23+$0x18230];
	v3 =	vmov v7  }
0x6e5: {  	v4 =	vld [tilespmem:s23+$0x18200]  }
0x6e6: {  	v6 =	vld [tilespmem:s23+$0x18210]  }
0x6e7: {  	v7 =	vld [tilespmem:s23+$0x18220]  }
0x6e8: {  	[tilespmem:s22+$0x10220] =	vst.add.f32.msk $0xffff, v3  }
0x6e9: {  	[tilespmem:s23+$0x10230] =	vst.add.f32.msk $0xffff, v5  }
0x6ea: {  	[tilespmem:s23+$0x10200] =	vst.add.f32.msk $0xffff, v4  }
0x6eb: {  	[tilespmem:s23+$0x10210] =	vst.add.f32.msk $0xffff, v6  }
0x6ec: {  	[tilespmem:s23+$0x10220] =	vst.add.f32.msk $0xffff, v7  }
0x6ed: {  	s2 =	sld [smem:$0x7FB];
	_ =	sdelay $0x1  }
0x6ee: {  	s0 =	simm.s32 $0x0;
	s22 =	simm.s32 $0x0  }
0x6ef: {  	[hbm4b:s2+s0] =	stream.linear.scatter [tilespmem:s21], [sflag:$0x2], $0x4000, $0x38;
	[tilespmem:$0x1C200] =	vst v63  }
0x6f0: {  	s6 =	simm.s32 $0x0;
	s5 =	sand.u32 $0x1C00, s0;
	s2 =	sand.u32 $0x2000, s22  }
0x6f1: {  	s23 =	sand.u32 $0x380, s6;
	_ =	swait.ge [sflag:s20], $0x4000;
	s2 =	sor.u32 s5, s2  }
0x6f2: {  	s0 =	sand.u32 $0x40, s0;
	[sflag:s20] =	ssyncset.done $0x0;
	s2 =	sor.u32 s23, s2  }
0x6f3: {  	[sflag:s20] =	ssyncadd.s32 $0xFFFFC000;
	s22 =	sor.u32 s0, s2  }
0x6f4: {  	v4 =	vld [tilespmem:s22+$0x18230]  }
0x6f5: {  	v5 =	vld [tilespmem:s22+$0x18200]  }
0x6f6: {  	v6 =	vld [tilespmem:s22+$0x18210]  }
0x6f7: {  	s9 =	simm.s32 $0x200;
	s5 =	simm.s32 $0x40  }
0x6f8: {  	s7 =	simm.s32 $0x8;
	s6 =	sand.u32 $0x1C00, s9;
	s0 =	sand.u32 $0x2000, s5;
	v3 =	vld [tilespmem:s22+$0x18220]  }
0x6f9: {  	s5 =	sand.u32 $0x380, s7;
	s2 =	simm.s32 $0x40;
	s0 =	sor.u32 s6, s0;
	[tilespmem:s22+$0x230] =	vst.add.f32.msk $0xffff, v4  }
0x6fa: {  	s23 =	sand.u32 $0x40, s2;
	s0 =	sor.u32 s5, s0;
	[tilespmem:s22+$0x200] =	vst.add.f32.msk $0xffff, v5  }
0x6fb: {  	s23 =	sor.u32 s23, s0;
	[tilespmem:s22+$0x210] =	vst.add.f32.msk $0xffff, v6  }
0x6fc: {  	v5 =	vld [tilespmem:s23+$0x18230]  }
0x6fd: {  	s0 =	simm.s32 $0x4;
	v4 =	vld [tilespmem:s23+$0x18200]  }
.LBB2_62:
0x6fe: {  	s0 =	sadd.s32 $0x4, s0;
	v6 =	vld [tilespmem:s23+$0x18210];
	s9 =	sadd.s32 $0x200, s9  }
0x6ff: {  	s2 =	sadd.s32 $0x40, s2;
	s5 =	sshll.u32 s0, $0x4;
	p0 =	slt.u32 s0, $0x3FC;
	v7 =	vld [tilespmem:s23+$0x18220]  }
0x700: {  	s6 =	sand.u32 $0x1C00, s9;
	s7 =	sshll.u32 s0, $0x1;
	s5 =	sand.u32 $0x2000, s5;
	[tilespmem:s22+$0x220] =	vst.add.f32.msk $0xffff, v3  }
.Ltmp30:
0x701: {  	s5 =	sor.u32 s6, s5;
	s6 =	sand.u32 $0x380, s7;
	[tilespmem:s23+$0x230] =	vst.add.f32.msk $0xffff, v5;
	(pc) =	sbr.rel @p0 .LBB2_62-.Ltmp30, $4  }
0x702: {  	s22 =	smov.u32 s23;
	s7 =	sand.u32 $0x40, s2;
	s5 =	sor.u32 s6, s5;
	[tilespmem:s23+$0x200] =	vst.add.f32.msk $0xffff, v4  }
0x703: {  	s23 =	sor.u32 s7, s5;
	[tilespmem:s22+$0x210] =	vst.add.f32.msk $0xffff, v6  }
0x704: {  	v5 =	vld [tilespmem:s23+$0x18230];
	v3 =	vmov v7  }
0x705: {  	v4 =	vld [tilespmem:s23+$0x18200]  }
0x706: {  	v6 =	vld [tilespmem:s23+$0x18210]  }
0x707: {  	v7 =	vld [tilespmem:s23+$0x18220]  }
0x708: {  	[tilespmem:s22+$0x220] =	vst.add.f32.msk $0xffff, v3  }
0x709: {  	[tilespmem:s23+$0x230] =	vst.add.f32.msk $0xffff, v5  }
0x70a: {  	[tilespmem:s23+$0x200] =	vst.add.f32.msk $0xffff, v4  }
0x70b: {  	[tilespmem:s23+$0x210] =	vst.add.f32.msk $0xffff, v6  }
0x70c: {  	[tilespmem:s23+$0x220] =	vst.add.f32.msk $0xffff, v7  }
0x70d: {  	s2 =	sld [smem:$0x7FC];
	_ =	sdelay $0x1  }
0x70e: {  	s0 =	simm.s32 $0x0;
	s22 =	simm.s32 $0x0  }
0x70f: {  	[hbm4b:s2+s0] =	stream.linear.scatter [tilespmem:s31], [sflag:$0x2], $0x4000, $0x38;
	[tilespmem:$0x1C200] =	vst v63  }
0x710: {  	s6 =	simm.s32 $0x0;
	s5 =	sand.u32 $0x1C00, s0;
	s2 =	sand.u32 $0x2000, s22  }
0x711: {  	s23 =	sand.u32 $0x380, s6;
	_ =	swait.ge [sflag:s20], $0x4000;
	s2 =	sor.u32 s5, s2  }
0x712: {  	s0 =	sand.u32 $0x40, s0;
	[sflag:s20] =	ssyncset.done $0x0;
	s2 =	sor.u32 s23, s2  }
0x713: {  	[sflag:s20] =	ssyncadd.s32 $0xFFFFC000;
	s22 =	sor.u32 s0, s2  }
0x714: {  	v4 =	vld [tilespmem:s22+$0x18230]  }
0x715: {  	v5 =	vld [tilespmem:s22+$0x18200]  }
0x716: {  	v6 =	vld [tilespmem:s22+$0x18210]  }
0x717: {  	s9 =	simm.s32 $0x200;
	s5 =	simm.s32 $0x40  }
0x718: {  	s7 =	simm.s32 $0x8;
	s6 =	sand.u32 $0x1C00, s9;
	s0 =	sand.u32 $0x2000, s5;
	v3 =	vld [tilespmem:s22+$0x18220]  }
0x719: {  	s5 =	sand.u32 $0x380, s7;
	s2 =	simm.s32 $0x40;
	s0 =	sor.u32 s6, s0;
	[tilespmem:s22+$0x4230] =	vst.add.f32.msk $0xffff, v4  }
0x71a: {  	s23 =	sand.u32 $0x40, s2;
	s0 =	sor.u32 s5, s0;
	[tilespmem:s22+$0x4200] =	vst.add.f32.msk $0xffff, v5  }
0x71b: {  	s23 =	sor.u32 s23, s0;
	[tilespmem:s22+$0x4210] =	vst.add.f32.msk $0xffff, v6  }
0x71c: {  	v5 =	vld [tilespmem:s23+$0x18230]  }
0x71d: {  	s0 =	simm.s32 $0x4;
	v4 =	vld [tilespmem:s23+$0x18200]  }
.LBB2_64:
0x71e: {  	s0 =	sadd.s32 $0x4, s0;
	v6 =	vld [tilespmem:s23+$0x18210];
	s9 =	sadd.s32 $0x200, s9  }
0x71f: {  	s2 =	sadd.s32 $0x40, s2;
	s5 =	sshll.u32 s0, $0x4;
	p0 =	slt.u32 s0, $0x3FC;
	v7 =	vld [tilespmem:s23+$0x18220]  }
0x720: {  	s6 =	sand.u32 $0x1C00, s9;
	s7 =	sshll.u32 s0, $0x1;
	s5 =	sand.u32 $0x2000, s5;
	[tilespmem:s22+$0x4220] =	vst.add.f32.msk $0xffff, v3  }
.Ltmp31:
0x721: {  	s5 =	sor.u32 s6, s5;
	s6 =	sand.u32 $0x380, s7;
	[tilespmem:s23+$0x4230] =	vst.add.f32.msk $0xffff, v5;
	(pc) =	sbr.rel @p0 .LBB2_64-.Ltmp31, $4  }
0x722: {  	s22 =	smov.u32 s23;
	s7 =	sand.u32 $0x40, s2;
	s5 =	sor.u32 s6, s5;
	[tilespmem:s23+$0x4200] =	vst.add.f32.msk $0xffff, v4  }
0x723: {  	s23 =	sor.u32 s7, s5;
	[tilespmem:s22+$0x4210] =	vst.add.f32.msk $0xffff, v6  }
0x724: {  	v5 =	vld [tilespmem:s23+$0x18230];
	v3 =	vmov v7  }
0x725: {  	v4 =	vld [tilespmem:s23+$0x18200]  }
0x726: {  	v6 =	vld [tilespmem:s23+$0x18210]  }
0x727: {  	v7 =	vld [tilespmem:s23+$0x18220]  }
0x728: {  	[tilespmem:s22+$0x4220] =	vst.add.f32.msk $0xffff, v3  }
0x729: {  	[tilespmem:s23+$0x4230] =	vst.add.f32.msk $0xffff, v5  }
0x72a: {  	[tilespmem:s23+$0x4200] =	vst.add.f32.msk $0xffff, v4  }
0x72b: {  	[tilespmem:s23+$0x4210] =	vst.add.f32.msk $0xffff, v6  }
0x72c: {  	[tilespmem:s23+$0x4220] =	vst.add.f32.msk $0xffff, v7  }
0x72d: {  	s0 =	sld [smem:$0x7FD];
	_ =	sdelay $0x2  }
0x72e: {  	[hbm4b:s0+s3] =	stream.linear.scatter [tilespmem:s11], [sflag:$0x2], $0x4000, $0x38;
	[tilespmem:$0x1C200] =	vst v63  }
0x72f: {  	_ =	swait.ge [sflag:s25], $0x4000  }
0x730: {  	[sflag:s25] =	ssyncset.done $0x0  }
0x731: {  	[sflag:s25] =	ssyncadd.s32 $0xFFFFC000  }
0x732: {  	_ =	swait.ge [sflag:s25], $0x4000  }
0x733: {  	[sflag:s25] =	ssyncset.done $0x0  }
0x734: {  	[sflag:s25] =	ssyncadd.s32 $0xFFFFC000  }
0x735: {  	_ =	swait.ge [sflag:s25], $0x4000  }
0x736: {  	[sflag:s25] =	ssyncset.done $0x0  }
0x737: {  	[sflag:s25] =	ssyncadd.s32 $0xFFFFC000  }
0x738: {  	_ =	swait.ge [sflag:s25], $0x4000  }
0x739: {  	[sflag:s25] =	ssyncset.done $0x0  }
0x73a: {  	[sflag:s25] =	ssyncadd.s32 $0xFFFFC000  }
0x73b: {  	_ =	swait.ge [sflag:s25], $0x4000  }
0x73c: {  	s4 =	sadd.s32 $0x1, s4;
	s23 =	rddreg [dreg:$0x19]  }
0x73d: {  	p0 =	sne.s32 s4, s23  }
.Ltmp32:
0x73e: {  	_ = 	snop;
	(pc) =	sbr.rel @p0 .LBB2_1-.Ltmp32, $3  }
0x73f: {  	_ =	sdelay $0x1  }
0x740: {  	[sflag:s25] =	ssyncset.done $0x0  }
0x741: {  	[sflag:s25] =	ssyncadd.s32 $0xFFFFC000  }
0x742: {  	_ =	sfence.sel $0x180000  }
0x743: {  	[bflag:$0x0] =	sbarrier.arrive $0xFFFF  }
0x744: {  	_ =	strace $0x90000047  }
0x745: {  	s0 =	stileid.u32;
	[bflag:$0x2] =	sbarrier.arrive $0xFFFF  }
0x746: {  	p0 =	sne.s32 s0, $0x0;
	s0 =	rddreg [dreg:$0x4]  }
0x747: {  	s0 =	sadd.s32 @!p0 $0x100000, s0  }
0x748: {  	[sflag:s0] =	ssyncadd.tile.s32 @!p0 $0x1;
	_ =	shalt  }
.Lfunc_end2:
_tile_overlayer_lowered:
.L_overlay_start_2:
0x749: {  	(tag) =	ssettag $0x2  }
0x74a: {  	s0 =	rddreg [dreg:$0x0];
	s2 =	stileid.u32  }
0x74b: {  	s1 =	rddreg [dreg:$0x1];
	p0 =	sne.s32 s2, $0x0  }
0x74c: {  	s3 =	rddreg [dreg:$0x2];
	[bflag:$0x3] =	sbarrier.arrive $0xFFFF;
	s2 =	simm.s32 @!p0 $0x1C04  }
0x74d: {  	[timem:s3], [sflag:s2] =	dma.local @!p0 [hbm:s0], s1  }
0x74e: {  	s0 =	simm.s32 @!p0 $0x4  }
0x74f: {  	_ =	swait.ge @!p0 [sflag:s0], s1  }
0x750: {  	s1 =	ssub.s32 @!p0 $0x0, s1;
	[sflag:s0] =	ssyncset.done @!p0 $0x0  }
0x751: {  	[sflag:s0] =	ssyncadd.s32 @!p0 s1  }
0x752: {  	[bflag:$0x3] =	sbarrier.arrive $0xFFFF  }
0x753: {  	_ =	shalt  }

</sc_bundles>
